<compile_context>
chip_gen: v7x
topology: tpu7x:2x2x1
jax: 0.10.2.dev20260603
libtpu: 0.0.44.dev20260713+nightly
codegen_flags: <defaults>
</compile_context>

<pallas_src>
import functools

import jax
import jax.numpy as jnp
from jax import lax
from jax.experimental import pallas as pl
from jax.experimental.pallas import tpu as pltpu
from jax.experimental.pallas import tpu_sc as plsc

NODE_DIM = 128
EDGE_DIM = 16
HIDDEN = 128
N_NODES = 10000
N_EDGES = 320000
TDIM = HIDDEN + EDGE_DIM
NPAD = 10240
NEP = 327680
C = 32
GC = 80
GATHER_S0 = 128


def _sc_geometry():
    try:
        info = plsc.get_sparse_core_info()
        return int(info.num_cores), int(info.num_subcores)
    except Exception:
        return 2, 16


def _tables_tc(x, wcat_s, wcat_d):
    blk = 1000

    def body(x_ref, ws_ref, wd_ref, ts_ref, td_ref, ts2_ref, td2_ref):
        xb = x_ref[...]
        ts = jnp.dot(xb, ws_ref[...], preferred_element_type=jnp.float32)
        td = jnp.dot(xb, wd_ref[...], preferred_element_type=jnp.float32)
        ts_ref[...] = ts
        td_ref[...] = td
        ts2_ref[...] = ts
        td2_ref[...] = td

    full = lambda i: (i, 0)
    return pl.pallas_call(
        body,
        grid=(N_NODES // blk,),
        in_specs=[
            pl.BlockSpec((blk, NODE_DIM), full),
            pl.BlockSpec((NODE_DIM, TDIM), lambda i: (0, 0)),
            pl.BlockSpec((NODE_DIM, TDIM), lambda i: (0, 0)),
        ],
        out_specs=[
            pl.BlockSpec((blk, TDIM), full),
            pl.BlockSpec((blk, TDIM), full),
            pl.BlockSpec((blk, TDIM), full),
            pl.BlockSpec((blk, TDIM), full),
        ],
        out_shape=[
            jax.ShapeDtypeStruct((N_NODES, TDIM), jnp.float32),
            jax.ShapeDtypeStruct((N_NODES, TDIM), jnp.float32),
            jax.ShapeDtypeStruct((N_NODES, TDIM), jnp.float32),
            jax.ShapeDtypeStruct((N_NODES, TDIM), jnp.float32),
        ],
    )(x, wcat_s, wcat_d)


def _build_gather(nc, ns):
    nw = nc * ns
    spw = NEP // (GC * nw) * nc
    if nc == 2:
        s_per = (GATHER_S0, spw - GATHER_S0)
    else:
        s_per = (spw,)
    smax = max(s_per)
    mesh = plsc.VectorSubcoreMesh(core_axis_name="c", subcore_axis_name="s",
                                  num_cores=nc, num_subcores=ns)

    @functools.partial(
        pl.kernel,
        out_type=(
            jax.ShapeDtypeStruct((NEP, HIDDEN), jnp.float32),
            jax.ShapeDtypeStruct((NEP, HIDDEN), jnp.float32),
            jax.ShapeDtypeStruct((NEP // 8, HIDDEN), jnp.float32),
        ),
        mesh=mesh,
        compiler_params=pltpu.CompilerParams(use_tc_tiling_on_sc=False),
        scratch_types=[
            pltpu.VMEM((smax, GC), jnp.int32),
            pltpu.VMEM((smax, GC), jnp.int32),
            pltpu.VMEM((4, GC, TDIM), jnp.float32),
            pltpu.VMEM((4, GC, TDIM), jnp.float32),
            pltpu.VMEM((4, GC // 8, HIDDEN), jnp.float32),
            pltpu.SemaphoreType.DMA,
            pltpu.SemaphoreType.DMA,
            pltpu.SemaphoreType.DMA,
            pltpu.SemaphoreType.DMA,
            pltpu.SemaphoreType.DMA,
            pltpu.SemaphoreType.DMA,
            pltpu.SemaphoreType.DMA,
            pltpu.SemaphoreType.DMA,
        ],
    )
    def gather_k(ts_hbm, td_hbm, ts2_hbm, td2_hbm, s2_hbm, d2_hbm,
                 gms_hbm, gmd_hbm, grp_hbm,
                 sidx, didx, sbuf, dbuf, rbuf,
                 gsem0, gsem1, gsem2, gsem3, wsem0, wsem1, wsem2, wsem3):
        cid = lax.axis_index("c")
        sid = lax.axis_index("s")

        if nc == 2:
            sbase = jnp.where(cid == 0, sid * s_per[0],
                              ns * s_per[0] + sid * s_per[1])
            my_s = jnp.where(cid == 0, s_per[0], s_per[1])

            @pl.when(cid == 0)
            def _():
                pltpu.sync_copy(s2_hbm.at[pl.ds(sid * s_per[0], s_per[0])],
                                sidx.at[pl.ds(0, s_per[0])])
                pltpu.sync_copy(d2_hbm.at[pl.ds(sid * s_per[0], s_per[0])],
                                didx.at[pl.ds(0, s_per[0])])

            @pl.when(cid == 1)
            def _():
                b = ns * s_per[0] + sid * s_per[1]
                pltpu.sync_copy(s2_hbm.at[pl.ds(b, s_per[1])],
                                sidx.at[pl.ds(0, s_per[1])])
                pltpu.sync_copy(d2_hbm.at[pl.ds(b, s_per[1])],
                                didx.at[pl.ds(0, s_per[1])])
        else:
            sbase = sid * s_per[0]
            my_s = s_per[0]
            pltpu.sync_copy(s2_hbm.at[pl.ds(sbase, s_per[0])], sidx)
            pltpu.sync_copy(d2_hbm.at[pl.ds(sbase, s_per[0])], didx)

        gsems = (gsem0, gsem1, gsem2, gsem3)
        wsems = (wsem0, wsem1, wsem2, wsem3)

        def fire(s, p):
            @pl.when(cid == 0)
            def _():
                pltpu.async_copy(ts_hbm.at[sidx.at[s]], sbuf.at[p], gsems[p])
                pltpu.async_copy(td_hbm.at[didx.at[s]], dbuf.at[p], gsems[p])

            @pl.when(cid == 1)
            def _():
                pltpu.async_copy(ts2_hbm.at[sidx.at[s]], sbuf.at[p], gsems[p])
                pltpu.async_copy(td2_hbm.at[didx.at[s]], dbuf.at[p], gsems[p])

        def drain_gather(s, p):
            pltpu.make_async_copy(ts_hbm.at[sidx.at[s]], sbuf.at[p],
                                  gsems[p]).wait()
            pltpu.make_async_copy(td_hbm.at[didx.at[s]], dbuf.at[p],
                                  gsems[p]).wait()

        def res_sum(p):
            def rbody(r2, carry):
                for q in range(8):
                    rbuf[p, r2, pl.ds(q * EDGE_DIM, EDGE_DIM)] = (
                        sbuf[p, r2 * 8 + q, pl.ds(HIDDEN, EDGE_DIM)]
                        + dbuf[p, r2 * 8 + q, pl.ds(HIDDEN, EDGE_DIM)])
                return carry

            lax.fori_loop(0, GC // 8, rbody, 0)

        def _wcopies(g, p):
            r = pl.ds(g * GC, GC)
            rp = pl.ds(g * (GC // 8), GC // 8)
            return (
                (sbuf.at[p, :, pl.ds(0, HIDDEN)], gms_hbm.at[r], wsems[p]),
                (dbuf.at[p, :, pl.ds(0, HIDDEN)], gmd_hbm.at[r], wsems[p]),
                (rbuf.at[p], grp_hbm.at[rp], wsems[p]),
            )

        def write(g, p):
            for a, b, sem in _wcopies(g, p):
                pltpu.async_copy(a, b, sem)

        def drain_write(g, p):
            for a, b, sem in _wcopies(g, p):
                pltpu.make_async_copy(a, b, sem).wait()

        fire(0, 0)

        @pl.when(my_s > 1)
        def _():
            fire(1, 1)

        @pl.when(my_s > 2)
        def _():
            fire(2, 2)

        @pl.when(my_s > 3)
        def _():
            fire(3, 3)

        def body(t, carry):
            for p in range(4):
                s = 4 * t + p

                @pl.when(s < my_s)
                def _():
                    drain_gather(s, p)
                    res_sum(p)
                    write(sbase + s, p)
                    drain_write(sbase + s, p)
                    nxt = s + 4

                    @pl.when(nxt < my_s)
                    def _():
                        fire(nxt, p)

            return carry

        lax.fori_loop(0, (smax + 3) // 4, body, 0)

    return gather_k


def _unpack16(gp, blk):
    parts = jnp.stack(
        [gp[:, q * EDGE_DIM:(q + 1) * EDGE_DIM] for q in range(8)], axis=1)
    return jnp.reshape(parts, (blk, EDGE_DIM))


def _pack16(ne, blk):
    r = jnp.reshape(ne, (blk // 8, 8, EDGE_DIM))
    return jnp.concatenate([r[:, q, :] for q in range(8)], axis=1)


def _edge_tc(gms, gmd, grp, ea, w1e, b1, w2, wre, bc, gamma, beta):
    blk = 2048

    def body(gms_ref, gmd_ref, grp_ref, ea_ref, w1e_ref, b1_ref,
             w2_ref, wre_ref, bc_ref, g_ref, be_ref, o_ref, op_ref):
        eab = ea_ref[...].astype(jnp.bfloat16)
        h = (gms_ref[...] + gmd_ref[...]
             + jnp.dot(eab, w1e_ref[...], preferred_element_type=jnp.float32)
             + b1_ref[...])
        h = h * (1.0 / (1.0 + jnp.exp(-h)))
        o = (jnp.dot(h.astype(jnp.bfloat16), w2_ref[...],
                     preferred_element_type=jnp.float32)
             + jnp.dot(eab, wre_ref[...], preferred_element_type=jnp.float32)
             + _unpack16(grp_ref[...], blk) + bc_ref[...])
        m = jnp.mean(o, axis=1, keepdims=True)
        cde = o - m
        v = jnp.mean(cde * cde, axis=1, keepdims=True)
        ne = cde * lax.rsqrt(v + 1e-5) * g_ref[...] + be_ref[...]
        o_ref[...] = ne
        op_ref[...] = _pack16(ne, blk)

    return pl.pallas_call(
        body,
        grid=(-(-N_EDGES // blk),),
        in_specs=[
            pl.BlockSpec((blk, HIDDEN), lambda i: (i, 0)),
            pl.BlockSpec((blk, HIDDEN), lambda i: (i, 0)),
            pl.BlockSpec((blk // 8, HIDDEN), lambda i: (i, 0)),
            pl.BlockSpec((blk, EDGE_DIM), lambda i: (i, 0)),
            pl.BlockSpec((EDGE_DIM, HIDDEN), lambda i: (0, 0)),
            pl.BlockSpec((1, HIDDEN), lambda i: (0, 0)),
            pl.BlockSpec((HIDDEN, EDGE_DIM), lambda i: (0, 0)),
            pl.BlockSpec((EDGE_DIM, EDGE_DIM), lambda i: (0, 0)),
            pl.BlockSpec((1, EDGE_DIM), lambda i: (0, 0)),
            pl.BlockSpec((1, EDGE_DIM), lambda i: (0, 0)),
            pl.BlockSpec((1, EDGE_DIM), lambda i: (0, 0)),
        ],
        out_specs=[
            pl.BlockSpec((blk, EDGE_DIM), lambda i: (i, 0)),
            pl.BlockSpec((blk // 8, HIDDEN), lambda i: (i, 0)),
        ],
        out_shape=[
            jax.ShapeDtypeStruct((N_EDGES, EDGE_DIM), jnp.float32),
            jax.ShapeDtypeStruct((NEP // 8, HIDDEN), jnp.float32),
        ],
    )(gms, gmd, grp, ea, w1e, b1, w2, wre, bc, gamma, beta)


def _build_scatter(nc, ns):
    nw = nc * ns
    pw = NEP // nw
    c2 = 64
    ki = 40
    chunk = ki * c2
    outer = pw // chunk
    rows_per = NPAD // ns
    mesh = plsc.VectorSubcoreMesh(core_axis_name="c", subcore_axis_name="s",
                                  num_cores=nc, num_subcores=ns)

    @functools.partial(
        pl.kernel,
        out_type=jax.ShapeDtypeStruct((nc, NPAD, EDGE_DIM), jnp.float32),
        mesh=mesh,
        compiler_params=pltpu.CompilerParams(use_tc_tiling_on_sc=False),
        scratch_types=[
            pltpu.VMEM((ki, c2), jnp.int32),
            pltpu.VMEM((chunk // 8, HIDDEN), jnp.float32),
            pltpu.VMEM((chunk, EDGE_DIM), jnp.float32),
            pltpu.VMEM((rows_per, EDGE_DIM), jnp.float32),
            pltpu.VMEM_SHARED((NPAD, EDGE_DIM), jnp.float32),
        ],
    )
    def scatter_k(nep_hbm, d2_hbm, out_hbm, idxb, rowsb128, rowsb, bounce,
                  aggsh):
        cid = lax.axis_index("c")
        sid = lax.axis_index("s")
        z = jnp.zeros((16,), jnp.float32)

        def zbody(i, carry):
            bounce[i, :] = z
            return carry

        lax.fori_loop(0, rows_per, zbody, 0)
        pltpu.sync_copy(bounce, aggsh.at[pl.ds(sid * rows_per, rows_per)])
        plsc.subcore_barrier()

        wid = cid * ns + sid
        e0 = wid * pw
        row0 = e0 // c2
        prow0 = e0 // 8
        pchunk = chunk // 8

        def body(t, carry):
            pltpu.sync_copy(d2_hbm.at[pl.ds(row0 + t * ki, ki)], idxb)
            pltpu.sync_copy(nep_hbm.at[pl.ds(prow0 + t * pchunk, pchunk)],
                            rowsb128)

            def rbody(r, carry2):
                for q in range(8):
                    rowsb[r * 8 + q, :] = rowsb128[r, pl.ds(q * EDGE_DIM,
                                                            EDGE_DIM)]
                return carry2

            lax.fori_loop(0, pchunk, rbody, 0)
            for j in range(ki):
                pltpu.sync_copy(rowsb.at[pl.ds(j * c2, c2)],
                                aggsh.at[idxb.at[j]], add=True)
            return carry

        lax.fori_loop(0, outer, body, 0)
        plsc.subcore_barrier()
        pltpu.sync_copy(aggsh.at[pl.ds(sid * rows_per, rows_per)], bounce)
        pltpu.sync_copy(bounce, out_hbm.at[cid, pl.ds(sid * rows_per, rows_per)])

    return scatter_k


def _node_tc(x, aggp, w1x, w1a, b1, w2, wrx, wra, bc, gamma, beta):
    blk = 1000
    nc = aggp.shape[0]

    def body(x_ref, ap_ref, w1x_ref, w1a_ref, b1_ref, w2_ref, wrx_ref,
             wra_ref, bc_ref, g_ref, be_ref, o_ref):
        xb = x_ref[...]
        a = jnp.sum(ap_ref[...], axis=0)
        h = (jnp.dot(xb, w1x_ref[...], preferred_element_type=jnp.float32)
             + jnp.dot(a, w1a_ref[...], preferred_element_type=jnp.float32)
             + b1_ref[...])
        h = h * (1.0 / (1.0 + jnp.exp(-h)))
        o = (jnp.dot(h, w2_ref[...], preferred_element_type=jnp.float32)
             + jnp.dot(xb, wrx_ref[...], preferred_element_type=jnp.float32)
             + jnp.dot(a, wra_ref[...], preferred_element_type=jnp.float32)
             + bc_ref[...])
        m = jnp.mean(o, axis=1, keepdims=True)
        cde = o - m
        v = jnp.mean(cde * cde, axis=1, keepdims=True)
        o_ref[...] = cde * lax.rsqrt(v + 1e-5) * g_ref[...] + be_ref[...]

    return pl.pallas_call(
        body,
        grid=(N_NODES // blk,),
        in_specs=[
            pl.BlockSpec((blk, NODE_DIM), lambda i: (i, 0)),
            pl.BlockSpec((nc, blk, EDGE_DIM), lambda i: (0, i, 0)),
            pl.BlockSpec((NODE_DIM, HIDDEN), lambda i: (0, 0)),
            pl.BlockSpec((EDGE_DIM, HIDDEN), lambda i: (0, 0)),
            pl.BlockSpec((1, HIDDEN), lambda i: (0, 0)),
            pl.BlockSpec((HIDDEN, NODE_DIM), lambda i: (0, 0)),
            pl.BlockSpec((NODE_DIM, NODE_DIM), lambda i: (0, 0)),
            pl.BlockSpec((EDGE_DIM, NODE_DIM), lambda i: (0, 0)),
            pl.BlockSpec((1, NODE_DIM), lambda i: (0, 0)),
            pl.BlockSpec((1, NODE_DIM), lambda i: (0, 0)),
            pl.BlockSpec((1, NODE_DIM), lambda i: (0, 0)),
        ],
        out_specs=pl.BlockSpec((blk, NODE_DIM), lambda i: (i, 0)),
        out_shape=jax.ShapeDtypeStruct((N_NODES, NODE_DIM), jnp.float32),
    )(x, aggp, w1x, w1a, b1, w2, wrx, wra, bc, gamma, beta)


def kernel(x, edge_attr, edge_index,
           edge_W1, edge_b1, edge_W2, edge_b2, edge_Wres, edge_bres,
           edge_gamma, edge_beta,
           node_W1, node_b1, node_W2, node_b2, node_Wres, node_bres,
           node_gamma, node_beta):
    nc, ns = _sc_geometry()

    npad_e = NEP - N_EDGES
    src_p = jnp.concatenate(
        [edge_index[0], jnp.zeros((npad_e,), jnp.int32)])
    dst_p = jnp.concatenate(
        [edge_index[1], jnp.full((npad_e,), N_NODES, jnp.int32)])
    src2g = src_p.reshape(NEP // GC, GC)
    dst2g = dst_p.reshape(NEP // GC, GC)
    dst2 = dst_p.reshape(NEP // 64, 64)
    ea_p = jnp.concatenate(
        [edge_attr, jnp.zeros((npad_e, EDGE_DIM), jnp.float32)])

    w1e = edge_W1[:EDGE_DIM]
    wcat_s = jnp.concatenate(
        [edge_W1[EDGE_DIM:EDGE_DIM + NODE_DIM],
         edge_Wres[EDGE_DIM:EDGE_DIM + NODE_DIM]], axis=1)
    wcat_d = jnp.concatenate(
        [edge_W1[EDGE_DIM + NODE_DIM:],
         edge_Wres[EDGE_DIM + NODE_DIM:]], axis=1)
    wre = edge_Wres[:EDGE_DIM]
    ebc = (edge_b2 + edge_bres).reshape(1, EDGE_DIM)

    tsrc, tdst, tsrc2, tdst2 = _tables_tc(x, wcat_s, wcat_d)
    gms, gmd, grp = _build_gather(nc, ns)(tsrc, tdst, tsrc2, tdst2,
                                          src2g, dst2g)
    new_edge, nep = _edge_tc(gms, gmd, grp, ea_p,
                             w1e.astype(jnp.bfloat16),
                             edge_b1.reshape(1, HIDDEN),
                             edge_W2.astype(jnp.bfloat16),
                             wre.astype(jnp.bfloat16), ebc,
                             edge_gamma.reshape(1, EDGE_DIM),
                             edge_beta.reshape(1, EDGE_DIM))
    aggp = _build_scatter(nc, ns)(nep, dst2)

    nbc = (node_b2 + node_bres).reshape(1, NODE_DIM)
    new_x = _node_tc(
        x, aggp[:, :N_NODES, :],
        node_W1[:NODE_DIM], node_W1[NODE_DIM:],
        node_b1.reshape(1, HIDDEN),
        node_W2, node_Wres[:NODE_DIM], node_Wres[NODE_DIM:], nbc,
        node_gamma.reshape(1, NODE_DIM), node_beta.reshape(1, NODE_DIM))
    return (new_x, new_edge)

# --- scband reference (transcript-rebuilt; emitter-appended) ---
"""Pipeline reference for scband-graph-net-block-10393820856378 (READ-ONLY COPY).

The authoritative reference and input builder live on the scoring server;
editing this copy changes nothing except your own understanding.
"""

import jax, jax.numpy as jnp
import numpy as np

NODE_DIM = 128
EDGE_DIM = 16
HIDDEN = 128
N_NODES = 10000
N_EDGES = 320000


def _layernorm(x, g, b, eps=1e-5):
    m = jnp.mean(x, axis=-1, keepdims=True)
    v = jnp.var(x, axis=-1, keepdims=True)
    return (x - m) / jnp.sqrt(v + eps) * g + b


def _mlp(x, W1, b1, W2, b2, Wres, bres, gamma, beta):
    h = jax.nn.silu(x @ W1 + b1)
    out = h @ W2 + b2
    res = x @ Wres + bres
    return _layernorm(out + res, gamma, beta)


def setup_inputs(seed: int = 0):
    key = jax.random.key(seed)
    ks = jax.random.split(key, 24)
    ein = EDGE_DIM + 2 * NODE_DIM  # 272
    nin = NODE_DIM + EDGE_DIM      # 144
    s = 0.05
    inp = {}
    inp["x"] = jax.random.normal(ks[0], (N_NODES, NODE_DIM), dtype=jnp.float32)
    inp["edge_attr"] = jax.random.normal(ks[1], (N_EDGES, EDGE_DIM), dtype=jnp.float32)
    inp["edge_index"] = jax.random.randint(ks[2], (2, N_EDGES), 0, N_NODES, dtype=jnp.int32)
    # edge MLP params: in=272 -> hidden=128 -> out=16, residual 272->16, LN(16)
    inp["edge_W1"] = jax.random.normal(ks[3], (ein, HIDDEN), dtype=jnp.float32) * s
    inp["edge_b1"] = jnp.zeros((HIDDEN,), dtype=jnp.float32)
    inp["edge_W2"] = jax.random.normal(ks[4], (HIDDEN, EDGE_DIM), dtype=jnp.float32) * s
    inp["edge_b2"] = jnp.zeros((EDGE_DIM,), dtype=jnp.float32)
    inp["edge_Wres"] = jax.random.normal(ks[5], (ein, EDGE_DIM), dtype=jnp.float32) * s
    inp["edge_bres"] = jnp.zeros((EDGE_DIM,), dtype=jnp.float32)
    inp["edge_gamma"] = jnp.ones((EDGE_DIM,), dtype=jnp.float32)
    inp["edge_beta"] = jnp.zeros((EDGE_DIM,), dtype=jnp.float32)
    # node MLP params: in=144 -> hidden=128 -> out=128, residual 144->128, LN(128)
    inp["node_W1"] = jax.random.normal(ks[6], (nin, HIDDEN), dtype=jnp.float32) * s
    inp["node_b1"] = jnp.zeros((HIDDEN,), dtype=jnp.float32)
    inp["node_W2"] = jax.random.normal(ks[7], (HIDDEN, NODE_DIM), dtype=jnp.float32) * s
    inp["node_b2"] = jnp.zeros((NODE_DIM,), dtype=jnp.float32)
    inp["node_Wres"] = jax.random.normal(ks[8], (nin, NODE_DIM), dtype=jnp.float32) * s
    inp["node_bres"] = jnp.zeros((NODE_DIM,), dtype=jnp.float32)
    inp["node_gamma"] = jnp.ones((NODE_DIM,), dtype=jnp.float32)
    inp["node_beta"] = jnp.zeros((NODE_DIM,), dtype=jnp.float32)
    return inp


def reference(x, edge_attr, edge_index,
              edge_W1, edge_b1, edge_W2, edge_b2, edge_Wres, edge_bres, edge_gamma, edge_beta,
              node_W1, node_b1, node_W2, node_b2, node_Wres, node_bres, node_gamma, node_beta):
    src = edge_index[0]
    dst = edge_index[1]
    edge_input = jnp.concatenate([edge_attr, x[src], x[dst]], axis=-1)
    new_edge = _mlp(edge_input, edge_W1, edge_b1, edge_W2, edge_b2, edge_Wres, edge_bres, edge_gamma, edge_beta)
    agg = jnp.zeros((x.shape[0], new_edge.shape[1]), dtype=x.dtype).at[dst].add(new_edge)
    node_input = jnp.concatenate([x, agg], axis=-1)
    new_x = _mlp(node_input, node_W1, node_b1, node_W2, node_b2, node_Wres, node_bres, node_gamma, node_beta)
    return (new_x, new_edge)

if __name__ == "__main__":
    import jax
    _d = setup_inputs()
    print(jax.jit(kernel)(*tuple(_d.values())))

</pallas_src>

<mosaic_0001>
#map = affine_map<(d0, d1) -> (0, 0)>
#map1 = affine_map<(d0, d1) -> (0, 0, 0)>
module attributes {stable_mosaic.version = 14 : i64} {
  func.func @scatter_k(%arg0: i32, %arg1: i32, %arg2: memref<40960x128xf32, #tpu.memory_space<hbm>>, %arg3: memref<5120x64xi32, #tpu.memory_space<hbm>>, %arg4: memref<2x10240x16xf32, #tpu.memory_space<hbm>>, %arg5: memref<40x64xi32, #tpu.memory_space<vmem>>, %arg6: memref<320x128xf32, #tpu.memory_space<vmem>>, %arg7: memref<2560x16xf32, #tpu.memory_space<vmem>>, %arg8: memref<640x16xf32, #tpu.memory_space<vmem>>, %arg9: memref<10240x16xf32, #tpu.memory_space<vmem_shared>>) attributes {dimension_semantics = [#tpu.dimension_semantics<core_parallel>, #tpu.dimension_semantics<subcore_parallel>], iteration_bounds = array<i64: 2, 16>, scalar_prefetch = 0 : i64, scratch_operands = 5 : i64, tpu.core_type = #tpu.core_type<sc_vector_subcore>, window_params = [{transform_indices = #map}, {transform_indices = #map}, {transform_indices = #map1}]} {
    %broadcast_in_dim3A = arith.constant 0.000000e+00 : f32
    %broadcast_in_dim3A_0 = vector.broadcast %broadcast_in_dim3A : f32 to vector<16xf32>
    %scan3A = arith.constant 0 : i32
    %scan3A_1 = arith.constant 0 : i32
    %scan3A_2 = arith.constant 640 : i32
    %scan3A_3 = arith.addi %scan3A_1, %scan3A_2 : i32
    %scan3A_4 = arith.constant 1 : i32
    scf.for %scan3A_62 = %scan3A_1 to %scan3A_3 step %scan3A_4  : i32 {
      %swap3A = arith.index_cast %scan3A_62 : i32 to index
      %swap3A_63 = arith.constant 0 : index
      %swap3A_64 = tpu.vector_load %arg8[%swap3A, %swap3A_63] {strides = array<i32>} : memref<640x16xf32, #tpu.memory_space<vmem>>, vector<1x16xf32>,
      %swap3A_65 = vector.shape_cast %swap3A_64 : vector<1x16xf32> to vector<16xf32>
      %swap3A_66 = vector.shape_cast %broadcast_in_dim3A_0 : vector<16xf32> to vector<1x16xf32>
      tpu.vector_store %arg8[%swap3A, %swap3A_63], %swap3A_66 {strides = array<i32>} : memref<640x16xf32, #tpu.memory_space<vmem>>, vector<1x16xf32>,
    }
    %scan3A_5 = arith.constant 640 : i32
    %mul3A = arith.constant 640 : i32
    %mul3A_6 = arith.muli %arg1, %mul3A : i32
    "tpu.region"() ({
      %run_scoped3A = tpu.sem_alloc : memref<!tpu.dma_semaphore, #tpu.memory_space<semaphore_mem>>
      %dma_start3A = arith.constant 0 : i32
      %dma_start3A_62 = tpu.memref_slice %arg9[%mul3A_6, %dma_start3A] : memref<10240x16xf32, #tpu.memory_space<vmem_shared>> -> memref<640x16xf32, #tpu.memory_space<vmem_shared>>
      %dma_start3A_63 = arith.constant 0 : i32
      %dma_start3A_64 = tpu.memref_slice %arg9[%mul3A_6, %dma_start3A_63] : memref<10240x16xf32, #tpu.memory_space<vmem_shared>> -> memref<640x16xf32, #tpu.memory_space<vmem_shared>>
      tpu.enqueue_dma source(%arg8 : memref<640x16xf32, #tpu.memory_space<vmem>>) target(%dma_start3A_64 : memref<640x16xf32, #tpu.memory_space<vmem_shared>>) target_semaphore(%run_scoped3A : memref<!tpu.dma_semaphore, #tpu.memory_space<semaphore_mem>>)
      %dma_wait3A = arith.constant 0 : i32
      %dma_wait3A_65 = tpu.memref_slice %arg9[%mul3A_6, %dma_wait3A] : memref<10240x16xf32, #tpu.memory_space<vmem_shared>> -> memref<640x16xf32, #tpu.memory_space<vmem_shared>>
      %dma_wait3A_66 = arith.constant 0 : i32
      %dma_wait3A_67 = tpu.memref_slice %arg9[%mul3A_6, %dma_wait3A_66] : memref<10240x16xf32, #tpu.memory_space<vmem_shared>> -> memref<640x16xf32, #tpu.memory_space<vmem_shared>>
      tpu.wait_dma2 semaphore(%run_scoped3A : memref<!tpu.dma_semaphore, #tpu.memory_space<semaphore_mem>>) src(%arg8 : memref<640x16xf32, #tpu.memory_space<vmem>>) dst(%dma_wait3A_67 : memref<640x16xf32, #tpu.memory_space<vmem_shared>>)
      tpu.yield
    }) : () -> ()
    %barrier3A = arith.constant 0 : index
    tpu.barrier barrier_id(%barrier3A)
    %mul3A_7 = arith.constant 16 : i32
    %mul3A_8 = arith.muli %arg0, %mul3A_7 : i32
    %add3A = arith.addi %mul3A_8, %arg1 : i32
    %mul3A_9 = arith.constant 10240 : i32
    %mul3A_10 = arith.muli %add3A, %mul3A_9 : i32
    %jit3A = arith.constant 64 : i32
    %div3A = arith.divsi %mul3A_10, %jit3A : i32
    %sign3A = arith.constant 0 : i32
    %sign3A_11 = arith.cmpi sgt, %mul3A_10, %sign3A : i32
    %sign3A_12 = arith.extui %sign3A_11 : i1 to i32
    %sign3A_13 = arith.constant 0 : i32
    %sign3A_14 = arith.cmpi slt, %mul3A_10, %sign3A_13 : i32
    %sign3A_15 = arith.extui %sign3A_14 : i1 to i32
    %sign3A_16 = arith.subi %sign3A_12, %sign3A_15 : i32
    %sign3A_17 = arith.constant 0 : i32
    %sign3A_18 = arith.cmpi sgt, %jit3A, %sign3A_17 : i32
    %sign3A_19 = arith.extui %sign3A_18 : i1 to i32
    %sign3A_20 = arith.constant 0 : i32
    %sign3A_21 = arith.cmpi slt, %jit3A, %sign3A_20 : i32
    %sign3A_22 = arith.extui %sign3A_21 : i1 to i32
    %sign3A_23 = arith.subi %sign3A_19, %sign3A_22 : i32
    %ne3A = arith.cmpi ne, %sign3A_16, %sign3A_23 : i32
    %rem3A = arith.remsi %mul3A_10, %jit3A : i32
    %ne3A_24 = arith.constant 0 : i32
    %ne3A_25 = arith.cmpi ne, %rem3A, %ne3A_24 : i32
    %and3A = arith.andi %ne3A, %ne3A_25 : i1
    %sub3A = arith.constant 1 : i32
    %sub3A_26 = arith.subi %div3A, %sub3A : i32
    %select_n3A = arith.select %and3A, %sub3A_26, %div3A : i32
    %jit3A_27 = arith.constant 8 : i32
    %div3A_28 = arith.divsi %mul3A_10, %jit3A_27 : i32
    %sign3A_29 = arith.constant 0 : i32
    %sign3A_30 = arith.cmpi sgt, %mul3A_10, %sign3A_29 : i32
    %sign3A_31 = arith.extui %sign3A_30 : i1 to i32
    %sign3A_32 = arith.constant 0 : i32
    %sign3A_33 = arith.cmpi slt, %mul3A_10, %sign3A_32 : i32
    %sign3A_34 = arith.extui %sign3A_33 : i1 to i32
    %sign3A_35 = arith.subi %sign3A_31, %sign3A_34 : i32
    %sign3A_36 = arith.constant 0 : i32
    %sign3A_37 = arith.cmpi sgt, %jit3A_27, %sign3A_36 : i32
    %sign3A_38 = arith.extui %sign3A_37 : i1 to i32
    %sign3A_39 = arith.constant 0 : i32
    %sign3A_40 = arith.cmpi slt, %jit3A_27, %sign3A_39 : i32
    %sign3A_41 = arith.extui %sign3A_40 : i1 to i32
    %sign3A_42 = arith.subi %sign3A_38, %sign3A_41 : i32
    %ne3A_43 = arith.cmpi ne, %sign3A_35, %sign3A_42 : i32
    %rem3A_44 = arith.remsi %mul3A_10, %jit3A_27 : i32
    %ne3A_45 = arith.constant 0 : i32
    %ne3A_46 = arith.cmpi ne, %rem3A_44, %ne3A_45 : i32
    %and3A_47 = arith.andi %ne3A_43, %ne3A_46 : i1
    %sub3A_48 = arith.constant 1 : i32
    %sub3A_49 = arith.subi %div3A_28, %sub3A_48 : i32
    %select_n3A_50 = arith.select %and3A_47, %sub3A_49, %div3A_28 : i32
    %scan3A_51 = arith.constant 0 : i32
    %scan3A_52 = arith.constant 0 : i32
    %scan3A_53 = arith.constant 4 : i32
    %scan3A_54 = arith.addi %scan3A_52, %scan3A_53 : i32
    %scan3A_55 = arith.constant 1 : i32
    scf.for %scan3A_62 = %scan3A_52 to %scan3A_54 step %scan3A_55  : i32 {
      %mul3A_63 = arith.constant 40 : i32
      %mul3A_64 = arith.muli %scan3A_62, %mul3A_63 : i32
      %add3A_65 = arith.addi %select_n3A, %mul3A_64 : i32
      "tpu.region"() ({
        %run_scoped3A_114 = tpu.sem_alloc : memref<!tpu.dma_semaphore, #tpu.memory_space<semaphore_mem>>
        %dma_start3A = arith.constant 0 : i32
        %dma_start3A_115 = tpu.memref_slice %arg3[%add3A_65, %dma_start3A] : memref<5120x64xi32, #tpu.memory_space<hbm>> -> memref<40x64xi32, #tpu.memory_space<hbm>>
        %dma_start3A_116 = arith.constant 0 : i32
        %dma_start3A_117 = tpu.memref_slice %arg3[%add3A_65, %dma_start3A_116] : memref<5120x64xi32, #tpu.memory_space<hbm>> -> memref<40x64xi32, #tpu.memory_space<hbm>>
        tpu.enqueue_dma source(%dma_start3A_117 : memref<40x64xi32, #tpu.memory_space<hbm>>) target(%arg5 : memref<40x64xi32, #tpu.memory_space<vmem>>) target_semaphore(%run_scoped3A_114 : memref<!tpu.dma_semaphore, #tpu.memory_space<semaphore_mem>>)
        %dma_wait3A = arith.constant 0 : i32
        %dma_wait3A_118 = tpu.memref_slice %arg3[%add3A_65, %dma_wait3A] : memref<5120x64xi32, #tpu.memory_space<hbm>> -> memref<40x64xi32, #tpu.memory_space<hbm>>
        %dma_wait3A_119 = arith.constant 0 : i32
        %dma_wait3A_120 = tpu.memref_slice %arg3[%add3A_65, %dma_wait3A_119] : memref<5120x64xi32, #tpu.memory_space<hbm>> -> memref<40x64xi32, #tpu.memory_space<hbm>>
        tpu.wait_dma2 semaphore(%run_scoped3A_114 : memref<!tpu.dma_semaphore, #tpu.memory_space<semaphore_mem>>) src(%dma_wait3A_120 : memref<40x64xi32, #tpu.memory_space<hbm>>) dst(%arg5 : memref<40x64xi32, #tpu.memory_space<vmem>>)
        tpu.yield
      }) : () -> ()
      %mul3A_66 = arith.constant 320 : i32
      %mul3A_67 = arith.muli %scan3A_62, %mul3A_66 : i32
      %add3A_68 = arith.addi %select_n3A_50, %mul3A_67 : i32
      "tpu.region"() ({
        %run_scoped3A_114 = tpu.sem_alloc : memref<!tpu.dma_semaphore, #tpu.memory_space<semaphore_mem>>
        %dma_start3A = arith.constant 0 : i32
        %dma_start3A_115 = tpu.memref_slice %arg2[%add3A_68, %dma_start3A] : memref<40960x128xf32, #tpu.memory_space<hbm>> -> memref<320x128xf32, #tpu.memory_space<hbm>>
        %dma_start3A_116 = arith.constant 0 : i32
        %dma_start3A_117 = tpu.memref_slice %arg2[%add3A_68, %dma_start3A_116] : memref<40960x128xf32, #tpu.memory_space<hbm>> -> memref<320x128xf32, #tpu.memory_space<hbm>>
        tpu.enqueue_dma source(%dma_start3A_117 : memref<320x128xf32, #tpu.memory_space<hbm>>) target(%arg6 : memref<320x128xf32, #tpu.memory_space<vmem>>) target_semaphore(%run_scoped3A_114 : memref<!tpu.dma_semaphore, #tpu.memory_space<semaphore_mem>>)
        %dma_wait3A = arith.constant 0 : i32
        %dma_wait3A_118 = tpu.memref_slice %arg2[%add3A_68, %dma_wait3A] : memref<40960x128xf32, #tpu.memory_space<hbm>> -> memref<320x128xf32, #tpu.memory_space<hbm>>
        %dma_wait3A_119 = arith.constant 0 : i32
        %dma_wait3A_120 = tpu.memref_slice %arg2[%add3A_68, %dma_wait3A_119] : memref<40960x128xf32, #tpu.memory_space<hbm>> -> memref<320x128xf32, #tpu.memory_space<hbm>>
        tpu.wait_dma2 semaphore(%run_scoped3A_114 : memref<!tpu.dma_semaphore, #tpu.memory_space<semaphore_mem>>) src(%dma_wait3A_120 : memref<320x128xf32, #tpu.memory_space<hbm>>) dst(%arg6 : memref<320x128xf32, #tpu.memory_space<vmem>>)
        tpu.yield
      }) : () -> ()
      %scan3A_69 = arith.constant 0 : i32
      %scan3A_70 = arith.constant 0 : i32
      %scan3A_71 = arith.constant 320 : i32
      %scan3A_72 = arith.addi %scan3A_70, %scan3A_71 : i32
      %scan3A_73 = arith.constant 1 : i32
      scf.for %scan3A_114 = %scan3A_70 to %scan3A_72 step %scan3A_73  : i32 {
        %get3A = arith.index_cast %scan3A_114 : i32 to index
        %get3A_115 = arith.constant 0 : index
        %get3A_116 = tpu.vector_load %arg6[%get3A, %get3A_115] {strides = array<i32>} : memref<320x128xf32, #tpu.memory_space<vmem>>, vector<1x16xf32>,
        %get3A_117 = vector.shape_cast %get3A_116 : vector<1x16xf32> to vector<16xf32>
        %mul3A_118 = arith.constant 8 : i32
        %mul3A_119 = arith.muli %scan3A_114, %mul3A_118 : i32
        %add3A_120 = arith.constant 0 : i32
        %add3A_121 = arith.addi %mul3A_119, %add3A_120 : i32
        %swap3A = arith.index_cast %add3A_121 : i32 to index
        %swap3A_122 = arith.constant 0 : index
        %swap3A_123 = tpu.vector_load %arg7[%swap3A, %swap3A_122] {strides = array<i32>} : memref<2560x16xf32, #tpu.memory_space<vmem>>, vector<1x16xf32>,
        %swap3A_124 = vector.shape_cast %swap3A_123 : vector<1x16xf32> to vector<16xf32>
        %swap3A_125 = vector.shape_cast %get3A_117 : vector<16xf32> to vector<1x16xf32>
        tpu.vector_store %arg7[%swap3A, %swap3A_122], %swap3A_125 {strides = array<i32>} : memref<2560x16xf32, #tpu.memory_space<vmem>>, vector<1x16xf32>,
        %get3A_126 = arith.index_cast %scan3A_114 : i32 to index
        %get3A_127 = arith.constant 16 : index
        %get3A_128 = tpu.vector_load %arg6[%get3A_126, %get3A_127] {strides = array<i32>} : memref<320x128xf32, #tpu.memory_space<vmem>>, vector<1x16xf32>,
        %get3A_129 = vector.shape_cast %get3A_128 : vector<1x16xf32> to vector<16xf32>
        %mul3A_130 = arith.constant 8 : i32
        %mul3A_131 = arith.muli %scan3A_114, %mul3A_130 : i32
        %add3A_132 = arith.constant 1 : i32
        %add3A_133 = arith.addi %mul3A_131, %add3A_132 : i32
        %swap3A_134 = arith.index_cast %add3A_133 : i32 to index
        %swap3A_135 = arith.constant 0 : index
        %swap3A_136 = tpu.vector_load %arg7[%swap3A_134, %swap3A_135] {strides = array<i32>} : memref<2560x16xf32, #tpu.memory_space<vmem>>, vector<1x16xf32>,
        %swap3A_137 = vector.shape_cast %swap3A_136 : vector<1x16xf32> to vector<16xf32>
        %swap3A_138 = vector.shape_cast %get3A_129 : vector<16xf32> to vector<1x16xf32>
        tpu.vector_store %arg7[%swap3A_134, %swap3A_135], %swap3A_138 {strides = array<i32>} : memref<2560x16xf32, #tpu.memory_space<vmem>>, vector<1x16xf32>,
        %get3A_139 = arith.index_cast %scan3A_114 : i32 to index
        %get3A_140 = arith.constant 32 : index
        %get3A_141 = tpu.vector_load %arg6[%get3A_139, %get3A_140] {strides = array<i32>} : memref<320x128xf32, #tpu.memory_space<vmem>>, vector<1x16xf32>,
        %get3A_142 = vector.shape_cast %get3A_141 : vector<1x16xf32> to vector<16xf32>
        %mul3A_143 = arith.constant 8 : i32
        %mul3A_144 = arith.muli %scan3A_114, %mul3A_143 : i32
        %add3A_145 = arith.constant 2 : i32
        %add3A_146 = arith.addi %mul3A_144, %add3A_145 : i32
        %swap3A_147 = arith.index_cast %add3A_146 : i32 to index
        %swap3A_148 = arith.constant 0 : index
        %swap3A_149 = tpu.vector_load %arg7[%swap3A_147, %swap3A_148] {strides = array<i32>} : memref<2560x16xf32, #tpu.memory_space<vmem>>, vector<1x16xf32>,
        %swap3A_150 = vector.shape_cast %swap3A_149 : vector<1x16xf32> to vector<16xf32>
        %swap3A_151 = vector.shape_cast %get3A_142 : vector<16xf32> to vector<1x16xf32>
        tpu.vector_store %arg7[%swap3A_147, %swap3A_148], %swap3A_151 {strides = array<i32>} : memref<2560x16xf32, #tpu.memory_space<vmem>>, vector<1x16xf32>,
        %get3A_152 = arith.index_cast %scan3A_114 : i32 to index
        %get3A_153 = arith.constant 48 : index
        %get3A_154 = tpu.vector_load %arg6[%get3A_152, %get3A_153] {strides = array<i32>} : memref<320x128xf32, #tpu.memory_space<vmem>>, vector<1x16xf32>,
        %get3A_155 = vector.shape_cast %get3A_154 : vector<1x16xf32> to vector<16xf32>
        %mul3A_156 = arith.constant 8 : i32
        %mul3A_157 = arith.muli %scan3A_114, %mul3A_156 : i32
        %add3A_158 = arith.constant 3 : i32
        %add3A_159 = arith.addi %mul3A_157, %add3A_158 : i32
        %swap3A_160 = arith.index_cast %add3A_159 : i32 to index
        %swap3A_161 = arith.constant 0 : index
        %swap3A_162 = tpu.vector_load %arg7[%swap3A_160, %swap3A_161] {strides = array<i32>} : memref<2560x16xf32, #tpu.memory_space<vmem>>, vector<1x16xf32>,
        %swap3A_163 = vector.shape_cast %swap3A_162 : vector<1x16xf32> to vector<16xf32>
        %swap3A_164 = vector.shape_cast %get3A_155 : vector<16xf32> to vector<1x16xf32>
        tpu.vector_store %arg7[%swap3A_160, %swap3A_161], %swap3A_164 {strides = array<i32>} : memref<2560x16xf32, #tpu.memory_space<vmem>>, vector<1x16xf32>,
        %get3A_165 = arith.index_cast %scan3A_114 : i32 to index
        %get3A_166 = arith.constant 64 : index
        %get3A_167 = tpu.vector_load %arg6[%get3A_165, %get3A_166] {strides = array<i32>} : memref<320x128xf32, #tpu.memory_space<vmem>>, vector<1x16xf32>,
        %get3A_168 = vector.shape_cast %get3A_167 : vector<1x16xf32> to vector<16xf32>
        %mul3A_169 = arith.constant 8 : i32
        %mul3A_170 = arith.muli %scan3A_114, %mul3A_169 : i32
        %add3A_171 = arith.constant 4 : i32
        %add3A_172 = arith.addi %mul3A_170, %add3A_171 : i32
        %swap3A_173 = arith.index_cast %add3A_172 : i32 to index
        %swap3A_174 = arith.constant 0 : index
        %swap3A_175 = tpu.vector_load %arg7[%swap3A_173, %swap3A_174] {strides = array<i32>} : memref<2560x16xf32, #tpu.memory_space<vmem>>, vector<1x16xf32>,
        %swap3A_176 = vector.shape_cast %swap3A_175 : vector<1x16xf32> to vector<16xf32>
        %swap3A_177 = vector.shape_cast %get3A_168 : vector<16xf32> to vector<1x16xf32>
        tpu.vector_store %arg7[%swap3A_173, %swap3A_174], %swap3A_177 {strides = array<i32>} : memref<2560x16xf32, #tpu.memory_space<vmem>>, vector<1x16xf32>,
        %get3A_178 = arith.index_cast %scan3A_114 : i32 to index
        %get3A_179 = arith.constant 80 : index
        %get3A_180 = tpu.vector_load %arg6[%get3A_178, %get3A_179] {strides = array<i32>} : memref<320x128xf32, #tpu.memory_space<vmem>>, vector<1x16xf32>,
        %get3A_181 = vector.shape_cast %get3A_180 : vector<1x16xf32> to vector<16xf32>
        %mul3A_182 = arith.constant 8 : i32
        %mul3A_183 = arith.muli %scan3A_114, %mul3A_182 : i32
        %add3A_184 = arith.constant 5 : i32
        %add3A_185 = arith.addi %mul3A_183, %add3A_184 : i32
        %swap3A_186 = arith.index_cast %add3A_185 : i32 to index
        %swap3A_187 = arith.constant 0 : index
        %swap3A_188 = tpu.vector_load %arg7[%swap3A_186, %swap3A_187] {strides = array<i32>} : memref<2560x16xf32, #tpu.memory_space<vmem>>, vector<1x16xf32>,
        %swap3A_189 = vector.shape_cast %swap3A_188 : vector<1x16xf32> to vector<16xf32>
        %swap3A_190 = vector.shape_cast %get3A_181 : vector<16xf32> to vector<1x16xf32>
        tpu.vector_store %arg7[%swap3A_186, %swap3A_187], %swap3A_190 {strides = array<i32>} : memref<2560x16xf32, #tpu.memory_space<vmem>>, vector<1x16xf32>,
        %get3A_191 = arith.index_cast %scan3A_114 : i32 to index
        %get3A_192 = arith.constant 96 : index
        %get3A_193 = tpu.vector_load %arg6[%get3A_191, %get3A_192] {strides = array<i32>} : memref<320x128xf32, #tpu.memory_space<vmem>>, vector<1x16xf32>,
        %get3A_194 = vector.shape_cast %get3A_193 : vector<1x16xf32> to vector<16xf32>
        %mul3A_195 = arith.constant 8 : i32
        %mul3A_196 = arith.muli %scan3A_114, %mul3A_195 : i32
        %add3A_197 = arith.constant 6 : i32
        %add3A_198 = arith.addi %mul3A_196, %add3A_197 : i32
        %swap3A_199 = arith.index_cast %add3A_198 : i32 to index
        %swap3A_200 = arith.constant 0 : index
        %swap3A_201 = tpu.vector_load %arg7[%swap3A_199, %swap3A_200] {strides = array<i32>} : memref<2560x16xf32, #tpu.memory_space<vmem>>, vector<1x16xf32>,
        %swap3A_202 = vector.shape_cast %swap3A_201 : vector<1x16xf32> to vector<16xf32>
        %swap3A_203 = vector.shape_cast %get3A_194 : vector<16xf32> to vector<1x16xf32>
        tpu.vector_store %arg7[%swap3A_199, %swap3A_200], %swap3A_203 {strides = array<i32>} : memref<2560x16xf32, #tpu.memory_space<vmem>>, vector<1x16xf32>,
        %get3A_204 = arith.index_cast %scan3A_114 : i32 to index
        %get3A_205 = arith.constant 112 : index
        %get3A_206 = tpu.vector_load %arg6[%get3A_204, %get3A_205] {strides = array<i32>} : memref<320x128xf32, #tpu.memory_space<vmem>>, vector<1x16xf32>,
        %get3A_207 = vector.shape_cast %get3A_206 : vector<1x16xf32> to vector<16xf32>
        %mul3A_208 = arith.constant 8 : i32
        %mul3A_209 = arith.muli %scan3A_114, %mul3A_208 : i32
        %add3A_210 = arith.constant 7 : i32
        %add3A_211 = arith.addi %mul3A_209, %add3A_210 : i32
        %swap3A_212 = arith.index_cast %add3A_211 : i32 to index
        %swap3A_213 = arith.constant 0 : index
        %swap3A_214 = tpu.vector_load %arg7[%swap3A_212, %swap3A_213] {strides = array<i32>} : memref<2560x16xf32, #tpu.memory_space<vmem>>, vector<1x16xf32>,
        %swap3A_215 = vector.shape_cast %swap3A_214 : vector<1x16xf32> to vector<16xf32>
        %swap3A_216 = vector.shape_cast %get3A_207 : vector<16xf32> to vector<1x16xf32>
        tpu.vector_store %arg7[%swap3A_212, %swap3A_213], %swap3A_216 {strides = array<i32>} : memref<2560x16xf32, #tpu.memory_space<vmem>>, vector<1x16xf32>,
      }
      %scan3A_74 = arith.constant 320 : i32
      %run_scoped3A = arith.constant 0 : i32
      "tpu.region"() ({
        %run_scoped3A_114 = tpu.sem_alloc : memref<!tpu.dma_semaphore, #tpu.memory_space<semaphore_mem>>
        %dma_start3A = arith.constant 0 : i32
        %dma_start3A_115 = arith.constant 0 : i32
        %dma_start3A_116 = tpu.memref_slice %arg7[%dma_start3A, %dma_start3A_115] : memref<2560x16xf32, #tpu.memory_space<vmem>> -> memref<64x16xf32, #tpu.memory_space<vmem>>
        %dma_start3A_117 = arith.constant 0 : i32
        %dma_start3A_118 = tpu.memref_slice %arg5[%run_scoped3A, %dma_start3A_117] : memref<40x64xi32, #tpu.memory_space<vmem>> -> memref<1x64xi32, #tpu.memory_space<vmem>>
        %dma_start3A_119 = tpu.memref_squeeze %dma_start3A_118 : memref<1x64xi32, #tpu.memory_space<vmem>> -> memref<64xi32, #tpu.memory_space<vmem>>
        %dma_start3A_120 = arith.constant 0 : i32
        %dma_start3A_121 = arith.constant 0 : i32
        %dma_start3A_122 = tpu.memref_slice %arg9[%dma_start3A_120, %dma_start3A_121] : memref<10240x16xf32, #tpu.memory_space<vmem_shared>> -> memref<10240x16xf32, #tpu.memory_space<vmem_shared>>
        tpu.enqueue_indirect_dma source(%dma_start3A_116 : memref<64x16xf32, #tpu.memory_space<vmem>>) target(%dma_start3A_122 : memref<10240x16xf32, #tpu.memory_space<vmem_shared>>) offsets(%dma_start3A_119 : memref<64xi32, #tpu.memory_space<vmem>>) semaphore(%run_scoped3A_114 : memref<!tpu.dma_semaphore, #tpu.memory_space<semaphore_mem>>) {add = true}
        %dma_wait3A = arith.constant 0 : i32
        %dma_wait3A_123 = arith.constant 0 : i32
        %dma_wait3A_124 = tpu.memref_slice %arg7[%dma_wait3A, %dma_wait3A_123] : memref<2560x16xf32, #tpu.memory_space<vmem>> -> memref<64x16xf32, #tpu.memory_space<vmem>>
        %dma_wait3A_125 = arith.constant 0 : i32
        %dma_wait3A_126 = tpu.memref_slice %arg5[%run_scoped3A, %dma_wait3A_125] : memref<40x64xi32, #tpu.memory_space<vmem>> -> memref<1x64xi32, #tpu.memory_space<vmem>>
        %dma_wait3A_127 = tpu.memref_squeeze %dma_wait3A_126 : memref<1x64xi32, #tpu.memory_space<vmem>> -> memref<64xi32, #tpu.memory_space<vmem>>
        %dma_wait3A_128 = arith.constant 0 : i32
        %dma_wait3A_129 = arith.constant 0 : i32
        %dma_wait3A_130 = tpu.memref_slice %arg9[%dma_wait3A_128, %dma_wait3A_129] : memref<10240x16xf32, #tpu.memory_space<vmem_shared>> -> memref<10240x16xf32, #tpu.memory_space<vmem_shared>>
        tpu.wait_indirect_dma semaphore(%run_scoped3A_114 : memref<!tpu.dma_semaphore, #tpu.memory_space<semaphore_mem>>) src(%dma_wait3A_124 : memref<64x16xf32, #tpu.memory_space<vmem>>) dst(%dma_wait3A_130 : memref<10240x16xf32, #tpu.memory_space<vmem_shared>>)
        tpu.yield
      }) : () -> ()
      %run_scoped3A_75 = arith.constant 1 : i32
      "tpu.region"() ({
        %run_scoped3A_114 = tpu.sem_alloc : memref<!tpu.dma_semaphore, #tpu.memory_space<semaphore_mem>>
        %dma_start3A = arith.constant 64 : i32
        %dma_start3A_115 = arith.constant 0 : i32
        %dma_start3A_116 = tpu.memref_slice %arg7[%dma_start3A, %dma_start3A_115] : memref<2560x16xf32, #tpu.memory_space<vmem>> -> memref<64x16xf32, #tpu.memory_space<vmem>>
        %dma_start3A_117 = arith.constant 0 : i32
        %dma_start3A_118 = tpu.memref_slice %arg5[%run_scoped3A_75, %dma_start3A_117] : memref<40x64xi32, #tpu.memory_space<vmem>> -> memref<1x64xi32, #tpu.memory_space<vmem>>
        %dma_start3A_119 = tpu.memref_squeeze %dma_start3A_118 : memref<1x64xi32, #tpu.memory_space<vmem>> -> memref<64xi32, #tpu.memory_space<vmem>>
        %dma_start3A_120 = arith.constant 0 : i32
        %dma_start3A_121 = arith.constant 0 : i32
        %dma_start3A_122 = tpu.memref_slice %arg9[%dma_start3A_120, %dma_start3A_121] : memref<10240x16xf32, #tpu.memory_space<vmem_shared>> -> memref<10240x16xf32, #tpu.memory_space<vmem_shared>>
        tpu.enqueue_indirect_dma source(%dma_start3A_116 : memref<64x16xf32, #tpu.memory_space<vmem>>) target(%dma_start3A_122 : memref<10240x16xf32, #tpu.memory_space<vmem_shared>>) offsets(%dma_start3A_119 : memref<64xi32, #tpu.memory_space<vmem>>) semaphore(%run_scoped3A_114 : memref<!tpu.dma_semaphore, #tpu.memory_space<semaphore_mem>>) {add = true}
        %dma_wait3A = arith.constant 64 : i32
        %dma_wait3A_123 = arith.constant 0 : i32
        %dma_wait3A_124 = tpu.memref_slice %arg7[%dma_wait3A, %dma_wait3A_123] : memref<2560x16xf32, #tpu.memory_space<vmem>> -> memref<64x16xf32, #tpu.memory_space<vmem>>
        %dma_wait3A_125 = arith.constant 0 : i32
        %dma_wait3A_126 = tpu.memref_slice %arg5[%run_scoped3A_75, %dma_wait3A_125] : memref<40x64xi32, #tpu.memory_space<vmem>> -> memref<1x64xi32, #tpu.memory_space<vmem>>
        %dma_wait3A_127 = tpu.memref_squeeze %dma_wait3A_126 : memref<1x64xi32, #tpu.memory_space<vmem>> -> memref<64xi32, #tpu.memory_space<vmem>>
        %dma_wait3A_128 = arith.constant 0 : i32
        %dma_wait3A_129 = arith.constant 0 : i32
        %dma_wait3A_130 = tpu.memref_slice %arg9[%dma_wait3A_128, %dma_wait3A_129] : memref<10240x16xf32, #tpu.memory_space<vmem_shared>> -> memref<10240x16xf32, #tpu.memory_space<vmem_shared>>
        tpu.wait_indirect_dma semaphore(%run_scoped3A_114 : memref<!tpu.dma_semaphore, #tpu.memory_space<semaphore_mem>>) src(%dma_wait3A_124 : memref<64x16xf32, #tpu.memory_space<vmem>>) dst(%dma_wait3A_130 : memref<10240x16xf32, #tpu.memory_space<vmem_shared>>)
        tpu.yield
      }) : () -> ()
      %run_scoped3A_76 = arith.constant 2 : i32
      "tpu.region"() ({
        %run_scoped3A_114 = tpu.sem_alloc : memref<!tpu.dma_semaphore, #tpu.memory_space<semaphore_mem>>
        %dma_start3A = arith.constant 128 : i32
        %dma_start3A_115 = arith.constant 0 : i32
        %dma_start3A_116 = tpu.memref_slice %arg7[%dma_start3A, %dma_start3A_115] : memref<2560x16xf32, #tpu.memory_space<vmem>> -> memref<64x16xf32, #tpu.memory_space<vmem>>
        %dma_start3A_117 = arith.constant 0 : i32
        %dma_start3A_118 = tpu.memref_slice %arg5[%run_scoped3A_76, %dma_start3A_117] : memref<40x64xi32, #tpu.memory_space<vmem>> -> memref<1x64xi32, #tpu.memory_space<vmem>>
        %dma_start3A_119 = tpu.memref_squeeze %dma_start3A_118 : memref<1x64xi32, #tpu.memory_space<vmem>> -> memref<64xi32, #tpu.memory_space<vmem>>
        %dma_start3A_120 = arith.constant 0 : i32
        %dma_start3A_121 = arith.constant 0 : i32
        %dma_start3A_122 = tpu.memref_slice %arg9[%dma_start3A_120, %dma_start3A_121] : memref<10240x16xf32, #tpu.memory_space<vmem_shared>> -> memref<10240x16xf32, #tpu.memory_space<vmem_shared>>
        tpu.enqueue_indirect_dma source(%dma_start3A_116 : memref<64x16xf32, #tpu.memory_space<vmem>>) target(%dma_start3A_122 : memref<10240x16xf32, #tpu.memory_space<vmem_shared>>) offsets(%dma_start3A_119 : memref<64xi32, #tpu.memory_space<vmem>>) semaphore(%run_scoped3A_114 : memref<!tpu.dma_semaphore, #tpu.memory_space<semaphore_mem>>) {add = true}
        %dma_wait3A = arith.constant 128 : i32
        %dma_wait3A_123 = arith.constant 0 : i32
        %dma_wait3A_124 = tpu.memref_slice %arg7[%dma_wait3A, %dma_wait3A_123] : memref<2560x16xf32, #tpu.memory_space<vmem>> -> memref<64x16xf32, #tpu.memory_space<vmem>>
        %dma_wait3A_125 = arith.constant 0 : i32
        %dma_wait3A_126 = tpu.memref_slice %arg5[%run_scoped3A_76, %dma_wait3A_125] : memref<40x64xi32, #tpu.memory_space<vmem>> -> memref<1x64xi32, #tpu.memory_space<vmem>>
        %dma_wait3A_127 = tpu.memref_squeeze %dma_wait3A_126 : memref<1x64xi32, #tpu.memory_space<vmem>> -> memref<64xi32, #tpu.memory_space<vmem>>
        %dma_wait3A_128 = arith.constant 0 : i32
        %dma_wait3A_129 = arith.constant 0 : i32
        %dma_wait3A_130 = tpu.memref_slice %arg9[%dma_wait3A_128, %dma_wait3A_129] : memref<10240x16xf32, #tpu.memory_space<vmem_shared>> -> memref<10240x16xf32, #tpu.memory_space<vmem_shared>>
        tpu.wait_indirect_dma semaphore(%run_scoped3A_114 : memref<!tpu.dma_semaphore, #tpu.memory_space<semaphore_mem>>) src(%dma_wait3A_124 : memref<64x16xf32, #tpu.memory_space<vmem>>) dst(%dma_wait3A_130 : memref<10240x16xf32, #tpu.memory_space<vmem_shared>>)
        tpu.yield
      }) : () -> ()
      %run_scoped3A_77 = arith.constant 3 : i32
      "tpu.region"() ({
        %run_scoped3A_114 = tpu.sem_alloc : memref<!tpu.dma_semaphore, #tpu.memory_space<semaphore_mem>>
        %dma_start3A = arith.constant 192 : i32
        %dma_start3A_115 = arith.constant 0 : i32
        %dma_start3A_116 = tpu.memref_slice %arg7[%dma_start3A, %dma_start3A_115] : memref<2560x16xf32, #tpu.memory_space<vmem>> -> memref<64x16xf32, #tpu.memory_space<vmem>>
        %dma_start3A_117 = arith.constant 0 : i32
        %dma_start3A_118 = tpu.memref_slice %arg5[%run_scoped3A_77, %dma_start3A_117] : memref<40x64xi32, #tpu.memory_space<vmem>> -> memref<1x64xi32, #tpu.memory_space<vmem>>
        %dma_start3A_119 = tpu.memref_squeeze %dma_start3A_118 : memref<1x64xi32, #tpu.memory_space<vmem>> -> memref<64xi32, #tpu.memory_space<vmem>>
        %dma_start3A_120 = arith.constant 0 : i32
        %dma_start3A_121 = arith.constant 0 : i32
        %dma_start3A_122 = tpu.memref_slice %arg9[%dma_start3A_120, %dma_start3A_121] : memref<10240x16xf32, #tpu.memory_space<vmem_shared>> -> memref<10240x16xf32, #tpu.memory_space<vmem_shared>>
        tpu.enqueue_indirect_dma source(%dma_start3A_116 : memref<64x16xf32, #tpu.memory_space<vmem>>) target(%dma_start3A_122 : memref<10240x16xf32, #tpu.memory_space<vmem_shared>>) offsets(%dma_start3A_119 : memref<64xi32, #tpu.memory_space<vmem>>) semaphore(%run_scoped3A_114 : memref<!tpu.dma_semaphore, #tpu.memory_space<semaphore_mem>>) {add = true}
        %dma_wait3A = arith.constant 192 : i32
        %dma_wait3A_123 = arith.constant 0 : i32
        %dma_wait3A_124 = tpu.memref_slice %arg7[%dma_wait3A, %dma_wait3A_123] : memref<2560x16xf32, #tpu.memory_space<vmem>> -> memref<64x16xf32, #tpu.memory_space<vmem>>
        %dma_wait3A_125 = arith.constant 0 : i32
        %dma_wait3A_126 = tpu.memref_slice %arg5[%run_scoped3A_77, %dma_wait3A_125] : memref<40x64xi32, #tpu.memory_space<vmem>> -> memref<1x64xi32, #tpu.memory_space<vmem>>
        %dma_wait3A_127 = tpu.memref_squeeze %dma_wait3A_126 : memref<1x64xi32, #tpu.memory_space<vmem>> -> memref<64xi32, #tpu.memory_space<vmem>>
        %dma_wait3A_128 = arith.constant 0 : i32
        %dma_wait3A_129 = arith.constant 0 : i32
        %dma_wait3A_130 = tpu.memref_slice %arg9[%dma_wait3A_128, %dma_wait3A_129] : memref<10240x16xf32, #tpu.memory_space<vmem_shared>> -> memref<10240x16xf32, #tpu.memory_space<vmem_shared>>
        tpu.wait_indirect_dma semaphore(%run_scoped3A_114 : memref<!tpu.dma_semaphore, #tpu.memory_space<semaphore_mem>>) src(%dma_wait3A_124 : memref<64x16xf32, #tpu.memory_space<vmem>>) dst(%dma_wait3A_130 : memref<10240x16xf32, #tpu.memory_space<vmem_shared>>)
        tpu.yield
      }) : () -> ()
      %run_scoped3A_78 = arith.constant 4 : i32
      "tpu.region"() ({
        %run_scoped3A_114 = tpu.sem_alloc : memref<!tpu.dma_semaphore, #tpu.memory_space<semaphore_mem>>
        %dma_start3A = arith.constant 256 : i32
        %dma_start3A_115 = arith.constant 0 : i32
        %dma_start3A_116 = tpu.memref_slice %arg7[%dma_start3A, %dma_start3A_115] : memref<2560x16xf32, #tpu.memory_space<vmem>> -> memref<64x16xf32, #tpu.memory_space<vmem>>
        %dma_start3A_117 = arith.constant 0 : i32
        %dma_start3A_118 = tpu.memref_slice %arg5[%run_scoped3A_78, %dma_start3A_117] : memref<40x64xi32, #tpu.memory_space<vmem>> -> memref<1x64xi32, #tpu.memory_space<vmem>>
        %dma_start3A_119 = tpu.memref_squeeze %dma_start3A_118 : memref<1x64xi32, #tpu.memory_space<vmem>> -> memref<64xi32, #tpu.memory_space<vmem>>
        %dma_start3A_120 = arith.constant 0 : i32
        %dma_start3A_121 = arith.constant 0 : i32
        %dma_start3A_122 = tpu.memref_slice %arg9[%dma_start3A_120, %dma_start3A_121] : memref<10240x16xf32, #tpu.memory_space<vmem_shared>> -> memref<10240x16xf32, #tpu.memory_space<vmem_shared>>
        tpu.enqueue_indirect_dma source(%dma_start3A_116 : memref<64x16xf32, #tpu.memory_space<vmem>>) target(%dma_start3A_122 : memref<10240x16xf32, #tpu.memory_space<vmem_shared>>) offsets(%dma_start3A_119 : memref<64xi32, #tpu.memory_space<vmem>>) semaphore(%run_scoped3A_114 : memref<!tpu.dma_semaphore, #tpu.memory_space<semaphore_mem>>) {add = true}
        %dma_wait3A = arith.constant 256 : i32
        %dma_wait3A_123 = arith.constant 0 : i32
        %dma_wait3A_124 = tpu.memref_slice %arg7[%dma_wait3A, %dma_wait3A_123] : memref<2560x16xf32, #tpu.memory_space<vmem>> -> memref<64x16xf32, #tpu.memory_space<vmem>>
        %dma_wait3A_125 = arith.constant 0 : i32
        %dma_wait3A_126 = tpu.memref_slice %arg5[%run_scoped3A_78, %dma_wait3A_125] : memref<40x64xi32, #tpu.memory_space<vmem>> -> memref<1x64xi32, #tpu.memory_space<vmem>>
        %dma_wait3A_127 = tpu.memref_squeeze %dma_wait3A_126 : memref<1x64xi32, #tpu.memory_space<vmem>> -> memref<64xi32, #tpu.memory_space<vmem>>
        %dma_wait3A_128 = arith.constant 0 : i32
        %dma_wait3A_129 = arith.constant 0 : i32
        %dma_wait3A_130 = tpu.memref_slice %arg9[%dma_wait3A_128, %dma_wait3A_129] : memref<10240x16xf32, #tpu.memory_space<vmem_shared>> -> memref<10240x16xf32, #tpu.memory_space<vmem_shared>>
        tpu.wait_indirect_dma semaphore(%run_scoped3A_114 : memref<!tpu.dma_semaphore, #tpu.memory_space<semaphore_mem>>) src(%dma_wait3A_124 : memref<64x16xf32, #tpu.memory_space<vmem>>) dst(%dma_wait3A_130 : memref<10240x16xf32, #tpu.memory_space<vmem_shared>>)
        tpu.yield
      }) : () -> ()
      %run_scoped3A_79 = arith.constant 5 : i32
      "tpu.region"() ({
        %run_scoped3A_114 = tpu.sem_alloc : memref<!tpu.dma_semaphore, #tpu.memory_space<semaphore_mem>>
        %dma_start3A = arith.constant 320 : i32
        %dma_start3A_115 = arith.constant 0 : i32
        %dma_start3A_116 = tpu.memref_slice %arg7[%dma_start3A, %dma_start3A_115] : memref<2560x16xf32, #tpu.memory_space<vmem>> -> memref<64x16xf32, #tpu.memory_space<vmem>>
        %dma_start3A_117 = arith.constant 0 : i32
        %dma_start3A_118 = tpu.memref_slice %arg5[%run_scoped3A_79, %dma_start3A_117] : memref<40x64xi32, #tpu.memory_space<vmem>> -> memref<1x64xi32, #tpu.memory_space<vmem>>
        %dma_start3A_119 = tpu.memref_squeeze %dma_start3A_118 : memref<1x64xi32, #tpu.memory_space<vmem>> -> memref<64xi32, #tpu.memory_space<vmem>>
        %dma_start3A_120 = arith.constant 0 : i32
        %dma_start3A_121 = arith.constant 0 : i32
        %dma_start3A_122 = tpu.memref_slice %arg9[%dma_start3A_120, %dma_start3A_121] : memref<10240x16xf32, #tpu.memory_space<vmem_shared>> -> memref<10240x16xf32, #tpu.memory_space<vmem_shared>>
        tpu.enqueue_indirect_dma source(%dma_start3A_116 : memref<64x16xf32, #tpu.memory_space<vmem>>) target(%dma_start3A_122 : memref<10240x16xf32, #tpu.memory_space<vmem_shared>>) offsets(%dma_start3A_119 : memref<64xi32, #tpu.memory_space<vmem>>) semaphore(%run_scoped3A_114 : memref<!tpu.dma_semaphore, #tpu.memory_space<semaphore_mem>>) {add = true}
        %dma_wait3A = arith.constant 320 : i32
        %dma_wait3A_123 = arith.constant 0 : i32
        %dma_wait3A_124 = tpu.memref_slice %arg7[%dma_wait3A, %dma_wait3A_123] : memref<2560x16xf32, #tpu.memory_space<vmem>> -> memref<64x16xf32, #tpu.memory_space<vmem>>
        %dma_wait3A_125 = arith.constant 0 : i32
        %dma_wait3A_126 = tpu.memref_slice %arg5[%run_scoped3A_79, %dma_wait3A_125] : memref<40x64xi32, #tpu.memory_space<vmem>> -> memref<1x64xi32, #tpu.memory_space<vmem>>
        %dma_wait3A_127 = tpu.memref_squeeze %dma_wait3A_126 : memref<1x64xi32, #tpu.memory_space<vmem>> -> memref<64xi32, #tpu.memory_space<vmem>>
        %dma_wait3A_128 = arith.constant 0 : i32
        %dma_wait3A_129 = arith.constant 0 : i32
        %dma_wait3A_130 = tpu.memref_slice %arg9[%dma_wait3A_128, %dma_wait3A_129] : memref<10240x16xf32, #tpu.memory_space<vmem_shared>> -> memref<10240x16xf32, #tpu.memory_space<vmem_shared>>
        tpu.wait_indirect_dma semaphore(%run_scoped3A_114 : memref<!tpu.dma_semaphore, #tpu.memory_space<semaphore_mem>>) src(%dma_wait3A_124 : memref<64x16xf32, #tpu.memory_space<vmem>>) dst(%dma_wait3A_130 : memref<10240x16xf32, #tpu.memory_space<vmem_shared>>)
        tpu.yield
      }) : () -> ()
      %run_scoped3A_80 = arith.constant 6 : i32
      "tpu.region"() ({
        %run_scoped3A_114 = tpu.sem_alloc : memref<!tpu.dma_semaphore, #tpu.memory_space<semaphore_mem>>
        %dma_start3A = arith.constant 384 : i32
        %dma_start3A_115 = arith.constant 0 : i32
        %dma_start3A_116 = tpu.memref_slice %arg7[%dma_start3A, %dma_start3A_115] : memref<2560x16xf32, #tpu.memory_space<vmem>> -> memref<64x16xf32, #tpu.memory_space<vmem>>
        %dma_start3A_117 = arith.constant 0 : i32
        %dma_start3A_118 = tpu.memref_slice %arg5[%run_scoped3A_80, %dma_start3A_117] : memref<40x64xi32, #tpu.memory_space<vmem>> -> memref<1x64xi32, #tpu.memory_space<vmem>>
        %dma_start3A_119 = tpu.memref_squeeze %dma_start3A_118 : memref<1x64xi32, #tpu.memory_space<vmem>> -> memref<64xi32, #tpu.memory_space<vmem>>
        %dma_start3A_120 = arith.constant 0 : i32
        %dma_start3A_121 = arith.constant 0 : i32
        %dma_start3A_122 = tpu.memref_slice %arg9[%dma_start3A_120, %dma_start3A_121] : memref<10240x16xf32, #tpu.memory_space<vmem_shared>> -> memref<10240x16xf32, #tpu.memory_space<vmem_shared>>
        tpu.enqueue_indirect_dma source(%dma_start3A_116 : memref<64x16xf32, #tpu.memory_space<vmem>>) target(%dma_start3A_122 : memref<10240x16xf32, #tpu.memory_space<vmem_shared>>) offsets(%dma_start3A_119 : memref<64xi32, #tpu.memory_space<vmem>>) semaphore(%run_scoped3A_114 : memref<!tpu.dma_semaphore, #tpu.memory_space<semaphore_mem>>) {add = true}
        %dma_wait3A = arith.constant 384 : i32
        %dma_wait3A_123 = arith.constant 0 : i32
        %dma_wait3A_124 = tpu.memref_slice %arg7[%dma_wait3A, %dma_wait3A_123] : memref<2560x16xf32, #tpu.memory_space<vmem>> -> memref<64x16xf32, #tpu.memory_space<vmem>>
        %dma_wait3A_125 = arith.constant 0 : i32
        %dma_wait3A_126 = tpu.memref_slice %arg5[%run_scoped3A_80, %dma_wait3A_125] : memref<40x64xi32, #tpu.memory_space<vmem>> -> memref<1x64xi32, #tpu.memory_space<vmem>>
        %dma_wait3A_127 = tpu.memref_squeeze %dma_wait3A_126 : memref<1x64xi32, #tpu.memory_space<vmem>> -> memref<64xi32, #tpu.memory_space<vmem>>
        %dma_wait3A_128 = arith.constant 0 : i32
        %dma_wait3A_129 = arith.constant 0 : i32
        %dma_wait3A_130 = tpu.memref_slice %arg9[%dma_wait3A_128, %dma_wait3A_129] : memref<10240x16xf32, #tpu.memory_space<vmem_shared>> -> memref<10240x16xf32, #tpu.memory_space<vmem_shared>>
        tpu.wait_indirect_dma semaphore(%run_scoped3A_114 : memref<!tpu.dma_semaphore, #tpu.memory_space<semaphore_mem>>) src(%dma_wait3A_124 : memref<64x16xf32, #tpu.memory_space<vmem>>) dst(%dma_wait3A_130 : memref<10240x16xf32, #tpu.memory_space<vmem_shared>>)
        tpu.yield
      }) : () -> ()
      %run_scoped3A_81 = arith.constant 7 : i32
      "tpu.region"() ({
        %run_scoped3A_114 = tpu.sem_alloc : memref<!tpu.dma_semaphore, #tpu.memory_space<semaphore_mem>>
        %dma_start3A = arith.constant 448 : i32
        %dma_start3A_115 = arith.constant 0 : i32
        %dma_start3A_116 = tpu.memref_slice %arg7[%dma_start3A, %dma_start3A_115] : memref<2560x16xf32, #tpu.memory_space<vmem>> -> memref<64x16xf32, #tpu.memory_space<vmem>>
        %dma_start3A_117 = arith.constant 0 : i32
        %dma_start3A_118 = tpu.memref_slice %arg5[%run_scoped3A_81, %dma_start3A_117] : memref<40x64xi32, #tpu.memory_space<vmem>> -> memref<1x64xi32, #tpu.memory_space<vmem>>
        %dma_start3A_119 = tpu.memref_squeeze %dma_start3A_118 : memref<1x64xi32, #tpu.memory_space<vmem>> -> memref<64xi32, #tpu.memory_space<vmem>>
        %dma_start3A_120 = arith.constant 0 : i32
        %dma_start3A_121 = arith.constant 0 : i32
        %dma_start3A_122 = tpu.memref_slice %arg9[%dma_start3A_120, %dma_start3A_121] : memref<10240x16xf32, #tpu.memory_space<vmem_shared>> -> memref<10240x16xf32, #tpu.memory_space<vmem_shared>>
        tpu.enqueue_indirect_dma source(%dma_start3A_116 : memref<64x16xf32, #tpu.memory_space<vmem>>) target(%dma_start3A_122 : memref<10240x16xf32, #tpu.memory_space<vmem_shared>>) offsets(%dma_start3A_119 : memref<64xi32, #tpu.memory_space<vmem>>) semaphore(%run_scoped3A_114 : memref<!tpu.dma_semaphore, #tpu.memory_space<semaphore_mem>>) {add = true}
        %dma_wait3A = arith.constant 448 : i32
        %dma_wait3A_123 = arith.constant 0 : i32
        %dma_wait3A_124 = tpu.memref_slice %arg7[%dma_wait3A, %dma_wait3A_123] : memref<2560x16xf32, #tpu.memory_space<vmem>> -> memref<64x16xf32, #tpu.memory_space<vmem>>
        %dma_wait3A_125 = arith.constant 0 : i32
        %dma_wait3A_126 = tpu.memref_slice %arg5[%run_scoped3A_81, %dma_wait3A_125] : memref<40x64xi32, #tpu.memory_space<vmem>> -> memref<1x64xi32, #tpu.memory_space<vmem>>
        %dma_wait3A_127 = tpu.memref_squeeze %dma_wait3A_126 : memref<1x64xi32, #tpu.memory_space<vmem>> -> memref<64xi32, #tpu.memory_space<vmem>>
        %dma_wait3A_128 = arith.constant 0 : i32
        %dma_wait3A_129 = arith.constant 0 : i32
        %dma_wait3A_130 = tpu.memref_slice %arg9[%dma_wait3A_128, %dma_wait3A_129] : memref<10240x16xf32, #tpu.memory_space<vmem_shared>> -> memref<10240x16xf32, #tpu.memory_space<vmem_shared>>
        tpu.wait_indirect_dma semaphore(%run_scoped3A_114 : memref<!tpu.dma_semaphore, #tpu.memory_space<semaphore_mem>>) src(%dma_wait3A_124 : memref<64x16xf32, #tpu.memory_space<vmem>>) dst(%dma_wait3A_130 : memref<10240x16xf32, #tpu.memory_space<vmem_shared>>)
        tpu.yield
      }) : () -> ()
      %run_scoped3A_82 = arith.constant 8 : i32
      "tpu.region"() ({
        %run_scoped3A_114 = tpu.sem_alloc : memref<!tpu.dma_semaphore, #tpu.memory_space<semaphore_mem>>
        %dma_start3A = arith.constant 512 : i32
        %dma_start3A_115 = arith.constant 0 : i32
        %dma_start3A_116 = tpu.memref_slice %arg7[%dma_start3A, %dma_start3A_115] : memref<2560x16xf32, #tpu.memory_space<vmem>> -> memref<64x16xf32, #tpu.memory_space<vmem>>
        %dma_start3A_117 = arith.constant 0 : i32
        %dma_start3A_118 = tpu.memref_slice %arg5[%run_scoped3A_82, %dma_start3A_117] : memref<40x64xi32, #tpu.memory_space<vmem>> -> memref<1x64xi32, #tpu.memory_space<vmem>>
        %dma_start3A_119 = tpu.memref_squeeze %dma_start3A_118 : memref<1x64xi32, #tpu.memory_space<vmem>> -> memref<64xi32, #tpu.memory_space<vmem>>
        %dma_start3A_120 = arith.constant 0 : i32
        %dma_start3A_121 = arith.constant 0 : i32
        %dma_start3A_122 = tpu.memref_slice %arg9[%dma_start3A_120, %dma_start3A_121] : memref<10240x16xf32, #tpu.memory_space<vmem_shared>> -> memref<10240x16xf32, #tpu.memory_space<vmem_shared>>
        tpu.enqueue_indirect_dma source(%dma_start3A_116 : memref<64x16xf32, #tpu.memory_space<vmem>>) target(%dma_start3A_122 : memref<10240x16xf32, #tpu.memory_space<vmem_shared>>) offsets(%dma_start3A_119 : memref<64xi32, #tpu.memory_space<vmem>>) semaphore(%run_scoped3A_114 : memref<!tpu.dma_semaphore, #tpu.memory_space<semaphore_mem>>) {add = true}
        %dma_wait3A = arith.constant 512 : i32
        %dma_wait3A_123 = arith.constant 0 : i32
        %dma_wait3A_124 = tpu.memref_slice %arg7[%dma_wait3A, %dma_wait3A_123] : memref<2560x16xf32, #tpu.memory_space<vmem>> -> memref<64x16xf32, #tpu.memory_space<vmem>>
        %dma_wait3A_125 = arith.constant 0 : i32
        %dma_wait3A_126 = tpu.memref_slice %arg5[%run_scoped3A_82, %dma_wait3A_125] : memref<40x64xi32, #tpu.memory_space<vmem>> -> memref<1x64xi32, #tpu.memory_space<vmem>>
        %dma_wait3A_127 = tpu.memref_squeeze %dma_wait3A_126 : memref<1x64xi32, #tpu.memory_space<vmem>> -> memref<64xi32, #tpu.memory_space<vmem>>
        %dma_wait3A_128 = arith.constant 0 : i32
        %dma_wait3A_129 = arith.constant 0 : i32
        %dma_wait3A_130 = tpu.memref_slice %arg9[%dma_wait3A_128, %dma_wait3A_129] : memref<10240x16xf32, #tpu.memory_space<vmem_shared>> -> memref<10240x16xf32, #tpu.memory_space<vmem_shared>>
        tpu.wait_indirect_dma semaphore(%run_scoped3A_114 : memref<!tpu.dma_semaphore, #tpu.memory_space<semaphore_mem>>) src(%dma_wait3A_124 : memref<64x16xf32, #tpu.memory_space<vmem>>) dst(%dma_wait3A_130 : memref<10240x16xf32, #tpu.memory_space<vmem_shared>>)
        tpu.yield
      }) : () -> ()
      %run_scoped3A_83 = arith.constant 9 : i32
      "tpu.region"() ({
        %run_scoped3A_114 = tpu.sem_alloc : memref<!tpu.dma_semaphore, #tpu.memory_space<semaphore_mem>>
        %dma_start3A = arith.constant 576 : i32
        %dma_start3A_115 = arith.constant 0 : i32
        %dma_start3A_116 = tpu.memref_slice %arg7[%dma_start3A, %dma_start3A_115] : memref<2560x16xf32, #tpu.memory_space<vmem>> -> memref<64x16xf32, #tpu.memory_space<vmem>>
        %dma_start3A_117 = arith.constant 0 : i32
        %dma_start3A_118 = tpu.memref_slice %arg5[%run_scoped3A_83, %dma_start3A_117] : memref<40x64xi32, #tpu.memory_space<vmem>> -> memref<1x64xi32, #tpu.memory_space<vmem>>
        %dma_start3A_119 = tpu.memref_squeeze %dma_start3A_118 : memref<1x64xi32, #tpu.memory_space<vmem>> -> memref<64xi32, #tpu.memory_space<vmem>>
        %dma_start3A_120 = arith.constant 0 : i32
        %dma_start3A_121 = arith.constant 0 : i32
        %dma_start3A_122 = tpu.memref_slice %arg9[%dma_start3A_120, %dma_start3A_121] : memref<10240x16xf32, #tpu.memory_space<vmem_shared>> -> memref<10240x16xf32, #tpu.memory_space<vmem_shared>>
        tpu.enqueue_indirect_dma source(%dma_start3A_116 : memref<64x16xf32, #tpu.memory_space<vmem>>) target(%dma_start3A_122 : memref<10240x16xf32, #tpu.memory_space<vmem_shared>>) offsets(%dma_start3A_119 : memref<64xi32, #tpu.memory_space<vmem>>) semaphore(%run_scoped3A_114 : memref<!tpu.dma_semaphore, #tpu.memory_space<semaphore_mem>>) {add = true}
        %dma_wait3A = arith.constant 576 : i32
        %dma_wait3A_123 = arith.constant 0 : i32
        %dma_wait3A_124 = tpu.memref_slice %arg7[%dma_wait3A, %dma_wait3A_123] : memref<2560x16xf32, #tpu.memory_space<vmem>> -> memref<64x16xf32, #tpu.memory_space<vmem>>
        %dma_wait3A_125 = arith.constant 0 : i32
        %dma_wait3A_126 = tpu.memref_slice %arg5[%run_scoped3A_83, %dma_wait3A_125] : memref<40x64xi32, #tpu.memory_space<vmem>> -> memref<1x64xi32, #tpu.memory_space<vmem>>
        %dma_wait3A_127 = tpu.memref_squeeze %dma_wait3A_126 : memref<1x64xi32, #tpu.memory_space<vmem>> -> memref<64xi32, #tpu.memory_space<vmem>>
        %dma_wait3A_128 = arith.constant 0 : i32
        %dma_wait3A_129 = arith.constant 0 : i32
        %dma_wait3A_130 = tpu.memref_slice %arg9[%dma_wait3A_128, %dma_wait3A_129] : memref<10240x16xf32, #tpu.memory_space<vmem_shared>> -> memref<10240x16xf32, #tpu.memory_space<vmem_shared>>
        tpu.wait_indirect_dma semaphore(%run_scoped3A_114 : memref<!tpu.dma_semaphore, #tpu.memory_space<semaphore_mem>>) src(%dma_wait3A_124 : memref<64x16xf32, #tpu.memory_space<vmem>>) dst(%dma_wait3A_130 : memref<10240x16xf32, #tpu.memory_space<vmem_shared>>)
        tpu.yield
      }) : () -> ()
      %run_scoped3A_84 = arith.constant 10 : i32
      "tpu.region"() ({
        %run_scoped3A_114 = tpu.sem_alloc : memref<!tpu.dma_semaphore, #tpu.memory_space<semaphore_mem>>
        %dma_start3A = arith.constant 640 : i32
        %dma_start3A_115 = arith.constant 0 : i32
        %dma_start3A_116 = tpu.memref_slice %arg7[%dma_start3A, %dma_start3A_115] : memref<2560x16xf32, #tpu.memory_space<vmem>> -> memref<64x16xf32, #tpu.memory_space<vmem>>
        %dma_start3A_117 = arith.constant 0 : i32
        %dma_start3A_118 = tpu.memref_slice %arg5[%run_scoped3A_84, %dma_start3A_117] : memref<40x64xi32, #tpu.memory_space<vmem>> -> memref<1x64xi32, #tpu.memory_space<vmem>>
        %dma_start3A_119 = tpu.memref_squeeze %dma_start3A_118 : memref<1x64xi32, #tpu.memory_space<vmem>> -> memref<64xi32, #tpu.memory_space<vmem>>
        %dma_start3A_120 = arith.constant 0 : i32
        %dma_start3A_121 = arith.constant 0 : i32
        %dma_start3A_122 = tpu.memref_slice %arg9[%dma_start3A_120, %dma_start3A_121] : memref<10240x16xf32, #tpu.memory_space<vmem_shared>> -> memref<10240x16xf32, #tpu.memory_space<vmem_shared>>
        tpu.enqueue_indirect_dma source(%dma_start3A_116 : memref<64x16xf32, #tpu.memory_space<vmem>>) target(%dma_start3A_122 : memref<10240x16xf32, #tpu.memory_space<vmem_shared>>) offsets(%dma_start3A_119 : memref<64xi32, #tpu.memory_space<vmem>>) semaphore(%run_scoped3A_114 : memref<!tpu.dma_semaphore, #tpu.memory_space<semaphore_mem>>) {add = true}
        %dma_wait3A = arith.constant 640 : i32
        %dma_wait3A_123 = arith.constant 0 : i32
        %dma_wait3A_124 = tpu.memref_slice %arg7[%dma_wait3A, %dma_wait3A_123] : memref<2560x16xf32, #tpu.memory_space<vmem>> -> memref<64x16xf32, #tpu.memory_space<vmem>>
        %dma_wait3A_125 = arith.constant 0 : i32
        %dma_wait3A_126 = tpu.memref_slice %arg5[%run_scoped3A_84, %dma_wait3A_125] : memref<40x64xi32, #tpu.memory_space<vmem>> -> memref<1x64xi32, #tpu.memory_space<vmem>>
        %dma_wait3A_127 = tpu.memref_squeeze %dma_wait3A_126 : memref<1x64xi32, #tpu.memory_space<vmem>> -> memref<64xi32, #tpu.memory_space<vmem>>
        %dma_wait3A_128 = arith.constant 0 : i32
        %dma_wait3A_129 = arith.constant 0 : i32
        %dma_wait3A_130 = tpu.memref_slice %arg9[%dma_wait3A_128, %dma_wait3A_129] : memref<10240x16xf32, #tpu.memory_space<vmem_shared>> -> memref<10240x16xf32, #tpu.memory_space<vmem_shared>>
        tpu.wait_indirect_dma semaphore(%run_scoped3A_114 : memref<!tpu.dma_semaphore, #tpu.memory_space<semaphore_mem>>) src(%dma_wait3A_124 : memref<64x16xf32, #tpu.memory_space<vmem>>) dst(%dma_wait3A_130 : memref<10240x16xf32, #tpu.memory_space<vmem_shared>>)
        tpu.yield
      }) : () -> ()
      %run_scoped3A_85 = arith.constant 11 : i32
      "tpu.region"() ({
        %run_scoped3A_114 = tpu.sem_alloc : memref<!tpu.dma_semaphore, #tpu.memory_space<semaphore_mem>>
        %dma_start3A = arith.constant 704 : i32
        %dma_start3A_115 = arith.constant 0 : i32
        %dma_start3A_116 = tpu.memref_slice %arg7[%dma_start3A, %dma_start3A_115] : memref<2560x16xf32, #tpu.memory_space<vmem>> -> memref<64x16xf32, #tpu.memory_space<vmem>>
        %dma_start3A_117 = arith.constant 0 : i32
        %dma_start3A_118 = tpu.memref_slice %arg5[%run_scoped3A_85, %dma_start3A_117] : memref<40x64xi32, #tpu.memory_space<vmem>> -> memref<1x64xi32, #tpu.memory_space<vmem>>
        %dma_start3A_119 = tpu.memref_squeeze %dma_start3A_118 : memref<1x64xi32, #tpu.memory_space<vmem>> -> memref<64xi32, #tpu.memory_space<vmem>>
        %dma_start3A_120 = arith.constant 0 : i32
        %dma_start3A_121 = arith.constant 0 : i32
        %dma_start3A_122 = tpu.memref_slice %arg9[%dma_start3A_120, %dma_start3A_121] : memref<10240x16xf32, #tpu.memory_space<vmem_shared>> -> memref<10240x16xf32, #tpu.memory_space<vmem_shared>>
        tpu.enqueue_indirect_dma source(%dma_start3A_116 : memref<64x16xf32, #tpu.memory_space<vmem>>) target(%dma_start3A_122 : memref<10240x16xf32, #tpu.memory_space<vmem_shared>>) offsets(%dma_start3A_119 : memref<64xi32, #tpu.memory_space<vmem>>) semaphore(%run_scoped3A_114 : memref<!tpu.dma_semaphore, #tpu.memory_space<semaphore_mem>>) {add = true}
        %dma_wait3A = arith.constant 704 : i32
        %dma_wait3A_123 = arith.constant 0 : i32
        %dma_wait3A_124 = tpu.memref_slice %arg7[%dma_wait3A, %dma_wait3A_123] : memref<2560x16xf32, #tpu.memory_space<vmem>> -> memref<64x16xf32, #tpu.memory_space<vmem>>
        %dma_wait3A_125 = arith.constant 0 : i32
        %dma_wait3A_126 = tpu.memref_slice %arg5[%run_scoped3A_85, %dma_wait3A_125] : memref<40x64xi32, #tpu.memory_space<vmem>> -> memref<1x64xi32, #tpu.memory_space<vmem>>
        %dma_wait3A_127 = tpu.memref_squeeze %dma_wait3A_126 : memref<1x64xi32, #tpu.memory_space<vmem>> -> memref<64xi32, #tpu.memory_space<vmem>>
        %dma_wait3A_128 = arith.constant 0 : i32
        %dma_wait3A_129 = arith.constant 0 : i32
        %dma_wait3A_130 = tpu.memref_slice %arg9[%dma_wait3A_128, %dma_wait3A_129] : memref<10240x16xf32, #tpu.memory_space<vmem_shared>> -> memref<10240x16xf32, #tpu.memory_space<vmem_shared>>
        tpu.wait_indirect_dma semaphore(%run_scoped3A_114 : memref<!tpu.dma_semaphore, #tpu.memory_space<semaphore_mem>>) src(%dma_wait3A_124 : memref<64x16xf32, #tpu.memory_space<vmem>>) dst(%dma_wait3A_130 : memref<10240x16xf32, #tpu.memory_space<vmem_shared>>)
        tpu.yield
      }) : () -> ()
      %run_scoped3A_86 = arith.constant 12 : i32
      "tpu.region"() ({
        %run_scoped3A_114 = tpu.sem_alloc : memref<!tpu.dma_semaphore, #tpu.memory_space<semaphore_mem>>
        %dma_start3A = arith.constant 768 : i32
        %dma_start3A_115 = arith.constant 0 : i32
        %dma_start3A_116 = tpu.memref_slice %arg7[%dma_start3A, %dma_start3A_115] : memref<2560x16xf32, #tpu.memory_space<vmem>> -> memref<64x16xf32, #tpu.memory_space<vmem>>
        %dma_start3A_117 = arith.constant 0 : i32
        %dma_start3A_118 = tpu.memref_slice %arg5[%run_scoped3A_86, %dma_start3A_117] : memref<40x64xi32, #tpu.memory_space<vmem>> -> memref<1x64xi32, #tpu.memory_space<vmem>>
        %dma_start3A_119 = tpu.memref_squeeze %dma_start3A_118 : memref<1x64xi32, #tpu.memory_space<vmem>> -> memref<64xi32, #tpu.memory_space<vmem>>
        %dma_start3A_120 = arith.constant 0 : i32
        %dma_start3A_121 = arith.constant 0 : i32
        %dma_start3A_122 = tpu.memref_slice %arg9[%dma_start3A_120, %dma_start3A_121] : memref<10240x16xf32, #tpu.memory_space<vmem_shared>> -> memref<10240x16xf32, #tpu.memory_space<vmem_shared>>
        tpu.enqueue_indirect_dma source(%dma_start3A_116 : memref<64x16xf32, #tpu.memory_space<vmem>>) target(%dma_start3A_122 : memref<10240x16xf32, #tpu.memory_space<vmem_shared>>) offsets(%dma_start3A_119 : memref<64xi32, #tpu.memory_space<vmem>>) semaphore(%run_scoped3A_114 : memref<!tpu.dma_semaphore, #tpu.memory_space<semaphore_mem>>) {add = true}
        %dma_wait3A = arith.constant 768 : i32
        %dma_wait3A_123 = arith.constant 0 : i32
        %dma_wait3A_124 = tpu.memref_slice %arg7[%dma_wait3A, %dma_wait3A_123] : memref<2560x16xf32, #tpu.memory_space<vmem>> -> memref<64x16xf32, #tpu.memory_space<vmem>>
        %dma_wait3A_125 = arith.constant 0 : i32
        %dma_wait3A_126 = tpu.memref_slice %arg5[%run_scoped3A_86, %dma_wait3A_125] : memref<40x64xi32, #tpu.memory_space<vmem>> -> memref<1x64xi32, #tpu.memory_space<vmem>>
        %dma_wait3A_127 = tpu.memref_squeeze %dma_wait3A_126 : memref<1x64xi32, #tpu.memory_space<vmem>> -> memref<64xi32, #tpu.memory_space<vmem>>
        %dma_wait3A_128 = arith.constant 0 : i32
        %dma_wait3A_129 = arith.constant 0 : i32
        %dma_wait3A_130 = tpu.memref_slice %arg9[%dma_wait3A_128, %dma_wait3A_129] : memref<10240x16xf32, #tpu.memory_space<vmem_shared>> -> memref<10240x16xf32, #tpu.memory_space<vmem_shared>>
        tpu.wait_indirect_dma semaphore(%run_scoped3A_114 : memref<!tpu.dma_semaphore, #tpu.memory_space<semaphore_mem>>) src(%dma_wait3A_124 : memref<64x16xf32, #tpu.memory_space<vmem>>) dst(%dma_wait3A_130 : memref<10240x16xf32, #tpu.memory_space<vmem_shared>>)
        tpu.yield
      }) : () -> ()
      %run_scoped3A_87 = arith.constant 13 : i32
      "tpu.region"() ({
        %run_scoped3A_114 = tpu.sem_alloc : memref<!tpu.dma_semaphore, #tpu.memory_space<semaphore_mem>>
        %dma_start3A = arith.constant 832 : i32
        %dma_start3A_115 = arith.constant 0 : i32
        %dma_start3A_116 = tpu.memref_slice %arg7[%dma_start3A, %dma_start3A_115] : memref<2560x16xf32, #tpu.memory_space<vmem>> -> memref<64x16xf32, #tpu.memory_space<vmem>>
        %dma_start3A_117 = arith.constant 0 : i32
        %dma_start3A_118 = tpu.memref_slice %arg5[%run_scoped3A_87, %dma_start3A_117] : memref<40x64xi32, #tpu.memory_space<vmem>> -> memref<1x64xi32, #tpu.memory_space<vmem>>
        %dma_start3A_119 = tpu.memref_squeeze %dma_start3A_118 : memref<1x64xi32, #tpu.memory_space<vmem>> -> memref<64xi32, #tpu.memory_space<vmem>>
        %dma_start3A_120 = arith.constant 0 : i32
        %dma_start3A_121 = arith.constant 0 : i32
        %dma_start3A_122 = tpu.memref_slice %arg9[%dma_start3A_120, %dma_start3A_121] : memref<10240x16xf32, #tpu.memory_space<vmem_shared>> -> memref<10240x16xf32, #tpu.memory_space<vmem_shared>>
        tpu.enqueue_indirect_dma source(%dma_start3A_116 : memref<64x16xf32, #tpu.memory_space<vmem>>) target(%dma_start3A_122 : memref<10240x16xf32, #tpu.memory_space<vmem_shared>>) offsets(%dma_start3A_119 : memref<64xi32, #tpu.memory_space<vmem>>) semaphore(%run_scoped3A_114 : memref<!tpu.dma_semaphore, #tpu.memory_space<semaphore_mem>>) {add = true}
        %dma_wait3A = arith.constant 832 : i32
        %dma_wait3A_123 = arith.constant 0 : i32
        %dma_wait3A_124 = tpu.memref_slice %arg7[%dma_wait3A, %dma_wait3A_123] : memref<2560x16xf32, #tpu.memory_space<vmem>> -> memref<64x16xf32, #tpu.memory_space<vmem>>
        %dma_wait3A_125 = arith.constant 0 : i32
        %dma_wait3A_126 = tpu.memref_slice %arg5[%run_scoped3A_87, %dma_wait3A_125] : memref<40x64xi32, #tpu.memory_space<vmem>> -> memref<1x64xi32, #tpu.memory_space<vmem>>
        %dma_wait3A_127 = tpu.memref_squeeze %dma_wait3A_126 : memref<1x64xi32, #tpu.memory_space<vmem>> -> memref<64xi32, #tpu.memory_space<vmem>>
        %dma_wait3A_128 = arith.constant 0 : i32
        %dma_wait3A_129 = arith.constant 0 : i32
        %dma_wait3A_130 = tpu.memref_slice %arg9[%dma_wait3A_128, %dma_wait3A_129] : memref<10240x16xf32, #tpu.memory_space<vmem_shared>> -> memref<10240x16xf32, #tpu.memory_space<vmem_shared>>
        tpu.wait_indirect_dma semaphore(%run_scoped3A_114 : memref<!tpu.dma_semaphore, #tpu.memory_space<semaphore_mem>>) src(%dma_wait3A_124 : memref<64x16xf32, #tpu.memory_space<vmem>>) dst(%dma_wait3A_130 : memref<10240x16xf32, #tpu.memory_space<vmem_shared>>)
        tpu.yield
      }) : () -> ()
      %run_scoped3A_88 = arith.constant 14 : i32
      "tpu.region"() ({
        %run_scoped3A_114 = tpu.sem_alloc : memref<!tpu.dma_semaphore, #tpu.memory_space<semaphore_mem>>
        %dma_start3A = arith.constant 896 : i32
        %dma_start3A_115 = arith.constant 0 : i32
        %dma_start3A_116 = tpu.memref_slice %arg7[%dma_start3A, %dma_start3A_115] : memref<2560x16xf32, #tpu.memory_space<vmem>> -> memref<64x16xf32, #tpu.memory_space<vmem>>
        %dma_start3A_117 = arith.constant 0 : i32
        %dma_start3A_118 = tpu.memref_slice %arg5[%run_scoped3A_88, %dma_start3A_117] : memref<40x64xi32, #tpu.memory_space<vmem>> -> memref<1x64xi32, #tpu.memory_space<vmem>>
        %dma_start3A_119 = tpu.memref_squeeze %dma_start3A_118 : memref<1x64xi32, #tpu.memory_space<vmem>> -> memref<64xi32, #tpu.memory_space<vmem>>
        %dma_start3A_120 = arith.constant 0 : i32
        %dma_start3A_121 = arith.constant 0 : i32
        %dma_start3A_122 = tpu.memref_slice %arg9[%dma_start3A_120, %dma_start3A_121] : memref<10240x16xf32, #tpu.memory_space<vmem_shared>> -> memref<10240x16xf32, #tpu.memory_space<vmem_shared>>
        tpu.enqueue_indirect_dma source(%dma_start3A_116 : memref<64x16xf32, #tpu.memory_space<vmem>>) target(%dma_start3A_122 : memref<10240x16xf32, #tpu.memory_space<vmem_shared>>) offsets(%dma_start3A_119 : memref<64xi32, #tpu.memory_space<vmem>>) semaphore(%run_scoped3A_114 : memref<!tpu.dma_semaphore, #tpu.memory_space<semaphore_mem>>) {add = true}
        %dma_wait3A = arith.constant 896 : i32
        %dma_wait3A_123 = arith.constant 0 : i32
        %dma_wait3A_124 = tpu.memref_slice %arg7[%dma_wait3A, %dma_wait3A_123] : memref<2560x16xf32, #tpu.memory_space<vmem>> -> memref<64x16xf32, #tpu.memory_space<vmem>>
        %dma_wait3A_125 = arith.constant 0 : i32
        %dma_wait3A_126 = tpu.memref_slice %arg5[%run_scoped3A_88, %dma_wait3A_125] : memref<40x64xi32, #tpu.memory_space<vmem>> -> memref<1x64xi32, #tpu.memory_space<vmem>>
        %dma_wait3A_127 = tpu.memref_squeeze %dma_wait3A_126 : memref<1x64xi32, #tpu.memory_space<vmem>> -> memref<64xi32, #tpu.memory_space<vmem>>
        %dma_wait3A_128 = arith.constant 0 : i32
        %dma_wait3A_129 = arith.constant 0 : i32
        %dma_wait3A_130 = tpu.memref_slice %arg9[%dma_wait3A_128, %dma_wait3A_129] : memref<10240x16xf32, #tpu.memory_space<vmem_shared>> -> memref<10240x16xf32, #tpu.memory_space<vmem_shared>>
        tpu.wait_indirect_dma semaphore(%run_scoped3A_114 : memref<!tpu.dma_semaphore, #tpu.memory_space<semaphore_mem>>) src(%dma_wait3A_124 : memref<64x16xf32, #tpu.memory_space<vmem>>) dst(%dma_wait3A_130 : memref<10240x16xf32, #tpu.memory_space<vmem_shared>>)
        tpu.yield
      }) : () -> ()
      %run_scoped3A_89 = arith.constant 15 : i32
      "tpu.region"() ({
        %run_scoped3A_114 = tpu.sem_alloc : memref<!tpu.dma_semaphore, #tpu.memory_space<semaphore_mem>>
        %dma_start3A = arith.constant 960 : i32
        %dma_start3A_115 = arith.constant 0 : i32
        %dma_start3A_116 = tpu.memref_slice %arg7[%dma_start3A, %dma_start3A_115] : memref<2560x16xf32, #tpu.memory_space<vmem>> -> memref<64x16xf32, #tpu.memory_space<vmem>>
        %dma_start3A_117 = arith.constant 0 : i32
        %dma_start3A_118 = tpu.memref_slice %arg5[%run_scoped3A_89, %dma_start3A_117] : memref<40x64xi32, #tpu.memory_space<vmem>> -> memref<1x64xi32, #tpu.memory_space<vmem>>
        %dma_start3A_119 = tpu.memref_squeeze %dma_start3A_118 : memref<1x64xi32, #tpu.memory_space<vmem>> -> memref<64xi32, #tpu.memory_space<vmem>>
        %dma_start3A_120 = arith.constant 0 : i32
        %dma_start3A_121 = arith.constant 0 : i32
        %dma_start3A_122 = tpu.memref_slice %arg9[%dma_start3A_120, %dma_start3A_121] : memref<10240x16xf32, #tpu.memory_space<vmem_shared>> -> memref<10240x16xf32, #tpu.memory_space<vmem_shared>>
        tpu.enqueue_indirect_dma source(%dma_start3A_116 : memref<64x16xf32, #tpu.memory_space<vmem>>) target(%dma_start3A_122 : memref<10240x16xf32, #tpu.memory_space<vmem_shared>>) offsets(%dma_start3A_119 : memref<64xi32, #tpu.memory_space<vmem>>) semaphore(%run_scoped3A_114 : memref<!tpu.dma_semaphore, #tpu.memory_space<semaphore_mem>>) {add = true}
        %dma_wait3A = arith.constant 960 : i32
        %dma_wait3A_123 = arith.constant 0 : i32
        %dma_wait3A_124 = tpu.memref_slice %arg7[%dma_wait3A, %dma_wait3A_123] : memref<2560x16xf32, #tpu.memory_space<vmem>> -> memref<64x16xf32, #tpu.memory_space<vmem>>
        %dma_wait3A_125 = arith.constant 0 : i32
        %dma_wait3A_126 = tpu.memref_slice %arg5[%run_scoped3A_89, %dma_wait3A_125] : memref<40x64xi32, #tpu.memory_space<vmem>> -> memref<1x64xi32, #tpu.memory_space<vmem>>
        %dma_wait3A_127 = tpu.memref_squeeze %dma_wait3A_126 : memref<1x64xi32, #tpu.memory_space<vmem>> -> memref<64xi32, #tpu.memory_space<vmem>>
        %dma_wait3A_128 = arith.constant 0 : i32
        %dma_wait3A_129 = arith.constant 0 : i32
        %dma_wait3A_130 = tpu.memref_slice %arg9[%dma_wait3A_128, %dma_wait3A_129] : memref<10240x16xf32, #tpu.memory_space<vmem_shared>> -> memref<10240x16xf32, #tpu.memory_space<vmem_shared>>
        tpu.wait_indirect_dma semaphore(%run_scoped3A_114 : memref<!tpu.dma_semaphore, #tpu.memory_space<semaphore_mem>>) src(%dma_wait3A_124 : memref<64x16xf32, #tpu.memory_space<vmem>>) dst(%dma_wait3A_130 : memref<10240x16xf32, #tpu.memory_space<vmem_shared>>)
        tpu.yield
      }) : () -> ()
      %run_scoped3A_90 = arith.constant 16 : i32
      "tpu.region"() ({
        %run_scoped3A_114 = tpu.sem_alloc : memref<!tpu.dma_semaphore, #tpu.memory_space<semaphore_mem>>
        %dma_start3A = arith.constant 1024 : i32
        %dma_start3A_115 = arith.constant 0 : i32
        %dma_start3A_116 = tpu.memref_slice %arg7[%dma_start3A, %dma_start3A_115] : memref<2560x16xf32, #tpu.memory_space<vmem>> -> memref<64x16xf32, #tpu.memory_space<vmem>>
        %dma_start3A_117 = arith.constant 0 : i32
        %dma_start3A_118 = tpu.memref_slice %arg5[%run_scoped3A_90, %dma_start3A_117] : memref<40x64xi32, #tpu.memory_space<vmem>> -> memref<1x64xi32, #tpu.memory_space<vmem>>
        %dma_start3A_119 = tpu.memref_squeeze %dma_start3A_118 : memref<1x64xi32, #tpu.memory_space<vmem>> -> memref<64xi32, #tpu.memory_space<vmem>>
        %dma_start3A_120 = arith.constant 0 : i32
        %dma_start3A_121 = arith.constant 0 : i32
        %dma_start3A_122 = tpu.memref_slice %arg9[%dma_start3A_120, %dma_start3A_121] : memref<10240x16xf32, #tpu.memory_space<vmem_shared>> -> memref<10240x16xf32, #tpu.memory_space<vmem_shared>>
        tpu.enqueue_indirect_dma source(%dma_start3A_116 : memref<64x16xf32, #tpu.memory_space<vmem>>) target(%dma_start3A_122 : memref<10240x16xf32, #tpu.memory_space<vmem_shared>>) offsets(%dma_start3A_119 : memref<64xi32, #tpu.memory_space<vmem>>) semaphore(%run_scoped3A_114 : memref<!tpu.dma_semaphore, #tpu.memory_space<semaphore_mem>>) {add = true}
        %dma_wait3A = arith.constant 1024 : i32
        %dma_wait3A_123 = arith.constant 0 : i32
        %dma_wait3A_124 = tpu.memref_slice %arg7[%dma_wait3A, %dma_wait3A_123] : memref<2560x16xf32, #tpu.memory_space<vmem>> -> memref<64x16xf32, #tpu.memory_space<vmem>>
        %dma_wait3A_125 = arith.constant 0 : i32
        %dma_wait3A_126 = tpu.memref_slice %arg5[%run_scoped3A_90, %dma_wait3A_125] : memref<40x64xi32, #tpu.memory_space<vmem>> -> memref<1x64xi32, #tpu.memory_space<vmem>>
        %dma_wait3A_127 = tpu.memref_squeeze %dma_wait3A_126 : memref<1x64xi32, #tpu.memory_space<vmem>> -> memref<64xi32, #tpu.memory_space<vmem>>
        %dma_wait3A_128 = arith.constant 0 : i32
        %dma_wait3A_129 = arith.constant 0 : i32
        %dma_wait3A_130 = tpu.memref_slice %arg9[%dma_wait3A_128, %dma_wait3A_129] : memref<10240x16xf32, #tpu.memory_space<vmem_shared>> -> memref<10240x16xf32, #tpu.memory_space<vmem_shared>>
        tpu.wait_indirect_dma semaphore(%run_scoped3A_114 : memref<!tpu.dma_semaphore, #tpu.memory_space<semaphore_mem>>) src(%dma_wait3A_124 : memref<64x16xf32, #tpu.memory_space<vmem>>) dst(%dma_wait3A_130 : memref<10240x16xf32, #tpu.memory_space<vmem_shared>>)
        tpu.yield
      }) : () -> ()
      %run_scoped3A_91 = arith.constant 17 : i32
      "tpu.region"() ({
        %run_scoped3A_114 = tpu.sem_alloc : memref<!tpu.dma_semaphore, #tpu.memory_space<semaphore_mem>>
        %dma_start3A = arith.constant 1088 : i32
        %dma_start3A_115 = arith.constant 0 : i32
        %dma_start3A_116 = tpu.memref_slice %arg7[%dma_start3A, %dma_start3A_115] : memref<2560x16xf32, #tpu.memory_space<vmem>> -> memref<64x16xf32, #tpu.memory_space<vmem>>
        %dma_start3A_117 = arith.constant 0 : i32
        %dma_start3A_118 = tpu.memref_slice %arg5[%run_scoped3A_91, %dma_start3A_117] : memref<40x64xi32, #tpu.memory_space<vmem>> -> memref<1x64xi32, #tpu.memory_space<vmem>>
        %dma_start3A_119 = tpu.memref_squeeze %dma_start3A_118 : memref<1x64xi32, #tpu.memory_space<vmem>> -> memref<64xi32, #tpu.memory_space<vmem>>
        %dma_start3A_120 = arith.constant 0 : i32
        %dma_start3A_121 = arith.constant 0 : i32
        %dma_start3A_122 = tpu.memref_slice %arg9[%dma_start3A_120, %dma_start3A_121] : memref<10240x16xf32, #tpu.memory_space<vmem_shared>> -> memref<10240x16xf32, #tpu.memory_space<vmem_shared>>
        tpu.enqueue_indirect_dma source(%dma_start3A_116 : memref<64x16xf32, #tpu.memory_space<vmem>>) target(%dma_start3A_122 : memref<10240x16xf32, #tpu.memory_space<vmem_shared>>) offsets(%dma_start3A_119 : memref<64xi32, #tpu.memory_space<vmem>>) semaphore(%run_scoped3A_114 : memref<!tpu.dma_semaphore, #tpu.memory_space<semaphore_mem>>) {add = true}
        %dma_wait3A = arith.constant 1088 : i32
        %dma_wait3A_123 = arith.constant 0 : i32
        %dma_wait3A_124 = tpu.memref_slice %arg7[%dma_wait3A, %dma_wait3A_123] : memref<2560x16xf32, #tpu.memory_space<vmem>> -> memref<64x16xf32, #tpu.memory_space<vmem>>
        %dma_wait3A_125 = arith.constant 0 : i32
        %dma_wait3A_126 = tpu.memref_slice %arg5[%run_scoped3A_91, %dma_wait3A_125] : memref<40x64xi32, #tpu.memory_space<vmem>> -> memref<1x64xi32, #tpu.memory_space<vmem>>
        %dma_wait3A_127 = tpu.memref_squeeze %dma_wait3A_126 : memref<1x64xi32, #tpu.memory_space<vmem>> -> memref<64xi32, #tpu.memory_space<vmem>>
        %dma_wait3A_128 = arith.constant 0 : i32
        %dma_wait3A_129 = arith.constant 0 : i32
        %dma_wait3A_130 = tpu.memref_slice %arg9[%dma_wait3A_128, %dma_wait3A_129] : memref<10240x16xf32, #tpu.memory_space<vmem_shared>> -> memref<10240x16xf32, #tpu.memory_space<vmem_shared>>
        tpu.wait_indirect_dma semaphore(%run_scoped3A_114 : memref<!tpu.dma_semaphore, #tpu.memory_space<semaphore_mem>>) src(%dma_wait3A_124 : memref<64x16xf32, #tpu.memory_space<vmem>>) dst(%dma_wait3A_130 : memref<10240x16xf32, #tpu.memory_space<vmem_shared>>)
        tpu.yield
      }) : () -> ()
      %run_scoped3A_92 = arith.constant 18 : i32
      "tpu.region"() ({
        %run_scoped3A_114 = tpu.sem_alloc : memref<!tpu.dma_semaphore, #tpu.memory_space<semaphore_mem>>
        %dma_start3A = arith.constant 1152 : i32
        %dma_start3A_115 = arith.constant 0 : i32
        %dma_start3A_116 = tpu.memref_slice %arg7[%dma_start3A, %dma_start3A_115] : memref<2560x16xf32, #tpu.memory_space<vmem>> -> memref<64x16xf32, #tpu.memory_space<vmem>>
        %dma_start3A_117 = arith.constant 0 : i32
        %dma_start3A_118 = tpu.memref_slice %arg5[%run_scoped3A_92, %dma_start3A_117] : memref<40x64xi32, #tpu.memory_space<vmem>> -> memref<1x64xi32, #tpu.memory_space<vmem>>
        %dma_start3A_119 = tpu.memref_squeeze %dma_start3A_118 : memref<1x64xi32, #tpu.memory_space<vmem>> -> memref<64xi32, #tpu.memory_space<vmem>>
        %dma_start3A_120 = arith.constant 0 : i32
        %dma_start3A_121 = arith.constant 0 : i32
        %dma_start3A_122 = tpu.memref_slice %arg9[%dma_start3A_120, %dma_start3A_121] : memref<10240x16xf32, #tpu.memory_space<vmem_shared>> -> memref<10240x16xf32, #tpu.memory_space<vmem_shared>>
        tpu.enqueue_indirect_dma source(%dma_start3A_116 : memref<64x16xf32, #tpu.memory_space<vmem>>) target(%dma_start3A_122 : memref<10240x16xf32, #tpu.memory_space<vmem_shared>>) offsets(%dma_start3A_119 : memref<64xi32, #tpu.memory_space<vmem>>) semaphore(%run_scoped3A_114 : memref<!tpu.dma_semaphore, #tpu.memory_space<semaphore_mem>>) {add = true}
        %dma_wait3A = arith.constant 1152 : i32
        %dma_wait3A_123 = arith.constant 0 : i32
        %dma_wait3A_124 = tpu.memref_slice %arg7[%dma_wait3A, %dma_wait3A_123] : memref<2560x16xf32, #tpu.memory_space<vmem>> -> memref<64x16xf32, #tpu.memory_space<vmem>>
        %dma_wait3A_125 = arith.constant 0 : i32
        %dma_wait3A_126 = tpu.memref_slice %arg5[%run_scoped3A_92, %dma_wait3A_125] : memref<40x64xi32, #tpu.memory_space<vmem>> -> memref<1x64xi32, #tpu.memory_space<vmem>>
        %dma_wait3A_127 = tpu.memref_squeeze %dma_wait3A_126 : memref<1x64xi32, #tpu.memory_space<vmem>> -> memref<64xi32, #tpu.memory_space<vmem>>
        %dma_wait3A_128 = arith.constant 0 : i32
        %dma_wait3A_129 = arith.constant 0 : i32
        %dma_wait3A_130 = tpu.memref_slice %arg9[%dma_wait3A_128, %dma_wait3A_129] : memref<10240x16xf32, #tpu.memory_space<vmem_shared>> -> memref<10240x16xf32, #tpu.memory_space<vmem_shared>>
        tpu.wait_indirect_dma semaphore(%run_scoped3A_114 : memref<!tpu.dma_semaphore, #tpu.memory_space<semaphore_mem>>) src(%dma_wait3A_124 : memref<64x16xf32, #tpu.memory_space<vmem>>) dst(%dma_wait3A_130 : memref<10240x16xf32, #tpu.memory_space<vmem_shared>>)
        tpu.yield
      }) : () -> ()
      %run_scoped3A_93 = arith.constant 19 : i32
      "tpu.region"() ({
        %run_scoped3A_114 = tpu.sem_alloc : memref<!tpu.dma_semaphore, #tpu.memory_space<semaphore_mem>>
        %dma_start3A = arith.constant 1216 : i32
        %dma_start3A_115 = arith.constant 0 : i32
        %dma_start3A_116 = tpu.memref_slice %arg7[%dma_start3A, %dma_start3A_115] : memref<2560x16xf32, #tpu.memory_space<vmem>> -> memref<64x16xf32, #tpu.memory_space<vmem>>
        %dma_start3A_117 = arith.constant 0 : i32
        %dma_start3A_118 = tpu.memref_slice %arg5[%run_scoped3A_93, %dma_start3A_117] : memref<40x64xi32, #tpu.memory_space<vmem>> -> memref<1x64xi32, #tpu.memory_space<vmem>>
        %dma_start3A_119 = tpu.memref_squeeze %dma_start3A_118 : memref<1x64xi32, #tpu.memory_space<vmem>> -> memref<64xi32, #tpu.memory_space<vmem>>
        %dma_start3A_120 = arith.constant 0 : i32
        %dma_start3A_121 = arith.constant 0 : i32
        %dma_start3A_122 = tpu.memref_slice %arg9[%dma_start3A_120, %dma_start3A_121] : memref<10240x16xf32, #tpu.memory_space<vmem_shared>> -> memref<10240x16xf32, #tpu.memory_space<vmem_shared>>
        tpu.enqueue_indirect_dma source(%dma_start3A_116 : memref<64x16xf32, #tpu.memory_space<vmem>>) target(%dma_start3A_122 : memref<10240x16xf32, #tpu.memory_space<vmem_shared>>) offsets(%dma_start3A_119 : memref<64xi32, #tpu.memory_space<vmem>>) semaphore(%run_scoped3A_114 : memref<!tpu.dma_semaphore, #tpu.memory_space<semaphore_mem>>) {add = true}
        %dma_wait3A = arith.constant 1216 : i32
        %dma_wait3A_123 = arith.constant 0 : i32
        %dma_wait3A_124 = tpu.memref_slice %arg7[%dma_wait3A, %dma_wait3A_123] : memref<2560x16xf32, #tpu.memory_space<vmem>> -> memref<64x16xf32, #tpu.memory_space<vmem>>
        %dma_wait3A_125 = arith.constant 0 : i32
        %dma_wait3A_126 = tpu.memref_slice %arg5[%run_scoped3A_93, %dma_wait3A_125] : memref<40x64xi32, #tpu.memory_space<vmem>> -> memref<1x64xi32, #tpu.memory_space<vmem>>
        %dma_wait3A_127 = tpu.memref_squeeze %dma_wait3A_126 : memref<1x64xi32, #tpu.memory_space<vmem>> -> memref<64xi32, #tpu.memory_space<vmem>>
        %dma_wait3A_128 = arith.constant 0 : i32
        %dma_wait3A_129 = arith.constant 0 : i32
        %dma_wait3A_130 = tpu.memref_slice %arg9[%dma_wait3A_128, %dma_wait3A_129] : memref<10240x16xf32, #tpu.memory_space<vmem_shared>> -> memref<10240x16xf32, #tpu.memory_space<vmem_shared>>
        tpu.wait_indirect_dma semaphore(%run_scoped3A_114 : memref<!tpu.dma_semaphore, #tpu.memory_space<semaphore_mem>>) src(%dma_wait3A_124 : memref<64x16xf32, #tpu.memory_space<vmem>>) dst(%dma_wait3A_130 : memref<10240x16xf32, #tpu.memory_space<vmem_shared>>)
        tpu.yield
      }) : () -> ()
      %run_scoped3A_94 = arith.constant 20 : i32
      "tpu.region"() ({
        %run_scoped3A_114 = tpu.sem_alloc : memref<!tpu.dma_semaphore, #tpu.memory_space<semaphore_mem>>
        %dma_start3A = arith.constant 1280 : i32
        %dma_start3A_115 = arith.constant 0 : i32
        %dma_start3A_116 = tpu.memref_slice %arg7[%dma_start3A, %dma_start3A_115] : memref<2560x16xf32, #tpu.memory_space<vmem>> -> memref<64x16xf32, #tpu.memory_space<vmem>>
        %dma_start3A_117 = arith.constant 0 : i32
        %dma_start3A_118 = tpu.memref_slice %arg5[%run_scoped3A_94, %dma_start3A_117] : memref<40x64xi32, #tpu.memory_space<vmem>> -> memref<1x64xi32, #tpu.memory_space<vmem>>
        %dma_start3A_119 = tpu.memref_squeeze %dma_start3A_118 : memref<1x64xi32, #tpu.memory_space<vmem>> -> memref<64xi32, #tpu.memory_space<vmem>>
        %dma_start3A_120 = arith.constant 0 : i32
        %dma_start3A_121 = arith.constant 0 : i32
        %dma_start3A_122 = tpu.memref_slice %arg9[%dma_start3A_120, %dma_start3A_121] : memref<10240x16xf32, #tpu.memory_space<vmem_shared>> -> memref<10240x16xf32, #tpu.memory_space<vmem_shared>>
        tpu.enqueue_indirect_dma source(%dma_start3A_116 : memref<64x16xf32, #tpu.memory_space<vmem>>) target(%dma_start3A_122 : memref<10240x16xf32, #tpu.memory_space<vmem_shared>>) offsets(%dma_start3A_119 : memref<64xi32, #tpu.memory_space<vmem>>) semaphore(%run_scoped3A_114 : memref<!tpu.dma_semaphore, #tpu.memory_space<semaphore_mem>>) {add = true}
        %dma_wait3A = arith.constant 1280 : i32
        %dma_wait3A_123 = arith.constant 0 : i32
        %dma_wait3A_124 = tpu.memref_slice %arg7[%dma_wait3A, %dma_wait3A_123] : memref<2560x16xf32, #tpu.memory_space<vmem>> -> memref<64x16xf32, #tpu.memory_space<vmem>>
        %dma_wait3A_125 = arith.constant 0 : i32
        %dma_wait3A_126 = tpu.memref_slice %arg5[%run_scoped3A_94, %dma_wait3A_125] : memref<40x64xi32, #tpu.memory_space<vmem>> -> memref<1x64xi32, #tpu.memory_space<vmem>>
        %dma_wait3A_127 = tpu.memref_squeeze %dma_wait3A_126 : memref<1x64xi32, #tpu.memory_space<vmem>> -> memref<64xi32, #tpu.memory_space<vmem>>
        %dma_wait3A_128 = arith.constant 0 : i32
        %dma_wait3A_129 = arith.constant 0 : i32
        %dma_wait3A_130 = tpu.memref_slice %arg9[%dma_wait3A_128, %dma_wait3A_129] : memref<10240x16xf32, #tpu.memory_space<vmem_shared>> -> memref<10240x16xf32, #tpu.memory_space<vmem_shared>>
        tpu.wait_indirect_dma semaphore(%run_scoped3A_114 : memref<!tpu.dma_semaphore, #tpu.memory_space<semaphore_mem>>) src(%dma_wait3A_124 : memref<64x16xf32, #tpu.memory_space<vmem>>) dst(%dma_wait3A_130 : memref<10240x16xf32, #tpu.memory_space<vmem_shared>>)
        tpu.yield
      }) : () -> ()
      %run_scoped3A_95 = arith.constant 21 : i32
      "tpu.region"() ({
        %run_scoped3A_114 = tpu.sem_alloc : memref<!tpu.dma_semaphore, #tpu.memory_space<semaphore_mem>>
        %dma_start3A = arith.constant 1344 : i32
        %dma_start3A_115 = arith.constant 0 : i32
        %dma_start3A_116 = tpu.memref_slice %arg7[%dma_start3A, %dma_start3A_115] : memref<2560x16xf32, #tpu.memory_space<vmem>> -> memref<64x16xf32, #tpu.memory_space<vmem>>
        %dma_start3A_117 = arith.constant 0 : i32
        %dma_start3A_118 = tpu.memref_slice %arg5[%run_scoped3A_95, %dma_start3A_117] : memref<40x64xi32, #tpu.memory_space<vmem>> -> memref<1x64xi32, #tpu.memory_space<vmem>>
        %dma_start3A_119 = tpu.memref_squeeze %dma_start3A_118 : memref<1x64xi32, #tpu.memory_space<vmem>> -> memref<64xi32, #tpu.memory_space<vmem>>
        %dma_start3A_120 = arith.constant 0 : i32
        %dma_start3A_121 = arith.constant 0 : i32
        %dma_start3A_122 = tpu.memref_slice %arg9[%dma_start3A_120, %dma_start3A_121] : memref<10240x16xf32, #tpu.memory_space<vmem_shared>> -> memref<10240x16xf32, #tpu.memory_space<vmem_shared>>
        tpu.enqueue_indirect_dma source(%dma_start3A_116 : memref<64x16xf32, #tpu.memory_space<vmem>>) target(%dma_start3A_122 : memref<10240x16xf32, #tpu.memory_space<vmem_shared>>) offsets(%dma_start3A_119 : memref<64xi32, #tpu.memory_space<vmem>>) semaphore(%run_scoped3A_114 : memref<!tpu.dma_semaphore, #tpu.memory_space<semaphore_mem>>) {add = true}
        %dma_wait3A = arith.constant 1344 : i32
        %dma_wait3A_123 = arith.constant 0 : i32
        %dma_wait3A_124 = tpu.memref_slice %arg7[%dma_wait3A, %dma_wait3A_123] : memref<2560x16xf32, #tpu.memory_space<vmem>> -> memref<64x16xf32, #tpu.memory_space<vmem>>
        %dma_wait3A_125 = arith.constant 0 : i32
        %dma_wait3A_126 = tpu.memref_slice %arg5[%run_scoped3A_95, %dma_wait3A_125] : memref<40x64xi32, #tpu.memory_space<vmem>> -> memref<1x64xi32, #tpu.memory_space<vmem>>
        %dma_wait3A_127 = tpu.memref_squeeze %dma_wait3A_126 : memref<1x64xi32, #tpu.memory_space<vmem>> -> memref<64xi32, #tpu.memory_space<vmem>>
        %dma_wait3A_128 = arith.constant 0 : i32
        %dma_wait3A_129 = arith.constant 0 : i32
        %dma_wait3A_130 = tpu.memref_slice %arg9[%dma_wait3A_128, %dma_wait3A_129] : memref<10240x16xf32, #tpu.memory_space<vmem_shared>> -> memref<10240x16xf32, #tpu.memory_space<vmem_shared>>
        tpu.wait_indirect_dma semaphore(%run_scoped3A_114 : memref<!tpu.dma_semaphore, #tpu.memory_space<semaphore_mem>>) src(%dma_wait3A_124 : memref<64x16xf32, #tpu.memory_space<vmem>>) dst(%dma_wait3A_130 : memref<10240x16xf32, #tpu.memory_space<vmem_shared>>)
        tpu.yield
      }) : () -> ()
      %run_scoped3A_96 = arith.constant 22 : i32
      "tpu.region"() ({
        %run_scoped3A_114 = tpu.sem_alloc : memref<!tpu.dma_semaphore, #tpu.memory_space<semaphore_mem>>
        %dma_start3A = arith.constant 1408 : i32
        %dma_start3A_115 = arith.constant 0 : i32
        %dma_start3A_116 = tpu.memref_slice %arg7[%dma_start3A, %dma_start3A_115] : memref<2560x16xf32, #tpu.memory_space<vmem>> -> memref<64x16xf32, #tpu.memory_space<vmem>>
        %dma_start3A_117 = arith.constant 0 : i32
        %dma_start3A_118 = tpu.memref_slice %arg5[%run_scoped3A_96, %dma_start3A_117] : memref<40x64xi32, #tpu.memory_space<vmem>> -> memref<1x64xi32, #tpu.memory_space<vmem>>
        %dma_start3A_119 = tpu.memref_squeeze %dma_start3A_118 : memref<1x64xi32, #tpu.memory_space<vmem>> -> memref<64xi32, #tpu.memory_space<vmem>>
        %dma_start3A_120 = arith.constant 0 : i32
        %dma_start3A_121 = arith.constant 0 : i32
        %dma_start3A_122 = tpu.memref_slice %arg9[%dma_start3A_120, %dma_start3A_121] : memref<10240x16xf32, #tpu.memory_space<vmem_shared>> -> memref<10240x16xf32, #tpu.memory_space<vmem_shared>>
        tpu.enqueue_indirect_dma source(%dma_start3A_116 : memref<64x16xf32, #tpu.memory_space<vmem>>) target(%dma_start3A_122 : memref<10240x16xf32, #tpu.memory_space<vmem_shared>>) offsets(%dma_start3A_119 : memref<64xi32, #tpu.memory_space<vmem>>) semaphore(%run_scoped3A_114 : memref<!tpu.dma_semaphore, #tpu.memory_space<semaphore_mem>>) {add = true}
        %dma_wait3A = arith.constant 1408 : i32
        %dma_wait3A_123 = arith.constant 0 : i32
        %dma_wait3A_124 = tpu.memref_slice %arg7[%dma_wait3A, %dma_wait3A_123] : memref<2560x16xf32, #tpu.memory_space<vmem>> -> memref<64x16xf32, #tpu.memory_space<vmem>>
        %dma_wait3A_125 = arith.constant 0 : i32
        %dma_wait3A_126 = tpu.memref_slice %arg5[%run_scoped3A_96, %dma_wait3A_125] : memref<40x64xi32, #tpu.memory_space<vmem>> -> memref<1x64xi32, #tpu.memory_space<vmem>>
        %dma_wait3A_127 = tpu.memref_squeeze %dma_wait3A_126 : memref<1x64xi32, #tpu.memory_space<vmem>> -> memref<64xi32, #tpu.memory_space<vmem>>
        %dma_wait3A_128 = arith.constant 0 : i32
        %dma_wait3A_129 = arith.constant 0 : i32
        %dma_wait3A_130 = tpu.memref_slice %arg9[%dma_wait3A_128, %dma_wait3A_129] : memref<10240x16xf32, #tpu.memory_space<vmem_shared>> -> memref<10240x16xf32, #tpu.memory_space<vmem_shared>>
        tpu.wait_indirect_dma semaphore(%run_scoped3A_114 : memref<!tpu.dma_semaphore, #tpu.memory_space<semaphore_mem>>) src(%dma_wait3A_124 : memref<64x16xf32, #tpu.memory_space<vmem>>) dst(%dma_wait3A_130 : memref<10240x16xf32, #tpu.memory_space<vmem_shared>>)
        tpu.yield
      }) : () -> ()
      %run_scoped3A_97 = arith.constant 23 : i32
      "tpu.region"() ({
        %run_scoped3A_114 = tpu.sem_alloc : memref<!tpu.dma_semaphore, #tpu.memory_space<semaphore_mem>>
        %dma_start3A = arith.constant 1472 : i32
        %dma_start3A_115 = arith.constant 0 : i32
        %dma_start3A_116 = tpu.memref_slice %arg7[%dma_start3A, %dma_start3A_115] : memref<2560x16xf32, #tpu.memory_space<vmem>> -> memref<64x16xf32, #tpu.memory_space<vmem>>
        %dma_start3A_117 = arith.constant 0 : i32
        %dma_start3A_118 = tpu.memref_slice %arg5[%run_scoped3A_97, %dma_start3A_117] : memref<40x64xi32, #tpu.memory_space<vmem>> -> memref<1x64xi32, #tpu.memory_space<vmem>>
        %dma_start3A_119 = tpu.memref_squeeze %dma_start3A_118 : memref<1x64xi32, #tpu.memory_space<vmem>> -> memref<64xi32, #tpu.memory_space<vmem>>
        %dma_start3A_120 = arith.constant 0 : i32
        %dma_start3A_121 = arith.constant 0 : i32
        %dma_start3A_122 = tpu.memref_slice %arg9[%dma_start3A_120, %dma_start3A_121] : memref<10240x16xf32, #tpu.memory_space<vmem_shared>> -> memref<10240x16xf32, #tpu.memory_space<vmem_shared>>
        tpu.enqueue_indirect_dma source(%dma_start3A_116 : memref<64x16xf32, #tpu.memory_space<vmem>>) target(%dma_start3A_122 : memref<10240x16xf32, #tpu.memory_space<vmem_shared>>) offsets(%dma_start3A_119 : memref<64xi32, #tpu.memory_space<vmem>>) semaphore(%run_scoped3A_114 : memref<!tpu.dma_semaphore, #tpu.memory_space<semaphore_mem>>) {add = true}
        %dma_wait3A = arith.constant 1472 : i32
        %dma_wait3A_123 = arith.constant 0 : i32
        %dma_wait3A_124 = tpu.memref_slice %arg7[%dma_wait3A, %dma_wait3A_123] : memref<2560x16xf32, #tpu.memory_space<vmem>> -> memref<64x16xf32, #tpu.memory_space<vmem>>
        %dma_wait3A_125 = arith.constant 0 : i32
        %dma_wait3A_126 = tpu.memref_slice %arg5[%run_scoped3A_97, %dma_wait3A_125] : memref<40x64xi32, #tpu.memory_space<vmem>> -> memref<1x64xi32, #tpu.memory_space<vmem>>
        %dma_wait3A_127 = tpu.memref_squeeze %dma_wait3A_126 : memref<1x64xi32, #tpu.memory_space<vmem>> -> memref<64xi32, #tpu.memory_space<vmem>>
        %dma_wait3A_128 = arith.constant 0 : i32
        %dma_wait3A_129 = arith.constant 0 : i32
        %dma_wait3A_130 = tpu.memref_slice %arg9[%dma_wait3A_128, %dma_wait3A_129] : memref<10240x16xf32, #tpu.memory_space<vmem_shared>> -> memref<10240x16xf32, #tpu.memory_space<vmem_shared>>
        tpu.wait_indirect_dma semaphore(%run_scoped3A_114 : memref<!tpu.dma_semaphore, #tpu.memory_space<semaphore_mem>>) src(%dma_wait3A_124 : memref<64x16xf32, #tpu.memory_space<vmem>>) dst(%dma_wait3A_130 : memref<10240x16xf32, #tpu.memory_space<vmem_shared>>)
        tpu.yield
      }) : () -> ()
      %run_scoped3A_98 = arith.constant 24 : i32
      "tpu.region"() ({
        %run_scoped3A_114 = tpu.sem_alloc : memref<!tpu.dma_semaphore, #tpu.memory_space<semaphore_mem>>
        %dma_start3A = arith.constant 1536 : i32
        %dma_start3A_115 = arith.constant 0 : i32
        %dma_start3A_116 = tpu.memref_slice %arg7[%dma_start3A, %dma_start3A_115] : memref<2560x16xf32, #tpu.memory_space<vmem>> -> memref<64x16xf32, #tpu.memory_space<vmem>>
        %dma_start3A_117 = arith.constant 0 : i32
        %dma_start3A_118 = tpu.memref_slice %arg5[%run_scoped3A_98, %dma_start3A_117] : memref<40x64xi32, #tpu.memory_space<vmem>> -> memref<1x64xi32, #tpu.memory_space<vmem>>
        %dma_start3A_119 = tpu.memref_squeeze %dma_start3A_118 : memref<1x64xi32, #tpu.memory_space<vmem>> -> memref<64xi32, #tpu.memory_space<vmem>>
        %dma_start3A_120 = arith.constant 0 : i32
        %dma_start3A_121 = arith.constant 0 : i32
        %dma_start3A_122 = tpu.memref_slice %arg9[%dma_start3A_120, %dma_start3A_121] : memref<10240x16xf32, #tpu.memory_space<vmem_shared>> -> memref<10240x16xf32, #tpu.memory_space<vmem_shared>>
        tpu.enqueue_indirect_dma source(%dma_start3A_116 : memref<64x16xf32, #tpu.memory_space<vmem>>) target(%dma_start3A_122 : memref<10240x16xf32, #tpu.memory_space<vmem_shared>>) offsets(%dma_start3A_119 : memref<64xi32, #tpu.memory_space<vmem>>) semaphore(%run_scoped3A_114 : memref<!tpu.dma_semaphore, #tpu.memory_space<semaphore_mem>>) {add = true}
        %dma_wait3A = arith.constant 1536 : i32
        %dma_wait3A_123 = arith.constant 0 : i32
        %dma_wait3A_124 = tpu.memref_slice %arg7[%dma_wait3A, %dma_wait3A_123] : memref<2560x16xf32, #tpu.memory_space<vmem>> -> memref<64x16xf32, #tpu.memory_space<vmem>>
        %dma_wait3A_125 = arith.constant 0 : i32
        %dma_wait3A_126 = tpu.memref_slice %arg5[%run_scoped3A_98, %dma_wait3A_125] : memref<40x64xi32, #tpu.memory_space<vmem>> -> memref<1x64xi32, #tpu.memory_space<vmem>>
        %dma_wait3A_127 = tpu.memref_squeeze %dma_wait3A_126 : memref<1x64xi32, #tpu.memory_space<vmem>> -> memref<64xi32, #tpu.memory_space<vmem>>
        %dma_wait3A_128 = arith.constant 0 : i32
        %dma_wait3A_129 = arith.constant 0 : i32
        %dma_wait3A_130 = tpu.memref_slice %arg9[%dma_wait3A_128, %dma_wait3A_129] : memref<10240x16xf32, #tpu.memory_space<vmem_shared>> -> memref<10240x16xf32, #tpu.memory_space<vmem_shared>>
        tpu.wait_indirect_dma semaphore(%run_scoped3A_114 : memref<!tpu.dma_semaphore, #tpu.memory_space<semaphore_mem>>) src(%dma_wait3A_124 : memref<64x16xf32, #tpu.memory_space<vmem>>) dst(%dma_wait3A_130 : memref<10240x16xf32, #tpu.memory_space<vmem_shared>>)
        tpu.yield
      }) : () -> ()
      %run_scoped3A_99 = arith.constant 25 : i32
      "tpu.region"() ({
        %run_scoped3A_114 = tpu.sem_alloc : memref<!tpu.dma_semaphore, #tpu.memory_space<semaphore_mem>>
        %dma_start3A = arith.constant 1600 : i32
        %dma_start3A_115 = arith.constant 0 : i32
        %dma_start3A_116 = tpu.memref_slice %arg7[%dma_start3A, %dma_start3A_115] : memref<2560x16xf32, #tpu.memory_space<vmem>> -> memref<64x16xf32, #tpu.memory_space<vmem>>
        %dma_start3A_117 = arith.constant 0 : i32
        %dma_start3A_118 = tpu.memref_slice %arg5[%run_scoped3A_99, %dma_start3A_117] : memref<40x64xi32, #tpu.memory_space<vmem>> -> memref<1x64xi32, #tpu.memory_space<vmem>>
        %dma_start3A_119 = tpu.memref_squeeze %dma_start3A_118 : memref<1x64xi32, #tpu.memory_space<vmem>> -> memref<64xi32, #tpu.memory_space<vmem>>
        %dma_start3A_120 = arith.constant 0 : i32
        %dma_start3A_121 = arith.constant 0 : i32
        %dma_start3A_122 = tpu.memref_slice %arg9[%dma_start3A_120, %dma_start3A_121] : memref<10240x16xf32, #tpu.memory_space<vmem_shared>> -> memref<10240x16xf32, #tpu.memory_space<vmem_shared>>
        tpu.enqueue_indirect_dma source(%dma_start3A_116 : memref<64x16xf32, #tpu.memory_space<vmem>>) target(%dma_start3A_122 : memref<10240x16xf32, #tpu.memory_space<vmem_shared>>) offsets(%dma_start3A_119 : memref<64xi32, #tpu.memory_space<vmem>>) semaphore(%run_scoped3A_114 : memref<!tpu.dma_semaphore, #tpu.memory_space<semaphore_mem>>) {add = true}
        %dma_wait3A = arith.constant 1600 : i32
        %dma_wait3A_123 = arith.constant 0 : i32
        %dma_wait3A_124 = tpu.memref_slice %arg7[%dma_wait3A, %dma_wait3A_123] : memref<2560x16xf32, #tpu.memory_space<vmem>> -> memref<64x16xf32, #tpu.memory_space<vmem>>
        %dma_wait3A_125 = arith.constant 0 : i32
        %dma_wait3A_126 = tpu.memref_slice %arg5[%run_scoped3A_99, %dma_wait3A_125] : memref<40x64xi32, #tpu.memory_space<vmem>> -> memref<1x64xi32, #tpu.memory_space<vmem>>
        %dma_wait3A_127 = tpu.memref_squeeze %dma_wait3A_126 : memref<1x64xi32, #tpu.memory_space<vmem>> -> memref<64xi32, #tpu.memory_space<vmem>>
        %dma_wait3A_128 = arith.constant 0 : i32
        %dma_wait3A_129 = arith.constant 0 : i32
        %dma_wait3A_130 = tpu.memref_slice %arg9[%dma_wait3A_128, %dma_wait3A_129] : memref<10240x16xf32, #tpu.memory_space<vmem_shared>> -> memref<10240x16xf32, #tpu.memory_space<vmem_shared>>
        tpu.wait_indirect_dma semaphore(%run_scoped3A_114 : memref<!tpu.dma_semaphore, #tpu.memory_space<semaphore_mem>>) src(%dma_wait3A_124 : memref<64x16xf32, #tpu.memory_space<vmem>>) dst(%dma_wait3A_130 : memref<10240x16xf32, #tpu.memory_space<vmem_shared>>)
        tpu.yield
      }) : () -> ()
      %run_scoped3A_100 = arith.constant 26 : i32
      "tpu.region"() ({
        %run_scoped3A_114 = tpu.sem_alloc : memref<!tpu.dma_semaphore, #tpu.memory_space<semaphore_mem>>
        %dma_start3A = arith.constant 1664 : i32
        %dma_start3A_115 = arith.constant 0 : i32
        %dma_start3A_116 = tpu.memref_slice %arg7[%dma_start3A, %dma_start3A_115] : memref<2560x16xf32, #tpu.memory_space<vmem>> -> memref<64x16xf32, #tpu.memory_space<vmem>>
        %dma_start3A_117 = arith.constant 0 : i32
        %dma_start3A_118 = tpu.memref_slice %arg5[%run_scoped3A_100, %dma_start3A_117] : memref<40x64xi32, #tpu.memory_space<vmem>> -> memref<1x64xi32, #tpu.memory_space<vmem>>
        %dma_start3A_119 = tpu.memref_squeeze %dma_start3A_118 : memref<1x64xi32, #tpu.memory_space<vmem>> -> memref<64xi32, #tpu.memory_space<vmem>>
        %dma_start3A_120 = arith.constant 0 : i32
        %dma_start3A_121 = arith.constant 0 : i32
        %dma_start3A_122 = tpu.memref_slice %arg9[%dma_start3A_120, %dma_start3A_121] : memref<10240x16xf32, #tpu.memory_space<vmem_shared>> -> memref<10240x16xf32, #tpu.memory_space<vmem_shared>>
        tpu.enqueue_indirect_dma source(%dma_start3A_116 : memref<64x16xf32, #tpu.memory_space<vmem>>) target(%dma_start3A_122 : memref<10240x16xf32, #tpu.memory_space<vmem_shared>>) offsets(%dma_start3A_119 : memref<64xi32, #tpu.memory_space<vmem>>) semaphore(%run_scoped3A_114 : memref<!tpu.dma_semaphore, #tpu.memory_space<semaphore_mem>>) {add = true}
        %dma_wait3A = arith.constant 1664 : i32
        %dma_wait3A_123 = arith.constant 0 : i32
        %dma_wait3A_124 = tpu.memref_slice %arg7[%dma_wait3A, %dma_wait3A_123] : memref<2560x16xf32, #tpu.memory_space<vmem>> -> memref<64x16xf32, #tpu.memory_space<vmem>>
        %dma_wait3A_125 = arith.constant 0 : i32
        %dma_wait3A_126 = tpu.memref_slice %arg5[%run_scoped3A_100, %dma_wait3A_125] : memref<40x64xi32, #tpu.memory_space<vmem>> -> memref<1x64xi32, #tpu.memory_space<vmem>>
        %dma_wait3A_127 = tpu.memref_squeeze %dma_wait3A_126 : memref<1x64xi32, #tpu.memory_space<vmem>> -> memref<64xi32, #tpu.memory_space<vmem>>
        %dma_wait3A_128 = arith.constant 0 : i32
        %dma_wait3A_129 = arith.constant 0 : i32
        %dma_wait3A_130 = tpu.memref_slice %arg9[%dma_wait3A_128, %dma_wait3A_129] : memref<10240x16xf32, #tpu.memory_space<vmem_shared>> -> memref<10240x16xf32, #tpu.memory_space<vmem_shared>>
        tpu.wait_indirect_dma semaphore(%run_scoped3A_114 : memref<!tpu.dma_semaphore, #tpu.memory_space<semaphore_mem>>) src(%dma_wait3A_124 : memref<64x16xf32, #tpu.memory_space<vmem>>) dst(%dma_wait3A_130 : memref<10240x16xf32, #tpu.memory_space<vmem_shared>>)
        tpu.yield
      }) : () -> ()
      %run_scoped3A_101 = arith.constant 27 : i32
      "tpu.region"() ({
        %run_scoped3A_114 = tpu.sem_alloc : memref<!tpu.dma_semaphore, #tpu.memory_space<semaphore_mem>>
        %dma_start3A = arith.constant 1728 : i32
        %dma_start3A_115 = arith.constant 0 : i32
        %dma_start3A_116 = tpu.memref_slice %arg7[%dma_start3A, %dma_start3A_115] : memref<2560x16xf32, #tpu.memory_space<vmem>> -> memref<64x16xf32, #tpu.memory_space<vmem>>
        %dma_start3A_117 = arith.constant 0 : i32
        %dma_start3A_118 = tpu.memref_slice %arg5[%run_scoped3A_101, %dma_start3A_117] : memref<40x64xi32, #tpu.memory_space<vmem>> -> memref<1x64xi32, #tpu.memory_space<vmem>>
        %dma_start3A_119 = tpu.memref_squeeze %dma_start3A_118 : memref<1x64xi32, #tpu.memory_space<vmem>> -> memref<64xi32, #tpu.memory_space<vmem>>
        %dma_start3A_120 = arith.constant 0 : i32
        %dma_start3A_121 = arith.constant 0 : i32
        %dma_start3A_122 = tpu.memref_slice %arg9[%dma_start3A_120, %dma_start3A_121] : memref<10240x16xf32, #tpu.memory_space<vmem_shared>> -> memref<10240x16xf32, #tpu.memory_space<vmem_shared>>
        tpu.enqueue_indirect_dma source(%dma_start3A_116 : memref<64x16xf32, #tpu.memory_space<vmem>>) target(%dma_start3A_122 : memref<10240x16xf32, #tpu.memory_space<vmem_shared>>) offsets(%dma_start3A_119 : memref<64xi32, #tpu.memory_space<vmem>>) semaphore(%run_scoped3A_114 : memref<!tpu.dma_semaphore, #tpu.memory_space<semaphore_mem>>) {add = true}
        %dma_wait3A = arith.constant 1728 : i32
        %dma_wait3A_123 = arith.constant 0 : i32
        %dma_wait3A_124 = tpu.memref_slice %arg7[%dma_wait3A, %dma_wait3A_123] : memref<2560x16xf32, #tpu.memory_space<vmem>> -> memref<64x16xf32, #tpu.memory_space<vmem>>
        %dma_wait3A_125 = arith.constant 0 : i32
        %dma_wait3A_126 = tpu.memref_slice %arg5[%run_scoped3A_101, %dma_wait3A_125] : memref<40x64xi32, #tpu.memory_space<vmem>> -> memref<1x64xi32, #tpu.memory_space<vmem>>
        %dma_wait3A_127 = tpu.memref_squeeze %dma_wait3A_126 : memref<1x64xi32, #tpu.memory_space<vmem>> -> memref<64xi32, #tpu.memory_space<vmem>>
        %dma_wait3A_128 = arith.constant 0 : i32
        %dma_wait3A_129 = arith.constant 0 : i32
        %dma_wait3A_130 = tpu.memref_slice %arg9[%dma_wait3A_128, %dma_wait3A_129] : memref<10240x16xf32, #tpu.memory_space<vmem_shared>> -> memref<10240x16xf32, #tpu.memory_space<vmem_shared>>
        tpu.wait_indirect_dma semaphore(%run_scoped3A_114 : memref<!tpu.dma_semaphore, #tpu.memory_space<semaphore_mem>>) src(%dma_wait3A_124 : memref<64x16xf32, #tpu.memory_space<vmem>>) dst(%dma_wait3A_130 : memref<10240x16xf32, #tpu.memory_space<vmem_shared>>)
        tpu.yield
      }) : () -> ()
      %run_scoped3A_102 = arith.constant 28 : i32
      "tpu.region"() ({
        %run_scoped3A_114 = tpu.sem_alloc : memref<!tpu.dma_semaphore, #tpu.memory_space<semaphore_mem>>
        %dma_start3A = arith.constant 1792 : i32
        %dma_start3A_115 = arith.constant 0 : i32
        %dma_start3A_116 = tpu.memref_slice %arg7[%dma_start3A, %dma_start3A_115] : memref<2560x16xf32, #tpu.memory_space<vmem>> -> memref<64x16xf32, #tpu.memory_space<vmem>>
        %dma_start3A_117 = arith.constant 0 : i32
        %dma_start3A_118 = tpu.memref_slice %arg5[%run_scoped3A_102, %dma_start3A_117] : memref<40x64xi32, #tpu.memory_space<vmem>> -> memref<1x64xi32, #tpu.memory_space<vmem>>
        %dma_start3A_119 = tpu.memref_squeeze %dma_start3A_118 : memref<1x64xi32, #tpu.memory_space<vmem>> -> memref<64xi32, #tpu.memory_space<vmem>>
        %dma_start3A_120 = arith.constant 0 : i32
        %dma_start3A_121 = arith.constant 0 : i32
        %dma_start3A_122 = tpu.memref_slice %arg9[%dma_start3A_120, %dma_start3A_121] : memref<10240x16xf32, #tpu.memory_space<vmem_shared>> -> memref<10240x16xf32, #tpu.memory_space<vmem_shared>>
        tpu.enqueue_indirect_dma source(%dma_start3A_116 : memref<64x16xf32, #tpu.memory_space<vmem>>) target(%dma_start3A_122 : memref<10240x16xf32, #tpu.memory_space<vmem_shared>>) offsets(%dma_start3A_119 : memref<64xi32, #tpu.memory_space<vmem>>) semaphore(%run_scoped3A_114 : memref<!tpu.dma_semaphore, #tpu.memory_space<semaphore_mem>>) {add = true}
        %dma_wait3A = arith.constant 1792 : i32
        %dma_wait3A_123 = arith.constant 0 : i32
        %dma_wait3A_124 = tpu.memref_slice %arg7[%dma_wait3A, %dma_wait3A_123] : memref<2560x16xf32, #tpu.memory_space<vmem>> -> memref<64x16xf32, #tpu.memory_space<vmem>>
        %dma_wait3A_125 = arith.constant 0 : i32
        %dma_wait3A_126 = tpu.memref_slice %arg5[%run_scoped3A_102, %dma_wait3A_125] : memref<40x64xi32, #tpu.memory_space<vmem>> -> memref<1x64xi32, #tpu.memory_space<vmem>>
        %dma_wait3A_127 = tpu.memref_squeeze %dma_wait3A_126 : memref<1x64xi32, #tpu.memory_space<vmem>> -> memref<64xi32, #tpu.memory_space<vmem>>
        %dma_wait3A_128 = arith.constant 0 : i32
        %dma_wait3A_129 = arith.constant 0 : i32
        %dma_wait3A_130 = tpu.memref_slice %arg9[%dma_wait3A_128, %dma_wait3A_129] : memref<10240x16xf32, #tpu.memory_space<vmem_shared>> -> memref<10240x16xf32, #tpu.memory_space<vmem_shared>>
        tpu.wait_indirect_dma semaphore(%run_scoped3A_114 : memref<!tpu.dma_semaphore, #tpu.memory_space<semaphore_mem>>) src(%dma_wait3A_124 : memref<64x16xf32, #tpu.memory_space<vmem>>) dst(%dma_wait3A_130 : memref<10240x16xf32, #tpu.memory_space<vmem_shared>>)
        tpu.yield
      }) : () -> ()
      %run_scoped3A_103 = arith.constant 29 : i32
      "tpu.region"() ({
        %run_scoped3A_114 = tpu.sem_alloc : memref<!tpu.dma_semaphore, #tpu.memory_space<semaphore_mem>>
        %dma_start3A = arith.constant 1856 : i32
        %dma_start3A_115 = arith.constant 0 : i32
        %dma_start3A_116 = tpu.memref_slice %arg7[%dma_start3A, %dma_start3A_115] : memref<2560x16xf32, #tpu.memory_space<vmem>> -> memref<64x16xf32, #tpu.memory_space<vmem>>
        %dma_start3A_117 = arith.constant 0 : i32
        %dma_start3A_118 = tpu.memref_slice %arg5[%run_scoped3A_103, %dma_start3A_117] : memref<40x64xi32, #tpu.memory_space<vmem>> -> memref<1x64xi32, #tpu.memory_space<vmem>>
        %dma_start3A_119 = tpu.memref_squeeze %dma_start3A_118 : memref<1x64xi32, #tpu.memory_space<vmem>> -> memref<64xi32, #tpu.memory_space<vmem>>
        %dma_start3A_120 = arith.constant 0 : i32
        %dma_start3A_121 = arith.constant 0 : i32
        %dma_start3A_122 = tpu.memref_slice %arg9[%dma_start3A_120, %dma_start3A_121] : memref<10240x16xf32, #tpu.memory_space<vmem_shared>> -> memref<10240x16xf32, #tpu.memory_space<vmem_shared>>
        tpu.enqueue_indirect_dma source(%dma_start3A_116 : memref<64x16xf32, #tpu.memory_space<vmem>>) target(%dma_start3A_122 : memref<10240x16xf32, #tpu.memory_space<vmem_shared>>) offsets(%dma_start3A_119 : memref<64xi32, #tpu.memory_space<vmem>>) semaphore(%run_scoped3A_114 : memref<!tpu.dma_semaphore, #tpu.memory_space<semaphore_mem>>) {add = true}
        %dma_wait3A = arith.constant 1856 : i32
        %dma_wait3A_123 = arith.constant 0 : i32
        %dma_wait3A_124 = tpu.memref_slice %arg7[%dma_wait3A, %dma_wait3A_123] : memref<2560x16xf32, #tpu.memory_space<vmem>> -> memref<64x16xf32, #tpu.memory_space<vmem>>
        %dma_wait3A_125 = arith.constant 0 : i32
        %dma_wait3A_126 = tpu.memref_slice %arg5[%run_scoped3A_103, %dma_wait3A_125] : memref<40x64xi32, #tpu.memory_space<vmem>> -> memref<1x64xi32, #tpu.memory_space<vmem>>
        %dma_wait3A_127 = tpu.memref_squeeze %dma_wait3A_126 : memref<1x64xi32, #tpu.memory_space<vmem>> -> memref<64xi32, #tpu.memory_space<vmem>>
        %dma_wait3A_128 = arith.constant 0 : i32
        %dma_wait3A_129 = arith.constant 0 : i32
        %dma_wait3A_130 = tpu.memref_slice %arg9[%dma_wait3A_128, %dma_wait3A_129] : memref<10240x16xf32, #tpu.memory_space<vmem_shared>> -> memref<10240x16xf32, #tpu.memory_space<vmem_shared>>
        tpu.wait_indirect_dma semaphore(%run_scoped3A_114 : memref<!tpu.dma_semaphore, #tpu.memory_space<semaphore_mem>>) src(%dma_wait3A_124 : memref<64x16xf32, #tpu.memory_space<vmem>>) dst(%dma_wait3A_130 : memref<10240x16xf32, #tpu.memory_space<vmem_shared>>)
        tpu.yield
      }) : () -> ()
      %run_scoped3A_104 = arith.constant 30 : i32
      "tpu.region"() ({
        %run_scoped3A_114 = tpu.sem_alloc : memref<!tpu.dma_semaphore, #tpu.memory_space<semaphore_mem>>
        %dma_start3A = arith.constant 1920 : i32
        %dma_start3A_115 = arith.constant 0 : i32
        %dma_start3A_116 = tpu.memref_slice %arg7[%dma_start3A, %dma_start3A_115] : memref<2560x16xf32, #tpu.memory_space<vmem>> -> memref<64x16xf32, #tpu.memory_space<vmem>>
        %dma_start3A_117 = arith.constant 0 : i32
        %dma_start3A_118 = tpu.memref_slice %arg5[%run_scoped3A_104, %dma_start3A_117] : memref<40x64xi32, #tpu.memory_space<vmem>> -> memref<1x64xi32, #tpu.memory_space<vmem>>
        %dma_start3A_119 = tpu.memref_squeeze %dma_start3A_118 : memref<1x64xi32, #tpu.memory_space<vmem>> -> memref<64xi32, #tpu.memory_space<vmem>>
        %dma_start3A_120 = arith.constant 0 : i32
        %dma_start3A_121 = arith.constant 0 : i32
        %dma_start3A_122 = tpu.memref_slice %arg9[%dma_start3A_120, %dma_start3A_121] : memref<10240x16xf32, #tpu.memory_space<vmem_shared>> -> memref<10240x16xf32, #tpu.memory_space<vmem_shared>>
        tpu.enqueue_indirect_dma source(%dma_start3A_116 : memref<64x16xf32, #tpu.memory_space<vmem>>) target(%dma_start3A_122 : memref<10240x16xf32, #tpu.memory_space<vmem_shared>>) offsets(%dma_start3A_119 : memref<64xi32, #tpu.memory_space<vmem>>) semaphore(%run_scoped3A_114 : memref<!tpu.dma_semaphore, #tpu.memory_space<semaphore_mem>>) {add = true}
        %dma_wait3A = arith.constant 1920 : i32
        %dma_wait3A_123 = arith.constant 0 : i32
        %dma_wait3A_124 = tpu.memref_slice %arg7[%dma_wait3A, %dma_wait3A_123] : memref<2560x16xf32, #tpu.memory_space<vmem>> -> memref<64x16xf32, #tpu.memory_space<vmem>>
        %dma_wait3A_125 = arith.constant 0 : i32
        %dma_wait3A_126 = tpu.memref_slice %arg5[%run_scoped3A_104, %dma_wait3A_125] : memref<40x64xi32, #tpu.memory_space<vmem>> -> memref<1x64xi32, #tpu.memory_space<vmem>>
        %dma_wait3A_127 = tpu.memref_squeeze %dma_wait3A_126 : memref<1x64xi32, #tpu.memory_space<vmem>> -> memref<64xi32, #tpu.memory_space<vmem>>
        %dma_wait3A_128 = arith.constant 0 : i32
        %dma_wait3A_129 = arith.constant 0 : i32
        %dma_wait3A_130 = tpu.memref_slice %arg9[%dma_wait3A_128, %dma_wait3A_129] : memref<10240x16xf32, #tpu.memory_space<vmem_shared>> -> memref<10240x16xf32, #tpu.memory_space<vmem_shared>>
        tpu.wait_indirect_dma semaphore(%run_scoped3A_114 : memref<!tpu.dma_semaphore, #tpu.memory_space<semaphore_mem>>) src(%dma_wait3A_124 : memref<64x16xf32, #tpu.memory_space<vmem>>) dst(%dma_wait3A_130 : memref<10240x16xf32, #tpu.memory_space<vmem_shared>>)
        tpu.yield
      }) : () -> ()
      %run_scoped3A_105 = arith.constant 31 : i32
      "tpu.region"() ({
        %run_scoped3A_114 = tpu.sem_alloc : memref<!tpu.dma_semaphore, #tpu.memory_space<semaphore_mem>>
        %dma_start3A = arith.constant 1984 : i32
        %dma_start3A_115 = arith.constant 0 : i32
        %dma_start3A_116 = tpu.memref_slice %arg7[%dma_start3A, %dma_start3A_115] : memref<2560x16xf32, #tpu.memory_space<vmem>> -> memref<64x16xf32, #tpu.memory_space<vmem>>
        %dma_start3A_117 = arith.constant 0 : i32
        %dma_start3A_118 = tpu.memref_slice %arg5[%run_scoped3A_105, %dma_start3A_117] : memref<40x64xi32, #tpu.memory_space<vmem>> -> memref<1x64xi32, #tpu.memory_space<vmem>>
        %dma_start3A_119 = tpu.memref_squeeze %dma_start3A_118 : memref<1x64xi32, #tpu.memory_space<vmem>> -> memref<64xi32, #tpu.memory_space<vmem>>
        %dma_start3A_120 = arith.constant 0 : i32
        %dma_start3A_121 = arith.constant 0 : i32
        %dma_start3A_122 = tpu.memref_slice %arg9[%dma_start3A_120, %dma_start3A_121] : memref<10240x16xf32, #tpu.memory_space<vmem_shared>> -> memref<10240x16xf32, #tpu.memory_space<vmem_shared>>
        tpu.enqueue_indirect_dma source(%dma_start3A_116 : memref<64x16xf32, #tpu.memory_space<vmem>>) target(%dma_start3A_122 : memref<10240x16xf32, #tpu.memory_space<vmem_shared>>) offsets(%dma_start3A_119 : memref<64xi32, #tpu.memory_space<vmem>>) semaphore(%run_scoped3A_114 : memref<!tpu.dma_semaphore, #tpu.memory_space<semaphore_mem>>) {add = true}
        %dma_wait3A = arith.constant 1984 : i32
        %dma_wait3A_123 = arith.constant 0 : i32
        %dma_wait3A_124 = tpu.memref_slice %arg7[%dma_wait3A, %dma_wait3A_123] : memref<2560x16xf32, #tpu.memory_space<vmem>> -> memref<64x16xf32, #tpu.memory_space<vmem>>
        %dma_wait3A_125 = arith.constant 0 : i32
        %dma_wait3A_126 = tpu.memref_slice %arg5[%run_scoped3A_105, %dma_wait3A_125] : memref<40x64xi32, #tpu.memory_space<vmem>> -> memref<1x64xi32, #tpu.memory_space<vmem>>
        %dma_wait3A_127 = tpu.memref_squeeze %dma_wait3A_126 : memref<1x64xi32, #tpu.memory_space<vmem>> -> memref<64xi32, #tpu.memory_space<vmem>>
        %dma_wait3A_128 = arith.constant 0 : i32
        %dma_wait3A_129 = arith.constant 0 : i32
        %dma_wait3A_130 = tpu.memref_slice %arg9[%dma_wait3A_128, %dma_wait3A_129] : memref<10240x16xf32, #tpu.memory_space<vmem_shared>> -> memref<10240x16xf32, #tpu.memory_space<vmem_shared>>
        tpu.wait_indirect_dma semaphore(%run_scoped3A_114 : memref<!tpu.dma_semaphore, #tpu.memory_space<semaphore_mem>>) src(%dma_wait3A_124 : memref<64x16xf32, #tpu.memory_space<vmem>>) dst(%dma_wait3A_130 : memref<10240x16xf32, #tpu.memory_space<vmem_shared>>)
        tpu.yield
      }) : () -> ()
      %run_scoped3A_106 = arith.constant 32 : i32
      "tpu.region"() ({
        %run_scoped3A_114 = tpu.sem_alloc : memref<!tpu.dma_semaphore, #tpu.memory_space<semaphore_mem>>
        %dma_start3A = arith.constant 2048 : i32
        %dma_start3A_115 = arith.constant 0 : i32
        %dma_start3A_116 = tpu.memref_slice %arg7[%dma_start3A, %dma_start3A_115] : memref<2560x16xf32, #tpu.memory_space<vmem>> -> memref<64x16xf32, #tpu.memory_space<vmem>>
        %dma_start3A_117 = arith.constant 0 : i32
        %dma_start3A_118 = tpu.memref_slice %arg5[%run_scoped3A_106, %dma_start3A_117] : memref<40x64xi32, #tpu.memory_space<vmem>> -> memref<1x64xi32, #tpu.memory_space<vmem>>
        %dma_start3A_119 = tpu.memref_squeeze %dma_start3A_118 : memref<1x64xi32, #tpu.memory_space<vmem>> -> memref<64xi32, #tpu.memory_space<vmem>>
        %dma_start3A_120 = arith.constant 0 : i32
        %dma_start3A_121 = arith.constant 0 : i32
        %dma_start3A_122 = tpu.memref_slice %arg9[%dma_start3A_120, %dma_start3A_121] : memref<10240x16xf32, #tpu.memory_space<vmem_shared>> -> memref<10240x16xf32, #tpu.memory_space<vmem_shared>>
        tpu.enqueue_indirect_dma source(%dma_start3A_116 : memref<64x16xf32, #tpu.memory_space<vmem>>) target(%dma_start3A_122 : memref<10240x16xf32, #tpu.memory_space<vmem_shared>>) offsets(%dma_start3A_119 : memref<64xi32, #tpu.memory_space<vmem>>) semaphore(%run_scoped3A_114 : memref<!tpu.dma_semaphore, #tpu.memory_space<semaphore_mem>>) {add = true}
        %dma_wait3A = arith.constant 2048 : i32
        %dma_wait3A_123 = arith.constant 0 : i32
        %dma_wait3A_124 = tpu.memref_slice %arg7[%dma_wait3A, %dma_wait3A_123] : memref<2560x16xf32, #tpu.memory_space<vmem>> -> memref<64x16xf32, #tpu.memory_space<vmem>>
        %dma_wait3A_125 = arith.constant 0 : i32
        %dma_wait3A_126 = tpu.memref_slice %arg5[%run_scoped3A_106, %dma_wait3A_125] : memref<40x64xi32, #tpu.memory_space<vmem>> -> memref<1x64xi32, #tpu.memory_space<vmem>>
        %dma_wait3A_127 = tpu.memref_squeeze %dma_wait3A_126 : memref<1x64xi32, #tpu.memory_space<vmem>> -> memref<64xi32, #tpu.memory_space<vmem>>
        %dma_wait3A_128 = arith.constant 0 : i32
        %dma_wait3A_129 = arith.constant 0 : i32
        %dma_wait3A_130 = tpu.memref_slice %arg9[%dma_wait3A_128, %dma_wait3A_129] : memref<10240x16xf32, #tpu.memory_space<vmem_shared>> -> memref<10240x16xf32, #tpu.memory_space<vmem_shared>>
        tpu.wait_indirect_dma semaphore(%run_scoped3A_114 : memref<!tpu.dma_semaphore, #tpu.memory_space<semaphore_mem>>) src(%dma_wait3A_124 : memref<64x16xf32, #tpu.memory_space<vmem>>) dst(%dma_wait3A_130 : memref<10240x16xf32, #tpu.memory_space<vmem_shared>>)
        tpu.yield
      }) : () -> ()
      %run_scoped3A_107 = arith.constant 33 : i32
      "tpu.region"() ({
        %run_scoped3A_114 = tpu.sem_alloc : memref<!tpu.dma_semaphore, #tpu.memory_space<semaphore_mem>>
        %dma_start3A = arith.constant 2112 : i32
        %dma_start3A_115 = arith.constant 0 : i32
        %dma_start3A_116 = tpu.memref_slice %arg7[%dma_start3A, %dma_start3A_115] : memref<2560x16xf32, #tpu.memory_space<vmem>> -> memref<64x16xf32, #tpu.memory_space<vmem>>
        %dma_start3A_117 = arith.constant 0 : i32
        %dma_start3A_118 = tpu.memref_slice %arg5[%run_scoped3A_107, %dma_start3A_117] : memref<40x64xi32, #tpu.memory_space<vmem>> -> memref<1x64xi32, #tpu.memory_space<vmem>>
        %dma_start3A_119 = tpu.memref_squeeze %dma_start3A_118 : memref<1x64xi32, #tpu.memory_space<vmem>> -> memref<64xi32, #tpu.memory_space<vmem>>
        %dma_start3A_120 = arith.constant 0 : i32
        %dma_start3A_121 = arith.constant 0 : i32
        %dma_start3A_122 = tpu.memref_slice %arg9[%dma_start3A_120, %dma_start3A_121] : memref<10240x16xf32, #tpu.memory_space<vmem_shared>> -> memref<10240x16xf32, #tpu.memory_space<vmem_shared>>
        tpu.enqueue_indirect_dma source(%dma_start3A_116 : memref<64x16xf32, #tpu.memory_space<vmem>>) target(%dma_start3A_122 : memref<10240x16xf32, #tpu.memory_space<vmem_shared>>) offsets(%dma_start3A_119 : memref<64xi32, #tpu.memory_space<vmem>>) semaphore(%run_scoped3A_114 : memref<!tpu.dma_semaphore, #tpu.memory_space<semaphore_mem>>) {add = true}
        %dma_wait3A = arith.constant 2112 : i32
        %dma_wait3A_123 = arith.constant 0 : i32
        %dma_wait3A_124 = tpu.memref_slice %arg7[%dma_wait3A, %dma_wait3A_123] : memref<2560x16xf32, #tpu.memory_space<vmem>> -> memref<64x16xf32, #tpu.memory_space<vmem>>
        %dma_wait3A_125 = arith.constant 0 : i32
        %dma_wait3A_126 = tpu.memref_slice %arg5[%run_scoped3A_107, %dma_wait3A_125] : memref<40x64xi32, #tpu.memory_space<vmem>> -> memref<1x64xi32, #tpu.memory_space<vmem>>
        %dma_wait3A_127 = tpu.memref_squeeze %dma_wait3A_126 : memref<1x64xi32, #tpu.memory_space<vmem>> -> memref<64xi32, #tpu.memory_space<vmem>>
        %dma_wait3A_128 = arith.constant 0 : i32
        %dma_wait3A_129 = arith.constant 0 : i32
        %dma_wait3A_130 = tpu.memref_slice %arg9[%dma_wait3A_128, %dma_wait3A_129] : memref<10240x16xf32, #tpu.memory_space<vmem_shared>> -> memref<10240x16xf32, #tpu.memory_space<vmem_shared>>
        tpu.wait_indirect_dma semaphore(%run_scoped3A_114 : memref<!tpu.dma_semaphore, #tpu.memory_space<semaphore_mem>>) src(%dma_wait3A_124 : memref<64x16xf32, #tpu.memory_space<vmem>>) dst(%dma_wait3A_130 : memref<10240x16xf32, #tpu.memory_space<vmem_shared>>)
        tpu.yield
      }) : () -> ()
      %run_scoped3A_108 = arith.constant 34 : i32
      "tpu.region"() ({
        %run_scoped3A_114 = tpu.sem_alloc : memref<!tpu.dma_semaphore, #tpu.memory_space<semaphore_mem>>
        %dma_start3A = arith.constant 2176 : i32
        %dma_start3A_115 = arith.constant 0 : i32
        %dma_start3A_116 = tpu.memref_slice %arg7[%dma_start3A, %dma_start3A_115] : memref<2560x16xf32, #tpu.memory_space<vmem>> -> memref<64x16xf32, #tpu.memory_space<vmem>>
        %dma_start3A_117 = arith.constant 0 : i32
        %dma_start3A_118 = tpu.memref_slice %arg5[%run_scoped3A_108, %dma_start3A_117] : memref<40x64xi32, #tpu.memory_space<vmem>> -> memref<1x64xi32, #tpu.memory_space<vmem>>
        %dma_start3A_119 = tpu.memref_squeeze %dma_start3A_118 : memref<1x64xi32, #tpu.memory_space<vmem>> -> memref<64xi32, #tpu.memory_space<vmem>>
        %dma_start3A_120 = arith.constant 0 : i32
        %dma_start3A_121 = arith.constant 0 : i32
        %dma_start3A_122 = tpu.memref_slice %arg9[%dma_start3A_120, %dma_start3A_121] : memref<10240x16xf32, #tpu.memory_space<vmem_shared>> -> memref<10240x16xf32, #tpu.memory_space<vmem_shared>>
        tpu.enqueue_indirect_dma source(%dma_start3A_116 : memref<64x16xf32, #tpu.memory_space<vmem>>) target(%dma_start3A_122 : memref<10240x16xf32, #tpu.memory_space<vmem_shared>>) offsets(%dma_start3A_119 : memref<64xi32, #tpu.memory_space<vmem>>) semaphore(%run_scoped3A_114 : memref<!tpu.dma_semaphore, #tpu.memory_space<semaphore_mem>>) {add = true}
        %dma_wait3A = arith.constant 2176 : i32
        %dma_wait3A_123 = arith.constant 0 : i32
        %dma_wait3A_124 = tpu.memref_slice %arg7[%dma_wait3A, %dma_wait3A_123] : memref<2560x16xf32, #tpu.memory_space<vmem>> -> memref<64x16xf32, #tpu.memory_space<vmem>>
        %dma_wait3A_125 = arith.constant 0 : i32
        %dma_wait3A_126 = tpu.memref_slice %arg5[%run_scoped3A_108, %dma_wait3A_125] : memref<40x64xi32, #tpu.memory_space<vmem>> -> memref<1x64xi32, #tpu.memory_space<vmem>>
        %dma_wait3A_127 = tpu.memref_squeeze %dma_wait3A_126 : memref<1x64xi32, #tpu.memory_space<vmem>> -> memref<64xi32, #tpu.memory_space<vmem>>
        %dma_wait3A_128 = arith.constant 0 : i32
        %dma_wait3A_129 = arith.constant 0 : i32
        %dma_wait3A_130 = tpu.memref_slice %arg9[%dma_wait3A_128, %dma_wait3A_129] : memref<10240x16xf32, #tpu.memory_space<vmem_shared>> -> memref<10240x16xf32, #tpu.memory_space<vmem_shared>>
        tpu.wait_indirect_dma semaphore(%run_scoped3A_114 : memref<!tpu.dma_semaphore, #tpu.memory_space<semaphore_mem>>) src(%dma_wait3A_124 : memref<64x16xf32, #tpu.memory_space<vmem>>) dst(%dma_wait3A_130 : memref<10240x16xf32, #tpu.memory_space<vmem_shared>>)
        tpu.yield
      }) : () -> ()
      %run_scoped3A_109 = arith.constant 35 : i32
      "tpu.region"() ({
        %run_scoped3A_114 = tpu.sem_alloc : memref<!tpu.dma_semaphore, #tpu.memory_space<semaphore_mem>>
        %dma_start3A = arith.constant 2240 : i32
        %dma_start3A_115 = arith.constant 0 : i32
        %dma_start3A_116 = tpu.memref_slice %arg7[%dma_start3A, %dma_start3A_115] : memref<2560x16xf32, #tpu.memory_space<vmem>> -> memref<64x16xf32, #tpu.memory_space<vmem>>
        %dma_start3A_117 = arith.constant 0 : i32
        %dma_start3A_118 = tpu.memref_slice %arg5[%run_scoped3A_109, %dma_start3A_117] : memref<40x64xi32, #tpu.memory_space<vmem>> -> memref<1x64xi32, #tpu.memory_space<vmem>>
        %dma_start3A_119 = tpu.memref_squeeze %dma_start3A_118 : memref<1x64xi32, #tpu.memory_space<vmem>> -> memref<64xi32, #tpu.memory_space<vmem>>
        %dma_start3A_120 = arith.constant 0 : i32
        %dma_start3A_121 = arith.constant 0 : i32
        %dma_start3A_122 = tpu.memref_slice %arg9[%dma_start3A_120, %dma_start3A_121] : memref<10240x16xf32, #tpu.memory_space<vmem_shared>> -> memref<10240x16xf32, #tpu.memory_space<vmem_shared>>
        tpu.enqueue_indirect_dma source(%dma_start3A_116 : memref<64x16xf32, #tpu.memory_space<vmem>>) target(%dma_start3A_122 : memref<10240x16xf32, #tpu.memory_space<vmem_shared>>) offsets(%dma_start3A_119 : memref<64xi32, #tpu.memory_space<vmem>>) semaphore(%run_scoped3A_114 : memref<!tpu.dma_semaphore, #tpu.memory_space<semaphore_mem>>) {add = true}
        %dma_wait3A = arith.constant 2240 : i32
        %dma_wait3A_123 = arith.constant 0 : i32
        %dma_wait3A_124 = tpu.memref_slice %arg7[%dma_wait3A, %dma_wait3A_123] : memref<2560x16xf32, #tpu.memory_space<vmem>> -> memref<64x16xf32, #tpu.memory_space<vmem>>
        %dma_wait3A_125 = arith.constant 0 : i32
        %dma_wait3A_126 = tpu.memref_slice %arg5[%run_scoped3A_109, %dma_wait3A_125] : memref<40x64xi32, #tpu.memory_space<vmem>> -> memref<1x64xi32, #tpu.memory_space<vmem>>
        %dma_wait3A_127 = tpu.memref_squeeze %dma_wait3A_126 : memref<1x64xi32, #tpu.memory_space<vmem>> -> memref<64xi32, #tpu.memory_space<vmem>>
        %dma_wait3A_128 = arith.constant 0 : i32
        %dma_wait3A_129 = arith.constant 0 : i32
        %dma_wait3A_130 = tpu.memref_slice %arg9[%dma_wait3A_128, %dma_wait3A_129] : memref<10240x16xf32, #tpu.memory_space<vmem_shared>> -> memref<10240x16xf32, #tpu.memory_space<vmem_shared>>
        tpu.wait_indirect_dma semaphore(%run_scoped3A_114 : memref<!tpu.dma_semaphore, #tpu.memory_space<semaphore_mem>>) src(%dma_wait3A_124 : memref<64x16xf32, #tpu.memory_space<vmem>>) dst(%dma_wait3A_130 : memref<10240x16xf32, #tpu.memory_space<vmem_shared>>)
        tpu.yield
      }) : () -> ()
      %run_scoped3A_110 = arith.constant 36 : i32
      "tpu.region"() ({
        %run_scoped3A_114 = tpu.sem_alloc : memref<!tpu.dma_semaphore, #tpu.memory_space<semaphore_mem>>
        %dma_start3A = arith.constant 2304 : i32
        %dma_start3A_115 = arith.constant 0 : i32
        %dma_start3A_116 = tpu.memref_slice %arg7[%dma_start3A, %dma_start3A_115] : memref<2560x16xf32, #tpu.memory_space<vmem>> -> memref<64x16xf32, #tpu.memory_space<vmem>>
        %dma_start3A_117 = arith.constant 0 : i32
        %dma_start3A_118 = tpu.memref_slice %arg5[%run_scoped3A_110, %dma_start3A_117] : memref<40x64xi32, #tpu.memory_space<vmem>> -> memref<1x64xi32, #tpu.memory_space<vmem>>
        %dma_start3A_119 = tpu.memref_squeeze %dma_start3A_118 : memref<1x64xi32, #tpu.memory_space<vmem>> -> memref<64xi32, #tpu.memory_space<vmem>>
        %dma_start3A_120 = arith.constant 0 : i32
        %dma_start3A_121 = arith.constant 0 : i32
        %dma_start3A_122 = tpu.memref_slice %arg9[%dma_start3A_120, %dma_start3A_121] : memref<10240x16xf32, #tpu.memory_space<vmem_shared>> -> memref<10240x16xf32, #tpu.memory_space<vmem_shared>>
        tpu.enqueue_indirect_dma source(%dma_start3A_116 : memref<64x16xf32, #tpu.memory_space<vmem>>) target(%dma_start3A_122 : memref<10240x16xf32, #tpu.memory_space<vmem_shared>>) offsets(%dma_start3A_119 : memref<64xi32, #tpu.memory_space<vmem>>) semaphore(%run_scoped3A_114 : memref<!tpu.dma_semaphore, #tpu.memory_space<semaphore_mem>>) {add = true}
        %dma_wait3A = arith.constant 2304 : i32
        %dma_wait3A_123 = arith.constant 0 : i32
        %dma_wait3A_124 = tpu.memref_slice %arg7[%dma_wait3A, %dma_wait3A_123] : memref<2560x16xf32, #tpu.memory_space<vmem>> -> memref<64x16xf32, #tpu.memory_space<vmem>>
        %dma_wait3A_125 = arith.constant 0 : i32
        %dma_wait3A_126 = tpu.memref_slice %arg5[%run_scoped3A_110, %dma_wait3A_125] : memref<40x64xi32, #tpu.memory_space<vmem>> -> memref<1x64xi32, #tpu.memory_space<vmem>>
        %dma_wait3A_127 = tpu.memref_squeeze %dma_wait3A_126 : memref<1x64xi32, #tpu.memory_space<vmem>> -> memref<64xi32, #tpu.memory_space<vmem>>
        %dma_wait3A_128 = arith.constant 0 : i32
        %dma_wait3A_129 = arith.constant 0 : i32
        %dma_wait3A_130 = tpu.memref_slice %arg9[%dma_wait3A_128, %dma_wait3A_129] : memref<10240x16xf32, #tpu.memory_space<vmem_shared>> -> memref<10240x16xf32, #tpu.memory_space<vmem_shared>>
        tpu.wait_indirect_dma semaphore(%run_scoped3A_114 : memref<!tpu.dma_semaphore, #tpu.memory_space<semaphore_mem>>) src(%dma_wait3A_124 : memref<64x16xf32, #tpu.memory_space<vmem>>) dst(%dma_wait3A_130 : memref<10240x16xf32, #tpu.memory_space<vmem_shared>>)
        tpu.yield
      }) : () -> ()
      %run_scoped3A_111 = arith.constant 37 : i32
      "tpu.region"() ({
        %run_scoped3A_114 = tpu.sem_alloc : memref<!tpu.dma_semaphore, #tpu.memory_space<semaphore_mem>>
        %dma_start3A = arith.constant 2368 : i32
        %dma_start3A_115 = arith.constant 0 : i32
        %dma_start3A_116 = tpu.memref_slice %arg7[%dma_start3A, %dma_start3A_115] : memref<2560x16xf32, #tpu.memory_space<vmem>> -> memref<64x16xf32, #tpu.memory_space<vmem>>
        %dma_start3A_117 = arith.constant 0 : i32
        %dma_start3A_118 = tpu.memref_slice %arg5[%run_scoped3A_111, %dma_start3A_117] : memref<40x64xi32, #tpu.memory_space<vmem>> -> memref<1x64xi32, #tpu.memory_space<vmem>>
        %dma_start3A_119 = tpu.memref_squeeze %dma_start3A_118 : memref<1x64xi32, #tpu.memory_space<vmem>> -> memref<64xi32, #tpu.memory_space<vmem>>
        %dma_start3A_120 = arith.constant 0 : i32
        %dma_start3A_121 = arith.constant 0 : i32
        %dma_start3A_122 = tpu.memref_slice %arg9[%dma_start3A_120, %dma_start3A_121] : memref<10240x16xf32, #tpu.memory_space<vmem_shared>> -> memref<10240x16xf32, #tpu.memory_space<vmem_shared>>
        tpu.enqueue_indirect_dma source(%dma_start3A_116 : memref<64x16xf32, #tpu.memory_space<vmem>>) target(%dma_start3A_122 : memref<10240x16xf32, #tpu.memory_space<vmem_shared>>) offsets(%dma_start3A_119 : memref<64xi32, #tpu.memory_space<vmem>>) semaphore(%run_scoped3A_114 : memref<!tpu.dma_semaphore, #tpu.memory_space<semaphore_mem>>) {add = true}
        %dma_wait3A = arith.constant 2368 : i32
        %dma_wait3A_123 = arith.constant 0 : i32
        %dma_wait3A_124 = tpu.memref_slice %arg7[%dma_wait3A, %dma_wait3A_123] : memref<2560x16xf32, #tpu.memory_space<vmem>> -> memref<64x16xf32, #tpu.memory_space<vmem>>
        %dma_wait3A_125 = arith.constant 0 : i32
        %dma_wait3A_126 = tpu.memref_slice %arg5[%run_scoped3A_111, %dma_wait3A_125] : memref<40x64xi32, #tpu.memory_space<vmem>> -> memref<1x64xi32, #tpu.memory_space<vmem>>
        %dma_wait3A_127 = tpu.memref_squeeze %dma_wait3A_126 : memref<1x64xi32, #tpu.memory_space<vmem>> -> memref<64xi32, #tpu.memory_space<vmem>>
        %dma_wait3A_128 = arith.constant 0 : i32
        %dma_wait3A_129 = arith.constant 0 : i32
        %dma_wait3A_130 = tpu.memref_slice %arg9[%dma_wait3A_128, %dma_wait3A_129] : memref<10240x16xf32, #tpu.memory_space<vmem_shared>> -> memref<10240x16xf32, #tpu.memory_space<vmem_shared>>
        tpu.wait_indirect_dma semaphore(%run_scoped3A_114 : memref<!tpu.dma_semaphore, #tpu.memory_space<semaphore_mem>>) src(%dma_wait3A_124 : memref<64x16xf32, #tpu.memory_space<vmem>>) dst(%dma_wait3A_130 : memref<10240x16xf32, #tpu.memory_space<vmem_shared>>)
        tpu.yield
      }) : () -> ()
      %run_scoped3A_112 = arith.constant 38 : i32
      "tpu.region"() ({
        %run_scoped3A_114 = tpu.sem_alloc : memref<!tpu.dma_semaphore, #tpu.memory_space<semaphore_mem>>
        %dma_start3A = arith.constant 2432 : i32
        %dma_start3A_115 = arith.constant 0 : i32
        %dma_start3A_116 = tpu.memref_slice %arg7[%dma_start3A, %dma_start3A_115] : memref<2560x16xf32, #tpu.memory_space<vmem>> -> memref<64x16xf32, #tpu.memory_space<vmem>>
        %dma_start3A_117 = arith.constant 0 : i32
        %dma_start3A_118 = tpu.memref_slice %arg5[%run_scoped3A_112, %dma_start3A_117] : memref<40x64xi32, #tpu.memory_space<vmem>> -> memref<1x64xi32, #tpu.memory_space<vmem>>
        %dma_start3A_119 = tpu.memref_squeeze %dma_start3A_118 : memref<1x64xi32, #tpu.memory_space<vmem>> -> memref<64xi32, #tpu.memory_space<vmem>>
        %dma_start3A_120 = arith.constant 0 : i32
        %dma_start3A_121 = arith.constant 0 : i32
        %dma_start3A_122 = tpu.memref_slice %arg9[%dma_start3A_120, %dma_start3A_121] : memref<10240x16xf32, #tpu.memory_space<vmem_shared>> -> memref<10240x16xf32, #tpu.memory_space<vmem_shared>>
        tpu.enqueue_indirect_dma source(%dma_start3A_116 : memref<64x16xf32, #tpu.memory_space<vmem>>) target(%dma_start3A_122 : memref<10240x16xf32, #tpu.memory_space<vmem_shared>>) offsets(%dma_start3A_119 : memref<64xi32, #tpu.memory_space<vmem>>) semaphore(%run_scoped3A_114 : memref<!tpu.dma_semaphore, #tpu.memory_space<semaphore_mem>>) {add = true}
        %dma_wait3A = arith.constant 2432 : i32
        %dma_wait3A_123 = arith.constant 0 : i32
        %dma_wait3A_124 = tpu.memref_slice %arg7[%dma_wait3A, %dma_wait3A_123] : memref<2560x16xf32, #tpu.memory_space<vmem>> -> memref<64x16xf32, #tpu.memory_space<vmem>>
        %dma_wait3A_125 = arith.constant 0 : i32
        %dma_wait3A_126 = tpu.memref_slice %arg5[%run_scoped3A_112, %dma_wait3A_125] : memref<40x64xi32, #tpu.memory_space<vmem>> -> memref<1x64xi32, #tpu.memory_space<vmem>>
        %dma_wait3A_127 = tpu.memref_squeeze %dma_wait3A_126 : memref<1x64xi32, #tpu.memory_space<vmem>> -> memref<64xi32, #tpu.memory_space<vmem>>
        %dma_wait3A_128 = arith.constant 0 : i32
        %dma_wait3A_129 = arith.constant 0 : i32
        %dma_wait3A_130 = tpu.memref_slice %arg9[%dma_wait3A_128, %dma_wait3A_129] : memref<10240x16xf32, #tpu.memory_space<vmem_shared>> -> memref<10240x16xf32, #tpu.memory_space<vmem_shared>>
        tpu.wait_indirect_dma semaphore(%run_scoped3A_114 : memref<!tpu.dma_semaphore, #tpu.memory_space<semaphore_mem>>) src(%dma_wait3A_124 : memref<64x16xf32, #tpu.memory_space<vmem>>) dst(%dma_wait3A_130 : memref<10240x16xf32, #tpu.memory_space<vmem_shared>>)
        tpu.yield
      }) : () -> ()
      %run_scoped3A_113 = arith.constant 39 : i32
      "tpu.region"() ({
        %run_scoped3A_114 = tpu.sem_alloc : memref<!tpu.dma_semaphore, #tpu.memory_space<semaphore_mem>>
        %dma_start3A = arith.constant 2496 : i32
        %dma_start3A_115 = arith.constant 0 : i32
        %dma_start3A_116 = tpu.memref_slice %arg7[%dma_start3A, %dma_start3A_115] : memref<2560x16xf32, #tpu.memory_space<vmem>> -> memref<64x16xf32, #tpu.memory_space<vmem>>
        %dma_start3A_117 = arith.constant 0 : i32
        %dma_start3A_118 = tpu.memref_slice %arg5[%run_scoped3A_113, %dma_start3A_117] : memref<40x64xi32, #tpu.memory_space<vmem>> -> memref<1x64xi32, #tpu.memory_space<vmem>>
        %dma_start3A_119 = tpu.memref_squeeze %dma_start3A_118 : memref<1x64xi32, #tpu.memory_space<vmem>> -> memref<64xi32, #tpu.memory_space<vmem>>
        %dma_start3A_120 = arith.constant 0 : i32
        %dma_start3A_121 = arith.constant 0 : i32
        %dma_start3A_122 = tpu.memref_slice %arg9[%dma_start3A_120, %dma_start3A_121] : memref<10240x16xf32, #tpu.memory_space<vmem_shared>> -> memref<10240x16xf32, #tpu.memory_space<vmem_shared>>
        tpu.enqueue_indirect_dma source(%dma_start3A_116 : memref<64x16xf32, #tpu.memory_space<vmem>>) target(%dma_start3A_122 : memref<10240x16xf32, #tpu.memory_space<vmem_shared>>) offsets(%dma_start3A_119 : memref<64xi32, #tpu.memory_space<vmem>>) semaphore(%run_scoped3A_114 : memref<!tpu.dma_semaphore, #tpu.memory_space<semaphore_mem>>) {add = true}
        %dma_wait3A = arith.constant 2496 : i32
        %dma_wait3A_123 = arith.constant 0 : i32
        %dma_wait3A_124 = tpu.memref_slice %arg7[%dma_wait3A, %dma_wait3A_123] : memref<2560x16xf32, #tpu.memory_space<vmem>> -> memref<64x16xf32, #tpu.memory_space<vmem>>
        %dma_wait3A_125 = arith.constant 0 : i32
        %dma_wait3A_126 = tpu.memref_slice %arg5[%run_scoped3A_113, %dma_wait3A_125] : memref<40x64xi32, #tpu.memory_space<vmem>> -> memref<1x64xi32, #tpu.memory_space<vmem>>
        %dma_wait3A_127 = tpu.memref_squeeze %dma_wait3A_126 : memref<1x64xi32, #tpu.memory_space<vmem>> -> memref<64xi32, #tpu.memory_space<vmem>>
        %dma_wait3A_128 = arith.constant 0 : i32
        %dma_wait3A_129 = arith.constant 0 : i32
        %dma_wait3A_130 = tpu.memref_slice %arg9[%dma_wait3A_128, %dma_wait3A_129] : memref<10240x16xf32, #tpu.memory_space<vmem_shared>> -> memref<10240x16xf32, #tpu.memory_space<vmem_shared>>
        tpu.wait_indirect_dma semaphore(%run_scoped3A_114 : memref<!tpu.dma_semaphore, #tpu.memory_space<semaphore_mem>>) src(%dma_wait3A_124 : memref<64x16xf32, #tpu.memory_space<vmem>>) dst(%dma_wait3A_130 : memref<10240x16xf32, #tpu.memory_space<vmem_shared>>)
        tpu.yield
      }) : () -> ()
    }
    %scan3A_56 = arith.constant 4 : i32
    %barrier3A_57 = arith.constant 0 : index
    tpu.barrier barrier_id(%barrier3A_57)
    %mul3A_58 = arith.constant 640 : i32
    %mul3A_59 = arith.muli %arg1, %mul3A_58 : i32
    "tpu.region"() ({
      %run_scoped3A = tpu.sem_alloc : memref<!tpu.dma_semaphore, #tpu.memory_space<semaphore_mem>>
      %dma_start3A = arith.constant 0 : i32
      %dma_start3A_62 = tpu.memref_slice %arg9[%mul3A_59, %dma_start3A] : memref<10240x16xf32, #tpu.memory_space<vmem_shared>> -> memref<640x16xf32, #tpu.memory_space<vmem_shared>>
      %dma_start3A_63 = arith.constant 0 : i32
      %dma_start3A_64 = tpu.memref_slice %arg9[%mul3A_59, %dma_start3A_63] : memref<10240x16xf32, #tpu.memory_space<vmem_shared>> -> memref<640x16xf32, #tpu.memory_space<vmem_shared>>
      tpu.enqueue_dma source(%dma_start3A_64 : memref<640x16xf32, #tpu.memory_space<vmem_shared>>) target(%arg8 : memref<640x16xf32, #tpu.memory_space<vmem>>) target_semaphore(%run_scoped3A : memref<!tpu.dma_semaphore, #tpu.memory_space<semaphore_mem>>)
      %dma_wait3A = arith.constant 0 : i32
      %dma_wait3A_65 = tpu.memref_slice %arg9[%mul3A_59, %dma_wait3A] : memref<10240x16xf32, #tpu.memory_space<vmem_shared>> -> memref<640x16xf32, #tpu.memory_space<vmem_shared>>
      %dma_wait3A_66 = arith.constant 0 : i32
      %dma_wait3A_67 = tpu.memref_slice %arg9[%mul3A_59, %dma_wait3A_66] : memref<10240x16xf32, #tpu.memory_space<vmem_shared>> -> memref<640x16xf32, #tpu.memory_space<vmem_shared>>
      tpu.wait_dma2 semaphore(%run_scoped3A : memref<!tpu.dma_semaphore, #tpu.memory_space<semaphore_mem>>) src(%dma_wait3A_67 : memref<640x16xf32, #tpu.memory_space<vmem_shared>>) dst(%arg8 : memref<640x16xf32, #tpu.memory_space<vmem>>)
      tpu.yield
    }) : () -> ()
    %mul3A_60 = arith.constant 640 : i32
    %mul3A_61 = arith.muli %arg1, %mul3A_60 : i32
    "tpu.region"() ({
      %run_scoped3A = tpu.sem_alloc : memref<!tpu.dma_semaphore, #tpu.memory_space<semaphore_mem>>
      %dma_start3A = arith.constant 0 : i32
      %dma_start3A_62 = tpu.memref_slice %arg4[%arg0, %mul3A_61, %dma_start3A] : memref<2x10240x16xf32, #tpu.memory_space<hbm>> -> memref<1x640x16xf32, #tpu.memory_space<hbm>>
      %dma_start3A_63 = tpu.memref_squeeze %dma_start3A_62 : memref<1x640x16xf32, #tpu.memory_space<hbm>> -> memref<640x16xf32, #tpu.memory_space<hbm>>
      %dma_start3A_64 = arith.constant 0 : i32
      %dma_start3A_65 = tpu.memref_slice %arg4[%arg0, %mul3A_61, %dma_start3A_64] : memref<2x10240x16xf32, #tpu.memory_space<hbm>> -> memref<1x640x16xf32, #tpu.memory_space<hbm>>
      %dma_start3A_66 = tpu.memref_squeeze %dma_start3A_65 : memref<1x640x16xf32, #tpu.memory_space<hbm>> -> memref<640x16xf32, #tpu.memory_space<hbm>>
      tpu.enqueue_dma source(%arg8 : memref<640x16xf32, #tpu.memory_space<vmem>>) target(%dma_start3A_66 : memref<640x16xf32, #tpu.memory_space<hbm>>) target_semaphore(%run_scoped3A : memref<!tpu.dma_semaphore, #tpu.memory_space<semaphore_mem>>)
      %dma_wait3A = arith.constant 0 : i32
      %dma_wait3A_67 = tpu.memref_slice %arg4[%arg0, %mul3A_61, %dma_wait3A] : memref<2x10240x16xf32, #tpu.memory_space<hbm>> -> memref<1x640x16xf32, #tpu.memory_space<hbm>>
      %dma_wait3A_68 = tpu.memref_squeeze %dma_wait3A_67 : memref<1x640x16xf32, #tpu.memory_space<hbm>> -> memref<640x16xf32, #tpu.memory_space<hbm>>
      %dma_wait3A_69 = arith.constant 0 : i32
      %dma_wait3A_70 = tpu.memref_slice %arg4[%arg0, %mul3A_61, %dma_wait3A_69] : memref<2x10240x16xf32, #tpu.memory_space<hbm>> -> memref<1x640x16xf32, #tpu.memory_space<hbm>>
      %dma_wait3A_71 = tpu.memref_squeeze %dma_wait3A_70 : memref<1x640x16xf32, #tpu.memory_space<hbm>> -> memref<640x16xf32, #tpu.memory_space<hbm>>
      tpu.wait_dma2 semaphore(%run_scoped3A : memref<!tpu.dma_semaphore, #tpu.memory_space<semaphore_mem>>) src(%arg8 : memref<640x16xf32, #tpu.memory_space<vmem>>) dst(%dma_wait3A_71 : memref<640x16xf32, #tpu.memory_space<hbm>>)
      tpu.yield
    }) : () -> ()
    return
  }
}

#map = affine_map<(d0, d1) -> (0, 0)>
module attributes {stable_mosaic.version = 14 : i64} {
  func.func @gather_k(%arg0: i32, %arg1: i32, %arg2: memref<10000x144xf32, #tpu.memory_space<hbm>>, %arg3: memref<10000x144xf32, #tpu.memory_space<hbm>>, %arg4: memref<10000x144xf32, #tpu.memory_space<hbm>>, %arg5: memref<10000x144xf32, #tpu.memory_space<hbm>>, %arg6: memref<4096x80xi32, #tpu.memory_space<hbm>>, %arg7: memref<4096x80xi32, #tpu.memory_space<hbm>>, %arg8: memref<327680x128xf32, #tpu.memory_space<hbm>>, %arg9: memref<327680x128xf32, #tpu.memory_space<hbm>>, %arg10: memref<40960x128xf32, #tpu.memory_space<hbm>>, %arg11: memref<128x80xi32, #tpu.memory_space<vmem>>, %arg12: memref<128x80xi32, #tpu.memory_space<vmem>>, %arg13: memref<4x80x144xf32, #tpu.memory_space<vmem>>, %arg14: memref<4x80x144xf32, #tpu.memory_space<vmem>>, %arg15: memref<4x10x128xf32, #tpu.memory_space<vmem>>, %arg16: memref<!tpu.dma_semaphore, #tpu.memory_space<semaphore_mem>>, %arg17: memref<!tpu.dma_semaphore, #tpu.memory_space<semaphore_mem>>, %arg18: memref<!tpu.dma_semaphore, #tpu.memory_space<semaphore_mem>>, %arg19: memref<!tpu.dma_semaphore, #tpu.memory_space<semaphore_mem>>, %arg20: memref<!tpu.dma_semaphore, #tpu.memory_space<semaphore_mem>>, %arg21: memref<!tpu.dma_semaphore, #tpu.memory_space<semaphore_mem>>, %arg22: memref<!tpu.dma_semaphore, #tpu.memory_space<semaphore_mem>>, %arg23: memref<!tpu.dma_semaphore, #tpu.memory_space<semaphore_mem>>) attributes {dimension_semantics = [#tpu.dimension_semantics<core_parallel>, #tpu.dimension_semantics<subcore_parallel>], iteration_bounds = array<i64: 2, 16>, scalar_prefetch = 0 : i64, scratch_operands = 13 : i64, tpu.core_type = #tpu.core_type<sc_vector_subcore>, window_params = [{transform_indices = #map}, {transform_indices = #map}, {transform_indices = #map}, {transform_indices = #map}, {transform_indices = #map}, {transform_indices = #map}, {transform_indices = #map}, {transform_indices = #map}, {transform_indices = #map}]} {
    %eq3A = arith.constant 0 : i32
    %eq3A_0 = arith.cmpi eq, %arg0, %eq3A : i32
    %mul3A = arith.constant 128 : i32
    %mul3A_1 = arith.muli %arg1, %mul3A : i32
    %mul3A_2 = arith.constant 128 : i32
    %mul3A_3 = arith.muli %arg1, %mul3A_2 : i32
    %add3A = arith.constant 2048 : i32
    %add3A_4 = arith.addi %add3A, %mul3A_3 : i32
    %select_n3A = arith.select %eq3A_0, %mul3A_1, %add3A_4 : i32
    %eq3A_5 = arith.constant 0 : i32
    %eq3A_6 = arith.cmpi eq, %arg0, %eq3A_5 : i32
    %jit3A = arith.constant 128 : i32
    %jit3A_7 = arith.constant 128 : i32
    %select_n3A_8 = arith.select %eq3A_6, %jit3A, %jit3A_7 : i32
    %eq3A_9 = arith.constant 0 : i32
    %eq3A_10 = arith.cmpi eq, %arg0, %eq3A_9 : i32
    %convert_element_type3A = arith.extui %eq3A_10 : i1 to i32
    %cond3A = arith.constant 0 : i32
    %cond3A_11 = arith.cmpi ne, %convert_element_type3A, %cond3A : i32
    scf.if %cond3A_11 {
      %mul3A_46 = arith.constant 128 : i32
      %mul3A_47 = arith.muli %arg1, %mul3A_46 : i32
      "tpu.region"() ({
        %run_scoped3A = tpu.sem_alloc : memref<!tpu.dma_semaphore, #tpu.memory_space<semaphore_mem>>
        %dma_start3A = arith.constant 0 : i32
        %dma_start3A_50 = arith.constant 0 : i32
        %dma_start3A_51 = tpu.memref_slice %arg11[%dma_start3A, %dma_start3A_50] : memref<128x80xi32, #tpu.memory_space<vmem>> -> memref<128x80xi32, #tpu.memory_space<vmem>>
        %dma_start3A_52 = arith.constant 0 : i32
        %dma_start3A_53 = tpu.memref_slice %arg6[%mul3A_47, %dma_start3A_52] : memref<4096x80xi32, #tpu.memory_space<hbm>> -> memref<128x80xi32, #tpu.memory_space<hbm>>
        %dma_start3A_54 = arith.constant 0 : i32
        %dma_start3A_55 = arith.constant 0 : i32
        %dma_start3A_56 = tpu.memref_slice %arg11[%dma_start3A_54, %dma_start3A_55] : memref<128x80xi32, #tpu.memory_space<vmem>> -> memref<128x80xi32, #tpu.memory_space<vmem>>
        %dma_start3A_57 = arith.constant 0 : i32
        %dma_start3A_58 = tpu.memref_slice %arg6[%mul3A_47, %dma_start3A_57] : memref<4096x80xi32, #tpu.memory_space<hbm>> -> memref<128x80xi32, #tpu.memory_space<hbm>>
        tpu.enqueue_dma source(%dma_start3A_58 : memref<128x80xi32, #tpu.memory_space<hbm>>) target(%dma_start3A_56 : memref<128x80xi32, #tpu.memory_space<vmem>>) target_semaphore(%run_scoped3A : memref<!tpu.dma_semaphore, #tpu.memory_space<semaphore_mem>>)
        %dma_wait3A = arith.constant 0 : i32
        %dma_wait3A_59 = arith.constant 0 : i32
        %dma_wait3A_60 = tpu.memref_slice %arg11[%dma_wait3A, %dma_wait3A_59] : memref<128x80xi32, #tpu.memory_space<vmem>> -> memref<128x80xi32, #tpu.memory_space<vmem>>
        %dma_wait3A_61 = arith.constant 0 : i32
        %dma_wait3A_62 = tpu.memref_slice %arg6[%mul3A_47, %dma_wait3A_61] : memref<4096x80xi32, #tpu.memory_space<hbm>> -> memref<128x80xi32, #tpu.memory_space<hbm>>
        %dma_wait3A_63 = arith.constant 0 : i32
        %dma_wait3A_64 = arith.constant 0 : i32
        %dma_wait3A_65 = tpu.memref_slice %arg11[%dma_wait3A_63, %dma_wait3A_64] : memref<128x80xi32, #tpu.memory_space<vmem>> -> memref<128x80xi32, #tpu.memory_space<vmem>>
        %dma_wait3A_66 = arith.constant 0 : i32
        %dma_wait3A_67 = tpu.memref_slice %arg6[%mul3A_47, %dma_wait3A_66] : memref<4096x80xi32, #tpu.memory_space<hbm>> -> memref<128x80xi32, #tpu.memory_space<hbm>>
        tpu.wait_dma2 semaphore(%run_scoped3A : memref<!tpu.dma_semaphore, #tpu.memory_space<semaphore_mem>>) src(%dma_wait3A_67 : memref<128x80xi32, #tpu.memory_space<hbm>>) dst(%dma_wait3A_65 : memref<128x80xi32, #tpu.memory_space<vmem>>)
        tpu.yield
      }) : () -> ()
      %mul3A_48 = arith.constant 128 : i32
      %mul3A_49 = arith.muli %arg1, %mul3A_48 : i32
      "tpu.region"() ({
        %run_scoped3A = tpu.sem_alloc : memref<!tpu.dma_semaphore, #tpu.memory_space<semaphore_mem>>
        %dma_start3A = arith.constant 0 : i32
        %dma_start3A_50 = arith.constant 0 : i32
        %dma_start3A_51 = tpu.memref_slice %arg12[%dma_start3A, %dma_start3A_50] : memref<128x80xi32, #tpu.memory_space<vmem>> -> memref<128x80xi32, #tpu.memory_space<vmem>>
        %dma_start3A_52 = arith.constant 0 : i32
        %dma_start3A_53 = tpu.memref_slice %arg7[%mul3A_49, %dma_start3A_52] : memref<4096x80xi32, #tpu.memory_space<hbm>> -> memref<128x80xi32, #tpu.memory_space<hbm>>
        %dma_start3A_54 = arith.constant 0 : i32
        %dma_start3A_55 = arith.constant 0 : i32
        %dma_start3A_56 = tpu.memref_slice %arg12[%dma_start3A_54, %dma_start3A_55] : memref<128x80xi32, #tpu.memory_space<vmem>> -> memref<128x80xi32, #tpu.memory_space<vmem>>
        %dma_start3A_57 = arith.constant 0 : i32
        %dma_start3A_58 = tpu.memref_slice %arg7[%mul3A_49, %dma_start3A_57] : memref<4096x80xi32, #tpu.memory_space<hbm>> -> memref<128x80xi32, #tpu.memory_space<hbm>>
        tpu.enqueue_dma source(%dma_start3A_58 : memref<128x80xi32, #tpu.memory_space<hbm>>) target(%dma_start3A_56 : memref<128x80xi32, #tpu.memory_space<vmem>>) target_semaphore(%run_scoped3A : memref<!tpu.dma_semaphore, #tpu.memory_space<semaphore_mem>>)
        %dma_wait3A = arith.constant 0 : i32
        %dma_wait3A_59 = arith.constant 0 : i32
        %dma_wait3A_60 = tpu.memref_slice %arg12[%dma_wait3A, %dma_wait3A_59] : memref<128x80xi32, #tpu.memory_space<vmem>> -> memref<128x80xi32, #tpu.memory_space<vmem>>
        %dma_wait3A_61 = arith.constant 0 : i32
        %dma_wait3A_62 = tpu.memref_slice %arg7[%mul3A_49, %dma_wait3A_61] : memref<4096x80xi32, #tpu.memory_space<hbm>> -> memref<128x80xi32, #tpu.memory_space<hbm>>
        %dma_wait3A_63 = arith.constant 0 : i32
        %dma_wait3A_64 = arith.constant 0 : i32
        %dma_wait3A_65 = tpu.memref_slice %arg12[%dma_wait3A_63, %dma_wait3A_64] : memref<128x80xi32, #tpu.memory_space<vmem>> -> memref<128x80xi32, #tpu.memory_space<vmem>>
        %dma_wait3A_66 = arith.constant 0 : i32
        %dma_wait3A_67 = tpu.memref_slice %arg7[%mul3A_49, %dma_wait3A_66] : memref<4096x80xi32, #tpu.memory_space<hbm>> -> memref<128x80xi32, #tpu.memory_space<hbm>>
        tpu.wait_dma2 semaphore(%run_scoped3A : memref<!tpu.dma_semaphore, #tpu.memory_space<semaphore_mem>>) src(%dma_wait3A_67 : memref<128x80xi32, #tpu.memory_space<hbm>>) dst(%dma_wait3A_65 : memref<128x80xi32, #tpu.memory_space<vmem>>)
        tpu.yield
      }) : () -> ()
    } else {
    }
    %eq3A_12 = arith.constant 1 : i32
    %eq3A_13 = arith.cmpi eq, %arg0, %eq3A_12 : i32
    %convert_element_type3A_14 = arith.extui %eq3A_13 : i1 to i32
    %cond3A_15 = arith.constant 0 : i32
    %cond3A_16 = arith.cmpi ne, %convert_element_type3A_14, %cond3A_15 : i32
    scf.if %cond3A_16 {
      %mul3A_46 = arith.constant 128 : i32
      %mul3A_47 = arith.muli %arg1, %mul3A_46 : i32
      %add3A_48 = arith.constant 2048 : i32
      %add3A_49 = arith.addi %add3A_48, %mul3A_47 : i32
      "tpu.region"() ({
        %run_scoped3A = tpu.sem_alloc : memref<!tpu.dma_semaphore, #tpu.memory_space<semaphore_mem>>
        %dma_start3A = arith.constant 0 : i32
        %dma_start3A_50 = arith.constant 0 : i32
        %dma_start3A_51 = tpu.memref_slice %arg11[%dma_start3A, %dma_start3A_50] : memref<128x80xi32, #tpu.memory_space<vmem>> -> memref<128x80xi32, #tpu.memory_space<vmem>>
        %dma_start3A_52 = arith.constant 0 : i32
        %dma_start3A_53 = tpu.memref_slice %arg6[%add3A_49, %dma_start3A_52] : memref<4096x80xi32, #tpu.memory_space<hbm>> -> memref<128x80xi32, #tpu.memory_space<hbm>>
        %dma_start3A_54 = arith.constant 0 : i32
        %dma_start3A_55 = arith.constant 0 : i32
        %dma_start3A_56 = tpu.memref_slice %arg11[%dma_start3A_54, %dma_start3A_55] : memref<128x80xi32, #tpu.memory_space<vmem>> -> memref<128x80xi32, #tpu.memory_space<vmem>>
        %dma_start3A_57 = arith.constant 0 : i32
        %dma_start3A_58 = tpu.memref_slice %arg6[%add3A_49, %dma_start3A_57] : memref<4096x80xi32, #tpu.memory_space<hbm>> -> memref<128x80xi32, #tpu.memory_space<hbm>>
        tpu.enqueue_dma source(%dma_start3A_58 : memref<128x80xi32, #tpu.memory_space<hbm>>) target(%dma_start3A_56 : memref<128x80xi32, #tpu.memory_space<vmem>>) target_semaphore(%run_scoped3A : memref<!tpu.dma_semaphore, #tpu.memory_space<semaphore_mem>>)
        %dma_wait3A = arith.constant 0 : i32
        %dma_wait3A_59 = arith.constant 0 : i32
        %dma_wait3A_60 = tpu.memref_slice %arg11[%dma_wait3A, %dma_wait3A_59] : memref<128x80xi32, #tpu.memory_space<vmem>> -> memref<128x80xi32, #tpu.memory_space<vmem>>
        %dma_wait3A_61 = arith.constant 0 : i32
        %dma_wait3A_62 = tpu.memref_slice %arg6[%add3A_49, %dma_wait3A_61] : memref<4096x80xi32, #tpu.memory_space<hbm>> -> memref<128x80xi32, #tpu.memory_space<hbm>>
        %dma_wait3A_63 = arith.constant 0 : i32
        %dma_wait3A_64 = arith.constant 0 : i32
        %dma_wait3A_65 = tpu.memref_slice %arg11[%dma_wait3A_63, %dma_wait3A_64] : memref<128x80xi32, #tpu.memory_space<vmem>> -> memref<128x80xi32, #tpu.memory_space<vmem>>
        %dma_wait3A_66 = arith.constant 0 : i32
        %dma_wait3A_67 = tpu.memref_slice %arg6[%add3A_49, %dma_wait3A_66] : memref<4096x80xi32, #tpu.memory_space<hbm>> -> memref<128x80xi32, #tpu.memory_space<hbm>>
        tpu.wait_dma2 semaphore(%run_scoped3A : memref<!tpu.dma_semaphore, #tpu.memory_space<semaphore_mem>>) src(%dma_wait3A_67 : memref<128x80xi32, #tpu.memory_space<hbm>>) dst(%dma_wait3A_65 : memref<128x80xi32, #tpu.memory_space<vmem>>)
        tpu.yield
      }) : () -> ()
      "tpu.region"() ({
        %run_scoped3A = tpu.sem_alloc : memref<!tpu.dma_semaphore, #tpu.memory_space<semaphore_mem>>
        %dma_start3A = arith.constant 0 : i32
        %dma_start3A_50 = arith.constant 0 : i32
        %dma_start3A_51 = tpu.memref_slice %arg12[%dma_start3A, %dma_start3A_50] : memref<128x80xi32, #tpu.memory_space<vmem>> -> memref<128x80xi32, #tpu.memory_space<vmem>>
        %dma_start3A_52 = arith.constant 0 : i32
        %dma_start3A_53 = tpu.memref_slice %arg7[%add3A_49, %dma_start3A_52] : memref<4096x80xi32, #tpu.memory_space<hbm>> -> memref<128x80xi32, #tpu.memory_space<hbm>>
        %dma_start3A_54 = arith.constant 0 : i32
        %dma_start3A_55 = arith.constant 0 : i32
        %dma_start3A_56 = tpu.memref_slice %arg12[%dma_start3A_54, %dma_start3A_55] : memref<128x80xi32, #tpu.memory_space<vmem>> -> memref<128x80xi32, #tpu.memory_space<vmem>>
        %dma_start3A_57 = arith.constant 0 : i32
        %dma_start3A_58 = tpu.memref_slice %arg7[%add3A_49, %dma_start3A_57] : memref<4096x80xi32, #tpu.memory_space<hbm>> -> memref<128x80xi32, #tpu.memory_space<hbm>>
        tpu.enqueue_dma source(%dma_start3A_58 : memref<128x80xi32, #tpu.memory_space<hbm>>) target(%dma_start3A_56 : memref<128x80xi32, #tpu.memory_space<vmem>>) target_semaphore(%run_scoped3A : memref<!tpu.dma_semaphore, #tpu.memory_space<semaphore_mem>>)
        %dma_wait3A = arith.constant 0 : i32
        %dma_wait3A_59 = arith.constant 0 : i32
        %dma_wait3A_60 = tpu.memref_slice %arg12[%dma_wait3A, %dma_wait3A_59] : memref<128x80xi32, #tpu.memory_space<vmem>> -> memref<128x80xi32, #tpu.memory_space<vmem>>
        %dma_wait3A_61 = arith.constant 0 : i32
        %dma_wait3A_62 = tpu.memref_slice %arg7[%add3A_49, %dma_wait3A_61] : memref<4096x80xi32, #tpu.memory_space<hbm>> -> memref<128x80xi32, #tpu.memory_space<hbm>>
        %dma_wait3A_63 = arith.constant 0 : i32
        %dma_wait3A_64 = arith.constant 0 : i32
        %dma_wait3A_65 = tpu.memref_slice %arg12[%dma_wait3A_63, %dma_wait3A_64] : memref<128x80xi32, #tpu.memory_space<vmem>> -> memref<128x80xi32, #tpu.memory_space<vmem>>
        %dma_wait3A_66 = arith.constant 0 : i32
        %dma_wait3A_67 = tpu.memref_slice %arg7[%add3A_49, %dma_wait3A_66] : memref<4096x80xi32, #tpu.memory_space<hbm>> -> memref<128x80xi32, #tpu.memory_space<hbm>>
        tpu.wait_dma2 semaphore(%run_scoped3A : memref<!tpu.dma_semaphore, #tpu.memory_space<semaphore_mem>>) src(%dma_wait3A_67 : memref<128x80xi32, #tpu.memory_space<hbm>>) dst(%dma_wait3A_65 : memref<128x80xi32, #tpu.memory_space<vmem>>)
        tpu.yield
      }) : () -> ()
    } else {
    }
    %eq3A_17 = arith.constant 0 : i32
    %eq3A_18 = arith.cmpi eq, %arg0, %eq3A_17 : i32
    %convert_element_type3A_19 = arith.extui %eq3A_18 : i1 to i32
    %cond3A_20 = arith.constant 0 : i32
    %cond3A_21 = arith.cmpi ne, %convert_element_type3A_19, %cond3A_20 : i32
    scf.if %cond3A_21 {
      %dma_start3A = arith.constant 0 : i32
      %dma_start3A_46 = arith.constant 0 : i32
      %dma_start3A_47 = arith.constant 0 : i32
      %dma_start3A_48 = arith.constant 0 : i32
      %dma_start3A_49 = tpu.memref_slice %arg13[%dma_start3A_46, %dma_start3A_47, %dma_start3A_48] : memref<4x80x144xf32, #tpu.memory_space<vmem>> -> memref<1x80x144xf32, #tpu.memory_space<vmem>>
      %dma_start3A_50 = tpu.memref_squeeze %dma_start3A_49 : memref<1x80x144xf32, #tpu.memory_space<vmem>> -> memref<80x144xf32, #tpu.memory_space<vmem>>
      %dma_start3A_51 = arith.constant 0 : i32
      %dma_start3A_52 = tpu.memref_slice %arg11[%dma_start3A, %dma_start3A_51] : memref<128x80xi32, #tpu.memory_space<vmem>> -> memref<1x80xi32, #tpu.memory_space<vmem>>
      %dma_start3A_53 = tpu.memref_squeeze %dma_start3A_52 : memref<1x80xi32, #tpu.memory_space<vmem>> -> memref<80xi32, #tpu.memory_space<vmem>>
      %dma_start3A_54 = arith.constant 0 : i32
      %dma_start3A_55 = arith.constant 0 : i32
      %dma_start3A_56 = tpu.memref_slice %arg2[%dma_start3A_54, %dma_start3A_55] : memref<10000x144xf32, #tpu.memory_space<hbm>> -> memref<10000x144xf32, #tpu.memory_space<hbm>>
      tpu.enqueue_indirect_dma source(%dma_start3A_56 : memref<10000x144xf32, #tpu.memory_space<hbm>>) target(%dma_start3A_50 : memref<80x144xf32, #tpu.memory_space<vmem>>) offsets(%dma_start3A_53 : memref<80xi32, #tpu.memory_space<vmem>>) semaphore(%arg16 : memref<!tpu.dma_semaphore, #tpu.memory_space<semaphore_mem>>)
      %dma_start3A_57 = arith.constant 0 : i32
      %dma_start3A_58 = arith.constant 0 : i32
      %dma_start3A_59 = arith.constant 0 : i32
      %dma_start3A_60 = arith.constant 0 : i32
      %dma_start3A_61 = tpu.memref_slice %arg14[%dma_start3A_58, %dma_start3A_59, %dma_start3A_60] : memref<4x80x144xf32, #tpu.memory_space<vmem>> -> memref<1x80x144xf32, #tpu.memory_space<vmem>>
      %dma_start3A_62 = tpu.memref_squeeze %dma_start3A_61 : memref<1x80x144xf32, #tpu.memory_space<vmem>> -> memref<80x144xf32, #tpu.memory_space<vmem>>
      %dma_start3A_63 = arith.constant 0 : i32
      %dma_start3A_64 = tpu.memref_slice %arg12[%dma_start3A_57, %dma_start3A_63] : memref<128x80xi32, #tpu.memory_space<vmem>> -> memref<1x80xi32, #tpu.memory_space<vmem>>
      %dma_start3A_65 = tpu.memref_squeeze %dma_start3A_64 : memref<1x80xi32, #tpu.memory_space<vmem>> -> memref<80xi32, #tpu.memory_space<vmem>>
      %dma_start3A_66 = arith.constant 0 : i32
      %dma_start3A_67 = arith.constant 0 : i32
      %dma_start3A_68 = tpu.memref_slice %arg3[%dma_start3A_66, %dma_start3A_67] : memref<10000x144xf32, #tpu.memory_space<hbm>> -> memref<10000x144xf32, #tpu.memory_space<hbm>>
      tpu.enqueue_indirect_dma source(%dma_start3A_68 : memref<10000x144xf32, #tpu.memory_space<hbm>>) target(%dma_start3A_62 : memref<80x144xf32, #tpu.memory_space<vmem>>) offsets(%dma_start3A_65 : memref<80xi32, #tpu.memory_space<vmem>>) semaphore(%arg16 : memref<!tpu.dma_semaphore, #tpu.memory_space<semaphore_mem>>)
    } else {
    }
    %eq3A_22 = arith.constant 1 : i32
    %eq3A_23 = arith.cmpi eq, %arg0, %eq3A_22 : i32
    %convert_element_type3A_24 = arith.extui %eq3A_23 : i1 to i32
    %cond3A_25 = arith.constant 0 : i32
    %cond3A_26 = arith.cmpi ne, %convert_element_type3A_24, %cond3A_25 : i32
    scf.if %cond3A_26 {
      %dma_start3A = arith.constant 0 : i32
      %dma_start3A_46 = arith.constant 0 : i32
      %dma_start3A_47 = arith.constant 0 : i32
      %dma_start3A_48 = arith.constant 0 : i32
      %dma_start3A_49 = tpu.memref_slice %arg13[%dma_start3A_46, %dma_start3A_47, %dma_start3A_48] : memref<4x80x144xf32, #tpu.memory_space<vmem>> -> memref<1x80x144xf32, #tpu.memory_space<vmem>>
      %dma_start3A_50 = tpu.memref_squeeze %dma_start3A_49 : memref<1x80x144xf32, #tpu.memory_space<vmem>> -> memref<80x144xf32, #tpu.memory_space<vmem>>
      %dma_start3A_51 = arith.constant 0 : i32
      %dma_start3A_52 = tpu.memref_slice %arg11[%dma_start3A, %dma_start3A_51] : memref<128x80xi32, #tpu.memory_space<vmem>> -> memref<1x80xi32, #tpu.memory_space<vmem>>
      %dma_start3A_53 = tpu.memref_squeeze %dma_start3A_52 : memref<1x80xi32, #tpu.memory_space<vmem>> -> memref<80xi32, #tpu.memory_space<vmem>>
      %dma_start3A_54 = arith.constant 0 : i32
      %dma_start3A_55 = arith.constant 0 : i32
      %dma_start3A_56 = tpu.memref_slice %arg4[%dma_start3A_54, %dma_start3A_55] : memref<10000x144xf32, #tpu.memory_space<hbm>> -> memref<10000x144xf32, #tpu.memory_space<hbm>>
      tpu.enqueue_indirect_dma source(%dma_start3A_56 : memref<10000x144xf32, #tpu.memory_space<hbm>>) target(%dma_start3A_50 : memref<80x144xf32, #tpu.memory_space<vmem>>) offsets(%dma_start3A_53 : memref<80xi32, #tpu.memory_space<vmem>>) semaphore(%arg16 : memref<!tpu.dma_semaphore, #tpu.memory_space<semaphore_mem>>)
      %dma_start3A_57 = arith.constant 0 : i32
      %dma_start3A_58 = arith.constant 0 : i32
      %dma_start3A_59 = arith.constant 0 : i32
      %dma_start3A_60 = arith.constant 0 : i32
      %dma_start3A_61 = tpu.memref_slice %arg14[%dma_start3A_58, %dma_start3A_59, %dma_start3A_60] : memref<4x80x144xf32, #tpu.memory_space<vmem>> -> memref<1x80x144xf32, #tpu.memory_space<vmem>>
      %dma_start3A_62 = tpu.memref_squeeze %dma_start3A_61 : memref<1x80x144xf32, #tpu.memory_space<vmem>> -> memref<80x144xf32, #tpu.memory_space<vmem>>
      %dma_start3A_63 = arith.constant 0 : i32
      %dma_start3A_64 = tpu.memref_slice %arg12[%dma_start3A_57, %dma_start3A_63] : memref<128x80xi32, #tpu.memory_space<vmem>> -> memref<1x80xi32, #tpu.memory_space<vmem>>
      %dma_start3A_65 = tpu.memref_squeeze %dma_start3A_64 : memref<1x80xi32, #tpu.memory_space<vmem>> -> memref<80xi32, #tpu.memory_space<vmem>>
      %dma_start3A_66 = arith.constant 0 : i32
      %dma_start3A_67 = arith.constant 0 : i32
      %dma_start3A_68 = tpu.memref_slice %arg5[%dma_start3A_66, %dma_start3A_67] : memref<10000x144xf32, #tpu.memory_space<hbm>> -> memref<10000x144xf32, #tpu.memory_space<hbm>>
      tpu.enqueue_indirect_dma source(%dma_start3A_68 : memref<10000x144xf32, #tpu.memory_space<hbm>>) target(%dma_start3A_62 : memref<80x144xf32, #tpu.memory_space<vmem>>) offsets(%dma_start3A_65 : memref<80xi32, #tpu.memory_space<vmem>>) semaphore(%arg16 : memref<!tpu.dma_semaphore, #tpu.memory_space<semaphore_mem>>)
    } else {
    }
    %gt3A = arith.constant 1 : i32
    %gt3A_27 = arith.cmpi sgt, %select_n3A_8, %gt3A : i32
    %convert_element_type3A_28 = arith.extui %gt3A_27 : i1 to i32
    %cond3A_29 = arith.constant 0 : i32
    %cond3A_30 = arith.cmpi ne, %convert_element_type3A_28, %cond3A_29 : i32
    scf.if %cond3A_30 {
      %eq3A_46 = arith.constant 0 : i32
      %eq3A_47 = arith.cmpi eq, %arg0, %eq3A_46 : i32
      %convert_element_type3A_48 = arith.extui %eq3A_47 : i1 to i32
      %cond3A_49 = arith.constant 0 : i32
      %cond3A_50 = arith.cmpi ne, %convert_element_type3A_48, %cond3A_49 : i32
      scf.if %cond3A_50 {
        %dma_start3A = arith.constant 1 : i32
        %dma_start3A_56 = arith.constant 1 : i32
        %dma_start3A_57 = arith.constant 0 : i32
        %dma_start3A_58 = arith.constant 0 : i32
        %dma_start3A_59 = tpu.memref_slice %arg13[%dma_start3A_56, %dma_start3A_57, %dma_start3A_58] : memref<4x80x144xf32, #tpu.memory_space<vmem>> -> memref<1x80x144xf32, #tpu.memory_space<vmem>>
        %dma_start3A_60 = tpu.memref_squeeze %dma_start3A_59 : memref<1x80x144xf32, #tpu.memory_space<vmem>> -> memref<80x144xf32, #tpu.memory_space<vmem>>
        %dma_start3A_61 = arith.constant 0 : i32
        %dma_start3A_62 = tpu.memref_slice %arg11[%dma_start3A, %dma_start3A_61] : memref<128x80xi32, #tpu.memory_space<vmem>> -> memref<1x80xi32, #tpu.memory_space<vmem>>
        %dma_start3A_63 = tpu.memref_squeeze %dma_start3A_62 : memref<1x80xi32, #tpu.memory_space<vmem>> -> memref<80xi32, #tpu.memory_space<vmem>>
        %dma_start3A_64 = arith.constant 0 : i32
        %dma_start3A_65 = arith.constant 0 : i32
        %dma_start3A_66 = tpu.memref_slice %arg2[%dma_start3A_64, %dma_start3A_65] : memref<10000x144xf32, #tpu.memory_space<hbm>> -> memref<10000x144xf32, #tpu.memory_space<hbm>>
        tpu.enqueue_indirect_dma source(%dma_start3A_66 : memref<10000x144xf32, #tpu.memory_space<hbm>>) target(%dma_start3A_60 : memref<80x144xf32, #tpu.memory_space<vmem>>) offsets(%dma_start3A_63 : memref<80xi32, #tpu.memory_space<vmem>>) semaphore(%arg17 : memref<!tpu.dma_semaphore, #tpu.memory_space<semaphore_mem>>)
        %dma_start3A_67 = arith.constant 1 : i32
        %dma_start3A_68 = arith.constant 1 : i32
        %dma_start3A_69 = arith.constant 0 : i32
        %dma_start3A_70 = arith.constant 0 : i32
        %dma_start3A_71 = tpu.memref_slice %arg14[%dma_start3A_68, %dma_start3A_69, %dma_start3A_70] : memref<4x80x144xf32, #tpu.memory_space<vmem>> -> memref<1x80x144xf32, #tpu.memory_space<vmem>>
        %dma_start3A_72 = tpu.memref_squeeze %dma_start3A_71 : memref<1x80x144xf32, #tpu.memory_space<vmem>> -> memref<80x144xf32, #tpu.memory_space<vmem>>
        %dma_start3A_73 = arith.constant 0 : i32
        %dma_start3A_74 = tpu.memref_slice %arg12[%dma_start3A_67, %dma_start3A_73] : memref<128x80xi32, #tpu.memory_space<vmem>> -> memref<1x80xi32, #tpu.memory_space<vmem>>
        %dma_start3A_75 = tpu.memref_squeeze %dma_start3A_74 : memref<1x80xi32, #tpu.memory_space<vmem>> -> memref<80xi32, #tpu.memory_space<vmem>>
        %dma_start3A_76 = arith.constant 0 : i32
        %dma_start3A_77 = arith.constant 0 : i32
        %dma_start3A_78 = tpu.memref_slice %arg3[%dma_start3A_76, %dma_start3A_77] : memref<10000x144xf32, #tpu.memory_space<hbm>> -> memref<10000x144xf32, #tpu.memory_space<hbm>>
        tpu.enqueue_indirect_dma source(%dma_start3A_78 : memref<10000x144xf32, #tpu.memory_space<hbm>>) target(%dma_start3A_72 : memref<80x144xf32, #tpu.memory_space<vmem>>) offsets(%dma_start3A_75 : memref<80xi32, #tpu.memory_space<vmem>>) semaphore(%arg17 : memref<!tpu.dma_semaphore, #tpu.memory_space<semaphore_mem>>)
      } else {
      }
      %eq3A_51 = arith.constant 1 : i32
      %eq3A_52 = arith.cmpi eq, %arg0, %eq3A_51 : i32
      %convert_element_type3A_53 = arith.extui %eq3A_52 : i1 to i32
      %cond3A_54 = arith.constant 0 : i32
      %cond3A_55 = arith.cmpi ne, %convert_element_type3A_53, %cond3A_54 : i32
      scf.if %cond3A_55 {
        %dma_start3A = arith.constant 1 : i32
        %dma_start3A_56 = arith.constant 1 : i32
        %dma_start3A_57 = arith.constant 0 : i32
        %dma_start3A_58 = arith.constant 0 : i32
        %dma_start3A_59 = tpu.memref_slice %arg13[%dma_start3A_56, %dma_start3A_57, %dma_start3A_58] : memref<4x80x144xf32, #tpu.memory_space<vmem>> -> memref<1x80x144xf32, #tpu.memory_space<vmem>>
        %dma_start3A_60 = tpu.memref_squeeze %dma_start3A_59 : memref<1x80x144xf32, #tpu.memory_space<vmem>> -> memref<80x144xf32, #tpu.memory_space<vmem>>
        %dma_start3A_61 = arith.constant 0 : i32
        %dma_start3A_62 = tpu.memref_slice %arg11[%dma_start3A, %dma_start3A_61] : memref<128x80xi32, #tpu.memory_space<vmem>> -> memref<1x80xi32, #tpu.memory_space<vmem>>
        %dma_start3A_63 = tpu.memref_squeeze %dma_start3A_62 : memref<1x80xi32, #tpu.memory_space<vmem>> -> memref<80xi32, #tpu.memory_space<vmem>>
        %dma_start3A_64 = arith.constant 0 : i32
        %dma_start3A_65 = arith.constant 0 : i32
        %dma_start3A_66 = tpu.memref_slice %arg4[%dma_start3A_64, %dma_start3A_65] : memref<10000x144xf32, #tpu.memory_space<hbm>> -> memref<10000x144xf32, #tpu.memory_space<hbm>>
        tpu.enqueue_indirect_dma source(%dma_start3A_66 : memref<10000x144xf32, #tpu.memory_space<hbm>>) target(%dma_start3A_60 : memref<80x144xf32, #tpu.memory_space<vmem>>) offsets(%dma_start3A_63 : memref<80xi32, #tpu.memory_space<vmem>>) semaphore(%arg17 : memref<!tpu.dma_semaphore, #tpu.memory_space<semaphore_mem>>)
        %dma_start3A_67 = arith.constant 1 : i32
        %dma_start3A_68 = arith.constant 1 : i32
        %dma_start3A_69 = arith.constant 0 : i32
        %dma_start3A_70 = arith.constant 0 : i32
        %dma_start3A_71 = tpu.memref_slice %arg14[%dma_start3A_68, %dma_start3A_69, %dma_start3A_70] : memref<4x80x144xf32, #tpu.memory_space<vmem>> -> memref<1x80x144xf32, #tpu.memory_space<vmem>>
        %dma_start3A_72 = tpu.memref_squeeze %dma_start3A_71 : memref<1x80x144xf32, #tpu.memory_space<vmem>> -> memref<80x144xf32, #tpu.memory_space<vmem>>
        %dma_start3A_73 = arith.constant 0 : i32
        %dma_start3A_74 = tpu.memref_slice %arg12[%dma_start3A_67, %dma_start3A_73] : memref<128x80xi32, #tpu.memory_space<vmem>> -> memref<1x80xi32, #tpu.memory_space<vmem>>
        %dma_start3A_75 = tpu.memref_squeeze %dma_start3A_74 : memref<1x80xi32, #tpu.memory_space<vmem>> -> memref<80xi32, #tpu.memory_space<vmem>>
        %dma_start3A_76 = arith.constant 0 : i32
        %dma_start3A_77 = arith.constant 0 : i32
        %dma_start3A_78 = tpu.memref_slice %arg5[%dma_start3A_76, %dma_start3A_77] : memref<10000x144xf32, #tpu.memory_space<hbm>> -> memref<10000x144xf32, #tpu.memory_space<hbm>>
        tpu.enqueue_indirect_dma source(%dma_start3A_78 : memref<10000x144xf32, #tpu.memory_space<hbm>>) target(%dma_start3A_72 : memref<80x144xf32, #tpu.memory_space<vmem>>) offsets(%dma_start3A_75 : memref<80xi32, #tpu.memory_space<vmem>>) semaphore(%arg17 : memref<!tpu.dma_semaphore, #tpu.memory_space<semaphore_mem>>)
      } else {
      }
    } else {
    }
    %gt3A_31 = arith.constant 2 : i32
    %gt3A_32 = arith.cmpi sgt, %select_n3A_8, %gt3A_31 : i32
    %convert_element_type3A_33 = arith.extui %gt3A_32 : i1 to i32
    %cond3A_34 = arith.constant 0 : i32
    %cond3A_35 = arith.cmpi ne, %convert_element_type3A_33, %cond3A_34 : i32
    scf.if %cond3A_35 {
      %eq3A_46 = arith.constant 0 : i32
      %eq3A_47 = arith.cmpi eq, %arg0, %eq3A_46 : i32
      %convert_element_type3A_48 = arith.extui %eq3A_47 : i1 to i32
      %cond3A_49 = arith.constant 0 : i32
      %cond3A_50 = arith.cmpi ne, %convert_element_type3A_48, %cond3A_49 : i32
      scf.if %cond3A_50 {
        %dma_start3A = arith.constant 2 : i32
        %dma_start3A_56 = arith.constant 2 : i32
        %dma_start3A_57 = arith.constant 0 : i32
        %dma_start3A_58 = arith.constant 0 : i32
        %dma_start3A_59 = tpu.memref_slice %arg13[%dma_start3A_56, %dma_start3A_57, %dma_start3A_58] : memref<4x80x144xf32, #tpu.memory_space<vmem>> -> memref<1x80x144xf32, #tpu.memory_space<vmem>>
        %dma_start3A_60 = tpu.memref_squeeze %dma_start3A_59 : memref<1x80x144xf32, #tpu.memory_space<vmem>> -> memref<80x144xf32, #tpu.memory_space<vmem>>
        %dma_start3A_61 = arith.constant 0 : i32
        %dma_start3A_62 = tpu.memref_slice %arg11[%dma_start3A, %dma_start3A_61] : memref<128x80xi32, #tpu.memory_space<vmem>> -> memref<1x80xi32, #tpu.memory_space<vmem>>
        %dma_start3A_63 = tpu.memref_squeeze %dma_start3A_62 : memref<1x80xi32, #tpu.memory_space<vmem>> -> memref<80xi32, #tpu.memory_space<vmem>>
        %dma_start3A_64 = arith.constant 0 : i32
        %dma_start3A_65 = arith.constant 0 : i32
        %dma_start3A_66 = tpu.memref_slice %arg2[%dma_start3A_64, %dma_start3A_65] : memref<10000x144xf32, #tpu.memory_space<hbm>> -> memref<10000x144xf32, #tpu.memory_space<hbm>>
        tpu.enqueue_indirect_dma source(%dma_start3A_66 : memref<10000x144xf32, #tpu.memory_space<hbm>>) target(%dma_start3A_60 : memref<80x144xf32, #tpu.memory_space<vmem>>) offsets(%dma_start3A_63 : memref<80xi32, #tpu.memory_space<vmem>>) semaphore(%arg18 : memref<!tpu.dma_semaphore, #tpu.memory_space<semaphore_mem>>)
        %dma_start3A_67 = arith.constant 2 : i32
        %dma_start3A_68 = arith.constant 2 : i32
        %dma_start3A_69 = arith.constant 0 : i32
        %dma_start3A_70 = arith.constant 0 : i32
        %dma_start3A_71 = tpu.memref_slice %arg14[%dma_start3A_68, %dma_start3A_69, %dma_start3A_70] : memref<4x80x144xf32, #tpu.memory_space<vmem>> -> memref<1x80x144xf32, #tpu.memory_space<vmem>>
        %dma_start3A_72 = tpu.memref_squeeze %dma_start3A_71 : memref<1x80x144xf32, #tpu.memory_space<vmem>> -> memref<80x144xf32, #tpu.memory_space<vmem>>
        %dma_start3A_73 = arith.constant 0 : i32
        %dma_start3A_74 = tpu.memref_slice %arg12[%dma_start3A_67, %dma_start3A_73] : memref<128x80xi32, #tpu.memory_space<vmem>> -> memref<1x80xi32, #tpu.memory_space<vmem>>
        %dma_start3A_75 = tpu.memref_squeeze %dma_start3A_74 : memref<1x80xi32, #tpu.memory_space<vmem>> -> memref<80xi32, #tpu.memory_space<vmem>>
        %dma_start3A_76 = arith.constant 0 : i32
        %dma_start3A_77 = arith.constant 0 : i32
        %dma_start3A_78 = tpu.memref_slice %arg3[%dma_start3A_76, %dma_start3A_77] : memref<10000x144xf32, #tpu.memory_space<hbm>> -> memref<10000x144xf32, #tpu.memory_space<hbm>>
        tpu.enqueue_indirect_dma source(%dma_start3A_78 : memref<10000x144xf32, #tpu.memory_space<hbm>>) target(%dma_start3A_72 : memref<80x144xf32, #tpu.memory_space<vmem>>) offsets(%dma_start3A_75 : memref<80xi32, #tpu.memory_space<vmem>>) semaphore(%arg18 : memref<!tpu.dma_semaphore, #tpu.memory_space<semaphore_mem>>)
      } else {
      }
      %eq3A_51 = arith.constant 1 : i32
      %eq3A_52 = arith.cmpi eq, %arg0, %eq3A_51 : i32
      %convert_element_type3A_53 = arith.extui %eq3A_52 : i1 to i32
      %cond3A_54 = arith.constant 0 : i32
      %cond3A_55 = arith.cmpi ne, %convert_element_type3A_53, %cond3A_54 : i32
      scf.if %cond3A_55 {
        %dma_start3A = arith.constant 2 : i32
        %dma_start3A_56 = arith.constant 2 : i32
        %dma_start3A_57 = arith.constant 0 : i32
        %dma_start3A_58 = arith.constant 0 : i32
        %dma_start3A_59 = tpu.memref_slice %arg13[%dma_start3A_56, %dma_start3A_57, %dma_start3A_58] : memref<4x80x144xf32, #tpu.memory_space<vmem>> -> memref<1x80x144xf32, #tpu.memory_space<vmem>>
        %dma_start3A_60 = tpu.memref_squeeze %dma_start3A_59 : memref<1x80x144xf32, #tpu.memory_space<vmem>> -> memref<80x144xf32, #tpu.memory_space<vmem>>
        %dma_start3A_61 = arith.constant 0 : i32
        %dma_start3A_62 = tpu.memref_slice %arg11[%dma_start3A, %dma_start3A_61] : memref<128x80xi32, #tpu.memory_space<vmem>> -> memref<1x80xi32, #tpu.memory_space<vmem>>
        %dma_start3A_63 = tpu.memref_squeeze %dma_start3A_62 : memref<1x80xi32, #tpu.memory_space<vmem>> -> memref<80xi32, #tpu.memory_space<vmem>>
        %dma_start3A_64 = arith.constant 0 : i32
        %dma_start3A_65 = arith.constant 0 : i32
        %dma_start3A_66 = tpu.memref_slice %arg4[%dma_start3A_64, %dma_start3A_65] : memref<10000x144xf32, #tpu.memory_space<hbm>> -> memref<10000x144xf32, #tpu.memory_space<hbm>>
        tpu.enqueue_indirect_dma source(%dma_start3A_66 : memref<10000x144xf32, #tpu.memory_space<hbm>>) target(%dma_start3A_60 : memref<80x144xf32, #tpu.memory_space<vmem>>) offsets(%dma_start3A_63 : memref<80xi32, #tpu.memory_space<vmem>>) semaphore(%arg18 : memref<!tpu.dma_semaphore, #tpu.memory_space<semaphore_mem>>)
        %dma_start3A_67 = arith.constant 2 : i32
        %dma_start3A_68 = arith.constant 2 : i32
        %dma_start3A_69 = arith.constant 0 : i32
        %dma_start3A_70 = arith.constant 0 : i32
        %dma_start3A_71 = tpu.memref_slice %arg14[%dma_start3A_68, %dma_start3A_69, %dma_start3A_70] : memref<4x80x144xf32, #tpu.memory_space<vmem>> -> memref<1x80x144xf32, #tpu.memory_space<vmem>>
        %dma_start3A_72 = tpu.memref_squeeze %dma_start3A_71 : memref<1x80x144xf32, #tpu.memory_space<vmem>> -> memref<80x144xf32, #tpu.memory_space<vmem>>
        %dma_start3A_73 = arith.constant 0 : i32
        %dma_start3A_74 = tpu.memref_slice %arg12[%dma_start3A_67, %dma_start3A_73] : memref<128x80xi32, #tpu.memory_space<vmem>> -> memref<1x80xi32, #tpu.memory_space<vmem>>
        %dma_start3A_75 = tpu.memref_squeeze %dma_start3A_74 : memref<1x80xi32, #tpu.memory_space<vmem>> -> memref<80xi32, #tpu.memory_space<vmem>>
        %dma_start3A_76 = arith.constant 0 : i32
        %dma_start3A_77 = arith.constant 0 : i32
        %dma_start3A_78 = tpu.memref_slice %arg5[%dma_start3A_76, %dma_start3A_77] : memref<10000x144xf32, #tpu.memory_space<hbm>> -> memref<10000x144xf32, #tpu.memory_space<hbm>>
        tpu.enqueue_indirect_dma source(%dma_start3A_78 : memref<10000x144xf32, #tpu.memory_space<hbm>>) target(%dma_start3A_72 : memref<80x144xf32, #tpu.memory_space<vmem>>) offsets(%dma_start3A_75 : memref<80xi32, #tpu.memory_space<vmem>>) semaphore(%arg18 : memref<!tpu.dma_semaphore, #tpu.memory_space<semaphore_mem>>)
      } else {
      }
    } else {
    }
    %gt3A_36 = arith.constant 3 : i32
    %gt3A_37 = arith.cmpi sgt, %select_n3A_8, %gt3A_36 : i32
    %convert_element_type3A_38 = arith.extui %gt3A_37 : i1 to i32
    %cond3A_39 = arith.constant 0 : i32
    %cond3A_40 = arith.cmpi ne, %convert_element_type3A_38, %cond3A_39 : i32
    scf.if %cond3A_40 {
      %eq3A_46 = arith.constant 0 : i32
      %eq3A_47 = arith.cmpi eq, %arg0, %eq3A_46 : i32
      %convert_element_type3A_48 = arith.extui %eq3A_47 : i1 to i32
      %cond3A_49 = arith.constant 0 : i32
      %cond3A_50 = arith.cmpi ne, %convert_element_type3A_48, %cond3A_49 : i32
      scf.if %cond3A_50 {
        %dma_start3A = arith.constant 3 : i32
        %dma_start3A_56 = arith.constant 3 : i32
        %dma_start3A_57 = arith.constant 0 : i32
        %dma_start3A_58 = arith.constant 0 : i32
        %dma_start3A_59 = tpu.memref_slice %arg13[%dma_start3A_56, %dma_start3A_57, %dma_start3A_58] : memref<4x80x144xf32, #tpu.memory_space<vmem>> -> memref<1x80x144xf32, #tpu.memory_space<vmem>>
        %dma_start3A_60 = tpu.memref_squeeze %dma_start3A_59 : memref<1x80x144xf32, #tpu.memory_space<vmem>> -> memref<80x144xf32, #tpu.memory_space<vmem>>
        %dma_start3A_61 = arith.constant 0 : i32
        %dma_start3A_62 = tpu.memref_slice %arg11[%dma_start3A, %dma_start3A_61] : memref<128x80xi32, #tpu.memory_space<vmem>> -> memref<1x80xi32, #tpu.memory_space<vmem>>
        %dma_start3A_63 = tpu.memref_squeeze %dma_start3A_62 : memref<1x80xi32, #tpu.memory_space<vmem>> -> memref<80xi32, #tpu.memory_space<vmem>>
        %dma_start3A_64 = arith.constant 0 : i32
        %dma_start3A_65 = arith.constant 0 : i32
        %dma_start3A_66 = tpu.memref_slice %arg2[%dma_start3A_64, %dma_start3A_65] : memref<10000x144xf32, #tpu.memory_space<hbm>> -> memref<10000x144xf32, #tpu.memory_space<hbm>>
        tpu.enqueue_indirect_dma source(%dma_start3A_66 : memref<10000x144xf32, #tpu.memory_space<hbm>>) target(%dma_start3A_60 : memref<80x144xf32, #tpu.memory_space<vmem>>) offsets(%dma_start3A_63 : memref<80xi32, #tpu.memory_space<vmem>>) semaphore(%arg19 : memref<!tpu.dma_semaphore, #tpu.memory_space<semaphore_mem>>)
        %dma_start3A_67 = arith.constant 3 : i32
        %dma_start3A_68 = arith.constant 3 : i32
        %dma_start3A_69 = arith.constant 0 : i32
        %dma_start3A_70 = arith.constant 0 : i32
        %dma_start3A_71 = tpu.memref_slice %arg14[%dma_start3A_68, %dma_start3A_69, %dma_start3A_70] : memref<4x80x144xf32, #tpu.memory_space<vmem>> -> memref<1x80x144xf32, #tpu.memory_space<vmem>>
        %dma_start3A_72 = tpu.memref_squeeze %dma_start3A_71 : memref<1x80x144xf32, #tpu.memory_space<vmem>> -> memref<80x144xf32, #tpu.memory_space<vmem>>
        %dma_start3A_73 = arith.constant 0 : i32
        %dma_start3A_74 = tpu.memref_slice %arg12[%dma_start3A_67, %dma_start3A_73] : memref<128x80xi32, #tpu.memory_space<vmem>> -> memref<1x80xi32, #tpu.memory_space<vmem>>
        %dma_start3A_75 = tpu.memref_squeeze %dma_start3A_74 : memref<1x80xi32, #tpu.memory_space<vmem>> -> memref<80xi32, #tpu.memory_space<vmem>>
        %dma_start3A_76 = arith.constant 0 : i32
        %dma_start3A_77 = arith.constant 0 : i32
        %dma_start3A_78 = tpu.memref_slice %arg3[%dma_start3A_76, %dma_start3A_77] : memref<10000x144xf32, #tpu.memory_space<hbm>> -> memref<10000x144xf32, #tpu.memory_space<hbm>>
        tpu.enqueue_indirect_dma source(%dma_start3A_78 : memref<10000x144xf32, #tpu.memory_space<hbm>>) target(%dma_start3A_72 : memref<80x144xf32, #tpu.memory_space<vmem>>) offsets(%dma_start3A_75 : memref<80xi32, #tpu.memory_space<vmem>>) semaphore(%arg19 : memref<!tpu.dma_semaphore, #tpu.memory_space<semaphore_mem>>)
      } else {
      }
      %eq3A_51 = arith.constant 1 : i32
      %eq3A_52 = arith.cmpi eq, %arg0, %eq3A_51 : i32
      %convert_element_type3A_53 = arith.extui %eq3A_52 : i1 to i32
      %cond3A_54 = arith.constant 0 : i32
      %cond3A_55 = arith.cmpi ne, %convert_element_type3A_53, %cond3A_54 : i32
      scf.if %cond3A_55 {
        %dma_start3A = arith.constant 3 : i32
        %dma_start3A_56 = arith.constant 3 : i32
        %dma_start3A_57 = arith.constant 0 : i32
        %dma_start3A_58 = arith.constant 0 : i32
        %dma_start3A_59 = tpu.memref_slice %arg13[%dma_start3A_56, %dma_start3A_57, %dma_start3A_58] : memref<4x80x144xf32, #tpu.memory_space<vmem>> -> memref<1x80x144xf32, #tpu.memory_space<vmem>>
        %dma_start3A_60 = tpu.memref_squeeze %dma_start3A_59 : memref<1x80x144xf32, #tpu.memory_space<vmem>> -> memref<80x144xf32, #tpu.memory_space<vmem>>
        %dma_start3A_61 = arith.constant 0 : i32
        %dma_start3A_62 = tpu.memref_slice %arg11[%dma_start3A, %dma_start3A_61] : memref<128x80xi32, #tpu.memory_space<vmem>> -> memref<1x80xi32, #tpu.memory_space<vmem>>
        %dma_start3A_63 = tpu.memref_squeeze %dma_start3A_62 : memref<1x80xi32, #tpu.memory_space<vmem>> -> memref<80xi32, #tpu.memory_space<vmem>>
        %dma_start3A_64 = arith.constant 0 : i32
        %dma_start3A_65 = arith.constant 0 : i32
        %dma_start3A_66 = tpu.memref_slice %arg4[%dma_start3A_64, %dma_start3A_65] : memref<10000x144xf32, #tpu.memory_space<hbm>> -> memref<10000x144xf32, #tpu.memory_space<hbm>>
        tpu.enqueue_indirect_dma source(%dma_start3A_66 : memref<10000x144xf32, #tpu.memory_space<hbm>>) target(%dma_start3A_60 : memref<80x144xf32, #tpu.memory_space<vmem>>) offsets(%dma_start3A_63 : memref<80xi32, #tpu.memory_space<vmem>>) semaphore(%arg19 : memref<!tpu.dma_semaphore, #tpu.memory_space<semaphore_mem>>)
        %dma_start3A_67 = arith.constant 3 : i32
        %dma_start3A_68 = arith.constant 3 : i32
        %dma_start3A_69 = arith.constant 0 : i32
        %dma_start3A_70 = arith.constant 0 : i32
        %dma_start3A_71 = tpu.memref_slice %arg14[%dma_start3A_68, %dma_start3A_69, %dma_start3A_70] : memref<4x80x144xf32, #tpu.memory_space<vmem>> -> memref<1x80x144xf32, #tpu.memory_space<vmem>>
        %dma_start3A_72 = tpu.memref_squeeze %dma_start3A_71 : memref<1x80x144xf32, #tpu.memory_space<vmem>> -> memref<80x144xf32, #tpu.memory_space<vmem>>
        %dma_start3A_73 = arith.constant 0 : i32
        %dma_start3A_74 = tpu.memref_slice %arg12[%dma_start3A_67, %dma_start3A_73] : memref<128x80xi32, #tpu.memory_space<vmem>> -> memref<1x80xi32, #tpu.memory_space<vmem>>
        %dma_start3A_75 = tpu.memref_squeeze %dma_start3A_74 : memref<1x80xi32, #tpu.memory_space<vmem>> -> memref<80xi32, #tpu.memory_space<vmem>>
        %dma_start3A_76 = arith.constant 0 : i32
        %dma_start3A_77 = arith.constant 0 : i32
        %dma_start3A_78 = tpu.memref_slice %arg5[%dma_start3A_76, %dma_start3A_77] : memref<10000x144xf32, #tpu.memory_space<hbm>> -> memref<10000x144xf32, #tpu.memory_space<hbm>>
        tpu.enqueue_indirect_dma source(%dma_start3A_78 : memref<10000x144xf32, #tpu.memory_space<hbm>>) target(%dma_start3A_72 : memref<80x144xf32, #tpu.memory_space<vmem>>) offsets(%dma_start3A_75 : memref<80xi32, #tpu.memory_space<vmem>>) semaphore(%arg19 : memref<!tpu.dma_semaphore, #tpu.memory_space<semaphore_mem>>)
      } else {
      }
    } else {
    }
    %scan3A = arith.constant 0 : i32
    %scan3A_41 = arith.constant 0 : i32
    %scan3A_42 = arith.constant 32 : i32
    %scan3A_43 = arith.addi %scan3A_41, %scan3A_42 : i32
    %scan3A_44 = arith.constant 1 : i32
    scf.for %scan3A_46 = %scan3A_41 to %scan3A_43 step %scan3A_44  : i32 {
      %mul3A_47 = arith.constant 4 : i32
      %mul3A_48 = arith.muli %mul3A_47, %scan3A_46 : i32
      %add3A_49 = arith.constant 0 : i32
      %add3A_50 = arith.addi %mul3A_48, %add3A_49 : i32
      %lt3A = arith.cmpi slt, %add3A_50, %select_n3A_8 : i32
      %convert_element_type3A_51 = arith.extui %lt3A : i1 to i32
      %cond3A_52 = arith.constant 0 : i32
      %cond3A_53 = arith.cmpi ne, %convert_element_type3A_51, %cond3A_52 : i32
      scf.if %cond3A_53 {
        %dma_wait3A = arith.constant 0 : i32
        %dma_wait3A_78 = arith.constant 0 : i32
        %dma_wait3A_79 = arith.constant 0 : i32
        %dma_wait3A_80 = tpu.memref_slice %arg13[%dma_wait3A, %dma_wait3A_78, %dma_wait3A_79] : memref<4x80x144xf32, #tpu.memory_space<vmem>> -> memref<1x80x144xf32, #tpu.memory_space<vmem>>
        %dma_wait3A_81 = tpu.memref_squeeze %dma_wait3A_80 : memref<1x80x144xf32, #tpu.memory_space<vmem>> -> memref<80x144xf32, #tpu.memory_space<vmem>>
        %dma_wait3A_82 = arith.constant 0 : i32
        %dma_wait3A_83 = tpu.memref_slice %arg11[%add3A_50, %dma_wait3A_82] : memref<128x80xi32, #tpu.memory_space<vmem>> -> memref<1x80xi32, #tpu.memory_space<vmem>>
        %dma_wait3A_84 = tpu.memref_squeeze %dma_wait3A_83 : memref<1x80xi32, #tpu.memory_space<vmem>> -> memref<80xi32, #tpu.memory_space<vmem>>
        %dma_wait3A_85 = arith.constant 0 : i32
        %dma_wait3A_86 = arith.constant 0 : i32
        %dma_wait3A_87 = tpu.memref_slice %arg2[%dma_wait3A_85, %dma_wait3A_86] : memref<10000x144xf32, #tpu.memory_space<hbm>> -> memref<10000x144xf32, #tpu.memory_space<hbm>>
        tpu.wait_indirect_dma semaphore(%arg16 : memref<!tpu.dma_semaphore, #tpu.memory_space<semaphore_mem>>) src(%dma_wait3A_87 : memref<10000x144xf32, #tpu.memory_space<hbm>>) dst(%dma_wait3A_81 : memref<80x144xf32, #tpu.memory_space<vmem>>)
        %dma_wait3A_88 = arith.constant 0 : i32
        %dma_wait3A_89 = arith.constant 0 : i32
        %dma_wait3A_90 = arith.constant 0 : i32
        %dma_wait3A_91 = tpu.memref_slice %arg14[%dma_wait3A_88, %dma_wait3A_89, %dma_wait3A_90] : memref<4x80x144xf32, #tpu.memory_space<vmem>> -> memref<1x80x144xf32, #tpu.memory_space<vmem>>
        %dma_wait3A_92 = tpu.memref_squeeze %dma_wait3A_91 : memref<1x80x144xf32, #tpu.memory_space<vmem>> -> memref<80x144xf32, #tpu.memory_space<vmem>>
        %dma_wait3A_93 = arith.constant 0 : i32
        %dma_wait3A_94 = tpu.memref_slice %arg12[%add3A_50, %dma_wait3A_93] : memref<128x80xi32, #tpu.memory_space<vmem>> -> memref<1x80xi32, #tpu.memory_space<vmem>>
        %dma_wait3A_95 = tpu.memref_squeeze %dma_wait3A_94 : memref<1x80xi32, #tpu.memory_space<vmem>> -> memref<80xi32, #tpu.memory_space<vmem>>
        %dma_wait3A_96 = arith.constant 0 : i32
        %dma_wait3A_97 = arith.constant 0 : i32
        %dma_wait3A_98 = tpu.memref_slice %arg3[%dma_wait3A_96, %dma_wait3A_97] : memref<10000x144xf32, #tpu.memory_space<hbm>> -> memref<10000x144xf32, #tpu.memory_space<hbm>>
        tpu.wait_indirect_dma semaphore(%arg16 : memref<!tpu.dma_semaphore, #tpu.memory_space<semaphore_mem>>) src(%dma_wait3A_98 : memref<10000x144xf32, #tpu.memory_space<hbm>>) dst(%dma_wait3A_92 : memref<80x144xf32, #tpu.memory_space<vmem>>)
        %scan3A_99 = arith.constant 0 : i32
        %scan3A_100 = arith.constant 0 : i32
        %scan3A_101 = arith.constant 10 : i32
        %scan3A_102 = arith.addi %scan3A_100, %scan3A_101 : i32
        %scan3A_103 = arith.constant 1 : i32
        scf.for %scan3A_198 = %scan3A_100 to %scan3A_102 step %scan3A_103  : i32 {
          %mul3A_199 = arith.constant 8 : i32
          %mul3A_200 = arith.muli %scan3A_198, %mul3A_199 : i32
          %add3A_201 = arith.constant 0 : i32
          %add3A_202 = arith.addi %mul3A_200, %add3A_201 : i32
          %get3A = arith.constant 0 : i32
          %get3A_203 = arith.index_cast %get3A : i32 to index
          %get3A_204 = arith.index_cast %add3A_202 : i32 to index
          %get3A_205 = arith.constant 128 : index
          %get3A_206 = tpu.vector_load %arg13[%get3A_203, %get3A_204, %get3A_205] {strides = array<i32>} : memref<4x80x144xf32, #tpu.memory_space<vmem>>, vector<1x1x16xf32>,
          %get3A_207 = vector.shape_cast %get3A_206 : vector<1x1x16xf32> to vector<16xf32>
          %mul3A_208 = arith.constant 8 : i32
          %mul3A_209 = arith.muli %scan3A_198, %mul3A_208 : i32
          %add3A_210 = arith.constant 0 : i32
          %add3A_211 = arith.addi %mul3A_209, %add3A_210 : i32
          %get3A_212 = arith.constant 0 : i32
          %get3A_213 = arith.index_cast %get3A_212 : i32 to index
          %get3A_214 = arith.index_cast %add3A_211 : i32 to index
          %get3A_215 = arith.constant 128 : index
          %get3A_216 = tpu.vector_load %arg14[%get3A_213, %get3A_214, %get3A_215] {strides = array<i32>} : memref<4x80x144xf32, #tpu.memory_space<vmem>>, vector<1x1x16xf32>,
          %get3A_217 = vector.shape_cast %get3A_216 : vector<1x1x16xf32> to vector<16xf32>
          %add3A_218 = arith.addf %get3A_207, %get3A_217 : vector<16xf32>
          %swap3A = arith.constant 0 : i32
          %swap3A_219 = arith.index_cast %swap3A : i32 to index
          %swap3A_220 = arith.index_cast %scan3A_198 : i32 to index
          %swap3A_221 = arith.constant 0 : index
          %swap3A_222 = tpu.vector_load %arg15[%swap3A_219, %swap3A_220, %swap3A_221] {strides = array<i32>} : memref<4x10x128xf32, #tpu.memory_space<vmem>>, vector<1x1x16xf32>,
          %swap3A_223 = vector.shape_cast %swap3A_222 : vector<1x1x16xf32> to vector<16xf32>
          %swap3A_224 = vector.shape_cast %add3A_218 : vector<16xf32> to vector<1x1x16xf32>
          tpu.vector_store %arg15[%swap3A_219, %swap3A_220, %swap3A_221], %swap3A_224 {strides = array<i32>} : memref<4x10x128xf32, #tpu.memory_space<vmem>>, vector<1x1x16xf32>,
          %mul3A_225 = arith.constant 8 : i32
          %mul3A_226 = arith.muli %scan3A_198, %mul3A_225 : i32
          %add3A_227 = arith.constant 1 : i32
          %add3A_228 = arith.addi %mul3A_226, %add3A_227 : i32
          %get3A_229 = arith.constant 0 : i32
          %get3A_230 = arith.index_cast %get3A_229 : i32 to index
          %get3A_231 = arith.index_cast %add3A_228 : i32 to index
          %get3A_232 = arith.constant 128 : index
          %get3A_233 = tpu.vector_load %arg13[%get3A_230, %get3A_231, %get3A_232] {strides = array<i32>} : memref<4x80x144xf32, #tpu.memory_space<vmem>>, vector<1x1x16xf32>,
          %get3A_234 = vector.shape_cast %get3A_233 : vector<1x1x16xf32> to vector<16xf32>
          %mul3A_235 = arith.constant 8 : i32
          %mul3A_236 = arith.muli %scan3A_198, %mul3A_235 : i32
          %add3A_237 = arith.constant 1 : i32
          %add3A_238 = arith.addi %mul3A_236, %add3A_237 : i32
          %get3A_239 = arith.constant 0 : i32
          %get3A_240 = arith.index_cast %get3A_239 : i32 to index
          %get3A_241 = arith.index_cast %add3A_238 : i32 to index
          %get3A_242 = arith.constant 128 : index
          %get3A_243 = tpu.vector_load %arg14[%get3A_240, %get3A_241, %get3A_242] {strides = array<i32>} : memref<4x80x144xf32, #tpu.memory_space<vmem>>, vector<1x1x16xf32>,
          %get3A_244 = vector.shape_cast %get3A_243 : vector<1x1x16xf32> to vector<16xf32>
          %add3A_245 = arith.addf %get3A_234, %get3A_244 : vector<16xf32>
          %swap3A_246 = arith.constant 0 : i32
          %swap3A_247 = arith.index_cast %swap3A_246 : i32 to index
          %swap3A_248 = arith.index_cast %scan3A_198 : i32 to index
          %swap3A_249 = arith.constant 16 : index
          %swap3A_250 = tpu.vector_load %arg15[%swap3A_247, %swap3A_248, %swap3A_249] {strides = array<i32>} : memref<4x10x128xf32, #tpu.memory_space<vmem>>, vector<1x1x16xf32>,
          %swap3A_251 = vector.shape_cast %swap3A_250 : vector<1x1x16xf32> to vector<16xf32>
          %swap3A_252 = vector.shape_cast %add3A_245 : vector<16xf32> to vector<1x1x16xf32>
          tpu.vector_store %arg15[%swap3A_247, %swap3A_248, %swap3A_249], %swap3A_252 {strides = array<i32>} : memref<4x10x128xf32, #tpu.memory_space<vmem>>, vector<1x1x16xf32>,
          %mul3A_253 = arith.constant 8 : i32
          %mul3A_254 = arith.muli %scan3A_198, %mul3A_253 : i32
          %add3A_255 = arith.constant 2 : i32
          %add3A_256 = arith.addi %mul3A_254, %add3A_255 : i32
          %get3A_257 = arith.constant 0 : i32
          %get3A_258 = arith.index_cast %get3A_257 : i32 to index
          %get3A_259 = arith.index_cast %add3A_256 : i32 to index
          %get3A_260 = arith.constant 128 : index
          %get3A_261 = tpu.vector_load %arg13[%get3A_258, %get3A_259, %get3A_260] {strides = array<i32>} : memref<4x80x144xf32, #tpu.memory_space<vmem>>, vector<1x1x16xf32>,
          %get3A_262 = vector.shape_cast %get3A_261 : vector<1x1x16xf32> to vector<16xf32>
          %mul3A_263 = arith.constant 8 : i32
          %mul3A_264 = arith.muli %scan3A_198, %mul3A_263 : i32
          %add3A_265 = arith.constant 2 : i32
          %add3A_266 = arith.addi %mul3A_264, %add3A_265 : i32
          %get3A_267 = arith.constant 0 : i32
          %get3A_268 = arith.index_cast %get3A_267 : i32 to index
          %get3A_269 = arith.index_cast %add3A_266 : i32 to index
          %get3A_270 = arith.constant 128 : index
          %get3A_271 = tpu.vector_load %arg14[%get3A_268, %get3A_269, %get3A_270] {strides = array<i32>} : memref<4x80x144xf32, #tpu.memory_space<vmem>>, vector<1x1x16xf32>,
          %get3A_272 = vector.shape_cast %get3A_271 : vector<1x1x16xf32> to vector<16xf32>
          %add3A_273 = arith.addf %get3A_262, %get3A_272 : vector<16xf32>
          %swap3A_274 = arith.constant 0 : i32
          %swap3A_275 = arith.index_cast %swap3A_274 : i32 to index
          %swap3A_276 = arith.index_cast %scan3A_198 : i32 to index
          %swap3A_277 = arith.constant 32 : index
          %swap3A_278 = tpu.vector_load %arg15[%swap3A_275, %swap3A_276, %swap3A_277] {strides = array<i32>} : memref<4x10x128xf32, #tpu.memory_space<vmem>>, vector<1x1x16xf32>,
          %swap3A_279 = vector.shape_cast %swap3A_278 : vector<1x1x16xf32> to vector<16xf32>
          %swap3A_280 = vector.shape_cast %add3A_273 : vector<16xf32> to vector<1x1x16xf32>
          tpu.vector_store %arg15[%swap3A_275, %swap3A_276, %swap3A_277], %swap3A_280 {strides = array<i32>} : memref<4x10x128xf32, #tpu.memory_space<vmem>>, vector<1x1x16xf32>,
          %mul3A_281 = arith.constant 8 : i32
          %mul3A_282 = arith.muli %scan3A_198, %mul3A_281 : i32
          %add3A_283 = arith.constant 3 : i32
          %add3A_284 = arith.addi %mul3A_282, %add3A_283 : i32
          %get3A_285 = arith.constant 0 : i32
          %get3A_286 = arith.index_cast %get3A_285 : i32 to index
          %get3A_287 = arith.index_cast %add3A_284 : i32 to index
          %get3A_288 = arith.constant 128 : index
          %get3A_289 = tpu.vector_load %arg13[%get3A_286, %get3A_287, %get3A_288] {strides = array<i32>} : memref<4x80x144xf32, #tpu.memory_space<vmem>>, vector<1x1x16xf32>,
          %get3A_290 = vector.shape_cast %get3A_289 : vector<1x1x16xf32> to vector<16xf32>
          %mul3A_291 = arith.constant 8 : i32
          %mul3A_292 = arith.muli %scan3A_198, %mul3A_291 : i32
          %add3A_293 = arith.constant 3 : i32
          %add3A_294 = arith.addi %mul3A_292, %add3A_293 : i32
          %get3A_295 = arith.constant 0 : i32
          %get3A_296 = arith.index_cast %get3A_295 : i32 to index
          %get3A_297 = arith.index_cast %add3A_294 : i32 to index
          %get3A_298 = arith.constant 128 : index
          %get3A_299 = tpu.vector_load %arg14[%get3A_296, %get3A_297, %get3A_298] {strides = array<i32>} : memref<4x80x144xf32, #tpu.memory_space<vmem>>, vector<1x1x16xf32>,
          %get3A_300 = vector.shape_cast %get3A_299 : vector<1x1x16xf32> to vector<16xf32>
          %add3A_301 = arith.addf %get3A_290, %get3A_300 : vector<16xf32>
          %swap3A_302 = arith.constant 0 : i32
          %swap3A_303 = arith.index_cast %swap3A_302 : i32 to index
          %swap3A_304 = arith.index_cast %scan3A_198 : i32 to index
          %swap3A_305 = arith.constant 48 : index
          %swap3A_306 = tpu.vector_load %arg15[%swap3A_303, %swap3A_304, %swap3A_305] {strides = array<i32>} : memref<4x10x128xf32, #tpu.memory_space<vmem>>, vector<1x1x16xf32>,
          %swap3A_307 = vector.shape_cast %swap3A_306 : vector<1x1x16xf32> to vector<16xf32>
          %swap3A_308 = vector.shape_cast %add3A_301 : vector<16xf32> to vector<1x1x16xf32>
          tpu.vector_store %arg15[%swap3A_303, %swap3A_304, %swap3A_305], %swap3A_308 {strides = array<i32>} : memref<4x10x128xf32, #tpu.memory_space<vmem>>, vector<1x1x16xf32>,
          %mul3A_309 = arith.constant 8 : i32
          %mul3A_310 = arith.muli %scan3A_198, %mul3A_309 : i32
          %add3A_311 = arith.constant 4 : i32
          %add3A_312 = arith.addi %mul3A_310, %add3A_311 : i32
          %get3A_313 = arith.constant 0 : i32
          %get3A_314 = arith.index_cast %get3A_313 : i32 to index
          %get3A_315 = arith.index_cast %add3A_312 : i32 to index
          %get3A_316 = arith.constant 128 : index
          %get3A_317 = tpu.vector_load %arg13[%get3A_314, %get3A_315, %get3A_316] {strides = array<i32>} : memref<4x80x144xf32, #tpu.memory_space<vmem>>, vector<1x1x16xf32>,
          %get3A_318 = vector.shape_cast %get3A_317 : vector<1x1x16xf32> to vector<16xf32>
          %mul3A_319 = arith.constant 8 : i32
          %mul3A_320 = arith.muli %scan3A_198, %mul3A_319 : i32
          %add3A_321 = arith.constant 4 : i32
          %add3A_322 = arith.addi %mul3A_320, %add3A_321 : i32
          %get3A_323 = arith.constant 0 : i32
          %get3A_324 = arith.index_cast %get3A_323 : i32 to index
          %get3A_325 = arith.index_cast %add3A_322 : i32 to index
          %get3A_326 = arith.constant 128 : index
          %get3A_327 = tpu.vector_load %arg14[%get3A_324, %get3A_325, %get3A_326] {strides = array<i32>} : memref<4x80x144xf32, #tpu.memory_space<vmem>>, vector<1x1x16xf32>,
          %get3A_328 = vector.shape_cast %get3A_327 : vector<1x1x16xf32> to vector<16xf32>
          %add3A_329 = arith.addf %get3A_318, %get3A_328 : vector<16xf32>
          %swap3A_330 = arith.constant 0 : i32
          %swap3A_331 = arith.index_cast %swap3A_330 : i32 to index
          %swap3A_332 = arith.index_cast %scan3A_198 : i32 to index
          %swap3A_333 = arith.constant 64 : index
          %swap3A_334 = tpu.vector_load %arg15[%swap3A_331, %swap3A_332, %swap3A_333] {strides = array<i32>} : memref<4x10x128xf32, #tpu.memory_space<vmem>>, vector<1x1x16xf32>,
          %swap3A_335 = vector.shape_cast %swap3A_334 : vector<1x1x16xf32> to vector<16xf32>
          %swap3A_336 = vector.shape_cast %add3A_329 : vector<16xf32> to vector<1x1x16xf32>
          tpu.vector_store %arg15[%swap3A_331, %swap3A_332, %swap3A_333], %swap3A_336 {strides = array<i32>} : memref<4x10x128xf32, #tpu.memory_space<vmem>>, vector<1x1x16xf32>,
          %mul3A_337 = arith.constant 8 : i32
          %mul3A_338 = arith.muli %scan3A_198, %mul3A_337 : i32
          %add3A_339 = arith.constant 5 : i32
          %add3A_340 = arith.addi %mul3A_338, %add3A_339 : i32
          %get3A_341 = arith.constant 0 : i32
          %get3A_342 = arith.index_cast %get3A_341 : i32 to index
          %get3A_343 = arith.index_cast %add3A_340 : i32 to index
          %get3A_344 = arith.constant 128 : index
          %get3A_345 = tpu.vector_load %arg13[%get3A_342, %get3A_343, %get3A_344] {strides = array<i32>} : memref<4x80x144xf32, #tpu.memory_space<vmem>>, vector<1x1x16xf32>,
          %get3A_346 = vector.shape_cast %get3A_345 : vector<1x1x16xf32> to vector<16xf32>
          %mul3A_347 = arith.constant 8 : i32
          %mul3A_348 = arith.muli %scan3A_198, %mul3A_347 : i32
          %add3A_349 = arith.constant 5 : i32
          %add3A_350 = arith.addi %mul3A_348, %add3A_349 : i32
          %get3A_351 = arith.constant 0 : i32
          %get3A_352 = arith.index_cast %get3A_351 : i32 to index
          %get3A_353 = arith.index_cast %add3A_350 : i32 to index
          %get3A_354 = arith.constant 128 : index
          %get3A_355 = tpu.vector_load %arg14[%get3A_352, %get3A_353, %get3A_354] {strides = array<i32>} : memref<4x80x144xf32, #tpu.memory_space<vmem>>, vector<1x1x16xf32>,
          %get3A_356 = vector.shape_cast %get3A_355 : vector<1x1x16xf32> to vector<16xf32>
          %add3A_357 = arith.addf %get3A_346, %get3A_356 : vector<16xf32>
          %swap3A_358 = arith.constant 0 : i32
          %swap3A_359 = arith.index_cast %swap3A_358 : i32 to index
          %swap3A_360 = arith.index_cast %scan3A_198 : i32 to index
          %swap3A_361 = arith.constant 80 : index
          %swap3A_362 = tpu.vector_load %arg15[%swap3A_359, %swap3A_360, %swap3A_361] {strides = array<i32>} : memref<4x10x128xf32, #tpu.memory_space<vmem>>, vector<1x1x16xf32>,
          %swap3A_363 = vector.shape_cast %swap3A_362 : vector<1x1x16xf32> to vector<16xf32>
          %swap3A_364 = vector.shape_cast %add3A_357 : vector<16xf32> to vector<1x1x16xf32>
          tpu.vector_store %arg15[%swap3A_359, %swap3A_360, %swap3A_361], %swap3A_364 {strides = array<i32>} : memref<4x10x128xf32, #tpu.memory_space<vmem>>, vector<1x1x16xf32>,
          %mul3A_365 = arith.constant 8 : i32
          %mul3A_366 = arith.muli %scan3A_198, %mul3A_365 : i32
          %add3A_367 = arith.constant 6 : i32
          %add3A_368 = arith.addi %mul3A_366, %add3A_367 : i32
          %get3A_369 = arith.constant 0 : i32
          %get3A_370 = arith.index_cast %get3A_369 : i32 to index
          %get3A_371 = arith.index_cast %add3A_368 : i32 to index
          %get3A_372 = arith.constant 128 : index
          %get3A_373 = tpu.vector_load %arg13[%get3A_370, %get3A_371, %get3A_372] {strides = array<i32>} : memref<4x80x144xf32, #tpu.memory_space<vmem>>, vector<1x1x16xf32>,
          %get3A_374 = vector.shape_cast %get3A_373 : vector<1x1x16xf32> to vector<16xf32>
          %mul3A_375 = arith.constant 8 : i32
          %mul3A_376 = arith.muli %scan3A_198, %mul3A_375 : i32
          %add3A_377 = arith.constant 6 : i32
          %add3A_378 = arith.addi %mul3A_376, %add3A_377 : i32
          %get3A_379 = arith.constant 0 : i32
          %get3A_380 = arith.index_cast %get3A_379 : i32 to index
          %get3A_381 = arith.index_cast %add3A_378 : i32 to index
          %get3A_382 = arith.constant 128 : index
          %get3A_383 = tpu.vector_load %arg14[%get3A_380, %get3A_381, %get3A_382] {strides = array<i32>} : memref<4x80x144xf32, #tpu.memory_space<vmem>>, vector<1x1x16xf32>,
          %get3A_384 = vector.shape_cast %get3A_383 : vector<1x1x16xf32> to vector<16xf32>
          %add3A_385 = arith.addf %get3A_374, %get3A_384 : vector<16xf32>
          %swap3A_386 = arith.constant 0 : i32
          %swap3A_387 = arith.index_cast %swap3A_386 : i32 to index
          %swap3A_388 = arith.index_cast %scan3A_198 : i32 to index
          %swap3A_389 = arith.constant 96 : index
          %swap3A_390 = tpu.vector_load %arg15[%swap3A_387, %swap3A_388, %swap3A_389] {strides = array<i32>} : memref<4x10x128xf32, #tpu.memory_space<vmem>>, vector<1x1x16xf32>,
          %swap3A_391 = vector.shape_cast %swap3A_390 : vector<1x1x16xf32> to vector<16xf32>
          %swap3A_392 = vector.shape_cast %add3A_385 : vector<16xf32> to vector<1x1x16xf32>
          tpu.vector_store %arg15[%swap3A_387, %swap3A_388, %swap3A_389], %swap3A_392 {strides = array<i32>} : memref<4x10x128xf32, #tpu.memory_space<vmem>>, vector<1x1x16xf32>,
          %mul3A_393 = arith.constant 8 : i32
          %mul3A_394 = arith.muli %scan3A_198, %mul3A_393 : i32
          %add3A_395 = arith.constant 7 : i32
          %add3A_396 = arith.addi %mul3A_394, %add3A_395 : i32
          %get3A_397 = arith.constant 0 : i32
          %get3A_398 = arith.index_cast %get3A_397 : i32 to index
          %get3A_399 = arith.index_cast %add3A_396 : i32 to index
          %get3A_400 = arith.constant 128 : index
          %get3A_401 = tpu.vector_load %arg13[%get3A_398, %get3A_399, %get3A_400] {strides = array<i32>} : memref<4x80x144xf32, #tpu.memory_space<vmem>>, vector<1x1x16xf32>,
          %get3A_402 = vector.shape_cast %get3A_401 : vector<1x1x16xf32> to vector<16xf32>
          %mul3A_403 = arith.constant 8 : i32
          %mul3A_404 = arith.muli %scan3A_198, %mul3A_403 : i32
          %add3A_405 = arith.constant 7 : i32
          %add3A_406 = arith.addi %mul3A_404, %add3A_405 : i32
          %get3A_407 = arith.constant 0 : i32
          %get3A_408 = arith.index_cast %get3A_407 : i32 to index
          %get3A_409 = arith.index_cast %add3A_406 : i32 to index
          %get3A_410 = arith.constant 128 : index
          %get3A_411 = tpu.vector_load %arg14[%get3A_408, %get3A_409, %get3A_410] {strides = array<i32>} : memref<4x80x144xf32, #tpu.memory_space<vmem>>, vector<1x1x16xf32>,
          %get3A_412 = vector.shape_cast %get3A_411 : vector<1x1x16xf32> to vector<16xf32>
          %add3A_413 = arith.addf %get3A_402, %get3A_412 : vector<16xf32>
          %swap3A_414 = arith.constant 0 : i32
          %swap3A_415 = arith.index_cast %swap3A_414 : i32 to index
          %swap3A_416 = arith.index_cast %scan3A_198 : i32 to index
          %swap3A_417 = arith.constant 112 : index
          %swap3A_418 = tpu.vector_load %arg15[%swap3A_415, %swap3A_416, %swap3A_417] {strides = array<i32>} : memref<4x10x128xf32, #tpu.memory_space<vmem>>, vector<1x1x16xf32>,
          %swap3A_419 = vector.shape_cast %swap3A_418 : vector<1x1x16xf32> to vector<16xf32>
          %swap3A_420 = vector.shape_cast %add3A_413 : vector<16xf32> to vector<1x1x16xf32>
          tpu.vector_store %arg15[%swap3A_415, %swap3A_416, %swap3A_417], %swap3A_420 {strides = array<i32>} : memref<4x10x128xf32, #tpu.memory_space<vmem>>, vector<1x1x16xf32>,
        }
        %scan3A_104 = arith.constant 10 : i32
        %add3A_105 = arith.addi %select_n3A, %add3A_50 : i32
        %mul3A_106 = arith.constant 80 : i32
        %mul3A_107 = arith.muli %add3A_105, %mul3A_106 : i32
        %mul3A_108 = arith.constant 10 : i32
        %mul3A_109 = arith.muli %add3A_105, %mul3A_108 : i32
        %dma_start3A = arith.constant 0 : i32
        %dma_start3A_110 = arith.constant 0 : i32
        %dma_start3A_111 = arith.constant 0 : i32
        %dma_start3A_112 = tpu.memref_slice %arg13[%dma_start3A, %dma_start3A_110, %dma_start3A_111] : memref<4x80x144xf32, #tpu.memory_space<vmem>> -> memref<1x80x128xf32, #tpu.memory_space<vmem>>
        %dma_start3A_113 = tpu.memref_squeeze %dma_start3A_112 : memref<1x80x128xf32, #tpu.memory_space<vmem>> -> memref<80x128xf32, #tpu.memory_space<vmem>>
        %dma_start3A_114 = arith.constant 0 : i32
        %dma_start3A_115 = tpu.memref_slice %arg8[%mul3A_107, %dma_start3A_114] : memref<327680x128xf32, #tpu.memory_space<hbm>> -> memref<80x128xf32, #tpu.memory_space<hbm>>
        %dma_start3A_116 = arith.constant 0 : i32
        %dma_start3A_117 = tpu.memref_slice %arg8[%mul3A_107, %dma_start3A_116] : memref<327680x128xf32, #tpu.memory_space<hbm>> -> memref<80x128xf32, #tpu.memory_space<hbm>>
        %dma_start3A_118 = arith.constant 0 : i32
        %dma_start3A_119 = arith.constant 0 : i32
        %dma_start3A_120 = tpu.memref_slice %arg13[%dma_start3A, %dma_start3A_118, %dma_start3A_119] : memref<4x80x144xf32, #tpu.memory_space<vmem>> -> memref<1x80x128xf32, #tpu.memory_space<vmem>>
        %dma_start3A_121 = tpu.memref_squeeze %dma_start3A_120 : memref<1x80x128xf32, #tpu.memory_space<vmem>> -> memref<80x128xf32, #tpu.memory_space<vmem>>
        tpu.enqueue_dma source(%dma_start3A_121 : memref<80x128xf32, #tpu.memory_space<vmem>>) target(%dma_start3A_117 : memref<80x128xf32, #tpu.memory_space<hbm>>) target_semaphore(%arg20 : memref<!tpu.dma_semaphore, #tpu.memory_space<semaphore_mem>>)
        %dma_start3A_122 = arith.constant 0 : i32
        %dma_start3A_123 = arith.constant 0 : i32
        %dma_start3A_124 = arith.constant 0 : i32
        %dma_start3A_125 = tpu.memref_slice %arg14[%dma_start3A_122, %dma_start3A_123, %dma_start3A_124] : memref<4x80x144xf32, #tpu.memory_space<vmem>> -> memref<1x80x128xf32, #tpu.memory_space<vmem>>
        %dma_start3A_126 = tpu.memref_squeeze %dma_start3A_125 : memref<1x80x128xf32, #tpu.memory_space<vmem>> -> memref<80x128xf32, #tpu.memory_space<vmem>>
        %dma_start3A_127 = arith.constant 0 : i32
        %dma_start3A_128 = tpu.memref_slice %arg9[%mul3A_107, %dma_start3A_127] : memref<327680x128xf32, #tpu.memory_space<hbm>> -> memref<80x128xf32, #tpu.memory_space<hbm>>
        %dma_start3A_129 = arith.constant 0 : i32
        %dma_start3A_130 = tpu.memref_slice %arg9[%mul3A_107, %dma_start3A_129] : memref<327680x128xf32, #tpu.memory_space<hbm>> -> memref<80x128xf32, #tpu.memory_space<hbm>>
        %dma_start3A_131 = arith.constant 0 : i32
        %dma_start3A_132 = arith.constant 0 : i32
        %dma_start3A_133 = tpu.memref_slice %arg14[%dma_start3A_122, %dma_start3A_131, %dma_start3A_132] : memref<4x80x144xf32, #tpu.memory_space<vmem>> -> memref<1x80x128xf32, #tpu.memory_space<vmem>>
        %dma_start3A_134 = tpu.memref_squeeze %dma_start3A_133 : memref<1x80x128xf32, #tpu.memory_space<vmem>> -> memref<80x128xf32, #tpu.memory_space<vmem>>
        tpu.enqueue_dma source(%dma_start3A_134 : memref<80x128xf32, #tpu.memory_space<vmem>>) target(%dma_start3A_130 : memref<80x128xf32, #tpu.memory_space<hbm>>) target_semaphore(%arg20 : memref<!tpu.dma_semaphore, #tpu.memory_space<semaphore_mem>>)
        %dma_start3A_135 = arith.constant 0 : i32
        %dma_start3A_136 = arith.constant 0 : i32
        %dma_start3A_137 = arith.constant 0 : i32
        %dma_start3A_138 = tpu.memref_slice %arg15[%dma_start3A_135, %dma_start3A_136, %dma_start3A_137] : memref<4x10x128xf32, #tpu.memory_space<vmem>> -> memref<1x10x128xf32, #tpu.memory_space<vmem>>
        %dma_start3A_139 = tpu.memref_squeeze %dma_start3A_138 : memref<1x10x128xf32, #tpu.memory_space<vmem>> -> memref<10x128xf32, #tpu.memory_space<vmem>>
        %dma_start3A_140 = arith.constant 0 : i32
        %dma_start3A_141 = tpu.memref_slice %arg10[%mul3A_109, %dma_start3A_140] : memref<40960x128xf32, #tpu.memory_space<hbm>> -> memref<10x128xf32, #tpu.memory_space<hbm>>
        %dma_start3A_142 = arith.constant 0 : i32
        %dma_start3A_143 = tpu.memref_slice %arg10[%mul3A_109, %dma_start3A_142] : memref<40960x128xf32, #tpu.memory_space<hbm>> -> memref<10x128xf32, #tpu.memory_space<hbm>>
        %dma_start3A_144 = arith.constant 0 : i32
        %dma_start3A_145 = arith.constant 0 : i32
        %dma_start3A_146 = tpu.memref_slice %arg15[%dma_start3A_135, %dma_start3A_144, %dma_start3A_145] : memref<4x10x128xf32, #tpu.memory_space<vmem>> -> memref<1x10x128xf32, #tpu.memory_space<vmem>>
        %dma_start3A_147 = tpu.memref_squeeze %dma_start3A_146 : memref<1x10x128xf32, #tpu.memory_space<vmem>> -> memref<10x128xf32, #tpu.memory_space<vmem>>
        tpu.enqueue_dma source(%dma_start3A_147 : memref<10x128xf32, #tpu.memory_space<vmem>>) target(%dma_start3A_143 : memref<10x128xf32, #tpu.memory_space<hbm>>) target_semaphore(%arg20 : memref<!tpu.dma_semaphore, #tpu.memory_space<semaphore_mem>>)
        %add3A_148 = arith.addi %select_n3A, %add3A_50 : i32
        %mul3A_149 = arith.constant 80 : i32
        %mul3A_150 = arith.muli %add3A_148, %mul3A_149 : i32
        %mul3A_151 = arith.constant 10 : i32
        %mul3A_152 = arith.muli %add3A_148, %mul3A_151 : i32
        %dma_wait3A_153 = arith.constant 0 : i32
        %dma_wait3A_154 = arith.constant 0 : i32
        %dma_wait3A_155 = arith.constant 0 : i32
        %dma_wait3A_156 = tpu.memref_slice %arg13[%dma_wait3A_153, %dma_wait3A_154, %dma_wait3A_155] : memref<4x80x144xf32, #tpu.memory_space<vmem>> -> memref<1x80x128xf32, #tpu.memory_space<vmem>>
        %dma_wait3A_157 = tpu.memref_squeeze %dma_wait3A_156 : memref<1x80x128xf32, #tpu.memory_space<vmem>> -> memref<80x128xf32, #tpu.memory_space<vmem>>
        %dma_wait3A_158 = arith.constant 0 : i32
        %dma_wait3A_159 = tpu.memref_slice %arg8[%mul3A_150, %dma_wait3A_158] : memref<327680x128xf32, #tpu.memory_space<hbm>> -> memref<80x128xf32, #tpu.memory_space<hbm>>
        %dma_wait3A_160 = arith.constant 0 : i32
        %dma_wait3A_161 = tpu.memref_slice %arg8[%mul3A_150, %dma_wait3A_160] : memref<327680x128xf32, #tpu.memory_space<hbm>> -> memref<80x128xf32, #tpu.memory_space<hbm>>
        %dma_wait3A_162 = arith.constant 0 : i32
        %dma_wait3A_163 = arith.constant 0 : i32
        %dma_wait3A_164 = tpu.memref_slice %arg13[%dma_wait3A_153, %dma_wait3A_162, %dma_wait3A_163] : memref<4x80x144xf32, #tpu.memory_space<vmem>> -> memref<1x80x128xf32, #tpu.memory_space<vmem>>
        %dma_wait3A_165 = tpu.memref_squeeze %dma_wait3A_164 : memref<1x80x128xf32, #tpu.memory_space<vmem>> -> memref<80x128xf32, #tpu.memory_space<vmem>>
        tpu.wait_dma2 semaphore(%arg20 : memref<!tpu.dma_semaphore, #tpu.memory_space<semaphore_mem>>) src(%dma_wait3A_165 : memref<80x128xf32, #tpu.memory_space<vmem>>) dst(%dma_wait3A_161 : memref<80x128xf32, #tpu.memory_space<hbm>>)
        %dma_wait3A_166 = arith.constant 0 : i32
        %dma_wait3A_167 = arith.constant 0 : i32
        %dma_wait3A_168 = arith.constant 0 : i32
        %dma_wait3A_169 = tpu.memref_slice %arg14[%dma_wait3A_166, %dma_wait3A_167, %dma_wait3A_168] : memref<4x80x144xf32, #tpu.memory_space<vmem>> -> memref<1x80x128xf32, #tpu.memory_space<vmem>>
        %dma_wait3A_170 = tpu.memref_squeeze %dma_wait3A_169 : memref<1x80x128xf32, #tpu.memory_space<vmem>> -> memref<80x128xf32, #tpu.memory_space<vmem>>
        %dma_wait3A_171 = arith.constant 0 : i32
        %dma_wait3A_172 = tpu.memref_slice %arg9[%mul3A_150, %dma_wait3A_171] : memref<327680x128xf32, #tpu.memory_space<hbm>> -> memref<80x128xf32, #tpu.memory_space<hbm>>
        %dma_wait3A_173 = arith.constant 0 : i32
        %dma_wait3A_174 = tpu.memref_slice %arg9[%mul3A_150, %dma_wait3A_173] : memref<327680x128xf32, #tpu.memory_space<hbm>> -> memref<80x128xf32, #tpu.memory_space<hbm>>
        %dma_wait3A_175 = arith.constant 0 : i32
        %dma_wait3A_176 = arith.constant 0 : i32
        %dma_wait3A_177 = tpu.memref_slice %arg14[%dma_wait3A_166, %dma_wait3A_175, %dma_wait3A_176] : memref<4x80x144xf32, #tpu.memory_space<vmem>> -> memref<1x80x128xf32, #tpu.memory_space<vmem>>
        %dma_wait3A_178 = tpu.memref_squeeze %dma_wait3A_177 : memref<1x80x128xf32, #tpu.memory_space<vmem>> -> memref<80x128xf32, #tpu.memory_space<vmem>>
        tpu.wait_dma2 semaphore(%arg20 : memref<!tpu.dma_semaphore, #tpu.memory_space<semaphore_mem>>) src(%dma_wait3A_178 : memref<80x128xf32, #tpu.memory_space<vmem>>) dst(%dma_wait3A_174 : memref<80x128xf32, #tpu.memory_space<hbm>>)
        %dma_wait3A_179 = arith.constant 0 : i32
        %dma_wait3A_180 = arith.constant 0 : i32
        %dma_wait3A_181 = arith.constant 0 : i32
        %dma_wait3A_182 = tpu.memref_slice %arg15[%dma_wait3A_179, %dma_wait3A_180, %dma_wait3A_181] : memref<4x10x128xf32, #tpu.memory_space<vmem>> -> memref<1x10x128xf32, #tpu.memory_space<vmem>>
        %dma_wait3A_183 = tpu.memref_squeeze %dma_wait3A_182 : memref<1x10x128xf32, #tpu.memory_space<vmem>> -> memref<10x128xf32, #tpu.memory_space<vmem>>
        %dma_wait3A_184 = arith.constant 0 : i32
        %dma_wait3A_185 = tpu.memref_slice %arg10[%mul3A_152, %dma_wait3A_184] : memref<40960x128xf32, #tpu.memory_space<hbm>> -> memref<10x128xf32, #tpu.memory_space<hbm>>
        %dma_wait3A_186 = arith.constant 0 : i32
        %dma_wait3A_187 = tpu.memref_slice %arg10[%mul3A_152, %dma_wait3A_186] : memref<40960x128xf32, #tpu.memory_space<hbm>> -> memref<10x128xf32, #tpu.memory_space<hbm>>
        %dma_wait3A_188 = arith.constant 0 : i32
        %dma_wait3A_189 = arith.constant 0 : i32
        %dma_wait3A_190 = tpu.memref_slice %arg15[%dma_wait3A_179, %dma_wait3A_188, %dma_wait3A_189] : memref<4x10x128xf32, #tpu.memory_space<vmem>> -> memref<1x10x128xf32, #tpu.memory_space<vmem>>
        %dma_wait3A_191 = tpu.memref_squeeze %dma_wait3A_190 : memref<1x10x128xf32, #tpu.memory_space<vmem>> -> memref<10x128xf32, #tpu.memory_space<vmem>>
        tpu.wait_dma2 semaphore(%arg20 : memref<!tpu.dma_semaphore, #tpu.memory_space<semaphore_mem>>) src(%dma_wait3A_191 : memref<10x128xf32, #tpu.memory_space<vmem>>) dst(%dma_wait3A_187 : memref<10x128xf32, #tpu.memory_space<hbm>>)
        %add3A_192 = arith.constant 4 : i32
        %add3A_193 = arith.addi %add3A_50, %add3A_192 : i32
        %lt3A_194 = arith.cmpi slt, %add3A_193, %select_n3A_8 : i32
        %convert_element_type3A_195 = arith.extui %lt3A_194 : i1 to i32
        %cond3A_196 = arith.constant 0 : i32
        %cond3A_197 = arith.cmpi ne, %convert_element_type3A_195, %cond3A_196 : i32
        scf.if %cond3A_197 {
          %eq3A_198 = arith.constant 0 : i32
          %eq3A_199 = arith.cmpi eq, %arg0, %eq3A_198 : i32
          %convert_element_type3A_200 = arith.extui %eq3A_199 : i1 to i32
          %cond3A_201 = arith.constant 0 : i32
          %cond3A_202 = arith.cmpi ne, %convert_element_type3A_200, %cond3A_201 : i32
          scf.if %cond3A_202 {
            %dma_start3A_208 = arith.constant 0 : i32
            %dma_start3A_209 = arith.constant 0 : i32
            %dma_start3A_210 = arith.constant 0 : i32
            %dma_start3A_211 = tpu.memref_slice %arg13[%dma_start3A_208, %dma_start3A_209, %dma_start3A_210] : memref<4x80x144xf32, #tpu.memory_space<vmem>> -> memref<1x80x144xf32, #tpu.memory_space<vmem>>
            %dma_start3A_212 = tpu.memref_squeeze %dma_start3A_211 : memref<1x80x144xf32, #tpu.memory_space<vmem>> -> memref<80x144xf32, #tpu.memory_space<vmem>>
            %dma_start3A_213 = arith.constant 0 : i32
            %dma_start3A_214 = tpu.memref_slice %arg11[%add3A_193, %dma_start3A_213] : memref<128x80xi32, #tpu.memory_space<vmem>> -> memref<1x80xi32, #tpu.memory_space<vmem>>
            %dma_start3A_215 = tpu.memref_squeeze %dma_start3A_214 : memref<1x80xi32, #tpu.memory_space<vmem>> -> memref<80xi32, #tpu.memory_space<vmem>>
            %dma_start3A_216 = arith.constant 0 : i32
            %dma_start3A_217 = arith.constant 0 : i32
            %dma_start3A_218 = tpu.memref_slice %arg2[%dma_start3A_216, %dma_start3A_217] : memref<10000x144xf32, #tpu.memory_space<hbm>> -> memref<10000x144xf32, #tpu.memory_space<hbm>>
            tpu.enqueue_indirect_dma source(%dma_start3A_218 : memref<10000x144xf32, #tpu.memory_space<hbm>>) target(%dma_start3A_212 : memref<80x144xf32, #tpu.memory_space<vmem>>) offsets(%dma_start3A_215 : memref<80xi32, #tpu.memory_space<vmem>>) semaphore(%arg16 : memref<!tpu.dma_semaphore, #tpu.memory_space<semaphore_mem>>)
            %dma_start3A_219 = arith.constant 0 : i32
            %dma_start3A_220 = arith.constant 0 : i32
            %dma_start3A_221 = arith.constant 0 : i32
            %dma_start3A_222 = tpu.memref_slice %arg14[%dma_start3A_219, %dma_start3A_220, %dma_start3A_221] : memref<4x80x144xf32, #tpu.memory_space<vmem>> -> memref<1x80x144xf32, #tpu.memory_space<vmem>>
            %dma_start3A_223 = tpu.memref_squeeze %dma_start3A_222 : memref<1x80x144xf32, #tpu.memory_space<vmem>> -> memref<80x144xf32, #tpu.memory_space<vmem>>
            %dma_start3A_224 = arith.constant 0 : i32
            %dma_start3A_225 = tpu.memref_slice %arg12[%add3A_193, %dma_start3A_224] : memref<128x80xi32, #tpu.memory_space<vmem>> -> memref<1x80xi32, #tpu.memory_space<vmem>>
            %dma_start3A_226 = tpu.memref_squeeze %dma_start3A_225 : memref<1x80xi32, #tpu.memory_space<vmem>> -> memref<80xi32, #tpu.memory_space<vmem>>
            %dma_start3A_227 = arith.constant 0 : i32
            %dma_start3A_228 = arith.constant 0 : i32
            %dma_start3A_229 = tpu.memref_slice %arg3[%dma_start3A_227, %dma_start3A_228] : memref<10000x144xf32, #tpu.memory_space<hbm>> -> memref<10000x144xf32, #tpu.memory_space<hbm>>
            tpu.enqueue_indirect_dma source(%dma_start3A_229 : memref<10000x144xf32, #tpu.memory_space<hbm>>) target(%dma_start3A_223 : memref<80x144xf32, #tpu.memory_space<vmem>>) offsets(%dma_start3A_226 : memref<80xi32, #tpu.memory_space<vmem>>) semaphore(%arg16 : memref<!tpu.dma_semaphore, #tpu.memory_space<semaphore_mem>>)
          } else {
          }
          %eq3A_203 = arith.constant 1 : i32
          %eq3A_204 = arith.cmpi eq, %arg0, %eq3A_203 : i32
          %convert_element_type3A_205 = arith.extui %eq3A_204 : i1 to i32
          %cond3A_206 = arith.constant 0 : i32
          %cond3A_207 = arith.cmpi ne, %convert_element_type3A_205, %cond3A_206 : i32
          scf.if %cond3A_207 {
            %dma_start3A_208 = arith.constant 0 : i32
            %dma_start3A_209 = arith.constant 0 : i32
            %dma_start3A_210 = arith.constant 0 : i32
            %dma_start3A_211 = tpu.memref_slice %arg13[%dma_start3A_208, %dma_start3A_209, %dma_start3A_210] : memref<4x80x144xf32, #tpu.memory_space<vmem>> -> memref<1x80x144xf32, #tpu.memory_space<vmem>>
            %dma_start3A_212 = tpu.memref_squeeze %dma_start3A_211 : memref<1x80x144xf32, #tpu.memory_space<vmem>> -> memref<80x144xf32, #tpu.memory_space<vmem>>
            %dma_start3A_213 = arith.constant 0 : i32
            %dma_start3A_214 = tpu.memref_slice %arg11[%add3A_193, %dma_start3A_213] : memref<128x80xi32, #tpu.memory_space<vmem>> -> memref<1x80xi32, #tpu.memory_space<vmem>>
            %dma_start3A_215 = tpu.memref_squeeze %dma_start3A_214 : memref<1x80xi32, #tpu.memory_space<vmem>> -> memref<80xi32, #tpu.memory_space<vmem>>
            %dma_start3A_216 = arith.constant 0 : i32
            %dma_start3A_217 = arith.constant 0 : i32
            %dma_start3A_218 = tpu.memref_slice %arg4[%dma_start3A_216, %dma_start3A_217] : memref<10000x144xf32, #tpu.memory_space<hbm>> -> memref<10000x144xf32, #tpu.memory_space<hbm>>
            tpu.enqueue_indirect_dma source(%dma_start3A_218 : memref<10000x144xf32, #tpu.memory_space<hbm>>) target(%dma_start3A_212 : memref<80x144xf32, #tpu.memory_space<vmem>>) offsets(%dma_start3A_215 : memref<80xi32, #tpu.memory_space<vmem>>) semaphore(%arg16 : memref<!tpu.dma_semaphore, #tpu.memory_space<semaphore_mem>>)
            %dma_start3A_219 = arith.constant 0 : i32
            %dma_start3A_220 = arith.constant 0 : i32
            %dma_start3A_221 = arith.constant 0 : i32
            %dma_start3A_222 = tpu.memref_slice %arg14[%dma_start3A_219, %dma_start3A_220, %dma_start3A_221] : memref<4x80x144xf32, #tpu.memory_space<vmem>> -> memref<1x80x144xf32, #tpu.memory_space<vmem>>
            %dma_start3A_223 = tpu.memref_squeeze %dma_start3A_222 : memref<1x80x144xf32, #tpu.memory_space<vmem>> -> memref<80x144xf32, #tpu.memory_space<vmem>>
            %dma_start3A_224 = arith.constant 0 : i32
            %dma_start3A_225 = tpu.memref_slice %arg12[%add3A_193, %dma_start3A_224] : memref<128x80xi32, #tpu.memory_space<vmem>> -> memref<1x80xi32, #tpu.memory_space<vmem>>
            %dma_start3A_226 = tpu.memref_squeeze %dma_start3A_225 : memref<1x80xi32, #tpu.memory_space<vmem>> -> memref<80xi32, #tpu.memory_space<vmem>>
            %dma_start3A_227 = arith.constant 0 : i32
            %dma_start3A_228 = arith.constant 0 : i32
            %dma_start3A_229 = tpu.memref_slice %arg5[%dma_start3A_227, %dma_start3A_228] : memref<10000x144xf32, #tpu.memory_space<hbm>> -> memref<10000x144xf32, #tpu.memory_space<hbm>>
            tpu.enqueue_indirect_dma source(%dma_start3A_229 : memref<10000x144xf32, #tpu.memory_space<hbm>>) target(%dma_start3A_223 : memref<80x144xf32, #tpu.memory_space<vmem>>) offsets(%dma_start3A_226 : memref<80xi32, #tpu.memory_space<vmem>>) semaphore(%arg16 : memref<!tpu.dma_semaphore, #tpu.memory_space<semaphore_mem>>)
          } else {
          }
        } else {
        }
      } else {
      }
      %mul3A_54 = arith.constant 4 : i32
      %mul3A_55 = arith.muli %mul3A_54, %scan3A_46 : i32
      %add3A_56 = arith.constant 1 : i32
      %add3A_57 = arith.addi %mul3A_55, %add3A_56 : i32
      %lt3A_58 = arith.cmpi slt, %add3A_57, %select_n3A_8 : i32
      %convert_element_type3A_59 = arith.extui %lt3A_58 : i1 to i32
      %cond3A_60 = arith.constant 0 : i32
      %cond3A_61 = arith.cmpi ne, %convert_element_type3A_59, %cond3A_60 : i32
      scf.if %cond3A_61 {
        %dma_wait3A = arith.constant 1 : i32
        %dma_wait3A_78 = arith.constant 0 : i32
        %dma_wait3A_79 = arith.constant 0 : i32
        %dma_wait3A_80 = tpu.memref_slice %arg13[%dma_wait3A, %dma_wait3A_78, %dma_wait3A_79] : memref<4x80x144xf32, #tpu.memory_space<vmem>> -> memref<1x80x144xf32, #tpu.memory_space<vmem>>
        %dma_wait3A_81 = tpu.memref_squeeze %dma_wait3A_80 : memref<1x80x144xf32, #tpu.memory_space<vmem>> -> memref<80x144xf32, #tpu.memory_space<vmem>>
        %dma_wait3A_82 = arith.constant 0 : i32
        %dma_wait3A_83 = tpu.memref_slice %arg11[%add3A_57, %dma_wait3A_82] : memref<128x80xi32, #tpu.memory_space<vmem>> -> memref<1x80xi32, #tpu.memory_space<vmem>>
        %dma_wait3A_84 = tpu.memref_squeeze %dma_wait3A_83 : memref<1x80xi32, #tpu.memory_space<vmem>> -> memref<80xi32, #tpu.memory_space<vmem>>
        %dma_wait3A_85 = arith.constant 0 : i32
        %dma_wait3A_86 = arith.constant 0 : i32
        %dma_wait3A_87 = tpu.memref_slice %arg2[%dma_wait3A_85, %dma_wait3A_86] : memref<10000x144xf32, #tpu.memory_space<hbm>> -> memref<10000x144xf32, #tpu.memory_space<hbm>>
        tpu.wait_indirect_dma semaphore(%arg17 : memref<!tpu.dma_semaphore, #tpu.memory_space<semaphore_mem>>) src(%dma_wait3A_87 : memref<10000x144xf32, #tpu.memory_space<hbm>>) dst(%dma_wait3A_81 : memref<80x144xf32, #tpu.memory_space<vmem>>)
        %dma_wait3A_88 = arith.constant 1 : i32
        %dma_wait3A_89 = arith.constant 0 : i32
        %dma_wait3A_90 = arith.constant 0 : i32
        %dma_wait3A_91 = tpu.memref_slice %arg14[%dma_wait3A_88, %dma_wait3A_89, %dma_wait3A_90] : memref<4x80x144xf32, #tpu.memory_space<vmem>> -> memref<1x80x144xf32, #tpu.memory_space<vmem>>
        %dma_wait3A_92 = tpu.memref_squeeze %dma_wait3A_91 : memref<1x80x144xf32, #tpu.memory_space<vmem>> -> memref<80x144xf32, #tpu.memory_space<vmem>>
        %dma_wait3A_93 = arith.constant 0 : i32
        %dma_wait3A_94 = tpu.memref_slice %arg12[%add3A_57, %dma_wait3A_93] : memref<128x80xi32, #tpu.memory_space<vmem>> -> memref<1x80xi32, #tpu.memory_space<vmem>>
        %dma_wait3A_95 = tpu.memref_squeeze %dma_wait3A_94 : memref<1x80xi32, #tpu.memory_space<vmem>> -> memref<80xi32, #tpu.memory_space<vmem>>
        %dma_wait3A_96 = arith.constant 0 : i32
        %dma_wait3A_97 = arith.constant 0 : i32
        %dma_wait3A_98 = tpu.memref_slice %arg3[%dma_wait3A_96, %dma_wait3A_97] : memref<10000x144xf32, #tpu.memory_space<hbm>> -> memref<10000x144xf32, #tpu.memory_space<hbm>>
        tpu.wait_indirect_dma semaphore(%arg17 : memref<!tpu.dma_semaphore, #tpu.memory_space<semaphore_mem>>) src(%dma_wait3A_98 : memref<10000x144xf32, #tpu.memory_space<hbm>>) dst(%dma_wait3A_92 : memref<80x144xf32, #tpu.memory_space<vmem>>)
        %scan3A_99 = arith.constant 0 : i32
        %scan3A_100 = arith.constant 0 : i32
        %scan3A_101 = arith.constant 10 : i32
        %scan3A_102 = arith.addi %scan3A_100, %scan3A_101 : i32
        %scan3A_103 = arith.constant 1 : i32
        scf.for %scan3A_198 = %scan3A_100 to %scan3A_102 step %scan3A_103  : i32 {
          %mul3A_199 = arith.constant 8 : i32
          %mul3A_200 = arith.muli %scan3A_198, %mul3A_199 : i32
          %add3A_201 = arith.constant 0 : i32
          %add3A_202 = arith.addi %mul3A_200, %add3A_201 : i32
          %get3A = arith.constant 1 : i32
          %get3A_203 = arith.index_cast %get3A : i32 to index
          %get3A_204 = arith.index_cast %add3A_202 : i32 to index
          %get3A_205 = arith.constant 128 : index
          %get3A_206 = tpu.vector_load %arg13[%get3A_203, %get3A_204, %get3A_205] {strides = array<i32>} : memref<4x80x144xf32, #tpu.memory_space<vmem>>, vector<1x1x16xf32>,
          %get3A_207 = vector.shape_cast %get3A_206 : vector<1x1x16xf32> to vector<16xf32>
          %mul3A_208 = arith.constant 8 : i32
          %mul3A_209 = arith.muli %scan3A_198, %mul3A_208 : i32
          %add3A_210 = arith.constant 0 : i32
          %add3A_211 = arith.addi %mul3A_209, %add3A_210 : i32
          %get3A_212 = arith.constant 1 : i32
          %get3A_213 = arith.index_cast %get3A_212 : i32 to index
          %get3A_214 = arith.index_cast %add3A_211 : i32 to index
          %get3A_215 = arith.constant 128 : index
          %get3A_216 = tpu.vector_load %arg14[%get3A_213, %get3A_214, %get3A_215] {strides = array<i32>} : memref<4x80x144xf32, #tpu.memory_space<vmem>>, vector<1x1x16xf32>,
          %get3A_217 = vector.shape_cast %get3A_216 : vector<1x1x16xf32> to vector<16xf32>
          %add3A_218 = arith.addf %get3A_207, %get3A_217 : vector<16xf32>
          %swap3A = arith.constant 1 : i32
          %swap3A_219 = arith.index_cast %swap3A : i32 to index
          %swap3A_220 = arith.index_cast %scan3A_198 : i32 to index
          %swap3A_221 = arith.constant 0 : index
          %swap3A_222 = tpu.vector_load %arg15[%swap3A_219, %swap3A_220, %swap3A_221] {strides = array<i32>} : memref<4x10x128xf32, #tpu.memory_space<vmem>>, vector<1x1x16xf32>,
          %swap3A_223 = vector.shape_cast %swap3A_222 : vector<1x1x16xf32> to vector<16xf32>
          %swap3A_224 = vector.shape_cast %add3A_218 : vector<16xf32> to vector<1x1x16xf32>
          tpu.vector_store %arg15[%swap3A_219, %swap3A_220, %swap3A_221], %swap3A_224 {strides = array<i32>} : memref<4x10x128xf32, #tpu.memory_space<vmem>>, vector<1x1x16xf32>,
          %mul3A_225 = arith.constant 8 : i32
          %mul3A_226 = arith.muli %scan3A_198, %mul3A_225 : i32
          %add3A_227 = arith.constant 1 : i32
          %add3A_228 = arith.addi %mul3A_226, %add3A_227 : i32
          %get3A_229 = arith.constant 1 : i32
          %get3A_230 = arith.index_cast %get3A_229 : i32 to index
          %get3A_231 = arith.index_cast %add3A_228 : i32 to index
          %get3A_232 = arith.constant 128 : index
          %get3A_233 = tpu.vector_load %arg13[%get3A_230, %get3A_231, %get3A_232] {strides = array<i32>} : memref<4x80x144xf32, #tpu.memory_space<vmem>>, vector<1x1x16xf32>,
          %get3A_234 = vector.shape_cast %get3A_233 : vector<1x1x16xf32> to vector<16xf32>
          %mul3A_235 = arith.constant 8 : i32
          %mul3A_236 = arith.muli %scan3A_198, %mul3A_235 : i32
          %add3A_237 = arith.constant 1 : i32
          %add3A_238 = arith.addi %mul3A_236, %add3A_237 : i32
          %get3A_239 = arith.constant 1 : i32
          %get3A_240 = arith.index_cast %get3A_239 : i32 to index
          %get3A_241 = arith.index_cast %add3A_238 : i32 to index
          %get3A_242 = arith.constant 128 : index
          %get3A_243 = tpu.vector_load %arg14[%get3A_240, %get3A_241, %get3A_242] {strides = array<i32>} : memref<4x80x144xf32, #tpu.memory_space<vmem>>, vector<1x1x16xf32>,
          %get3A_244 = vector.shape_cast %get3A_243 : vector<1x1x16xf32> to vector<16xf32>
          %add3A_245 = arith.addf %get3A_234, %get3A_244 : vector<16xf32>
          %swap3A_246 = arith.constant 1 : i32
          %swap3A_247 = arith.index_cast %swap3A_246 : i32 to index
          %swap3A_248 = arith.index_cast %scan3A_198 : i32 to index
          %swap3A_249 = arith.constant 16 : index
          %swap3A_250 = tpu.vector_load %arg15[%swap3A_247, %swap3A_248, %swap3A_249] {strides = array<i32>} : memref<4x10x128xf32, #tpu.memory_space<vmem>>, vector<1x1x16xf32>,
          %swap3A_251 = vector.shape_cast %swap3A_250 : vector<1x1x16xf32> to vector<16xf32>
          %swap3A_252 = vector.shape_cast %add3A_245 : vector<16xf32> to vector<1x1x16xf32>
          tpu.vector_store %arg15[%swap3A_247, %swap3A_248, %swap3A_249], %swap3A_252 {strides = array<i32>} : memref<4x10x128xf32, #tpu.memory_space<vmem>>, vector<1x1x16xf32>,
          %mul3A_253 = arith.constant 8 : i32
          %mul3A_254 = arith.muli %scan3A_198, %mul3A_253 : i32
          %add3A_255 = arith.constant 2 : i32
          %add3A_256 = arith.addi %mul3A_254, %add3A_255 : i32
          %get3A_257 = arith.constant 1 : i32
          %get3A_258 = arith.index_cast %get3A_257 : i32 to index
          %get3A_259 = arith.index_cast %add3A_256 : i32 to index
          %get3A_260 = arith.constant 128 : index
          %get3A_261 = tpu.vector_load %arg13[%get3A_258, %get3A_259, %get3A_260] {strides = array<i32>} : memref<4x80x144xf32, #tpu.memory_space<vmem>>, vector<1x1x16xf32>,
          %get3A_262 = vector.shape_cast %get3A_261 : vector<1x1x16xf32> to vector<16xf32>
          %mul3A_263 = arith.constant 8 : i32
          %mul3A_264 = arith.muli %scan3A_198, %mul3A_263 : i32
          %add3A_265 = arith.constant 2 : i32
          %add3A_266 = arith.addi %mul3A_264, %add3A_265 : i32
          %get3A_267 = arith.constant 1 : i32
          %get3A_268 = arith.index_cast %get3A_267 : i32 to index
          %get3A_269 = arith.index_cast %add3A_266 : i32 to index
          %get3A_270 = arith.constant 128 : index
          %get3A_271 = tpu.vector_load %arg14[%get3A_268, %get3A_269, %get3A_270] {strides = array<i32>} : memref<4x80x144xf32, #tpu.memory_space<vmem>>, vector<1x1x16xf32>,
          %get3A_272 = vector.shape_cast %get3A_271 : vector<1x1x16xf32> to vector<16xf32>
          %add3A_273 = arith.addf %get3A_262, %get3A_272 : vector<16xf32>
          %swap3A_274 = arith.constant 1 : i32
          %swap3A_275 = arith.index_cast %swap3A_274 : i32 to index
          %swap3A_276 = arith.index_cast %scan3A_198 : i32 to index
          %swap3A_277 = arith.constant 32 : index
          %swap3A_278 = tpu.vector_load %arg15[%swap3A_275, %swap3A_276, %swap3A_277] {strides = array<i32>} : memref<4x10x128xf32, #tpu.memory_space<vmem>>, vector<1x1x16xf32>,
          %swap3A_279 = vector.shape_cast %swap3A_278 : vector<1x1x16xf32> to vector<16xf32>
          %swap3A_280 = vector.shape_cast %add3A_273 : vector<16xf32> to vector<1x1x16xf32>
          tpu.vector_store %arg15[%swap3A_275, %swap3A_276, %swap3A_277], %swap3A_280 {strides = array<i32>} : memref<4x10x128xf32, #tpu.memory_space<vmem>>, vector<1x1x16xf32>,
          %mul3A_281 = arith.constant 8 : i32
          %mul3A_282 = arith.muli %scan3A_198, %mul3A_281 : i32
          %add3A_283 = arith.constant 3 : i32
          %add3A_284 = arith.addi %mul3A_282, %add3A_283 : i32
          %get3A_285 = arith.constant 1 : i32
          %get3A_286 = arith.index_cast %get3A_285 : i32 to index
          %get3A_287 = arith.index_cast %add3A_284 : i32 to index
          %get3A_288 = arith.constant 128 : index
          %get3A_289 = tpu.vector_load %arg13[%get3A_286, %get3A_287, %get3A_288] {strides = array<i32>} : memref<4x80x144xf32, #tpu.memory_space<vmem>>, vector<1x1x16xf32>,
          %get3A_290 = vector.shape_cast %get3A_289 : vector<1x1x16xf32> to vector<16xf32>
          %mul3A_291 = arith.constant 8 : i32
          %mul3A_292 = arith.muli %scan3A_198, %mul3A_291 : i32
          %add3A_293 = arith.constant 3 : i32
          %add3A_294 = arith.addi %mul3A_292, %add3A_293 : i32
          %get3A_295 = arith.constant 1 : i32
          %get3A_296 = arith.index_cast %get3A_295 : i32 to index
          %get3A_297 = arith.index_cast %add3A_294 : i32 to index
          %get3A_298 = arith.constant 128 : index
          %get3A_299 = tpu.vector_load %arg14[%get3A_296, %get3A_297, %get3A_298] {strides = array<i32>} : memref<4x80x144xf32, #tpu.memory_space<vmem>>, vector<1x1x16xf32>,
          %get3A_300 = vector.shape_cast %get3A_299 : vector<1x1x16xf32> to vector<16xf32>
          %add3A_301 = arith.addf %get3A_290, %get3A_300 : vector<16xf32>
          %swap3A_302 = arith.constant 1 : i32
          %swap3A_303 = arith.index_cast %swap3A_302 : i32 to index
          %swap3A_304 = arith.index_cast %scan3A_198 : i32 to index
          %swap3A_305 = arith.constant 48 : index
          %swap3A_306 = tpu.vector_load %arg15[%swap3A_303, %swap3A_304, %swap3A_305] {strides = array<i32>} : memref<4x10x128xf32, #tpu.memory_space<vmem>>, vector<1x1x16xf32>,
          %swap3A_307 = vector.shape_cast %swap3A_306 : vector<1x1x16xf32> to vector<16xf32>
          %swap3A_308 = vector.shape_cast %add3A_301 : vector<16xf32> to vector<1x1x16xf32>
          tpu.vector_store %arg15[%swap3A_303, %swap3A_304, %swap3A_305], %swap3A_308 {strides = array<i32>} : memref<4x10x128xf32, #tpu.memory_space<vmem>>, vector<1x1x16xf32>,
          %mul3A_309 = arith.constant 8 : i32
          %mul3A_310 = arith.muli %scan3A_198, %mul3A_309 : i32
          %add3A_311 = arith.constant 4 : i32
          %add3A_312 = arith.addi %mul3A_310, %add3A_311 : i32
          %get3A_313 = arith.constant 1 : i32
          %get3A_314 = arith.index_cast %get3A_313 : i32 to index
          %get3A_315 = arith.index_cast %add3A_312 : i32 to index
          %get3A_316 = arith.constant 128 : index
          %get3A_317 = tpu.vector_load %arg13[%get3A_314, %get3A_315, %get3A_316] {strides = array<i32>} : memref<4x80x144xf32, #tpu.memory_space<vmem>>, vector<1x1x16xf32>,
          %get3A_318 = vector.shape_cast %get3A_317 : vector<1x1x16xf32> to vector<16xf32>
          %mul3A_319 = arith.constant 8 : i32
          %mul3A_320 = arith.muli %scan3A_198, %mul3A_319 : i32
          %add3A_321 = arith.constant 4 : i32
          %add3A_322 = arith.addi %mul3A_320, %add3A_321 : i32
          %get3A_323 = arith.constant 1 : i32
          %get3A_324 = arith.index_cast %get3A_323 : i32 to index
          %get3A_325 = arith.index_cast %add3A_322 : i32 to index
          %get3A_326 = arith.constant 128 : index
          %get3A_327 = tpu.vector_load %arg14[%get3A_324, %get3A_325, %get3A_326] {strides = array<i32>} : memref<4x80x144xf32, #tpu.memory_space<vmem>>, vector<1x1x16xf32>,
          %get3A_328 = vector.shape_cast %get3A_327 : vector<1x1x16xf32> to vector<16xf32>
          %add3A_329 = arith.addf %get3A_318, %get3A_328 : vector<16xf32>
          %swap3A_330 = arith.constant 1 : i32
          %swap3A_331 = arith.index_cast %swap3A_330 : i32 to index
          %swap3A_332 = arith.index_cast %scan3A_198 : i32 to index
          %swap3A_333 = arith.constant 64 : index
          %swap3A_334 = tpu.vector_load %arg15[%swap3A_331, %swap3A_332, %swap3A_333] {strides = array<i32>} : memref<4x10x128xf32, #tpu.memory_space<vmem>>, vector<1x1x16xf32>,
          %swap3A_335 = vector.shape_cast %swap3A_334 : vector<1x1x16xf32> to vector<16xf32>
          %swap3A_336 = vector.shape_cast %add3A_329 : vector<16xf32> to vector<1x1x16xf32>
          tpu.vector_store %arg15[%swap3A_331, %swap3A_332, %swap3A_333], %swap3A_336 {strides = array<i32>} : memref<4x10x128xf32, #tpu.memory_space<vmem>>, vector<1x1x16xf32>,
          %mul3A_337 = arith.constant 8 : i32
          %mul3A_338 = arith.muli %scan3A_198, %mul3A_337 : i32
          %add3A_339 = arith.constant 5 : i32
          %add3A_340 = arith.addi %mul3A_338, %add3A_339 : i32
          %get3A_341 = arith.constant 1 : i32
          %get3A_342 = arith.index_cast %get3A_341 : i32 to index
          %get3A_343 = arith.index_cast %add3A_340 : i32 to index
          %get3A_344 = arith.constant 128 : index
          %get3A_345 = tpu.vector_load %arg13[%get3A_342, %get3A_343, %get3A_344] {strides = array<i32>} : memref<4x80x144xf32, #tpu.memory_space<vmem>>, vector<1x1x16xf32>,
          %get3A_346 = vector.shape_cast %get3A_345 : vector<1x1x16xf32> to vector<16xf32>
          %mul3A_347 = arith.constant 8 : i32
          %mul3A_348 = arith.muli %scan3A_198, %mul3A_347 : i32
          %add3A_349 = arith.constant 5 : i32
          %add3A_350 = arith.addi %mul3A_348, %add3A_349 : i32
          %get3A_351 = arith.constant 1 : i32
          %get3A_352 = arith.index_cast %get3A_351 : i32 to index
          %get3A_353 = arith.index_cast %add3A_350 : i32 to index
          %get3A_354 = arith.constant 128 : index
          %get3A_355 = tpu.vector_load %arg14[%get3A_352, %get3A_353, %get3A_354] {strides = array<i32>} : memref<4x80x144xf32, #tpu.memory_space<vmem>>, vector<1x1x16xf32>,
          %get3A_356 = vector.shape_cast %get3A_355 : vector<1x1x16xf32> to vector<16xf32>
          %add3A_357 = arith.addf %get3A_346, %get3A_356 : vector<16xf32>
          %swap3A_358 = arith.constant 1 : i32
          %swap3A_359 = arith.index_cast %swap3A_358 : i32 to index
          %swap3A_360 = arith.index_cast %scan3A_198 : i32 to index
          %swap3A_361 = arith.constant 80 : index
          %swap3A_362 = tpu.vector_load %arg15[%swap3A_359, %swap3A_360, %swap3A_361] {strides = array<i32>} : memref<4x10x128xf32, #tpu.memory_space<vmem>>, vector<1x1x16xf32>,
          %swap3A_363 = vector.shape_cast %swap3A_362 : vector<1x1x16xf32> to vector<16xf32>
          %swap3A_364 = vector.shape_cast %add3A_357 : vector<16xf32> to vector<1x1x16xf32>
          tpu.vector_store %arg15[%swap3A_359, %swap3A_360, %swap3A_361], %swap3A_364 {strides = array<i32>} : memref<4x10x128xf32, #tpu.memory_space<vmem>>, vector<1x1x16xf32>,
          %mul3A_365 = arith.constant 8 : i32
          %mul3A_366 = arith.muli %scan3A_198, %mul3A_365 : i32
          %add3A_367 = arith.constant 6 : i32
          %add3A_368 = arith.addi %mul3A_366, %add3A_367 : i32
          %get3A_369 = arith.constant 1 : i32
          %get3A_370 = arith.index_cast %get3A_369 : i32 to index
          %get3A_371 = arith.index_cast %add3A_368 : i32 to index
          %get3A_372 = arith.constant 128 : index
          %get3A_373 = tpu.vector_load %arg13[%get3A_370, %get3A_371, %get3A_372] {strides = array<i32>} : memref<4x80x144xf32, #tpu.memory_space<vmem>>, vector<1x1x16xf32>,
          %get3A_374 = vector.shape_cast %get3A_373 : vector<1x1x16xf32> to vector<16xf32>
          %mul3A_375 = arith.constant 8 : i32
          %mul3A_376 = arith.muli %scan3A_198, %mul3A_375 : i32
          %add3A_377 = arith.constant 6 : i32
          %add3A_378 = arith.addi %mul3A_376, %add3A_377 : i32
          %get3A_379 = arith.constant 1 : i32
          %get3A_380 = arith.index_cast %get3A_379 : i32 to index
          %get3A_381 = arith.index_cast %add3A_378 : i32 to index
          %get3A_382 = arith.constant 128 : index
          %get3A_383 = tpu.vector_load %arg14[%get3A_380, %get3A_381, %get3A_382] {strides = array<i32>} : memref<4x80x144xf32, #tpu.memory_space<vmem>>, vector<1x1x16xf32>,
          %get3A_384 = vector.shape_cast %get3A_383 : vector<1x1x16xf32> to vector<16xf32>
          %add3A_385 = arith.addf %get3A_374, %get3A_384 : vector<16xf32>
          %swap3A_386 = arith.constant 1 : i32
          %swap3A_387 = arith.index_cast %swap3A_386 : i32 to index
          %swap3A_388 = arith.index_cast %scan3A_198 : i32 to index
          %swap3A_389 = arith.constant 96 : index
          %swap3A_390 = tpu.vector_load %arg15[%swap3A_387, %swap3A_388, %swap3A_389] {strides = array<i32>} : memref<4x10x128xf32, #tpu.memory_space<vmem>>, vector<1x1x16xf32>,
          %swap3A_391 = vector.shape_cast %swap3A_390 : vector<1x1x16xf32> to vector<16xf32>
          %swap3A_392 = vector.shape_cast %add3A_385 : vector<16xf32> to vector<1x1x16xf32>
          tpu.vector_store %arg15[%swap3A_387, %swap3A_388, %swap3A_389], %swap3A_392 {strides = array<i32>} : memref<4x10x128xf32, #tpu.memory_space<vmem>>, vector<1x1x16xf32>,
          %mul3A_393 = arith.constant 8 : i32
          %mul3A_394 = arith.muli %scan3A_198, %mul3A_393 : i32
          %add3A_395 = arith.constant 7 : i32
          %add3A_396 = arith.addi %mul3A_394, %add3A_395 : i32
          %get3A_397 = arith.constant 1 : i32
          %get3A_398 = arith.index_cast %get3A_397 : i32 to index
          %get3A_399 = arith.index_cast %add3A_396 : i32 to index
          %get3A_400 = arith.constant 128 : index
          %get3A_401 = tpu.vector_load %arg13[%get3A_398, %get3A_399, %get3A_400] {strides = array<i32>} : memref<4x80x144xf32, #tpu.memory_space<vmem>>, vector<1x1x16xf32>,
          %get3A_402 = vector.shape_cast %get3A_401 : vector<1x1x16xf32> to vector<16xf32>
          %mul3A_403 = arith.constant 8 : i32
          %mul3A_404 = arith.muli %scan3A_198, %mul3A_403 : i32
          %add3A_405 = arith.constant 7 : i32
          %add3A_406 = arith.addi %mul3A_404, %add3A_405 : i32
          %get3A_407 = arith.constant 1 : i32
          %get3A_408 = arith.index_cast %get3A_407 : i32 to index
          %get3A_409 = arith.index_cast %add3A_406 : i32 to index
          %get3A_410 = arith.constant 128 : index
          %get3A_411 = tpu.vector_load %arg14[%get3A_408, %get3A_409, %get3A_410] {strides = array<i32>} : memref<4x80x144xf32, #tpu.memory_space<vmem>>, vector<1x1x16xf32>,
          %get3A_412 = vector.shape_cast %get3A_411 : vector<1x1x16xf32> to vector<16xf32>
          %add3A_413 = arith.addf %get3A_402, %get3A_412 : vector<16xf32>
          %swap3A_414 = arith.constant 1 : i32
          %swap3A_415 = arith.index_cast %swap3A_414 : i32 to index
          %swap3A_416 = arith.index_cast %scan3A_198 : i32 to index
          %swap3A_417 = arith.constant 112 : index
          %swap3A_418 = tpu.vector_load %arg15[%swap3A_415, %swap3A_416, %swap3A_417] {strides = array<i32>} : memref<4x10x128xf32, #tpu.memory_space<vmem>>, vector<1x1x16xf32>,
          %swap3A_419 = vector.shape_cast %swap3A_418 : vector<1x1x16xf32> to vector<16xf32>
          %swap3A_420 = vector.shape_cast %add3A_413 : vector<16xf32> to vector<1x1x16xf32>
          tpu.vector_store %arg15[%swap3A_415, %swap3A_416, %swap3A_417], %swap3A_420 {strides = array<i32>} : memref<4x10x128xf32, #tpu.memory_space<vmem>>, vector<1x1x16xf32>,
        }
        %scan3A_104 = arith.constant 10 : i32
        %add3A_105 = arith.addi %select_n3A, %add3A_57 : i32
        %mul3A_106 = arith.constant 80 : i32
        %mul3A_107 = arith.muli %add3A_105, %mul3A_106 : i32
        %mul3A_108 = arith.constant 10 : i32
        %mul3A_109 = arith.muli %add3A_105, %mul3A_108 : i32
        %dma_start3A = arith.constant 1 : i32
        %dma_start3A_110 = arith.constant 0 : i32
        %dma_start3A_111 = arith.constant 0 : i32
        %dma_start3A_112 = tpu.memref_slice %arg13[%dma_start3A, %dma_start3A_110, %dma_start3A_111] : memref<4x80x144xf32, #tpu.memory_space<vmem>> -> memref<1x80x128xf32, #tpu.memory_space<vmem>>
        %dma_start3A_113 = tpu.memref_squeeze %dma_start3A_112 : memref<1x80x128xf32, #tpu.memory_space<vmem>> -> memref<80x128xf32, #tpu.memory_space<vmem>>
        %dma_start3A_114 = arith.constant 0 : i32
        %dma_start3A_115 = tpu.memref_slice %arg8[%mul3A_107, %dma_start3A_114] : memref<327680x128xf32, #tpu.memory_space<hbm>> -> memref<80x128xf32, #tpu.memory_space<hbm>>
        %dma_start3A_116 = arith.constant 0 : i32
        %dma_start3A_117 = tpu.memref_slice %arg8[%mul3A_107, %dma_start3A_116] : memref<327680x128xf32, #tpu.memory_space<hbm>> -> memref<80x128xf32, #tpu.memory_space<hbm>>
        %dma_start3A_118 = arith.constant 0 : i32
        %dma_start3A_119 = arith.constant 0 : i32
        %dma_start3A_120 = tpu.memref_slice %arg13[%dma_start3A, %dma_start3A_118, %dma_start3A_119] : memref<4x80x144xf32, #tpu.memory_space<vmem>> -> memref<1x80x128xf32, #tpu.memory_space<vmem>>
        %dma_start3A_121 = tpu.memref_squeeze %dma_start3A_120 : memref<1x80x128xf32, #tpu.memory_space<vmem>> -> memref<80x128xf32, #tpu.memory_space<vmem>>
        tpu.enqueue_dma source(%dma_start3A_121 : memref<80x128xf32, #tpu.memory_space<vmem>>) target(%dma_start3A_117 : memref<80x128xf32, #tpu.memory_space<hbm>>) target_semaphore(%arg21 : memref<!tpu.dma_semaphore, #tpu.memory_space<semaphore_mem>>)
        %dma_start3A_122 = arith.constant 1 : i32
        %dma_start3A_123 = arith.constant 0 : i32
        %dma_start3A_124 = arith.constant 0 : i32
        %dma_start3A_125 = tpu.memref_slice %arg14[%dma_start3A_122, %dma_start3A_123, %dma_start3A_124] : memref<4x80x144xf32, #tpu.memory_space<vmem>> -> memref<1x80x128xf32, #tpu.memory_space<vmem>>
        %dma_start3A_126 = tpu.memref_squeeze %dma_start3A_125 : memref<1x80x128xf32, #tpu.memory_space<vmem>> -> memref<80x128xf32, #tpu.memory_space<vmem>>
        %dma_start3A_127 = arith.constant 0 : i32
        %dma_start3A_128 = tpu.memref_slice %arg9[%mul3A_107, %dma_start3A_127] : memref<327680x128xf32, #tpu.memory_space<hbm>> -> memref<80x128xf32, #tpu.memory_space<hbm>>
        %dma_start3A_129 = arith.constant 0 : i32
        %dma_start3A_130 = tpu.memref_slice %arg9[%mul3A_107, %dma_start3A_129] : memref<327680x128xf32, #tpu.memory_space<hbm>> -> memref<80x128xf32, #tpu.memory_space<hbm>>
        %dma_start3A_131 = arith.constant 0 : i32
        %dma_start3A_132 = arith.constant 0 : i32
        %dma_start3A_133 = tpu.memref_slice %arg14[%dma_start3A_122, %dma_start3A_131, %dma_start3A_132] : memref<4x80x144xf32, #tpu.memory_space<vmem>> -> memref<1x80x128xf32, #tpu.memory_space<vmem>>
        %dma_start3A_134 = tpu.memref_squeeze %dma_start3A_133 : memref<1x80x128xf32, #tpu.memory_space<vmem>> -> memref<80x128xf32, #tpu.memory_space<vmem>>
        tpu.enqueue_dma source(%dma_start3A_134 : memref<80x128xf32, #tpu.memory_space<vmem>>) target(%dma_start3A_130 : memref<80x128xf32, #tpu.memory_space<hbm>>) target_semaphore(%arg21 : memref<!tpu.dma_semaphore, #tpu.memory_space<semaphore_mem>>)
        %dma_start3A_135 = arith.constant 1 : i32
        %dma_start3A_136 = arith.constant 0 : i32
        %dma_start3A_137 = arith.constant 0 : i32
        %dma_start3A_138 = tpu.memref_slice %arg15[%dma_start3A_135, %dma_start3A_136, %dma_start3A_137] : memref<4x10x128xf32, #tpu.memory_space<vmem>> -> memref<1x10x128xf32, #tpu.memory_space<vmem>>
        %dma_start3A_139 = tpu.memref_squeeze %dma_start3A_138 : memref<1x10x128xf32, #tpu.memory_space<vmem>> -> memref<10x128xf32, #tpu.memory_space<vmem>>
        %dma_start3A_140 = arith.constant 0 : i32
        %dma_start3A_141 = tpu.memref_slice %arg10[%mul3A_109, %dma_start3A_140] : memref<40960x128xf32, #tpu.memory_space<hbm>> -> memref<10x128xf32, #tpu.memory_space<hbm>>
        %dma_start3A_142 = arith.constant 0 : i32
        %dma_start3A_143 = tpu.memref_slice %arg10[%mul3A_109, %dma_start3A_142] : memref<40960x128xf32, #tpu.memory_space<hbm>> -> memref<10x128xf32, #tpu.memory_space<hbm>>
        %dma_start3A_144 = arith.constant 0 : i32
        %dma_start3A_145 = arith.constant 0 : i32
        %dma_start3A_146 = tpu.memref_slice %arg15[%dma_start3A_135, %dma_start3A_144, %dma_start3A_145] : memref<4x10x128xf32, #tpu.memory_space<vmem>> -> memref<1x10x128xf32, #tpu.memory_space<vmem>>
        %dma_start3A_147 = tpu.memref_squeeze %dma_start3A_146 : memref<1x10x128xf32, #tpu.memory_space<vmem>> -> memref<10x128xf32, #tpu.memory_space<vmem>>
        tpu.enqueue_dma source(%dma_start3A_147 : memref<10x128xf32, #tpu.memory_space<vmem>>) target(%dma_start3A_143 : memref<10x128xf32, #tpu.memory_space<hbm>>) target_semaphore(%arg21 : memref<!tpu.dma_semaphore, #tpu.memory_space<semaphore_mem>>)
        %add3A_148 = arith.addi %select_n3A, %add3A_57 : i32
        %mul3A_149 = arith.constant 80 : i32
        %mul3A_150 = arith.muli %add3A_148, %mul3A_149 : i32
        %mul3A_151 = arith.constant 10 : i32
        %mul3A_152 = arith.muli %add3A_148, %mul3A_151 : i32
        %dma_wait3A_153 = arith.constant 1 : i32
        %dma_wait3A_154 = arith.constant 0 : i32
        %dma_wait3A_155 = arith.constant 0 : i32
        %dma_wait3A_156 = tpu.memref_slice %arg13[%dma_wait3A_153, %dma_wait3A_154, %dma_wait3A_155] : memref<4x80x144xf32, #tpu.memory_space<vmem>> -> memref<1x80x128xf32, #tpu.memory_space<vmem>>
        %dma_wait3A_157 = tpu.memref_squeeze %dma_wait3A_156 : memref<1x80x128xf32, #tpu.memory_space<vmem>> -> memref<80x128xf32, #tpu.memory_space<vmem>>
        %dma_wait3A_158 = arith.constant 0 : i32
        %dma_wait3A_159 = tpu.memref_slice %arg8[%mul3A_150, %dma_wait3A_158] : memref<327680x128xf32, #tpu.memory_space<hbm>> -> memref<80x128xf32, #tpu.memory_space<hbm>>
        %dma_wait3A_160 = arith.constant 0 : i32
        %dma_wait3A_161 = tpu.memref_slice %arg8[%mul3A_150, %dma_wait3A_160] : memref<327680x128xf32, #tpu.memory_space<hbm>> -> memref<80x128xf32, #tpu.memory_space<hbm>>
        %dma_wait3A_162 = arith.constant 0 : i32
        %dma_wait3A_163 = arith.constant 0 : i32
        %dma_wait3A_164 = tpu.memref_slice %arg13[%dma_wait3A_153, %dma_wait3A_162, %dma_wait3A_163] : memref<4x80x144xf32, #tpu.memory_space<vmem>> -> memref<1x80x128xf32, #tpu.memory_space<vmem>>
        %dma_wait3A_165 = tpu.memref_squeeze %dma_wait3A_164 : memref<1x80x128xf32, #tpu.memory_space<vmem>> -> memref<80x128xf32, #tpu.memory_space<vmem>>
        tpu.wait_dma2 semaphore(%arg21 : memref<!tpu.dma_semaphore, #tpu.memory_space<semaphore_mem>>) src(%dma_wait3A_165 : memref<80x128xf32, #tpu.memory_space<vmem>>) dst(%dma_wait3A_161 : memref<80x128xf32, #tpu.memory_space<hbm>>)
        %dma_wait3A_166 = arith.constant 1 : i32
        %dma_wait3A_167 = arith.constant 0 : i32
        %dma_wait3A_168 = arith.constant 0 : i32
        %dma_wait3A_169 = tpu.memref_slice %arg14[%dma_wait3A_166, %dma_wait3A_167, %dma_wait3A_168] : memref<4x80x144xf32, #tpu.memory_space<vmem>> -> memref<1x80x128xf32, #tpu.memory_space<vmem>>
        %dma_wait3A_170 = tpu.memref_squeeze %dma_wait3A_169 : memref<1x80x128xf32, #tpu.memory_space<vmem>> -> memref<80x128xf32, #tpu.memory_space<vmem>>
        %dma_wait3A_171 = arith.constant 0 : i32
        %dma_wait3A_172 = tpu.memref_slice %arg9[%mul3A_150, %dma_wait3A_171] : memref<327680x128xf32, #tpu.memory_space<hbm>> -> memref<80x128xf32, #tpu.memory_space<hbm>>
        %dma_wait3A_173 = arith.constant 0 : i32
        %dma_wait3A_174 = tpu.memref_slice %arg9[%mul3A_150, %dma_wait3A_173] : memref<327680x128xf32, #tpu.memory_space<hbm>> -> memref<80x128xf32, #tpu.memory_space<hbm>>
        %dma_wait3A_175 = arith.constant 0 : i32
        %dma_wait3A_176 = arith.constant 0 : i32
        %dma_wait3A_177 = tpu.memref_slice %arg14[%dma_wait3A_166, %dma_wait3A_175, %dma_wait3A_176] : memref<4x80x144xf32, #tpu.memory_space<vmem>> -> memref<1x80x128xf32, #tpu.memory_space<vmem>>
        %dma_wait3A_178 = tpu.memref_squeeze %dma_wait3A_177 : memref<1x80x128xf32, #tpu.memory_space<vmem>> -> memref<80x128xf32, #tpu.memory_space<vmem>>
        tpu.wait_dma2 semaphore(%arg21 : memref<!tpu.dma_semaphore, #tpu.memory_space<semaphore_mem>>) src(%dma_wait3A_178 : memref<80x128xf32, #tpu.memory_space<vmem>>) dst(%dma_wait3A_174 : memref<80x128xf32, #tpu.memory_space<hbm>>)
        %dma_wait3A_179 = arith.constant 1 : i32
        %dma_wait3A_180 = arith.constant 0 : i32
        %dma_wait3A_181 = arith.constant 0 : i32
        %dma_wait3A_182 = tpu.memref_slice %arg15[%dma_wait3A_179, %dma_wait3A_180, %dma_wait3A_181] : memref<4x10x128xf32, #tpu.memory_space<vmem>> -> memref<1x10x128xf32, #tpu.memory_space<vmem>>
        %dma_wait3A_183 = tpu.memref_squeeze %dma_wait3A_182 : memref<1x10x128xf32, #tpu.memory_space<vmem>> -> memref<10x128xf32, #tpu.memory_space<vmem>>
        %dma_wait3A_184 = arith.constant 0 : i32
        %dma_wait3A_185 = tpu.memref_slice %arg10[%mul3A_152, %dma_wait3A_184] : memref<40960x128xf32, #tpu.memory_space<hbm>> -> memref<10x128xf32, #tpu.memory_space<hbm>>
        %dma_wait3A_186 = arith.constant 0 : i32
        %dma_wait3A_187 = tpu.memref_slice %arg10[%mul3A_152, %dma_wait3A_186] : memref<40960x128xf32, #tpu.memory_space<hbm>> -> memref<10x128xf32, #tpu.memory_space<hbm>>
        %dma_wait3A_188 = arith.constant 0 : i32
        %dma_wait3A_189 = arith.constant 0 : i32
        %dma_wait3A_190 = tpu.memref_slice %arg15[%dma_wait3A_179, %dma_wait3A_188, %dma_wait3A_189] : memref<4x10x128xf32, #tpu.memory_space<vmem>> -> memref<1x10x128xf32, #tpu.memory_space<vmem>>
        %dma_wait3A_191 = tpu.memref_squeeze %dma_wait3A_190 : memref<1x10x128xf32, #tpu.memory_space<vmem>> -> memref<10x128xf32, #tpu.memory_space<vmem>>
        tpu.wait_dma2 semaphore(%arg21 : memref<!tpu.dma_semaphore, #tpu.memory_space<semaphore_mem>>) src(%dma_wait3A_191 : memref<10x128xf32, #tpu.memory_space<vmem>>) dst(%dma_wait3A_187 : memref<10x128xf32, #tpu.memory_space<hbm>>)
        %add3A_192 = arith.constant 4 : i32
        %add3A_193 = arith.addi %add3A_57, %add3A_192 : i32
        %lt3A_194 = arith.cmpi slt, %add3A_193, %select_n3A_8 : i32
        %convert_element_type3A_195 = arith.extui %lt3A_194 : i1 to i32
        %cond3A_196 = arith.constant 0 : i32
        %cond3A_197 = arith.cmpi ne, %convert_element_type3A_195, %cond3A_196 : i32
        scf.if %cond3A_197 {
          %eq3A_198 = arith.constant 0 : i32
          %eq3A_199 = arith.cmpi eq, %arg0, %eq3A_198 : i32
          %convert_element_type3A_200 = arith.extui %eq3A_199 : i1 to i32
          %cond3A_201 = arith.constant 0 : i32
          %cond3A_202 = arith.cmpi ne, %convert_element_type3A_200, %cond3A_201 : i32
          scf.if %cond3A_202 {
            %dma_start3A_208 = arith.constant 1 : i32
            %dma_start3A_209 = arith.constant 0 : i32
            %dma_start3A_210 = arith.constant 0 : i32
            %dma_start3A_211 = tpu.memref_slice %arg13[%dma_start3A_208, %dma_start3A_209, %dma_start3A_210] : memref<4x80x144xf32, #tpu.memory_space<vmem>> -> memref<1x80x144xf32, #tpu.memory_space<vmem>>
            %dma_start3A_212 = tpu.memref_squeeze %dma_start3A_211 : memref<1x80x144xf32, #tpu.memory_space<vmem>> -> memref<80x144xf32, #tpu.memory_space<vmem>>
            %dma_start3A_213 = arith.constant 0 : i32
            %dma_start3A_214 = tpu.memref_slice %arg11[%add3A_193, %dma_start3A_213] : memref<128x80xi32, #tpu.memory_space<vmem>> -> memref<1x80xi32, #tpu.memory_space<vmem>>
            %dma_start3A_215 = tpu.memref_squeeze %dma_start3A_214 : memref<1x80xi32, #tpu.memory_space<vmem>> -> memref<80xi32, #tpu.memory_space<vmem>>
            %dma_start3A_216 = arith.constant 0 : i32
            %dma_start3A_217 = arith.constant 0 : i32
            %dma_start3A_218 = tpu.memref_slice %arg2[%dma_start3A_216, %dma_start3A_217] : memref<10000x144xf32, #tpu.memory_space<hbm>> -> memref<10000x144xf32, #tpu.memory_space<hbm>>
            tpu.enqueue_indirect_dma source(%dma_start3A_218 : memref<10000x144xf32, #tpu.memory_space<hbm>>) target(%dma_start3A_212 : memref<80x144xf32, #tpu.memory_space<vmem>>) offsets(%dma_start3A_215 : memref<80xi32, #tpu.memory_space<vmem>>) semaphore(%arg17 : memref<!tpu.dma_semaphore, #tpu.memory_space<semaphore_mem>>)
            %dma_start3A_219 = arith.constant 1 : i32
            %dma_start3A_220 = arith.constant 0 : i32
            %dma_start3A_221 = arith.constant 0 : i32
            %dma_start3A_222 = tpu.memref_slice %arg14[%dma_start3A_219, %dma_start3A_220, %dma_start3A_221] : memref<4x80x144xf32, #tpu.memory_space<vmem>> -> memref<1x80x144xf32, #tpu.memory_space<vmem>>
            %dma_start3A_223 = tpu.memref_squeeze %dma_start3A_222 : memref<1x80x144xf32, #tpu.memory_space<vmem>> -> memref<80x144xf32, #tpu.memory_space<vmem>>
            %dma_start3A_224 = arith.constant 0 : i32
            %dma_start3A_225 = tpu.memref_slice %arg12[%add3A_193, %dma_start3A_224] : memref<128x80xi32, #tpu.memory_space<vmem>> -> memref<1x80xi32, #tpu.memory_space<vmem>>
            %dma_start3A_226 = tpu.memref_squeeze %dma_start3A_225 : memref<1x80xi32, #tpu.memory_space<vmem>> -> memref<80xi32, #tpu.memory_space<vmem>>
            %dma_start3A_227 = arith.constant 0 : i32
            %dma_start3A_228 = arith.constant 0 : i32
            %dma_start3A_229 = tpu.memref_slice %arg3[%dma_start3A_227, %dma_start3A_228] : memref<10000x144xf32, #tpu.memory_space<hbm>> -> memref<10000x144xf32, #tpu.memory_space<hbm>>
            tpu.enqueue_indirect_dma source(%dma_start3A_229 : memref<10000x144xf32, #tpu.memory_space<hbm>>) target(%dma_start3A_223 : memref<80x144xf32, #tpu.memory_space<vmem>>) offsets(%dma_start3A_226 : memref<80xi32, #tpu.memory_space<vmem>>) semaphore(%arg17 : memref<!tpu.dma_semaphore, #tpu.memory_space<semaphore_mem>>)
          } else {
          }
          %eq3A_203 = arith.constant 1 : i32
          %eq3A_204 = arith.cmpi eq, %arg0, %eq3A_203 : i32
          %convert_element_type3A_205 = arith.extui %eq3A_204 : i1 to i32
          %cond3A_206 = arith.constant 0 : i32
          %cond3A_207 = arith.cmpi ne, %convert_element_type3A_205, %cond3A_206 : i32
          scf.if %cond3A_207 {
            %dma_start3A_208 = arith.constant 1 : i32
            %dma_start3A_209 = arith.constant 0 : i32
            %dma_start3A_210 = arith.constant 0 : i32
            %dma_start3A_211 = tpu.memref_slice %arg13[%dma_start3A_208, %dma_start3A_209, %dma_start3A_210] : memref<4x80x144xf32, #tpu.memory_space<vmem>> -> memref<1x80x144xf32, #tpu.memory_space<vmem>>
            %dma_start3A_212 = tpu.memref_squeeze %dma_start3A_211 : memref<1x80x144xf32, #tpu.memory_space<vmem>> -> memref<80x144xf32, #tpu.memory_space<vmem>>
            %dma_start3A_213 = arith.constant 0 : i32
            %dma_start3A_214 = tpu.memref_slice %arg11[%add3A_193, %dma_start3A_213] : memref<128x80xi32, #tpu.memory_space<vmem>> -> memref<1x80xi32, #tpu.memory_space<vmem>>
            %dma_start3A_215 = tpu.memref_squeeze %dma_start3A_214 : memref<1x80xi32, #tpu.memory_space<vmem>> -> memref<80xi32, #tpu.memory_space<vmem>>
            %dma_start3A_216 = arith.constant 0 : i32
            %dma_start3A_217 = arith.constant 0 : i32
            %dma_start3A_218 = tpu.memref_slice %arg4[%dma_start3A_216, %dma_start3A_217] : memref<10000x144xf32, #tpu.memory_space<hbm>> -> memref<10000x144xf32, #tpu.memory_space<hbm>>
            tpu.enqueue_indirect_dma source(%dma_start3A_218 : memref<10000x144xf32, #tpu.memory_space<hbm>>) target(%dma_start3A_212 : memref<80x144xf32, #tpu.memory_space<vmem>>) offsets(%dma_start3A_215 : memref<80xi32, #tpu.memory_space<vmem>>) semaphore(%arg17 : memref<!tpu.dma_semaphore, #tpu.memory_space<semaphore_mem>>)
            %dma_start3A_219 = arith.constant 1 : i32
            %dma_start3A_220 = arith.constant 0 : i32
            %dma_start3A_221 = arith.constant 0 : i32
            %dma_start3A_222 = tpu.memref_slice %arg14[%dma_start3A_219, %dma_start3A_220, %dma_start3A_221] : memref<4x80x144xf32, #tpu.memory_space<vmem>> -> memref<1x80x144xf32, #tpu.memory_space<vmem>>
            %dma_start3A_223 = tpu.memref_squeeze %dma_start3A_222 : memref<1x80x144xf32, #tpu.memory_space<vmem>> -> memref<80x144xf32, #tpu.memory_space<vmem>>
            %dma_start3A_224 = arith.constant 0 : i32
            %dma_start3A_225 = tpu.memref_slice %arg12[%add3A_193, %dma_start3A_224] : memref<128x80xi32, #tpu.memory_space<vmem>> -> memref<1x80xi32, #tpu.memory_space<vmem>>
            %dma_start3A_226 = tpu.memref_squeeze %dma_start3A_225 : memref<1x80xi32, #tpu.memory_space<vmem>> -> memref<80xi32, #tpu.memory_space<vmem>>
            %dma_start3A_227 = arith.constant 0 : i32
            %dma_start3A_228 = arith.constant 0 : i32
            %dma_start3A_229 = tpu.memref_slice %arg5[%dma_start3A_227, %dma_start3A_228] : memref<10000x144xf32, #tpu.memory_space<hbm>> -> memref<10000x144xf32, #tpu.memory_space<hbm>>
            tpu.enqueue_indirect_dma source(%dma_start3A_229 : memref<10000x144xf32, #tpu.memory_space<hbm>>) target(%dma_start3A_223 : memref<80x144xf32, #tpu.memory_space<vmem>>) offsets(%dma_start3A_226 : memref<80xi32, #tpu.memory_space<vmem>>) semaphore(%arg17 : memref<!tpu.dma_semaphore, #tpu.memory_space<semaphore_mem>>)
          } else {
          }
        } else {
        }
      } else {
      }
      %mul3A_62 = arith.constant 4 : i32
      %mul3A_63 = arith.muli %mul3A_62, %scan3A_46 : i32
      %add3A_64 = arith.constant 2 : i32
      %add3A_65 = arith.addi %mul3A_63, %add3A_64 : i32
      %lt3A_66 = arith.cmpi slt, %add3A_65, %select_n3A_8 : i32
      %convert_element_type3A_67 = arith.extui %lt3A_66 : i1 to i32
      %cond3A_68 = arith.constant 0 : i32
      %cond3A_69 = arith.cmpi ne, %convert_element_type3A_67, %cond3A_68 : i32
      scf.if %cond3A_69 {
        %dma_wait3A = arith.constant 2 : i32
        %dma_wait3A_78 = arith.constant 0 : i32
        %dma_wait3A_79 = arith.constant 0 : i32
        %dma_wait3A_80 = tpu.memref_slice %arg13[%dma_wait3A, %dma_wait3A_78, %dma_wait3A_79] : memref<4x80x144xf32, #tpu.memory_space<vmem>> -> memref<1x80x144xf32, #tpu.memory_space<vmem>>
        %dma_wait3A_81 = tpu.memref_squeeze %dma_wait3A_80 : memref<1x80x144xf32, #tpu.memory_space<vmem>> -> memref<80x144xf32, #tpu.memory_space<vmem>>
        %dma_wait3A_82 = arith.constant 0 : i32
        %dma_wait3A_83 = tpu.memref_slice %arg11[%add3A_65, %dma_wait3A_82] : memref<128x80xi32, #tpu.memory_space<vmem>> -> memref<1x80xi32, #tpu.memory_space<vmem>>
        %dma_wait3A_84 = tpu.memref_squeeze %dma_wait3A_83 : memref<1x80xi32, #tpu.memory_space<vmem>> -> memref<80xi32, #tpu.memory_space<vmem>>
        %dma_wait3A_85 = arith.constant 0 : i32
        %dma_wait3A_86 = arith.constant 0 : i32
        %dma_wait3A_87 = tpu.memref_slice %arg2[%dma_wait3A_85, %dma_wait3A_86] : memref<10000x144xf32, #tpu.memory_space<hbm>> -> memref<10000x144xf32, #tpu.memory_space<hbm>>
        tpu.wait_indirect_dma semaphore(%arg18 : memref<!tpu.dma_semaphore, #tpu.memory_space<semaphore_mem>>) src(%dma_wait3A_87 : memref<10000x144xf32, #tpu.memory_space<hbm>>) dst(%dma_wait3A_81 : memref<80x144xf32, #tpu.memory_space<vmem>>)
        %dma_wait3A_88 = arith.constant 2 : i32
        %dma_wait3A_89 = arith.constant 0 : i32
        %dma_wait3A_90 = arith.constant 0 : i32
        %dma_wait3A_91 = tpu.memref_slice %arg14[%dma_wait3A_88, %dma_wait3A_89, %dma_wait3A_90] : memref<4x80x144xf32, #tpu.memory_space<vmem>> -> memref<1x80x144xf32, #tpu.memory_space<vmem>>
        %dma_wait3A_92 = tpu.memref_squeeze %dma_wait3A_91 : memref<1x80x144xf32, #tpu.memory_space<vmem>> -> memref<80x144xf32, #tpu.memory_space<vmem>>
        %dma_wait3A_93 = arith.constant 0 : i32
        %dma_wait3A_94 = tpu.memref_slice %arg12[%add3A_65, %dma_wait3A_93] : memref<128x80xi32, #tpu.memory_space<vmem>> -> memref<1x80xi32, #tpu.memory_space<vmem>>
        %dma_wait3A_95 = tpu.memref_squeeze %dma_wait3A_94 : memref<1x80xi32, #tpu.memory_space<vmem>> -> memref<80xi32, #tpu.memory_space<vmem>>
        %dma_wait3A_96 = arith.constant 0 : i32
        %dma_wait3A_97 = arith.constant 0 : i32
        %dma_wait3A_98 = tpu.memref_slice %arg3[%dma_wait3A_96, %dma_wait3A_97] : memref<10000x144xf32, #tpu.memory_space<hbm>> -> memref<10000x144xf32, #tpu.memory_space<hbm>>
        tpu.wait_indirect_dma semaphore(%arg18 : memref<!tpu.dma_semaphore, #tpu.memory_space<semaphore_mem>>) src(%dma_wait3A_98 : memref<10000x144xf32, #tpu.memory_space<hbm>>) dst(%dma_wait3A_92 : memref<80x144xf32, #tpu.memory_space<vmem>>)
        %scan3A_99 = arith.constant 0 : i32
        %scan3A_100 = arith.constant 0 : i32
        %scan3A_101 = arith.constant 10 : i32
        %scan3A_102 = arith.addi %scan3A_100, %scan3A_101 : i32
        %scan3A_103 = arith.constant 1 : i32
        scf.for %scan3A_198 = %scan3A_100 to %scan3A_102 step %scan3A_103  : i32 {
          %mul3A_199 = arith.constant 8 : i32
          %mul3A_200 = arith.muli %scan3A_198, %mul3A_199 : i32
          %add3A_201 = arith.constant 0 : i32
          %add3A_202 = arith.addi %mul3A_200, %add3A_201 : i32
          %get3A = arith.constant 2 : i32
          %get3A_203 = arith.index_cast %get3A : i32 to index
          %get3A_204 = arith.index_cast %add3A_202 : i32 to index
          %get3A_205 = arith.constant 128 : index
          %get3A_206 = tpu.vector_load %arg13[%get3A_203, %get3A_204, %get3A_205] {strides = array<i32>} : memref<4x80x144xf32, #tpu.memory_space<vmem>>, vector<1x1x16xf32>,
          %get3A_207 = vector.shape_cast %get3A_206 : vector<1x1x16xf32> to vector<16xf32>
          %mul3A_208 = arith.constant 8 : i32
          %mul3A_209 = arith.muli %scan3A_198, %mul3A_208 : i32
          %add3A_210 = arith.constant 0 : i32
          %add3A_211 = arith.addi %mul3A_209, %add3A_210 : i32
          %get3A_212 = arith.constant 2 : i32
          %get3A_213 = arith.index_cast %get3A_212 : i32 to index
          %get3A_214 = arith.index_cast %add3A_211 : i32 to index
          %get3A_215 = arith.constant 128 : index
          %get3A_216 = tpu.vector_load %arg14[%get3A_213, %get3A_214, %get3A_215] {strides = array<i32>} : memref<4x80x144xf32, #tpu.memory_space<vmem>>, vector<1x1x16xf32>,
          %get3A_217 = vector.shape_cast %get3A_216 : vector<1x1x16xf32> to vector<16xf32>
          %add3A_218 = arith.addf %get3A_207, %get3A_217 : vector<16xf32>
          %swap3A = arith.constant 2 : i32
          %swap3A_219 = arith.index_cast %swap3A : i32 to index
          %swap3A_220 = arith.index_cast %scan3A_198 : i32 to index
          %swap3A_221 = arith.constant 0 : index
          %swap3A_222 = tpu.vector_load %arg15[%swap3A_219, %swap3A_220, %swap3A_221] {strides = array<i32>} : memref<4x10x128xf32, #tpu.memory_space<vmem>>, vector<1x1x16xf32>,
          %swap3A_223 = vector.shape_cast %swap3A_222 : vector<1x1x16xf32> to vector<16xf32>
          %swap3A_224 = vector.shape_cast %add3A_218 : vector<16xf32> to vector<1x1x16xf32>
          tpu.vector_store %arg15[%swap3A_219, %swap3A_220, %swap3A_221], %swap3A_224 {strides = array<i32>} : memref<4x10x128xf32, #tpu.memory_space<vmem>>, vector<1x1x16xf32>,
          %mul3A_225 = arith.constant 8 : i32
          %mul3A_226 = arith.muli %scan3A_198, %mul3A_225 : i32
          %add3A_227 = arith.constant 1 : i32
          %add3A_228 = arith.addi %mul3A_226, %add3A_227 : i32
          %get3A_229 = arith.constant 2 : i32
          %get3A_230 = arith.index_cast %get3A_229 : i32 to index
          %get3A_231 = arith.index_cast %add3A_228 : i32 to index
          %get3A_232 = arith.constant 128 : index
          %get3A_233 = tpu.vector_load %arg13[%get3A_230, %get3A_231, %get3A_232] {strides = array<i32>} : memref<4x80x144xf32, #tpu.memory_space<vmem>>, vector<1x1x16xf32>,
          %get3A_234 = vector.shape_cast %get3A_233 : vector<1x1x16xf32> to vector<16xf32>
          %mul3A_235 = arith.constant 8 : i32
          %mul3A_236 = arith.muli %scan3A_198, %mul3A_235 : i32
          %add3A_237 = arith.constant 1 : i32
          %add3A_238 = arith.addi %mul3A_236, %add3A_237 : i32
          %get3A_239 = arith.constant 2 : i32
          %get3A_240 = arith.index_cast %get3A_239 : i32 to index
          %get3A_241 = arith.index_cast %add3A_238 : i32 to index
          %get3A_242 = arith.constant 128 : index
          %get3A_243 = tpu.vector_load %arg14[%get3A_240, %get3A_241, %get3A_242] {strides = array<i32>} : memref<4x80x144xf32, #tpu.memory_space<vmem>>, vector<1x1x16xf32>,
          %get3A_244 = vector.shape_cast %get3A_243 : vector<1x1x16xf32> to vector<16xf32>
          %add3A_245 = arith.addf %get3A_234, %get3A_244 : vector<16xf32>
          %swap3A_246 = arith.constant 2 : i32
          %swap3A_247 = arith.index_cast %swap3A_246 : i32 to index
          %swap3A_248 = arith.index_cast %scan3A_198 : i32 to index
          %swap3A_249 = arith.constant 16 : index
          %swap3A_250 = tpu.vector_load %arg15[%swap3A_247, %swap3A_248, %swap3A_249] {strides = array<i32>} : memref<4x10x128xf32, #tpu.memory_space<vmem>>, vector<1x1x16xf32>,
          %swap3A_251 = vector.shape_cast %swap3A_250 : vector<1x1x16xf32> to vector<16xf32>
          %swap3A_252 = vector.shape_cast %add3A_245 : vector<16xf32> to vector<1x1x16xf32>
          tpu.vector_store %arg15[%swap3A_247, %swap3A_248, %swap3A_249], %swap3A_252 {strides = array<i32>} : memref<4x10x128xf32, #tpu.memory_space<vmem>>, vector<1x1x16xf32>,
          %mul3A_253 = arith.constant 8 : i32
          %mul3A_254 = arith.muli %scan3A_198, %mul3A_253 : i32
          %add3A_255 = arith.constant 2 : i32
          %add3A_256 = arith.addi %mul3A_254, %add3A_255 : i32
          %get3A_257 = arith.constant 2 : i32
          %get3A_258 = arith.index_cast %get3A_257 : i32 to index
          %get3A_259 = arith.index_cast %add3A_256 : i32 to index
          %get3A_260 = arith.constant 128 : index
          %get3A_261 = tpu.vector_load %arg13[%get3A_258, %get3A_259, %get3A_260] {strides = array<i32>} : memref<4x80x144xf32, #tpu.memory_space<vmem>>, vector<1x1x16xf32>,
          %get3A_262 = vector.shape_cast %get3A_261 : vector<1x1x16xf32> to vector<16xf32>
          %mul3A_263 = arith.constant 8 : i32
          %mul3A_264 = arith.muli %scan3A_198, %mul3A_263 : i32
          %add3A_265 = arith.constant 2 : i32
          %add3A_266 = arith.addi %mul3A_264, %add3A_265 : i32
          %get3A_267 = arith.constant 2 : i32
          %get3A_268 = arith.index_cast %get3A_267 : i32 to index
          %get3A_269 = arith.index_cast %add3A_266 : i32 to index
          %get3A_270 = arith.constant 128 : index
          %get3A_271 = tpu.vector_load %arg14[%get3A_268, %get3A_269, %get3A_270] {strides = array<i32>} : memref<4x80x144xf32, #tpu.memory_space<vmem>>, vector<1x1x16xf32>,
          %get3A_272 = vector.shape_cast %get3A_271 : vector<1x1x16xf32> to vector<16xf32>
          %add3A_273 = arith.addf %get3A_262, %get3A_272 : vector<16xf32>
          %swap3A_274 = arith.constant 2 : i32
          %swap3A_275 = arith.index_cast %swap3A_274 : i32 to index
          %swap3A_276 = arith.index_cast %scan3A_198 : i32 to index
          %swap3A_277 = arith.constant 32 : index
          %swap3A_278 = tpu.vector_load %arg15[%swap3A_275, %swap3A_276, %swap3A_277] {strides = array<i32>} : memref<4x10x128xf32, #tpu.memory_space<vmem>>, vector<1x1x16xf32>,
          %swap3A_279 = vector.shape_cast %swap3A_278 : vector<1x1x16xf32> to vector<16xf32>
          %swap3A_280 = vector.shape_cast %add3A_273 : vector<16xf32> to vector<1x1x16xf32>
          tpu.vector_store %arg15[%swap3A_275, %swap3A_276, %swap3A_277], %swap3A_280 {strides = array<i32>} : memref<4x10x128xf32, #tpu.memory_space<vmem>>, vector<1x1x16xf32>,
          %mul3A_281 = arith.constant 8 : i32
          %mul3A_282 = arith.muli %scan3A_198, %mul3A_281 : i32
          %add3A_283 = arith.constant 3 : i32
          %add3A_284 = arith.addi %mul3A_282, %add3A_283 : i32
          %get3A_285 = arith.constant 2 : i32
          %get3A_286 = arith.index_cast %get3A_285 : i32 to index
          %get3A_287 = arith.index_cast %add3A_284 : i32 to index
          %get3A_288 = arith.constant 128 : index
          %get3A_289 = tpu.vector_load %arg13[%get3A_286, %get3A_287, %get3A_288] {strides = array<i32>} : memref<4x80x144xf32, #tpu.memory_space<vmem>>, vector<1x1x16xf32>,
          %get3A_290 = vector.shape_cast %get3A_289 : vector<1x1x16xf32> to vector<16xf32>
          %mul3A_291 = arith.constant 8 : i32
          %mul3A_292 = arith.muli %scan3A_198, %mul3A_291 : i32
          %add3A_293 = arith.constant 3 : i32
          %add3A_294 = arith.addi %mul3A_292, %add3A_293 : i32
          %get3A_295 = arith.constant 2 : i32
          %get3A_296 = arith.index_cast %get3A_295 : i32 to index
          %get3A_297 = arith.index_cast %add3A_294 : i32 to index
          %get3A_298 = arith.constant 128 : index
          %get3A_299 = tpu.vector_load %arg14[%get3A_296, %get3A_297, %get3A_298] {strides = array<i32>} : memref<4x80x144xf32, #tpu.memory_space<vmem>>, vector<1x1x16xf32>,
          %get3A_300 = vector.shape_cast %get3A_299 : vector<1x1x16xf32> to vector<16xf32>
          %add3A_301 = arith.addf %get3A_290, %get3A_300 : vector<16xf32>
          %swap3A_302 = arith.constant 2 : i32
          %swap3A_303 = arith.index_cast %swap3A_302 : i32 to index
          %swap3A_304 = arith.index_cast %scan3A_198 : i32 to index
          %swap3A_305 = arith.constant 48 : index
          %swap3A_306 = tpu.vector_load %arg15[%swap3A_303, %swap3A_304, %swap3A_305] {strides = array<i32>} : memref<4x10x128xf32, #tpu.memory_space<vmem>>, vector<1x1x16xf32>,
          %swap3A_307 = vector.shape_cast %swap3A_306 : vector<1x1x16xf32> to vector<16xf32>
          %swap3A_308 = vector.shape_cast %add3A_301 : vector<16xf32> to vector<1x1x16xf32>
          tpu.vector_store %arg15[%swap3A_303, %swap3A_304, %swap3A_305], %swap3A_308 {strides = array<i32>} : memref<4x10x128xf32, #tpu.memory_space<vmem>>, vector<1x1x16xf32>,
          %mul3A_309 = arith.constant 8 : i32
          %mul3A_310 = arith.muli %scan3A_198, %mul3A_309 : i32
          %add3A_311 = arith.constant 4 : i32
          %add3A_312 = arith.addi %mul3A_310, %add3A_311 : i32
          %get3A_313 = arith.constant 2 : i32
          %get3A_314 = arith.index_cast %get3A_313 : i32 to index
          %get3A_315 = arith.index_cast %add3A_312 : i32 to index
          %get3A_316 = arith.constant 128 : index
          %get3A_317 = tpu.vector_load %arg13[%get3A_314, %get3A_315, %get3A_316] {strides = array<i32>} : memref<4x80x144xf32, #tpu.memory_space<vmem>>, vector<1x1x16xf32>,
          %get3A_318 = vector.shape_cast %get3A_317 : vector<1x1x16xf32> to vector<16xf32>
          %mul3A_319 = arith.constant 8 : i32
          %mul3A_320 = arith.muli %scan3A_198, %mul3A_319 : i32
          %add3A_321 = arith.constant 4 : i32
          %add3A_322 = arith.addi %mul3A_320, %add3A_321 : i32
          %get3A_323 = arith.constant 2 : i32
          %get3A_324 = arith.index_cast %get3A_323 : i32 to index
          %get3A_325 = arith.index_cast %add3A_322 : i32 to index
          %get3A_326 = arith.constant 128 : index
          %get3A_327 = tpu.vector_load %arg14[%get3A_324, %get3A_325, %get3A_326] {strides = array<i32>} : memref<4x80x144xf32, #tpu.memory_space<vmem>>, vector<1x1x16xf32>,
          %get3A_328 = vector.shape_cast %get3A_327 : vector<1x1x16xf32> to vector<16xf32>
          %add3A_329 = arith.addf %get3A_318, %get3A_328 : vector<16xf32>
          %swap3A_330 = arith.constant 2 : i32
          %swap3A_331 = arith.index_cast %swap3A_330 : i32 to index
          %swap3A_332 = arith.index_cast %scan3A_198 : i32 to index
          %swap3A_333 = arith.constant 64 : index
          %swap3A_334 = tpu.vector_load %arg15[%swap3A_331, %swap3A_332, %swap3A_333] {strides = array<i32>} : memref<4x10x128xf32, #tpu.memory_space<vmem>>, vector<1x1x16xf32>,
          %swap3A_335 = vector.shape_cast %swap3A_334 : vector<1x1x16xf32> to vector<16xf32>
          %swap3A_336 = vector.shape_cast %add3A_329 : vector<16xf32> to vector<1x1x16xf32>
          tpu.vector_store %arg15[%swap3A_331, %swap3A_332, %swap3A_333], %swap3A_336 {strides = array<i32>} : memref<4x10x128xf32, #tpu.memory_space<vmem>>, vector<1x1x16xf32>,
          %mul3A_337 = arith.constant 8 : i32
          %mul3A_338 = arith.muli %scan3A_198, %mul3A_337 : i32
          %add3A_339 = arith.constant 5 : i32
          %add3A_340 = arith.addi %mul3A_338, %add3A_339 : i32
          %get3A_341 = arith.constant 2 : i32
          %get3A_342 = arith.index_cast %get3A_341 : i32 to index
          %get3A_343 = arith.index_cast %add3A_340 : i32 to index
          %get3A_344 = arith.constant 128 : index
          %get3A_345 = tpu.vector_load %arg13[%get3A_342, %get3A_343, %get3A_344] {strides = array<i32>} : memref<4x80x144xf32, #tpu.memory_space<vmem>>, vector<1x1x16xf32>,
          %get3A_346 = vector.shape_cast %get3A_345 : vector<1x1x16xf32> to vector<16xf32>
          %mul3A_347 = arith.constant 8 : i32
          %mul3A_348 = arith.muli %scan3A_198, %mul3A_347 : i32
          %add3A_349 = arith.constant 5 : i32
          %add3A_350 = arith.addi %mul3A_348, %add3A_349 : i32
          %get3A_351 = arith.constant 2 : i32
          %get3A_352 = arith.index_cast %get3A_351 : i32 to index
          %get3A_353 = arith.index_cast %add3A_350 : i32 to index
          %get3A_354 = arith.constant 128 : index
          %get3A_355 = tpu.vector_load %arg14[%get3A_352, %get3A_353, %get3A_354] {strides = array<i32>} : memref<4x80x144xf32, #tpu.memory_space<vmem>>, vector<1x1x16xf32>,
          %get3A_356 = vector.shape_cast %get3A_355 : vector<1x1x16xf32> to vector<16xf32>
          %add3A_357 = arith.addf %get3A_346, %get3A_356 : vector<16xf32>
          %swap3A_358 = arith.constant 2 : i32
          %swap3A_359 = arith.index_cast %swap3A_358 : i32 to index
          %swap3A_360 = arith.index_cast %scan3A_198 : i32 to index
          %swap3A_361 = arith.constant 80 : index
          %swap3A_362 = tpu.vector_load %arg15[%swap3A_359, %swap3A_360, %swap3A_361] {strides = array<i32>} : memref<4x10x128xf32, #tpu.memory_space<vmem>>, vector<1x1x16xf32>,
          %swap3A_363 = vector.shape_cast %swap3A_362 : vector<1x1x16xf32> to vector<16xf32>
          %swap3A_364 = vector.shape_cast %add3A_357 : vector<16xf32> to vector<1x1x16xf32>
          tpu.vector_store %arg15[%swap3A_359, %swap3A_360, %swap3A_361], %swap3A_364 {strides = array<i32>} : memref<4x10x128xf32, #tpu.memory_space<vmem>>, vector<1x1x16xf32>,
          %mul3A_365 = arith.constant 8 : i32
          %mul3A_366 = arith.muli %scan3A_198, %mul3A_365 : i32
          %add3A_367 = arith.constant 6 : i32
          %add3A_368 = arith.addi %mul3A_366, %add3A_367 : i32
          %get3A_369 = arith.constant 2 : i32
          %get3A_370 = arith.index_cast %get3A_369 : i32 to index
          %get3A_371 = arith.index_cast %add3A_368 : i32 to index
          %get3A_372 = arith.constant 128 : index
          %get3A_373 = tpu.vector_load %arg13[%get3A_370, %get3A_371, %get3A_372] {strides = array<i32>} : memref<4x80x144xf32, #tpu.memory_space<vmem>>, vector<1x1x16xf32>,
          %get3A_374 = vector.shape_cast %get3A_373 : vector<1x1x16xf32> to vector<16xf32>
          %mul3A_375 = arith.constant 8 : i32
          %mul3A_376 = arith.muli %scan3A_198, %mul3A_375 : i32
          %add3A_377 = arith.constant 6 : i32
          %add3A_378 = arith.addi %mul3A_376, %add3A_377 : i32
          %get3A_379 = arith.constant 2 : i32
          %get3A_380 = arith.index_cast %get3A_379 : i32 to index
          %get3A_381 = arith.index_cast %add3A_378 : i32 to index
          %get3A_382 = arith.constant 128 : index
          %get3A_383 = tpu.vector_load %arg14[%get3A_380, %get3A_381, %get3A_382] {strides = array<i32>} : memref<4x80x144xf32, #tpu.memory_space<vmem>>, vector<1x1x16xf32>,
          %get3A_384 = vector.shape_cast %get3A_383 : vector<1x1x16xf32> to vector<16xf32>
          %add3A_385 = arith.addf %get3A_374, %get3A_384 : vector<16xf32>
          %swap3A_386 = arith.constant 2 : i32
          %swap3A_387 = arith.index_cast %swap3A_386 : i32 to index
          %swap3A_388 = arith.index_cast %scan3A_198 : i32 to index
          %swap3A_389 = arith.constant 96 : index
          %swap3A_390 = tpu.vector_load %arg15[%swap3A_387, %swap3A_388, %swap3A_389] {strides = array<i32>} : memref<4x10x128xf32, #tpu.memory_space<vmem>>, vector<1x1x16xf32>,
          %swap3A_391 = vector.shape_cast %swap3A_390 : vector<1x1x16xf32> to vector<16xf32>
          %swap3A_392 = vector.shape_cast %add3A_385 : vector<16xf32> to vector<1x1x16xf32>
          tpu.vector_store %arg15[%swap3A_387, %swap3A_388, %swap3A_389], %swap3A_392 {strides = array<i32>} : memref<4x10x128xf32, #tpu.memory_space<vmem>>, vector<1x1x16xf32>,
          %mul3A_393 = arith.constant 8 : i32
          %mul3A_394 = arith.muli %scan3A_198, %mul3A_393 : i32
          %add3A_395 = arith.constant 7 : i32
          %add3A_396 = arith.addi %mul3A_394, %add3A_395 : i32
          %get3A_397 = arith.constant 2 : i32
          %get3A_398 = arith.index_cast %get3A_397 : i32 to index
          %get3A_399 = arith.index_cast %add3A_396 : i32 to index
          %get3A_400 = arith.constant 128 : index
          %get3A_401 = tpu.vector_load %arg13[%get3A_398, %get3A_399, %get3A_400] {strides = array<i32>} : memref<4x80x144xf32, #tpu.memory_space<vmem>>, vector<1x1x16xf32>,
          %get3A_402 = vector.shape_cast %get3A_401 : vector<1x1x16xf32> to vector<16xf32>
          %mul3A_403 = arith.constant 8 : i32
          %mul3A_404 = arith.muli %scan3A_198, %mul3A_403 : i32
          %add3A_405 = arith.constant 7 : i32
          %add3A_406 = arith.addi %mul3A_404, %add3A_405 : i32
          %get3A_407 = arith.constant 2 : i32
          %get3A_408 = arith.index_cast %get3A_407 : i32 to index
          %get3A_409 = arith.index_cast %add3A_406 : i32 to index
          %get3A_410 = arith.constant 128 : index
          %get3A_411 = tpu.vector_load %arg14[%get3A_408, %get3A_409, %get3A_410] {strides = array<i32>} : memref<4x80x144xf32, #tpu.memory_space<vmem>>, vector<1x1x16xf32>,
          %get3A_412 = vector.shape_cast %get3A_411 : vector<1x1x16xf32> to vector<16xf32>
          %add3A_413 = arith.addf %get3A_402, %get3A_412 : vector<16xf32>
          %swap3A_414 = arith.constant 2 : i32
          %swap3A_415 = arith.index_cast %swap3A_414 : i32 to index
          %swap3A_416 = arith.index_cast %scan3A_198 : i32 to index
          %swap3A_417 = arith.constant 112 : index
          %swap3A_418 = tpu.vector_load %arg15[%swap3A_415, %swap3A_416, %swap3A_417] {strides = array<i32>} : memref<4x10x128xf32, #tpu.memory_space<vmem>>, vector<1x1x16xf32>,
          %swap3A_419 = vector.shape_cast %swap3A_418 : vector<1x1x16xf32> to vector<16xf32>
          %swap3A_420 = vector.shape_cast %add3A_413 : vector<16xf32> to vector<1x1x16xf32>
          tpu.vector_store %arg15[%swap3A_415, %swap3A_416, %swap3A_417], %swap3A_420 {strides = array<i32>} : memref<4x10x128xf32, #tpu.memory_space<vmem>>, vector<1x1x16xf32>,
        }
        %scan3A_104 = arith.constant 10 : i32
        %add3A_105 = arith.addi %select_n3A, %add3A_65 : i32
        %mul3A_106 = arith.constant 80 : i32
        %mul3A_107 = arith.muli %add3A_105, %mul3A_106 : i32
        %mul3A_108 = arith.constant 10 : i32
        %mul3A_109 = arith.muli %add3A_105, %mul3A_108 : i32
        %dma_start3A = arith.constant 2 : i32
        %dma_start3A_110 = arith.constant 0 : i32
        %dma_start3A_111 = arith.constant 0 : i32
        %dma_start3A_112 = tpu.memref_slice %arg13[%dma_start3A, %dma_start3A_110, %dma_start3A_111] : memref<4x80x144xf32, #tpu.memory_space<vmem>> -> memref<1x80x128xf32, #tpu.memory_space<vmem>>
        %dma_start3A_113 = tpu.memref_squeeze %dma_start3A_112 : memref<1x80x128xf32, #tpu.memory_space<vmem>> -> memref<80x128xf32, #tpu.memory_space<vmem>>
        %dma_start3A_114 = arith.constant 0 : i32
        %dma_start3A_115 = tpu.memref_slice %arg8[%mul3A_107, %dma_start3A_114] : memref<327680x128xf32, #tpu.memory_space<hbm>> -> memref<80x128xf32, #tpu.memory_space<hbm>>
        %dma_start3A_116 = arith.constant 0 : i32
        %dma_start3A_117 = tpu.memref_slice %arg8[%mul3A_107, %dma_start3A_116] : memref<327680x128xf32, #tpu.memory_space<hbm>> -> memref<80x128xf32, #tpu.memory_space<hbm>>
        %dma_start3A_118 = arith.constant 0 : i32
        %dma_start3A_119 = arith.constant 0 : i32
        %dma_start3A_120 = tpu.memref_slice %arg13[%dma_start3A, %dma_start3A_118, %dma_start3A_119] : memref<4x80x144xf32, #tpu.memory_space<vmem>> -> memref<1x80x128xf32, #tpu.memory_space<vmem>>
        %dma_start3A_121 = tpu.memref_squeeze %dma_start3A_120 : memref<1x80x128xf32, #tpu.memory_space<vmem>> -> memref<80x128xf32, #tpu.memory_space<vmem>>
        tpu.enqueue_dma source(%dma_start3A_121 : memref<80x128xf32, #tpu.memory_space<vmem>>) target(%dma_start3A_117 : memref<80x128xf32, #tpu.memory_space<hbm>>) target_semaphore(%arg22 : memref<!tpu.dma_semaphore, #tpu.memory_space<semaphore_mem>>)
        %dma_start3A_122 = arith.constant 2 : i32
        %dma_start3A_123 = arith.constant 0 : i32
        %dma_start3A_124 = arith.constant 0 : i32
        %dma_start3A_125 = tpu.memref_slice %arg14[%dma_start3A_122, %dma_start3A_123, %dma_start3A_124] : memref<4x80x144xf32, #tpu.memory_space<vmem>> -> memref<1x80x128xf32, #tpu.memory_space<vmem>>
        %dma_start3A_126 = tpu.memref_squeeze %dma_start3A_125 : memref<1x80x128xf32, #tpu.memory_space<vmem>> -> memref<80x128xf32, #tpu.memory_space<vmem>>
        %dma_start3A_127 = arith.constant 0 : i32
        %dma_start3A_128 = tpu.memref_slice %arg9[%mul3A_107, %dma_start3A_127] : memref<327680x128xf32, #tpu.memory_space<hbm>> -> memref<80x128xf32, #tpu.memory_space<hbm>>
        %dma_start3A_129 = arith.constant 0 : i32
        %dma_start3A_130 = tpu.memref_slice %arg9[%mul3A_107, %dma_start3A_129] : memref<327680x128xf32, #tpu.memory_space<hbm>> -> memref<80x128xf32, #tpu.memory_space<hbm>>
        %dma_start3A_131 = arith.constant 0 : i32
        %dma_start3A_132 = arith.constant 0 : i32
        %dma_start3A_133 = tpu.memref_slice %arg14[%dma_start3A_122, %dma_start3A_131, %dma_start3A_132] : memref<4x80x144xf32, #tpu.memory_space<vmem>> -> memref<1x80x128xf32, #tpu.memory_space<vmem>>
        %dma_start3A_134 = tpu.memref_squeeze %dma_start3A_133 : memref<1x80x128xf32, #tpu.memory_space<vmem>> -> memref<80x128xf32, #tpu.memory_space<vmem>>
        tpu.enqueue_dma source(%dma_start3A_134 : memref<80x128xf32, #tpu.memory_space<vmem>>) target(%dma_start3A_130 : memref<80x128xf32, #tpu.memory_space<hbm>>) target_semaphore(%arg22 : memref<!tpu.dma_semaphore, #tpu.memory_space<semaphore_mem>>)
        %dma_start3A_135 = arith.constant 2 : i32
        %dma_start3A_136 = arith.constant 0 : i32
        %dma_start3A_137 = arith.constant 0 : i32
        %dma_start3A_138 = tpu.memref_slice %arg15[%dma_start3A_135, %dma_start3A_136, %dma_start3A_137] : memref<4x10x128xf32, #tpu.memory_space<vmem>> -> memref<1x10x128xf32, #tpu.memory_space<vmem>>
        %dma_start3A_139 = tpu.memref_squeeze %dma_start3A_138 : memref<1x10x128xf32, #tpu.memory_space<vmem>> -> memref<10x128xf32, #tpu.memory_space<vmem>>
        %dma_start3A_140 = arith.constant 0 : i32
        %dma_start3A_141 = tpu.memref_slice %arg10[%mul3A_109, %dma_start3A_140] : memref<40960x128xf32, #tpu.memory_space<hbm>> -> memref<10x128xf32, #tpu.memory_space<hbm>>
        %dma_start3A_142 = arith.constant 0 : i32
        %dma_start3A_143 = tpu.memref_slice %arg10[%mul3A_109, %dma_start3A_142] : memref<40960x128xf32, #tpu.memory_space<hbm>> -> memref<10x128xf32, #tpu.memory_space<hbm>>
        %dma_start3A_144 = arith.constant 0 : i32
        %dma_start3A_145 = arith.constant 0 : i32
        %dma_start3A_146 = tpu.memref_slice %arg15[%dma_start3A_135, %dma_start3A_144, %dma_start3A_145] : memref<4x10x128xf32, #tpu.memory_space<vmem>> -> memref<1x10x128xf32, #tpu.memory_space<vmem>>
        %dma_start3A_147 = tpu.memref_squeeze %dma_start3A_146 : memref<1x10x128xf32, #tpu.memory_space<vmem>> -> memref<10x128xf32, #tpu.memory_space<vmem>>
        tpu.enqueue_dma source(%dma_start3A_147 : memref<10x128xf32, #tpu.memory_space<vmem>>) target(%dma_start3A_143 : memref<10x128xf32, #tpu.memory_space<hbm>>) target_semaphore(%arg22 : memref<!tpu.dma_semaphore, #tpu.memory_space<semaphore_mem>>)
        %add3A_148 = arith.addi %select_n3A, %add3A_65 : i32
        %mul3A_149 = arith.constant 80 : i32
        %mul3A_150 = arith.muli %add3A_148, %mul3A_149 : i32
        %mul3A_151 = arith.constant 10 : i32
        %mul3A_152 = arith.muli %add3A_148, %mul3A_151 : i32
        %dma_wait3A_153 = arith.constant 2 : i32
        %dma_wait3A_154 = arith.constant 0 : i32
        %dma_wait3A_155 = arith.constant 0 : i32
        %dma_wait3A_156 = tpu.memref_slice %arg13[%dma_wait3A_153, %dma_wait3A_154, %dma_wait3A_155] : memref<4x80x144xf32, #tpu.memory_space<vmem>> -> memref<1x80x128xf32, #tpu.memory_space<vmem>>
        %dma_wait3A_157 = tpu.memref_squeeze %dma_wait3A_156 : memref<1x80x128xf32, #tpu.memory_space<vmem>> -> memref<80x128xf32, #tpu.memory_space<vmem>>
        %dma_wait3A_158 = arith.constant 0 : i32
        %dma_wait3A_159 = tpu.memref_slice %arg8[%mul3A_150, %dma_wait3A_158] : memref<327680x128xf32, #tpu.memory_space<hbm>> -> memref<80x128xf32, #tpu.memory_space<hbm>>
        %dma_wait3A_160 = arith.constant 0 : i32
        %dma_wait3A_161 = tpu.memref_slice %arg8[%mul3A_150, %dma_wait3A_160] : memref<327680x128xf32, #tpu.memory_space<hbm>> -> memref<80x128xf32, #tpu.memory_space<hbm>>
        %dma_wait3A_162 = arith.constant 0 : i32
        %dma_wait3A_163 = arith.constant 0 : i32
        %dma_wait3A_164 = tpu.memref_slice %arg13[%dma_wait3A_153, %dma_wait3A_162, %dma_wait3A_163] : memref<4x80x144xf32, #tpu.memory_space<vmem>> -> memref<1x80x128xf32, #tpu.memory_space<vmem>>
        %dma_wait3A_165 = tpu.memref_squeeze %dma_wait3A_164 : memref<1x80x128xf32, #tpu.memory_space<vmem>> -> memref<80x128xf32, #tpu.memory_space<vmem>>
        tpu.wait_dma2 semaphore(%arg22 : memref<!tpu.dma_semaphore, #tpu.memory_space<semaphore_mem>>) src(%dma_wait3A_165 : memref<80x128xf32, #tpu.memory_space<vmem>>) dst(%dma_wait3A_161 : memref<80x128xf32, #tpu.memory_space<hbm>>)
        %dma_wait3A_166 = arith.constant 2 : i32
        %dma_wait3A_167 = arith.constant 0 : i32
        %dma_wait3A_168 = arith.constant 0 : i32
        %dma_wait3A_169 = tpu.memref_slice %arg14[%dma_wait3A_166, %dma_wait3A_167, %dma_wait3A_168] : memref<4x80x144xf32, #tpu.memory_space<vmem>> -> memref<1x80x128xf32, #tpu.memory_space<vmem>>
        %dma_wait3A_170 = tpu.memref_squeeze %dma_wait3A_169 : memref<1x80x128xf32, #tpu.memory_space<vmem>> -> memref<80x128xf32, #tpu.memory_space<vmem>>
        %dma_wait3A_171 = arith.constant 0 : i32
        %dma_wait3A_172 = tpu.memref_slice %arg9[%mul3A_150, %dma_wait3A_171] : memref<327680x128xf32, #tpu.memory_space<hbm>> -> memref<80x128xf32, #tpu.memory_space<hbm>>
        %dma_wait3A_173 = arith.constant 0 : i32
        %dma_wait3A_174 = tpu.memref_slice %arg9[%mul3A_150, %dma_wait3A_173] : memref<327680x128xf32, #tpu.memory_space<hbm>> -> memref<80x128xf32, #tpu.memory_space<hbm>>
        %dma_wait3A_175 = arith.constant 0 : i32
        %dma_wait3A_176 = arith.constant 0 : i32
        %dma_wait3A_177 = tpu.memref_slice %arg14[%dma_wait3A_166, %dma_wait3A_175, %dma_wait3A_176] : memref<4x80x144xf32, #tpu.memory_space<vmem>> -> memref<1x80x128xf32, #tpu.memory_space<vmem>>
        %dma_wait3A_178 = tpu.memref_squeeze %dma_wait3A_177 : memref<1x80x128xf32, #tpu.memory_space<vmem>> -> memref<80x128xf32, #tpu.memory_space<vmem>>
        tpu.wait_dma2 semaphore(%arg22 : memref<!tpu.dma_semaphore, #tpu.memory_space<semaphore_mem>>) src(%dma_wait3A_178 : memref<80x128xf32, #tpu.memory_space<vmem>>) dst(%dma_wait3A_174 : memref<80x128xf32, #tpu.memory_space<hbm>>)
        %dma_wait3A_179 = arith.constant 2 : i32
        %dma_wait3A_180 = arith.constant 0 : i32
        %dma_wait3A_181 = arith.constant 0 : i32
        %dma_wait3A_182 = tpu.memref_slice %arg15[%dma_wait3A_179, %dma_wait3A_180, %dma_wait3A_181] : memref<4x10x128xf32, #tpu.memory_space<vmem>> -> memref<1x10x128xf32, #tpu.memory_space<vmem>>
        %dma_wait3A_183 = tpu.memref_squeeze %dma_wait3A_182 : memref<1x10x128xf32, #tpu.memory_space<vmem>> -> memref<10x128xf32, #tpu.memory_space<vmem>>
        %dma_wait3A_184 = arith.constant 0 : i32
        %dma_wait3A_185 = tpu.memref_slice %arg10[%mul3A_152, %dma_wait3A_184] : memref<40960x128xf32, #tpu.memory_space<hbm>> -> memref<10x128xf32, #tpu.memory_space<hbm>>
        %dma_wait3A_186 = arith.constant 0 : i32
        %dma_wait3A_187 = tpu.memref_slice %arg10[%mul3A_152, %dma_wait3A_186] : memref<40960x128xf32, #tpu.memory_space<hbm>> -> memref<10x128xf32, #tpu.memory_space<hbm>>
        %dma_wait3A_188 = arith.constant 0 : i32
        %dma_wait3A_189 = arith.constant 0 : i32
        %dma_wait3A_190 = tpu.memref_slice %arg15[%dma_wait3A_179, %dma_wait3A_188, %dma_wait3A_189] : memref<4x10x128xf32, #tpu.memory_space<vmem>> -> memref<1x10x128xf32, #tpu.memory_space<vmem>>
        %dma_wait3A_191 = tpu.memref_squeeze %dma_wait3A_190 : memref<1x10x128xf32, #tpu.memory_space<vmem>> -> memref<10x128xf32, #tpu.memory_space<vmem>>
        tpu.wait_dma2 semaphore(%arg22 : memref<!tpu.dma_semaphore, #tpu.memory_space<semaphore_mem>>) src(%dma_wait3A_191 : memref<10x128xf32, #tpu.memory_space<vmem>>) dst(%dma_wait3A_187 : memref<10x128xf32, #tpu.memory_space<hbm>>)
        %add3A_192 = arith.constant 4 : i32
        %add3A_193 = arith.addi %add3A_65, %add3A_192 : i32
        %lt3A_194 = arith.cmpi slt, %add3A_193, %select_n3A_8 : i32
        %convert_element_type3A_195 = arith.extui %lt3A_194 : i1 to i32
        %cond3A_196 = arith.constant 0 : i32
        %cond3A_197 = arith.cmpi ne, %convert_element_type3A_195, %cond3A_196 : i32
        scf.if %cond3A_197 {
          %eq3A_198 = arith.constant 0 : i32
          %eq3A_199 = arith.cmpi eq, %arg0, %eq3A_198 : i32
          %convert_element_type3A_200 = arith.extui %eq3A_199 : i1 to i32
          %cond3A_201 = arith.constant 0 : i32
          %cond3A_202 = arith.cmpi ne, %convert_element_type3A_200, %cond3A_201 : i32
          scf.if %cond3A_202 {
            %dma_start3A_208 = arith.constant 2 : i32
            %dma_start3A_209 = arith.constant 0 : i32
            %dma_start3A_210 = arith.constant 0 : i32
            %dma_start3A_211 = tpu.memref_slice %arg13[%dma_start3A_208, %dma_start3A_209, %dma_start3A_210] : memref<4x80x144xf32, #tpu.memory_space<vmem>> -> memref<1x80x144xf32, #tpu.memory_space<vmem>>
            %dma_start3A_212 = tpu.memref_squeeze %dma_start3A_211 : memref<1x80x144xf32, #tpu.memory_space<vmem>> -> memref<80x144xf32, #tpu.memory_space<vmem>>
            %dma_start3A_213 = arith.constant 0 : i32
            %dma_start3A_214 = tpu.memref_slice %arg11[%add3A_193, %dma_start3A_213] : memref<128x80xi32, #tpu.memory_space<vmem>> -> memref<1x80xi32, #tpu.memory_space<vmem>>
            %dma_start3A_215 = tpu.memref_squeeze %dma_start3A_214 : memref<1x80xi32, #tpu.memory_space<vmem>> -> memref<80xi32, #tpu.memory_space<vmem>>
            %dma_start3A_216 = arith.constant 0 : i32
            %dma_start3A_217 = arith.constant 0 : i32
            %dma_start3A_218 = tpu.memref_slice %arg2[%dma_start3A_216, %dma_start3A_217] : memref<10000x144xf32, #tpu.memory_space<hbm>> -> memref<10000x144xf32, #tpu.memory_space<hbm>>
            tpu.enqueue_indirect_dma source(%dma_start3A_218 : memref<10000x144xf32, #tpu.memory_space<hbm>>) target(%dma_start3A_212 : memref<80x144xf32, #tpu.memory_space<vmem>>) offsets(%dma_start3A_215 : memref<80xi32, #tpu.memory_space<vmem>>) semaphore(%arg18 : memref<!tpu.dma_semaphore, #tpu.memory_space<semaphore_mem>>)
            %dma_start3A_219 = arith.constant 2 : i32
            %dma_start3A_220 = arith.constant 0 : i32
            %dma_start3A_221 = arith.constant 0 : i32
            %dma_start3A_222 = tpu.memref_slice %arg14[%dma_start3A_219, %dma_start3A_220, %dma_start3A_221] : memref<4x80x144xf32, #tpu.memory_space<vmem>> -> memref<1x80x144xf32, #tpu.memory_space<vmem>>
            %dma_start3A_223 = tpu.memref_squeeze %dma_start3A_222 : memref<1x80x144xf32, #tpu.memory_space<vmem>> -> memref<80x144xf32, #tpu.memory_space<vmem>>
            %dma_start3A_224 = arith.constant 0 : i32
            %dma_start3A_225 = tpu.memref_slice %arg12[%add3A_193, %dma_start3A_224] : memref<128x80xi32, #tpu.memory_space<vmem>> -> memref<1x80xi32, #tpu.memory_space<vmem>>
            %dma_start3A_226 = tpu.memref_squeeze %dma_start3A_225 : memref<1x80xi32, #tpu.memory_space<vmem>> -> memref<80xi32, #tpu.memory_space<vmem>>
            %dma_start3A_227 = arith.constant 0 : i32
            %dma_start3A_228 = arith.constant 0 : i32
            %dma_start3A_229 = tpu.memref_slice %arg3[%dma_start3A_227, %dma_start3A_228] : memref<10000x144xf32, #tpu.memory_space<hbm>> -> memref<10000x144xf32, #tpu.memory_space<hbm>>
            tpu.enqueue_indirect_dma source(%dma_start3A_229 : memref<10000x144xf32, #tpu.memory_space<hbm>>) target(%dma_start3A_223 : memref<80x144xf32, #tpu.memory_space<vmem>>) offsets(%dma_start3A_226 : memref<80xi32, #tpu.memory_space<vmem>>) semaphore(%arg18 : memref<!tpu.dma_semaphore, #tpu.memory_space<semaphore_mem>>)
          } else {
          }
          %eq3A_203 = arith.constant 1 : i32
          %eq3A_204 = arith.cmpi eq, %arg0, %eq3A_203 : i32
          %convert_element_type3A_205 = arith.extui %eq3A_204 : i1 to i32
          %cond3A_206 = arith.constant 0 : i32
          %cond3A_207 = arith.cmpi ne, %convert_element_type3A_205, %cond3A_206 : i32
          scf.if %cond3A_207 {
            %dma_start3A_208 = arith.constant 2 : i32
            %dma_start3A_209 = arith.constant 0 : i32
            %dma_start3A_210 = arith.constant 0 : i32
            %dma_start3A_211 = tpu.memref_slice %arg13[%dma_start3A_208, %dma_start3A_209, %dma_start3A_210] : memref<4x80x144xf32, #tpu.memory_space<vmem>> -> memref<1x80x144xf32, #tpu.memory_space<vmem>>
            %dma_start3A_212 = tpu.memref_squeeze %dma_start3A_211 : memref<1x80x144xf32, #tpu.memory_space<vmem>> -> memref<80x144xf32, #tpu.memory_space<vmem>>
            %dma_start3A_213 = arith.constant 0 : i32
            %dma_start3A_214 = tpu.memref_slice %arg11[%add3A_193, %dma_start3A_213] : memref<128x80xi32, #tpu.memory_space<vmem>> -> memref<1x80xi32, #tpu.memory_space<vmem>>
            %dma_start3A_215 = tpu.memref_squeeze %dma_start3A_214 : memref<1x80xi32, #tpu.memory_space<vmem>> -> memref<80xi32, #tpu.memory_space<vmem>>
            %dma_start3A_216 = arith.constant 0 : i32
            %dma_start3A_217 = arith.constant 0 : i32
            %dma_start3A_218 = tpu.memref_slice %arg4[%dma_start3A_216, %dma_start3A_217] : memref<10000x144xf32, #tpu.memory_space<hbm>> -> memref<10000x144xf32, #tpu.memory_space<hbm>>
            tpu.enqueue_indirect_dma source(%dma_start3A_218 : memref<10000x144xf32, #tpu.memory_space<hbm>>) target(%dma_start3A_212 : memref<80x144xf32, #tpu.memory_space<vmem>>) offsets(%dma_start3A_215 : memref<80xi32, #tpu.memory_space<vmem>>) semaphore(%arg18 : memref<!tpu.dma_semaphore, #tpu.memory_space<semaphore_mem>>)
            %dma_start3A_219 = arith.constant 2 : i32
            %dma_start3A_220 = arith.constant 0 : i32
            %dma_start3A_221 = arith.constant 0 : i32
            %dma_start3A_222 = tpu.memref_slice %arg14[%dma_start3A_219, %dma_start3A_220, %dma_start3A_221] : memref<4x80x144xf32, #tpu.memory_space<vmem>> -> memref<1x80x144xf32, #tpu.memory_space<vmem>>
            %dma_start3A_223 = tpu.memref_squeeze %dma_start3A_222 : memref<1x80x144xf32, #tpu.memory_space<vmem>> -> memref<80x144xf32, #tpu.memory_space<vmem>>
            %dma_start3A_224 = arith.constant 0 : i32
            %dma_start3A_225 = tpu.memref_slice %arg12[%add3A_193, %dma_start3A_224] : memref<128x80xi32, #tpu.memory_space<vmem>> -> memref<1x80xi32, #tpu.memory_space<vmem>>
            %dma_start3A_226 = tpu.memref_squeeze %dma_start3A_225 : memref<1x80xi32, #tpu.memory_space<vmem>> -> memref<80xi32, #tpu.memory_space<vmem>>
            %dma_start3A_227 = arith.constant 0 : i32
            %dma_start3A_228 = arith.constant 0 : i32
            %dma_start3A_229 = tpu.memref_slice %arg5[%dma_start3A_227, %dma_start3A_228] : memref<10000x144xf32, #tpu.memory_space<hbm>> -> memref<10000x144xf32, #tpu.memory_space<hbm>>
            tpu.enqueue_indirect_dma source(%dma_start3A_229 : memref<10000x144xf32, #tpu.memory_space<hbm>>) target(%dma_start3A_223 : memref<80x144xf32, #tpu.memory_space<vmem>>) offsets(%dma_start3A_226 : memref<80xi32, #tpu.memory_space<vmem>>) semaphore(%arg18 : memref<!tpu.dma_semaphore, #tpu.memory_space<semaphore_mem>>)
          } else {
          }
        } else {
        }
      } else {
      }
      %mul3A_70 = arith.constant 4 : i32
      %mul3A_71 = arith.muli %mul3A_70, %scan3A_46 : i32
      %add3A_72 = arith.constant 3 : i32
      %add3A_73 = arith.addi %mul3A_71, %add3A_72 : i32
      %lt3A_74 = arith.cmpi slt, %add3A_73, %select_n3A_8 : i32
      %convert_element_type3A_75 = arith.extui %lt3A_74 : i1 to i32
      %cond3A_76 = arith.constant 0 : i32
      %cond3A_77 = arith.cmpi ne, %convert_element_type3A_75, %cond3A_76 : i32
      scf.if %cond3A_77 {
        %dma_wait3A = arith.constant 3 : i32
        %dma_wait3A_78 = arith.constant 0 : i32
        %dma_wait3A_79 = arith.constant 0 : i32
        %dma_wait3A_80 = tpu.memref_slice %arg13[%dma_wait3A, %dma_wait3A_78, %dma_wait3A_79] : memref<4x80x144xf32, #tpu.memory_space<vmem>> -> memref<1x80x144xf32, #tpu.memory_space<vmem>>
        %dma_wait3A_81 = tpu.memref_squeeze %dma_wait3A_80 : memref<1x80x144xf32, #tpu.memory_space<vmem>> -> memref<80x144xf32, #tpu.memory_space<vmem>>
        %dma_wait3A_82 = arith.constant 0 : i32
        %dma_wait3A_83 = tpu.memref_slice %arg11[%add3A_73, %dma_wait3A_82] : memref<128x80xi32, #tpu.memory_space<vmem>> -> memref<1x80xi32, #tpu.memory_space<vmem>>
        %dma_wait3A_84 = tpu.memref_squeeze %dma_wait3A_83 : memref<1x80xi32, #tpu.memory_space<vmem>> -> memref<80xi32, #tpu.memory_space<vmem>>
        %dma_wait3A_85 = arith.constant 0 : i32
        %dma_wait3A_86 = arith.constant 0 : i32
        %dma_wait3A_87 = tpu.memref_slice %arg2[%dma_wait3A_85, %dma_wait3A_86] : memref<10000x144xf32, #tpu.memory_space<hbm>> -> memref<10000x144xf32, #tpu.memory_space<hbm>>
        tpu.wait_indirect_dma semaphore(%arg19 : memref<!tpu.dma_semaphore, #tpu.memory_space<semaphore_mem>>) src(%dma_wait3A_87 : memref<10000x144xf32, #tpu.memory_space<hbm>>) dst(%dma_wait3A_81 : memref<80x144xf32, #tpu.memory_space<vmem>>)
        %dma_wait3A_88 = arith.constant 3 : i32
        %dma_wait3A_89 = arith.constant 0 : i32
        %dma_wait3A_90 = arith.constant 0 : i32
        %dma_wait3A_91 = tpu.memref_slice %arg14[%dma_wait3A_88, %dma_wait3A_89, %dma_wait3A_90] : memref<4x80x144xf32, #tpu.memory_space<vmem>> -> memref<1x80x144xf32, #tpu.memory_space<vmem>>
        %dma_wait3A_92 = tpu.memref_squeeze %dma_wait3A_91 : memref<1x80x144xf32, #tpu.memory_space<vmem>> -> memref<80x144xf32, #tpu.memory_space<vmem>>
        %dma_wait3A_93 = arith.constant 0 : i32
        %dma_wait3A_94 = tpu.memref_slice %arg12[%add3A_73, %dma_wait3A_93] : memref<128x80xi32, #tpu.memory_space<vmem>> -> memref<1x80xi32, #tpu.memory_space<vmem>>
        %dma_wait3A_95 = tpu.memref_squeeze %dma_wait3A_94 : memref<1x80xi32, #tpu.memory_space<vmem>> -> memref<80xi32, #tpu.memory_space<vmem>>
        %dma_wait3A_96 = arith.constant 0 : i32
        %dma_wait3A_97 = arith.constant 0 : i32
        %dma_wait3A_98 = tpu.memref_slice %arg3[%dma_wait3A_96, %dma_wait3A_97] : memref<10000x144xf32, #tpu.memory_space<hbm>> -> memref<10000x144xf32, #tpu.memory_space<hbm>>
        tpu.wait_indirect_dma semaphore(%arg19 : memref<!tpu.dma_semaphore, #tpu.memory_space<semaphore_mem>>) src(%dma_wait3A_98 : memref<10000x144xf32, #tpu.memory_space<hbm>>) dst(%dma_wait3A_92 : memref<80x144xf32, #tpu.memory_space<vmem>>)
        %scan3A_99 = arith.constant 0 : i32
        %scan3A_100 = arith.constant 0 : i32
        %scan3A_101 = arith.constant 10 : i32
        %scan3A_102 = arith.addi %scan3A_100, %scan3A_101 : i32
        %scan3A_103 = arith.constant 1 : i32
        scf.for %scan3A_198 = %scan3A_100 to %scan3A_102 step %scan3A_103  : i32 {
          %mul3A_199 = arith.constant 8 : i32
          %mul3A_200 = arith.muli %scan3A_198, %mul3A_199 : i32
          %add3A_201 = arith.constant 0 : i32
          %add3A_202 = arith.addi %mul3A_200, %add3A_201 : i32
          %get3A = arith.constant 3 : i32
          %get3A_203 = arith.index_cast %get3A : i32 to index
          %get3A_204 = arith.index_cast %add3A_202 : i32 to index
          %get3A_205 = arith.constant 128 : index
          %get3A_206 = tpu.vector_load %arg13[%get3A_203, %get3A_204, %get3A_205] {strides = array<i32>} : memref<4x80x144xf32, #tpu.memory_space<vmem>>, vector<1x1x16xf32>,
          %get3A_207 = vector.shape_cast %get3A_206 : vector<1x1x16xf32> to vector<16xf32>
          %mul3A_208 = arith.constant 8 : i32
          %mul3A_209 = arith.muli %scan3A_198, %mul3A_208 : i32
          %add3A_210 = arith.constant 0 : i32
          %add3A_211 = arith.addi %mul3A_209, %add3A_210 : i32
          %get3A_212 = arith.constant 3 : i32
          %get3A_213 = arith.index_cast %get3A_212 : i32 to index
          %get3A_214 = arith.index_cast %add3A_211 : i32 to index
          %get3A_215 = arith.constant 128 : index
          %get3A_216 = tpu.vector_load %arg14[%get3A_213, %get3A_214, %get3A_215] {strides = array<i32>} : memref<4x80x144xf32, #tpu.memory_space<vmem>>, vector<1x1x16xf32>,
          %get3A_217 = vector.shape_cast %get3A_216 : vector<1x1x16xf32> to vector<16xf32>
          %add3A_218 = arith.addf %get3A_207, %get3A_217 : vector<16xf32>
          %swap3A = arith.constant 3 : i32
          %swap3A_219 = arith.index_cast %swap3A : i32 to index
          %swap3A_220 = arith.index_cast %scan3A_198 : i32 to index
          %swap3A_221 = arith.constant 0 : index
          %swap3A_222 = tpu.vector_load %arg15[%swap3A_219, %swap3A_220, %swap3A_221] {strides = array<i32>} : memref<4x10x128xf32, #tpu.memory_space<vmem>>, vector<1x1x16xf32>,
          %swap3A_223 = vector.shape_cast %swap3A_222 : vector<1x1x16xf32> to vector<16xf32>
          %swap3A_224 = vector.shape_cast %add3A_218 : vector<16xf32> to vector<1x1x16xf32>
          tpu.vector_store %arg15[%swap3A_219, %swap3A_220, %swap3A_221], %swap3A_224 {strides = array<i32>} : memref<4x10x128xf32, #tpu.memory_space<vmem>>, vector<1x1x16xf32>,
          %mul3A_225 = arith.constant 8 : i32
          %mul3A_226 = arith.muli %scan3A_198, %mul3A_225 : i32
          %add3A_227 = arith.constant 1 : i32
          %add3A_228 = arith.addi %mul3A_226, %add3A_227 : i32
          %get3A_229 = arith.constant 3 : i32
          %get3A_230 = arith.index_cast %get3A_229 : i32 to index
          %get3A_231 = arith.index_cast %add3A_228 : i32 to index
          %get3A_232 = arith.constant 128 : index
          %get3A_233 = tpu.vector_load %arg13[%get3A_230, %get3A_231, %get3A_232] {strides = array<i32>} : memref<4x80x144xf32, #tpu.memory_space<vmem>>, vector<1x1x16xf32>,
          %get3A_234 = vector.shape_cast %get3A_233 : vector<1x1x16xf32> to vector<16xf32>
          %mul3A_235 = arith.constant 8 : i32
          %mul3A_236 = arith.muli %scan3A_198, %mul3A_235 : i32
          %add3A_237 = arith.constant 1 : i32
          %add3A_238 = arith.addi %mul3A_236, %add3A_237 : i32
          %get3A_239 = arith.constant 3 : i32
          %get3A_240 = arith.index_cast %get3A_239 : i32 to index
          %get3A_241 = arith.index_cast %add3A_238 : i32 to index
          %get3A_242 = arith.constant 128 : index
          %get3A_243 = tpu.vector_load %arg14[%get3A_240, %get3A_241, %get3A_242] {strides = array<i32>} : memref<4x80x144xf32, #tpu.memory_space<vmem>>, vector<1x1x16xf32>,
          %get3A_244 = vector.shape_cast %get3A_243 : vector<1x1x16xf32> to vector<16xf32>
          %add3A_245 = arith.addf %get3A_234, %get3A_244 : vector<16xf32>
          %swap3A_246 = arith.constant 3 : i32
          %swap3A_247 = arith.index_cast %swap3A_246 : i32 to index
          %swap3A_248 = arith.index_cast %scan3A_198 : i32 to index
          %swap3A_249 = arith.constant 16 : index
          %swap3A_250 = tpu.vector_load %arg15[%swap3A_247, %swap3A_248, %swap3A_249] {strides = array<i32>} : memref<4x10x128xf32, #tpu.memory_space<vmem>>, vector<1x1x16xf32>,
          %swap3A_251 = vector.shape_cast %swap3A_250 : vector<1x1x16xf32> to vector<16xf32>
          %swap3A_252 = vector.shape_cast %add3A_245 : vector<16xf32> to vector<1x1x16xf32>
          tpu.vector_store %arg15[%swap3A_247, %swap3A_248, %swap3A_249], %swap3A_252 {strides = array<i32>} : memref<4x10x128xf32, #tpu.memory_space<vmem>>, vector<1x1x16xf32>,
          %mul3A_253 = arith.constant 8 : i32
          %mul3A_254 = arith.muli %scan3A_198, %mul3A_253 : i32
          %add3A_255 = arith.constant 2 : i32
          %add3A_256 = arith.addi %mul3A_254, %add3A_255 : i32
          %get3A_257 = arith.constant 3 : i32
          %get3A_258 = arith.index_cast %get3A_257 : i32 to index
          %get3A_259 = arith.index_cast %add3A_256 : i32 to index
          %get3A_260 = arith.constant 128 : index
          %get3A_261 = tpu.vector_load %arg13[%get3A_258, %get3A_259, %get3A_260] {strides = array<i32>} : memref<4x80x144xf32, #tpu.memory_space<vmem>>, vector<1x1x16xf32>,
          %get3A_262 = vector.shape_cast %get3A_261 : vector<1x1x16xf32> to vector<16xf32>
          %mul3A_263 = arith.constant 8 : i32
          %mul3A_264 = arith.muli %scan3A_198, %mul3A_263 : i32
          %add3A_265 = arith.constant 2 : i32
          %add3A_266 = arith.addi %mul3A_264, %add3A_265 : i32
          %get3A_267 = arith.constant 3 : i32
          %get3A_268 = arith.index_cast %get3A_267 : i32 to index
          %get3A_269 = arith.index_cast %add3A_266 : i32 to index
          %get3A_270 = arith.constant 128 : index
          %get3A_271 = tpu.vector_load %arg14[%get3A_268, %get3A_269, %get3A_270] {strides = array<i32>} : memref<4x80x144xf32, #tpu.memory_space<vmem>>, vector<1x1x16xf32>,
          %get3A_272 = vector.shape_cast %get3A_271 : vector<1x1x16xf32> to vector<16xf32>
          %add3A_273 = arith.addf %get3A_262, %get3A_272 : vector<16xf32>
          %swap3A_274 = arith.constant 3 : i32
          %swap3A_275 = arith.index_cast %swap3A_274 : i32 to index
          %swap3A_276 = arith.index_cast %scan3A_198 : i32 to index
          %swap3A_277 = arith.constant 32 : index
          %swap3A_278 = tpu.vector_load %arg15[%swap3A_275, %swap3A_276, %swap3A_277] {strides = array<i32>} : memref<4x10x128xf32, #tpu.memory_space<vmem>>, vector<1x1x16xf32>,
          %swap3A_279 = vector.shape_cast %swap3A_278 : vector<1x1x16xf32> to vector<16xf32>
          %swap3A_280 = vector.shape_cast %add3A_273 : vector<16xf32> to vector<1x1x16xf32>
          tpu.vector_store %arg15[%swap3A_275, %swap3A_276, %swap3A_277], %swap3A_280 {strides = array<i32>} : memref<4x10x128xf32, #tpu.memory_space<vmem>>, vector<1x1x16xf32>,
          %mul3A_281 = arith.constant 8 : i32
          %mul3A_282 = arith.muli %scan3A_198, %mul3A_281 : i32
          %add3A_283 = arith.constant 3 : i32
          %add3A_284 = arith.addi %mul3A_282, %add3A_283 : i32
          %get3A_285 = arith.constant 3 : i32
          %get3A_286 = arith.index_cast %get3A_285 : i32 to index
          %get3A_287 = arith.index_cast %add3A_284 : i32 to index
          %get3A_288 = arith.constant 128 : index
          %get3A_289 = tpu.vector_load %arg13[%get3A_286, %get3A_287, %get3A_288] {strides = array<i32>} : memref<4x80x144xf32, #tpu.memory_space<vmem>>, vector<1x1x16xf32>,
          %get3A_290 = vector.shape_cast %get3A_289 : vector<1x1x16xf32> to vector<16xf32>
          %mul3A_291 = arith.constant 8 : i32
          %mul3A_292 = arith.muli %scan3A_198, %mul3A_291 : i32
          %add3A_293 = arith.constant 3 : i32
          %add3A_294 = arith.addi %mul3A_292, %add3A_293 : i32
          %get3A_295 = arith.constant 3 : i32
          %get3A_296 = arith.index_cast %get3A_295 : i32 to index
          %get3A_297 = arith.index_cast %add3A_294 : i32 to index
          %get3A_298 = arith.constant 128 : index
          %get3A_299 = tpu.vector_load %arg14[%get3A_296, %get3A_297, %get3A_298] {strides = array<i32>} : memref<4x80x144xf32, #tpu.memory_space<vmem>>, vector<1x1x16xf32>,
          %get3A_300 = vector.shape_cast %get3A_299 : vector<1x1x16xf32> to vector<16xf32>
          %add3A_301 = arith.addf %get3A_290, %get3A_300 : vector<16xf32>
          %swap3A_302 = arith.constant 3 : i32
          %swap3A_303 = arith.index_cast %swap3A_302 : i32 to index
          %swap3A_304 = arith.index_cast %scan3A_198 : i32 to index
          %swap3A_305 = arith.constant 48 : index
          %swap3A_306 = tpu.vector_load %arg15[%swap3A_303, %swap3A_304, %swap3A_305] {strides = array<i32>} : memref<4x10x128xf32, #tpu.memory_space<vmem>>, vector<1x1x16xf32>,
          %swap3A_307 = vector.shape_cast %swap3A_306 : vector<1x1x16xf32> to vector<16xf32>
          %swap3A_308 = vector.shape_cast %add3A_301 : vector<16xf32> to vector<1x1x16xf32>
          tpu.vector_store %arg15[%swap3A_303, %swap3A_304, %swap3A_305], %swap3A_308 {strides = array<i32>} : memref<4x10x128xf32, #tpu.memory_space<vmem>>, vector<1x1x16xf32>,
          %mul3A_309 = arith.constant 8 : i32
          %mul3A_310 = arith.muli %scan3A_198, %mul3A_309 : i32
          %add3A_311 = arith.constant 4 : i32
          %add3A_312 = arith.addi %mul3A_310, %add3A_311 : i32
          %get3A_313 = arith.constant 3 : i32
          %get3A_314 = arith.index_cast %get3A_313 : i32 to index
          %get3A_315 = arith.index_cast %add3A_312 : i32 to index
          %get3A_316 = arith.constant 128 : index
          %get3A_317 = tpu.vector_load %arg13[%get3A_314, %get3A_315, %get3A_316] {strides = array<i32>} : memref<4x80x144xf32, #tpu.memory_space<vmem>>, vector<1x1x16xf32>,
          %get3A_318 = vector.shape_cast %get3A_317 : vector<1x1x16xf32> to vector<16xf32>
          %mul3A_319 = arith.constant 8 : i32
          %mul3A_320 = arith.muli %scan3A_198, %mul3A_319 : i32
          %add3A_321 = arith.constant 4 : i32
          %add3A_322 = arith.addi %mul3A_320, %add3A_321 : i32
          %get3A_323 = arith.constant 3 : i32
          %get3A_324 = arith.index_cast %get3A_323 : i32 to index
          %get3A_325 = arith.index_cast %add3A_322 : i32 to index
          %get3A_326 = arith.constant 128 : index
          %get3A_327 = tpu.vector_load %arg14[%get3A_324, %get3A_325, %get3A_326] {strides = array<i32>} : memref<4x80x144xf32, #tpu.memory_space<vmem>>, vector<1x1x16xf32>,
          %get3A_328 = vector.shape_cast %get3A_327 : vector<1x1x16xf32> to vector<16xf32>
          %add3A_329 = arith.addf %get3A_318, %get3A_328 : vector<16xf32>
          %swap3A_330 = arith.constant 3 : i32
          %swap3A_331 = arith.index_cast %swap3A_330 : i32 to index
          %swap3A_332 = arith.index_cast %scan3A_198 : i32 to index
          %swap3A_333 = arith.constant 64 : index
          %swap3A_334 = tpu.vector_load %arg15[%swap3A_331, %swap3A_332, %swap3A_333] {strides = array<i32>} : memref<4x10x128xf32, #tpu.memory_space<vmem>>, vector<1x1x16xf32>,
          %swap3A_335 = vector.shape_cast %swap3A_334 : vector<1x1x16xf32> to vector<16xf32>
          %swap3A_336 = vector.shape_cast %add3A_329 : vector<16xf32> to vector<1x1x16xf32>
          tpu.vector_store %arg15[%swap3A_331, %swap3A_332, %swap3A_333], %swap3A_336 {strides = array<i32>} : memref<4x10x128xf32, #tpu.memory_space<vmem>>, vector<1x1x16xf32>,
          %mul3A_337 = arith.constant 8 : i32
          %mul3A_338 = arith.muli %scan3A_198, %mul3A_337 : i32
          %add3A_339 = arith.constant 5 : i32
          %add3A_340 = arith.addi %mul3A_338, %add3A_339 : i32
          %get3A_341 = arith.constant 3 : i32
          %get3A_342 = arith.index_cast %get3A_341 : i32 to index
          %get3A_343 = arith.index_cast %add3A_340 : i32 to index
          %get3A_344 = arith.constant 128 : index
          %get3A_345 = tpu.vector_load %arg13[%get3A_342, %get3A_343, %get3A_344] {strides = array<i32>} : memref<4x80x144xf32, #tpu.memory_space<vmem>>, vector<1x1x16xf32>,
          %get3A_346 = vector.shape_cast %get3A_345 : vector<1x1x16xf32> to vector<16xf32>
          %mul3A_347 = arith.constant 8 : i32
          %mul3A_348 = arith.muli %scan3A_198, %mul3A_347 : i32
          %add3A_349 = arith.constant 5 : i32
          %add3A_350 = arith.addi %mul3A_348, %add3A_349 : i32
          %get3A_351 = arith.constant 3 : i32
          %get3A_352 = arith.index_cast %get3A_351 : i32 to index
          %get3A_353 = arith.index_cast %add3A_350 : i32 to index
          %get3A_354 = arith.constant 128 : index
          %get3A_355 = tpu.vector_load %arg14[%get3A_352, %get3A_353, %get3A_354] {strides = array<i32>} : memref<4x80x144xf32, #tpu.memory_space<vmem>>, vector<1x1x16xf32>,
          %get3A_356 = vector.shape_cast %get3A_355 : vector<1x1x16xf32> to vector<16xf32>
          %add3A_357 = arith.addf %get3A_346, %get3A_356 : vector<16xf32>
          %swap3A_358 = arith.constant 3 : i32
          %swap3A_359 = arith.index_cast %swap3A_358 : i32 to index
          %swap3A_360 = arith.index_cast %scan3A_198 : i32 to index
          %swap3A_361 = arith.constant 80 : index
          %swap3A_362 = tpu.vector_load %arg15[%swap3A_359, %swap3A_360, %swap3A_361] {strides = array<i32>} : memref<4x10x128xf32, #tpu.memory_space<vmem>>, vector<1x1x16xf32>,
          %swap3A_363 = vector.shape_cast %swap3A_362 : vector<1x1x16xf32> to vector<16xf32>
          %swap3A_364 = vector.shape_cast %add3A_357 : vector<16xf32> to vector<1x1x16xf32>
          tpu.vector_store %arg15[%swap3A_359, %swap3A_360, %swap3A_361], %swap3A_364 {strides = array<i32>} : memref<4x10x128xf32, #tpu.memory_space<vmem>>, vector<1x1x16xf32>,
          %mul3A_365 = arith.constant 8 : i32
          %mul3A_366 = arith.muli %scan3A_198, %mul3A_365 : i32
          %add3A_367 = arith.constant 6 : i32
          %add3A_368 = arith.addi %mul3A_366, %add3A_367 : i32
          %get3A_369 = arith.constant 3 : i32
          %get3A_370 = arith.index_cast %get3A_369 : i32 to index
          %get3A_371 = arith.index_cast %add3A_368 : i32 to index
          %get3A_372 = arith.constant 128 : index
          %get3A_373 = tpu.vector_load %arg13[%get3A_370, %get3A_371, %get3A_372] {strides = array<i32>} : memref<4x80x144xf32, #tpu.memory_space<vmem>>, vector<1x1x16xf32>,
          %get3A_374 = vector.shape_cast %get3A_373 : vector<1x1x16xf32> to vector<16xf32>
          %mul3A_375 = arith.constant 8 : i32
          %mul3A_376 = arith.muli %scan3A_198, %mul3A_375 : i32
          %add3A_377 = arith.constant 6 : i32
          %add3A_378 = arith.addi %mul3A_376, %add3A_377 : i32
          %get3A_379 = arith.constant 3 : i32
          %get3A_380 = arith.index_cast %get3A_379 : i32 to index
          %get3A_381 = arith.index_cast %add3A_378 : i32 to index
          %get3A_382 = arith.constant 128 : index
          %get3A_383 = tpu.vector_load %arg14[%get3A_380, %get3A_381, %get3A_382] {strides = array<i32>} : memref<4x80x144xf32, #tpu.memory_space<vmem>>, vector<1x1x16xf32>,
          %get3A_384 = vector.shape_cast %get3A_383 : vector<1x1x16xf32> to vector<16xf32>
          %add3A_385 = arith.addf %get3A_374, %get3A_384 : vector<16xf32>
          %swap3A_386 = arith.constant 3 : i32
          %swap3A_387 = arith.index_cast %swap3A_386 : i32 to index
          %swap3A_388 = arith.index_cast %scan3A_198 : i32 to index
          %swap3A_389 = arith.constant 96 : index
          %swap3A_390 = tpu.vector_load %arg15[%swap3A_387, %swap3A_388, %swap3A_389] {strides = array<i32>} : memref<4x10x128xf32, #tpu.memory_space<vmem>>, vector<1x1x16xf32>,
          %swap3A_391 = vector.shape_cast %swap3A_390 : vector<1x1x16xf32> to vector<16xf32>
          %swap3A_392 = vector.shape_cast %add3A_385 : vector<16xf32> to vector<1x1x16xf32>
          tpu.vector_store %arg15[%swap3A_387, %swap3A_388, %swap3A_389], %swap3A_392 {strides = array<i32>} : memref<4x10x128xf32, #tpu.memory_space<vmem>>, vector<1x1x16xf32>,
          %mul3A_393 = arith.constant 8 : i32
          %mul3A_394 = arith.muli %scan3A_198, %mul3A_393 : i32
          %add3A_395 = arith.constant 7 : i32
          %add3A_396 = arith.addi %mul3A_394, %add3A_395 : i32
          %get3A_397 = arith.constant 3 : i32
          %get3A_398 = arith.index_cast %get3A_397 : i32 to index
          %get3A_399 = arith.index_cast %add3A_396 : i32 to index
          %get3A_400 = arith.constant 128 : index
          %get3A_401 = tpu.vector_load %arg13[%get3A_398, %get3A_399, %get3A_400] {strides = array<i32>} : memref<4x80x144xf32, #tpu.memory_space<vmem>>, vector<1x1x16xf32>,
          %get3A_402 = vector.shape_cast %get3A_401 : vector<1x1x16xf32> to vector<16xf32>
          %mul3A_403 = arith.constant 8 : i32
          %mul3A_404 = arith.muli %scan3A_198, %mul3A_403 : i32
          %add3A_405 = arith.constant 7 : i32
          %add3A_406 = arith.addi %mul3A_404, %add3A_405 : i32
          %get3A_407 = arith.constant 3 : i32
          %get3A_408 = arith.index_cast %get3A_407 : i32 to index
          %get3A_409 = arith.index_cast %add3A_406 : i32 to index
          %get3A_410 = arith.constant 128 : index
          %get3A_411 = tpu.vector_load %arg14[%get3A_408, %get3A_409, %get3A_410] {strides = array<i32>} : memref<4x80x144xf32, #tpu.memory_space<vmem>>, vector<1x1x16xf32>,
          %get3A_412 = vector.shape_cast %get3A_411 : vector<1x1x16xf32> to vector<16xf32>
          %add3A_413 = arith.addf %get3A_402, %get3A_412 : vector<16xf32>
          %swap3A_414 = arith.constant 3 : i32
          %swap3A_415 = arith.index_cast %swap3A_414 : i32 to index
          %swap3A_416 = arith.index_cast %scan3A_198 : i32 to index
          %swap3A_417 = arith.constant 112 : index
          %swap3A_418 = tpu.vector_load %arg15[%swap3A_415, %swap3A_416, %swap3A_417] {strides = array<i32>} : memref<4x10x128xf32, #tpu.memory_space<vmem>>, vector<1x1x16xf32>,
          %swap3A_419 = vector.shape_cast %swap3A_418 : vector<1x1x16xf32> to vector<16xf32>
          %swap3A_420 = vector.shape_cast %add3A_413 : vector<16xf32> to vector<1x1x16xf32>
          tpu.vector_store %arg15[%swap3A_415, %swap3A_416, %swap3A_417], %swap3A_420 {strides = array<i32>} : memref<4x10x128xf32, #tpu.memory_space<vmem>>, vector<1x1x16xf32>,
        }
        %scan3A_104 = arith.constant 10 : i32
        %add3A_105 = arith.addi %select_n3A, %add3A_73 : i32
        %mul3A_106 = arith.constant 80 : i32
        %mul3A_107 = arith.muli %add3A_105, %mul3A_106 : i32
        %mul3A_108 = arith.constant 10 : i32
        %mul3A_109 = arith.muli %add3A_105, %mul3A_108 : i32
        %dma_start3A = arith.constant 3 : i32
        %dma_start3A_110 = arith.constant 0 : i32
        %dma_start3A_111 = arith.constant 0 : i32
        %dma_start3A_112 = tpu.memref_slice %arg13[%dma_start3A, %dma_start3A_110, %dma_start3A_111] : memref<4x80x144xf32, #tpu.memory_space<vmem>> -> memref<1x80x128xf32, #tpu.memory_space<vmem>>
        %dma_start3A_113 = tpu.memref_squeeze %dma_start3A_112 : memref<1x80x128xf32, #tpu.memory_space<vmem>> -> memref<80x128xf32, #tpu.memory_space<vmem>>
        %dma_start3A_114 = arith.constant 0 : i32
        %dma_start3A_115 = tpu.memref_slice %arg8[%mul3A_107, %dma_start3A_114] : memref<327680x128xf32, #tpu.memory_space<hbm>> -> memref<80x128xf32, #tpu.memory_space<hbm>>
        %dma_start3A_116 = arith.constant 0 : i32
        %dma_start3A_117 = tpu.memref_slice %arg8[%mul3A_107, %dma_start3A_116] : memref<327680x128xf32, #tpu.memory_space<hbm>> -> memref<80x128xf32, #tpu.memory_space<hbm>>
        %dma_start3A_118 = arith.constant 0 : i32
        %dma_start3A_119 = arith.constant 0 : i32
        %dma_start3A_120 = tpu.memref_slice %arg13[%dma_start3A, %dma_start3A_118, %dma_start3A_119] : memref<4x80x144xf32, #tpu.memory_space<vmem>> -> memref<1x80x128xf32, #tpu.memory_space<vmem>>
        %dma_start3A_121 = tpu.memref_squeeze %dma_start3A_120 : memref<1x80x128xf32, #tpu.memory_space<vmem>> -> memref<80x128xf32, #tpu.memory_space<vmem>>
        tpu.enqueue_dma source(%dma_start3A_121 : memref<80x128xf32, #tpu.memory_space<vmem>>) target(%dma_start3A_117 : memref<80x128xf32, #tpu.memory_space<hbm>>) target_semaphore(%arg23 : memref<!tpu.dma_semaphore, #tpu.memory_space<semaphore_mem>>)
        %dma_start3A_122 = arith.constant 3 : i32
        %dma_start3A_123 = arith.constant 0 : i32
        %dma_start3A_124 = arith.constant 0 : i32
        %dma_start3A_125 = tpu.memref_slice %arg14[%dma_start3A_122, %dma_start3A_123, %dma_start3A_124] : memref<4x80x144xf32, #tpu.memory_space<vmem>> -> memref<1x80x128xf32, #tpu.memory_space<vmem>>
        %dma_start3A_126 = tpu.memref_squeeze %dma_start3A_125 : memref<1x80x128xf32, #tpu.memory_space<vmem>> -> memref<80x128xf32, #tpu.memory_space<vmem>>
        %dma_start3A_127 = arith.constant 0 : i32
        %dma_start3A_128 = tpu.memref_slice %arg9[%mul3A_107, %dma_start3A_127] : memref<327680x128xf32, #tpu.memory_space<hbm>> -> memref<80x128xf32, #tpu.memory_space<hbm>>
        %dma_start3A_129 = arith.constant 0 : i32
        %dma_start3A_130 = tpu.memref_slice %arg9[%mul3A_107, %dma_start3A_129] : memref<327680x128xf32, #tpu.memory_space<hbm>> -> memref<80x128xf32, #tpu.memory_space<hbm>>
        %dma_start3A_131 = arith.constant 0 : i32
        %dma_start3A_132 = arith.constant 0 : i32
        %dma_start3A_133 = tpu.memref_slice %arg14[%dma_start3A_122, %dma_start3A_131, %dma_start3A_132] : memref<4x80x144xf32, #tpu.memory_space<vmem>> -> memref<1x80x128xf32, #tpu.memory_space<vmem>>
        %dma_start3A_134 = tpu.memref_squeeze %dma_start3A_133 : memref<1x80x128xf32, #tpu.memory_space<vmem>> -> memref<80x128xf32, #tpu.memory_space<vmem>>
        tpu.enqueue_dma source(%dma_start3A_134 : memref<80x128xf32, #tpu.memory_space<vmem>>) target(%dma_start3A_130 : memref<80x128xf32, #tpu.memory_space<hbm>>) target_semaphore(%arg23 : memref<!tpu.dma_semaphore, #tpu.memory_space<semaphore_mem>>)
        %dma_start3A_135 = arith.constant 3 : i32
        %dma_start3A_136 = arith.constant 0 : i32
        %dma_start3A_137 = arith.constant 0 : i32
        %dma_start3A_138 = tpu.memref_slice %arg15[%dma_start3A_135, %dma_start3A_136, %dma_start3A_137] : memref<4x10x128xf32, #tpu.memory_space<vmem>> -> memref<1x10x128xf32, #tpu.memory_space<vmem>>
        %dma_start3A_139 = tpu.memref_squeeze %dma_start3A_138 : memref<1x10x128xf32, #tpu.memory_space<vmem>> -> memref<10x128xf32, #tpu.memory_space<vmem>>
        %dma_start3A_140 = arith.constant 0 : i32
        %dma_start3A_141 = tpu.memref_slice %arg10[%mul3A_109, %dma_start3A_140] : memref<40960x128xf32, #tpu.memory_space<hbm>> -> memref<10x128xf32, #tpu.memory_space<hbm>>
        %dma_start3A_142 = arith.constant 0 : i32
        %dma_start3A_143 = tpu.memref_slice %arg10[%mul3A_109, %dma_start3A_142] : memref<40960x128xf32, #tpu.memory_space<hbm>> -> memref<10x128xf32, #tpu.memory_space<hbm>>
        %dma_start3A_144 = arith.constant 0 : i32
        %dma_start3A_145 = arith.constant 0 : i32
        %dma_start3A_146 = tpu.memref_slice %arg15[%dma_start3A_135, %dma_start3A_144, %dma_start3A_145] : memref<4x10x128xf32, #tpu.memory_space<vmem>> -> memref<1x10x128xf32, #tpu.memory_space<vmem>>
        %dma_start3A_147 = tpu.memref_squeeze %dma_start3A_146 : memref<1x10x128xf32, #tpu.memory_space<vmem>> -> memref<10x128xf32, #tpu.memory_space<vmem>>
        tpu.enqueue_dma source(%dma_start3A_147 : memref<10x128xf32, #tpu.memory_space<vmem>>) target(%dma_start3A_143 : memref<10x128xf32, #tpu.memory_space<hbm>>) target_semaphore(%arg23 : memref<!tpu.dma_semaphore, #tpu.memory_space<semaphore_mem>>)
        %add3A_148 = arith.addi %select_n3A, %add3A_73 : i32
        %mul3A_149 = arith.constant 80 : i32
        %mul3A_150 = arith.muli %add3A_148, %mul3A_149 : i32
        %mul3A_151 = arith.constant 10 : i32
        %mul3A_152 = arith.muli %add3A_148, %mul3A_151 : i32
        %dma_wait3A_153 = arith.constant 3 : i32
        %dma_wait3A_154 = arith.constant 0 : i32
        %dma_wait3A_155 = arith.constant 0 : i32
        %dma_wait3A_156 = tpu.memref_slice %arg13[%dma_wait3A_153, %dma_wait3A_154, %dma_wait3A_155] : memref<4x80x144xf32, #tpu.memory_space<vmem>> -> memref<1x80x128xf32, #tpu.memory_space<vmem>>
        %dma_wait3A_157 = tpu.memref_squeeze %dma_wait3A_156 : memref<1x80x128xf32, #tpu.memory_space<vmem>> -> memref<80x128xf32, #tpu.memory_space<vmem>>
        %dma_wait3A_158 = arith.constant 0 : i32
        %dma_wait3A_159 = tpu.memref_slice %arg8[%mul3A_150, %dma_wait3A_158] : memref<327680x128xf32, #tpu.memory_space<hbm>> -> memref<80x128xf32, #tpu.memory_space<hbm>>
        %dma_wait3A_160 = arith.constant 0 : i32
        %dma_wait3A_161 = tpu.memref_slice %arg8[%mul3A_150, %dma_wait3A_160] : memref<327680x128xf32, #tpu.memory_space<hbm>> -> memref<80x128xf32, #tpu.memory_space<hbm>>
        %dma_wait3A_162 = arith.constant 0 : i32
        %dma_wait3A_163 = arith.constant 0 : i32
        %dma_wait3A_164 = tpu.memref_slice %arg13[%dma_wait3A_153, %dma_wait3A_162, %dma_wait3A_163] : memref<4x80x144xf32, #tpu.memory_space<vmem>> -> memref<1x80x128xf32, #tpu.memory_space<vmem>>
        %dma_wait3A_165 = tpu.memref_squeeze %dma_wait3A_164 : memref<1x80x128xf32, #tpu.memory_space<vmem>> -> memref<80x128xf32, #tpu.memory_space<vmem>>
        tpu.wait_dma2 semaphore(%arg23 : memref<!tpu.dma_semaphore, #tpu.memory_space<semaphore_mem>>) src(%dma_wait3A_165 : memref<80x128xf32, #tpu.memory_space<vmem>>) dst(%dma_wait3A_161 : memref<80x128xf32, #tpu.memory_space<hbm>>)
        %dma_wait3A_166 = arith.constant 3 : i32
        %dma_wait3A_167 = arith.constant 0 : i32
        %dma_wait3A_168 = arith.constant 0 : i32
        %dma_wait3A_169 = tpu.memref_slice %arg14[%dma_wait3A_166, %dma_wait3A_167, %dma_wait3A_168] : memref<4x80x144xf32, #tpu.memory_space<vmem>> -> memref<1x80x128xf32, #tpu.memory_space<vmem>>
        %dma_wait3A_170 = tpu.memref_squeeze %dma_wait3A_169 : memref<1x80x128xf32, #tpu.memory_space<vmem>> -> memref<80x128xf32, #tpu.memory_space<vmem>>
        %dma_wait3A_171 = arith.constant 0 : i32
        %dma_wait3A_172 = tpu.memref_slice %arg9[%mul3A_150, %dma_wait3A_171] : memref<327680x128xf32, #tpu.memory_space<hbm>> -> memref<80x128xf32, #tpu.memory_space<hbm>>
        %dma_wait3A_173 = arith.constant 0 : i32
        %dma_wait3A_174 = tpu.memref_slice %arg9[%mul3A_150, %dma_wait3A_173] : memref<327680x128xf32, #tpu.memory_space<hbm>> -> memref<80x128xf32, #tpu.memory_space<hbm>>
        %dma_wait3A_175 = arith.constant 0 : i32
        %dma_wait3A_176 = arith.constant 0 : i32
        %dma_wait3A_177 = tpu.memref_slice %arg14[%dma_wait3A_166, %dma_wait3A_175, %dma_wait3A_176] : memref<4x80x144xf32, #tpu.memory_space<vmem>> -> memref<1x80x128xf32, #tpu.memory_space<vmem>>
        %dma_wait3A_178 = tpu.memref_squeeze %dma_wait3A_177 : memref<1x80x128xf32, #tpu.memory_space<vmem>> -> memref<80x128xf32, #tpu.memory_space<vmem>>
        tpu.wait_dma2 semaphore(%arg23 : memref<!tpu.dma_semaphore, #tpu.memory_space<semaphore_mem>>) src(%dma_wait3A_178 : memref<80x128xf32, #tpu.memory_space<vmem>>) dst(%dma_wait3A_174 : memref<80x128xf32, #tpu.memory_space<hbm>>)
        %dma_wait3A_179 = arith.constant 3 : i32
        %dma_wait3A_180 = arith.constant 0 : i32
        %dma_wait3A_181 = arith.constant 0 : i32
        %dma_wait3A_182 = tpu.memref_slice %arg15[%dma_wait3A_179, %dma_wait3A_180, %dma_wait3A_181] : memref<4x10x128xf32, #tpu.memory_space<vmem>> -> memref<1x10x128xf32, #tpu.memory_space<vmem>>
        %dma_wait3A_183 = tpu.memref_squeeze %dma_wait3A_182 : memref<1x10x128xf32, #tpu.memory_space<vmem>> -> memref<10x128xf32, #tpu.memory_space<vmem>>
        %dma_wait3A_184 = arith.constant 0 : i32
        %dma_wait3A_185 = tpu.memref_slice %arg10[%mul3A_152, %dma_wait3A_184] : memref<40960x128xf32, #tpu.memory_space<hbm>> -> memref<10x128xf32, #tpu.memory_space<hbm>>
        %dma_wait3A_186 = arith.constant 0 : i32
        %dma_wait3A_187 = tpu.memref_slice %arg10[%mul3A_152, %dma_wait3A_186] : memref<40960x128xf32, #tpu.memory_space<hbm>> -> memref<10x128xf32, #tpu.memory_space<hbm>>
        %dma_wait3A_188 = arith.constant 0 : i32
        %dma_wait3A_189 = arith.constant 0 : i32
        %dma_wait3A_190 = tpu.memref_slice %arg15[%dma_wait3A_179, %dma_wait3A_188, %dma_wait3A_189] : memref<4x10x128xf32, #tpu.memory_space<vmem>> -> memref<1x10x128xf32, #tpu.memory_space<vmem>>
        %dma_wait3A_191 = tpu.memref_squeeze %dma_wait3A_190 : memref<1x10x128xf32, #tpu.memory_space<vmem>> -> memref<10x128xf32, #tpu.memory_space<vmem>>
        tpu.wait_dma2 semaphore(%arg23 : memref<!tpu.dma_semaphore, #tpu.memory_space<semaphore_mem>>) src(%dma_wait3A_191 : memref<10x128xf32, #tpu.memory_space<vmem>>) dst(%dma_wait3A_187 : memref<10x128xf32, #tpu.memory_space<hbm>>)
        %add3A_192 = arith.constant 4 : i32
        %add3A_193 = arith.addi %add3A_73, %add3A_192 : i32
        %lt3A_194 = arith.cmpi slt, %add3A_193, %select_n3A_8 : i32
        %convert_element_type3A_195 = arith.extui %lt3A_194 : i1 to i32
        %cond3A_196 = arith.constant 0 : i32
        %cond3A_197 = arith.cmpi ne, %convert_element_type3A_195, %cond3A_196 : i32
        scf.if %cond3A_197 {
          %eq3A_198 = arith.constant 0 : i32
          %eq3A_199 = arith.cmpi eq, %arg0, %eq3A_198 : i32
          %convert_element_type3A_200 = arith.extui %eq3A_199 : i1 to i32
          %cond3A_201 = arith.constant 0 : i32
          %cond3A_202 = arith.cmpi ne, %convert_element_type3A_200, %cond3A_201 : i32
          scf.if %cond3A_202 {
            %dma_start3A_208 = arith.constant 3 : i32
            %dma_start3A_209 = arith.constant 0 : i32
            %dma_start3A_210 = arith.constant 0 : i32
            %dma_start3A_211 = tpu.memref_slice %arg13[%dma_start3A_208, %dma_start3A_209, %dma_start3A_210] : memref<4x80x144xf32, #tpu.memory_space<vmem>> -> memref<1x80x144xf32, #tpu.memory_space<vmem>>
            %dma_start3A_212 = tpu.memref_squeeze %dma_start3A_211 : memref<1x80x144xf32, #tpu.memory_space<vmem>> -> memref<80x144xf32, #tpu.memory_space<vmem>>
            %dma_start3A_213 = arith.constant 0 : i32
            %dma_start3A_214 = tpu.memref_slice %arg11[%add3A_193, %dma_start3A_213] : memref<128x80xi32, #tpu.memory_space<vmem>> -> memref<1x80xi32, #tpu.memory_space<vmem>>
            %dma_start3A_215 = tpu.memref_squeeze %dma_start3A_214 : memref<1x80xi32, #tpu.memory_space<vmem>> -> memref<80xi32, #tpu.memory_space<vmem>>
            %dma_start3A_216 = arith.constant 0 : i32
            %dma_start3A_217 = arith.constant 0 : i32
            %dma_start3A_218 = tpu.memref_slice %arg2[%dma_start3A_216, %dma_start3A_217] : memref<10000x144xf32, #tpu.memory_space<hbm>> -> memref<10000x144xf32, #tpu.memory_space<hbm>>
            tpu.enqueue_indirect_dma source(%dma_start3A_218 : memref<10000x144xf32, #tpu.memory_space<hbm>>) target(%dma_start3A_212 : memref<80x144xf32, #tpu.memory_space<vmem>>) offsets(%dma_start3A_215 : memref<80xi32, #tpu.memory_space<vmem>>) semaphore(%arg19 : memref<!tpu.dma_semaphore, #tpu.memory_space<semaphore_mem>>)
            %dma_start3A_219 = arith.constant 3 : i32
            %dma_start3A_220 = arith.constant 0 : i32
            %dma_start3A_221 = arith.constant 0 : i32
            %dma_start3A_222 = tpu.memref_slice %arg14[%dma_start3A_219, %dma_start3A_220, %dma_start3A_221] : memref<4x80x144xf32, #tpu.memory_space<vmem>> -> memref<1x80x144xf32, #tpu.memory_space<vmem>>
            %dma_start3A_223 = tpu.memref_squeeze %dma_start3A_222 : memref<1x80x144xf32, #tpu.memory_space<vmem>> -> memref<80x144xf32, #tpu.memory_space<vmem>>
            %dma_start3A_224 = arith.constant 0 : i32
            %dma_start3A_225 = tpu.memref_slice %arg12[%add3A_193, %dma_start3A_224] : memref<128x80xi32, #tpu.memory_space<vmem>> -> memref<1x80xi32, #tpu.memory_space<vmem>>
            %dma_start3A_226 = tpu.memref_squeeze %dma_start3A_225 : memref<1x80xi32, #tpu.memory_space<vmem>> -> memref<80xi32, #tpu.memory_space<vmem>>
            %dma_start3A_227 = arith.constant 0 : i32
            %dma_start3A_228 = arith.constant 0 : i32
            %dma_start3A_229 = tpu.memref_slice %arg3[%dma_start3A_227, %dma_start3A_228] : memref<10000x144xf32, #tpu.memory_space<hbm>> -> memref<10000x144xf32, #tpu.memory_space<hbm>>
            tpu.enqueue_indirect_dma source(%dma_start3A_229 : memref<10000x144xf32, #tpu.memory_space<hbm>>) target(%dma_start3A_223 : memref<80x144xf32, #tpu.memory_space<vmem>>) offsets(%dma_start3A_226 : memref<80xi32, #tpu.memory_space<vmem>>) semaphore(%arg19 : memref<!tpu.dma_semaphore, #tpu.memory_space<semaphore_mem>>)
          } else {
          }
          %eq3A_203 = arith.constant 1 : i32
          %eq3A_204 = arith.cmpi eq, %arg0, %eq3A_203 : i32
          %convert_element_type3A_205 = arith.extui %eq3A_204 : i1 to i32
          %cond3A_206 = arith.constant 0 : i32
          %cond3A_207 = arith.cmpi ne, %convert_element_type3A_205, %cond3A_206 : i32
          scf.if %cond3A_207 {
            %dma_start3A_208 = arith.constant 3 : i32
            %dma_start3A_209 = arith.constant 0 : i32
            %dma_start3A_210 = arith.constant 0 : i32
            %dma_start3A_211 = tpu.memref_slice %arg13[%dma_start3A_208, %dma_start3A_209, %dma_start3A_210] : memref<4x80x144xf32, #tpu.memory_space<vmem>> -> memref<1x80x144xf32, #tpu.memory_space<vmem>>
            %dma_start3A_212 = tpu.memref_squeeze %dma_start3A_211 : memref<1x80x144xf32, #tpu.memory_space<vmem>> -> memref<80x144xf32, #tpu.memory_space<vmem>>
            %dma_start3A_213 = arith.constant 0 : i32
            %dma_start3A_214 = tpu.memref_slice %arg11[%add3A_193, %dma_start3A_213] : memref<128x80xi32, #tpu.memory_space<vmem>> -> memref<1x80xi32, #tpu.memory_space<vmem>>
            %dma_start3A_215 = tpu.memref_squeeze %dma_start3A_214 : memref<1x80xi32, #tpu.memory_space<vmem>> -> memref<80xi32, #tpu.memory_space<vmem>>
            %dma_start3A_216 = arith.constant 0 : i32
            %dma_start3A_217 = arith.constant 0 : i32
            %dma_start3A_218 = tpu.memref_slice %arg4[%dma_start3A_216, %dma_start3A_217] : memref<10000x144xf32, #tpu.memory_space<hbm>> -> memref<10000x144xf32, #tpu.memory_space<hbm>>
            tpu.enqueue_indirect_dma source(%dma_start3A_218 : memref<10000x144xf32, #tpu.memory_space<hbm>>) target(%dma_start3A_212 : memref<80x144xf32, #tpu.memory_space<vmem>>) offsets(%dma_start3A_215 : memref<80xi32, #tpu.memory_space<vmem>>) semaphore(%arg19 : memref<!tpu.dma_semaphore, #tpu.memory_space<semaphore_mem>>)
            %dma_start3A_219 = arith.constant 3 : i32
            %dma_start3A_220 = arith.constant 0 : i32
            %dma_start3A_221 = arith.constant 0 : i32
            %dma_start3A_222 = tpu.memref_slice %arg14[%dma_start3A_219, %dma_start3A_220, %dma_start3A_221] : memref<4x80x144xf32, #tpu.memory_space<vmem>> -> memref<1x80x144xf32, #tpu.memory_space<vmem>>
            %dma_start3A_223 = tpu.memref_squeeze %dma_start3A_222 : memref<1x80x144xf32, #tpu.memory_space<vmem>> -> memref<80x144xf32, #tpu.memory_space<vmem>>
            %dma_start3A_224 = arith.constant 0 : i32
            %dma_start3A_225 = tpu.memref_slice %arg12[%add3A_193, %dma_start3A_224] : memref<128x80xi32, #tpu.memory_space<vmem>> -> memref<1x80xi32, #tpu.memory_space<vmem>>
            %dma_start3A_226 = tpu.memref_squeeze %dma_start3A_225 : memref<1x80xi32, #tpu.memory_space<vmem>> -> memref<80xi32, #tpu.memory_space<vmem>>
            %dma_start3A_227 = arith.constant 0 : i32
            %dma_start3A_228 = arith.constant 0 : i32
            %dma_start3A_229 = tpu.memref_slice %arg5[%dma_start3A_227, %dma_start3A_228] : memref<10000x144xf32, #tpu.memory_space<hbm>> -> memref<10000x144xf32, #tpu.memory_space<hbm>>
            tpu.enqueue_indirect_dma source(%dma_start3A_229 : memref<10000x144xf32, #tpu.memory_space<hbm>>) target(%dma_start3A_223 : memref<80x144xf32, #tpu.memory_space<vmem>>) offsets(%dma_start3A_226 : memref<80xi32, #tpu.memory_space<vmem>>) semaphore(%arg19 : memref<!tpu.dma_semaphore, #tpu.memory_space<semaphore_mem>>)
          } else {
          }
        } else {
        }
      } else {
      }
    }
    %scan3A_45 = arith.constant 32 : i32
    return
  }
}

module attributes {stable_mosaic.version = 14 : i64} {
  func.func @body(%arg0: i32, %arg1: memref<1000x128xf32, #tpu.memory_space<vmem>>, %arg2: memref<128x144xf32, #tpu.memory_space<vmem>>, %arg3: memref<128x144xf32, #tpu.memory_space<vmem>>, %arg4: memref<1000x144xf32, #tpu.memory_space<vmem>>, %arg5: memref<1000x144xf32, #tpu.memory_space<vmem>>, %arg6: memref<1000x144xf32, #tpu.memory_space<vmem>>, %arg7: memref<1000x144xf32, #tpu.memory_space<vmem>>) attributes {dimension_semantics = [#tpu.dimension_semantics<arbitrary>], iteration_bounds = array<i64: 10>, scalar_prefetch = 0 : i64, scratch_operands = 0 : i64, tpu.core_type = #tpu.core_type<tc>, window_params = [{transform_indices = @transform_0, window_bounds = array<i64: 1000, 128>}, {pipeline_mode = #tpu.pipeline_mode<synchronous>, transform_indices = @transform_1, window_bounds = array<i64: 128, 144>}, {pipeline_mode = #tpu.pipeline_mode<synchronous>, transform_indices = @transform_2, window_bounds = array<i64: 128, 144>}, {transform_indices = @transform_3, window_bounds = array<i64: 1000, 144>}, {transform_indices = @transform_4, window_bounds = array<i64: 1000, 144>}, {transform_indices = @transform_5, window_bounds = array<i64: 1000, 144>}, {transform_indices = @transform_6, window_bounds = array<i64: 1000, 144>}]} {
    %get3A = arith.constant 0 : index
    %get3A_0 = arith.constant 0 : index
    %get3A_1 = vector.load %arg1[%get3A, %get3A_0] : memref<1000x128xf32, #tpu.memory_space<vmem>>, vector<1000x128xf32>
    %get3A_2 = arith.constant 0 : index
    %get3A_3 = arith.constant 0 : index
    %get3A_4 = vector.load %arg2[%get3A_2, %get3A_3] : memref<128x144xf32, #tpu.memory_space<vmem>>, vector<128x144xf32>
    %dot_general3A = arith.constant dense<0.000000e+00> : vector<1000x144xf32>
    %dot_general3A_5 = tpu.matmul %get3A_1, %get3A_4, %dot_general3A {dimension_numbers = #tpu.dot_dimension_numbers<[1], [0], [0], [1], [0, 0, 1, 1], [], []>, transpose_lhs_hint = false} : vector<1000x128xf32>, vector<128x144xf32>, vector<1000x144xf32> -> vector<1000x144xf32>
    %get3A_6 = arith.constant 0 : index
    %get3A_7 = arith.constant 0 : index
    %get3A_8 = vector.load %arg3[%get3A_6, %get3A_7] : memref<128x144xf32, #tpu.memory_space<vmem>>, vector<128x144xf32>
    %dot_general3A_9 = arith.constant dense<0.000000e+00> : vector<1000x144xf32>
    %dot_general3A_10 = tpu.matmul %get3A_1, %get3A_8, %dot_general3A_9 {dimension_numbers = #tpu.dot_dimension_numbers<[1], [0], [0], [1], [0, 0, 1, 1], [], []>, transpose_lhs_hint = false} : vector<1000x128xf32>, vector<128x144xf32>, vector<1000x144xf32> -> vector<1000x144xf32>
    %swap3A = arith.constant 0 : index
    %swap3A_11 = arith.constant 0 : index
    %swap3A_12 = vector.load %arg4[%swap3A, %swap3A_11] : memref<1000x144xf32, #tpu.memory_space<vmem>>, vector<1000x144xf32>
    tpu.vector_store %arg4[%swap3A, %swap3A_11], %dot_general3A_5 {strides = array<i32>} : memref<1000x144xf32, #tpu.memory_space<vmem>>, vector<1000x144xf32>,
    %swap3A_13 = arith.constant 0 : index
    %swap3A_14 = arith.constant 0 : index
    %swap3A_15 = vector.load %arg5[%swap3A_13, %swap3A_14] : memref<1000x144xf32, #tpu.memory_space<vmem>>, vector<1000x144xf32>
    tpu.vector_store %arg5[%swap3A_13, %swap3A_14], %dot_general3A_10 {strides = array<i32>} : memref<1000x144xf32, #tpu.memory_space<vmem>>, vector<1000x144xf32>,
    %swap3A_16 = arith.constant 0 : index
    %swap3A_17 = arith.constant 0 : index
    %swap3A_18 = vector.load %arg6[%swap3A_16, %swap3A_17] : memref<1000x144xf32, #tpu.memory_space<vmem>>, vector<1000x144xf32>
    tpu.vector_store %arg6[%swap3A_16, %swap3A_17], %dot_general3A_5 {strides = array<i32>} : memref<1000x144xf32, #tpu.memory_space<vmem>>, vector<1000x144xf32>,
    %swap3A_19 = arith.constant 0 : index
    %swap3A_20 = arith.constant 0 : index
    %swap3A_21 = vector.load %arg7[%swap3A_19, %swap3A_20] : memref<1000x144xf32, #tpu.memory_space<vmem>>, vector<1000x144xf32>
    tpu.vector_store %arg7[%swap3A_19, %swap3A_20], %dot_general3A_10 {strides = array<i32>} : memref<1000x144xf32, #tpu.memory_space<vmem>>, vector<1000x144xf32>,
    return
  }
  func.func @transform_0(%arg0: i32) -> (i32, i32) {
    %c0_i32 = arith.constant 0 : i32
    %c0_i32_0 = arith.constant 0 : i32
    return %arg0, %c0_i32 : i32, i32
  }
  func.func @transform_1(%arg0: i32) -> (i32, i32) {
    %c0_i32 = arith.constant 0 : i32
    %c0_i32_0 = arith.constant 0 : i32
    %c0_i32_1 = arith.constant 0 : i32
    return %c0_i32, %c0_i32_0 : i32, i32
  }
  func.func @transform_2(%arg0: i32) -> (i32, i32) {
    %c0_i32 = arith.constant 0 : i32
    %c0_i32_0 = arith.constant 0 : i32
    %c0_i32_1 = arith.constant 0 : i32
    return %c0_i32, %c0_i32_0 : i32, i32
  }
  func.func @transform_3(%arg0: i32) -> (i32, i32) {
    %c0_i32 = arith.constant 0 : i32
    %c0_i32_0 = arith.constant 0 : i32
    return %arg0, %c0_i32 : i32, i32
  }
  func.func @transform_4(%arg0: i32) -> (i32, i32) {
    %c0_i32 = arith.constant 0 : i32
    %c0_i32_0 = arith.constant 0 : i32
    return %arg0, %c0_i32 : i32, i32
  }
  func.func @transform_5(%arg0: i32) -> (i32, i32) {
    %c0_i32 = arith.constant 0 : i32
    %c0_i32_0 = arith.constant 0 : i32
    return %arg0, %c0_i32 : i32, i32
  }
  func.func @transform_6(%arg0: i32) -> (i32, i32) {
    %c0_i32 = arith.constant 0 : i32
    %c0_i32_0 = arith.constant 0 : i32
    return %arg0, %c0_i32 : i32, i32
  }
}

module attributes {stable_mosaic.version = 14 : i64} {
  func.func @body(%arg0: i32, %arg1: memref<2048x128xf32, #tpu.memory_space<vmem>>, %arg2: memref<2048x128xf32, #tpu.memory_space<vmem>>, %arg3: memref<256x128xf32, #tpu.memory_space<vmem>>, %arg4: memref<2048x16xf32, #tpu.memory_space<vmem>>, %arg5: memref<16x128xbf16, #tpu.memory_space<vmem>>, %arg6: memref<1x128xf32, #tpu.memory_space<vmem>>, %arg7: memref<128x16xbf16, #tpu.memory_space<vmem>>, %arg8: memref<16x16xbf16, #tpu.memory_space<vmem>>, %arg9: memref<1x16xf32, #tpu.memory_space<vmem>>, %arg10: memref<1x16xf32, #tpu.memory_space<vmem>>, %arg11: memref<1x16xf32, #tpu.memory_space<vmem>>, %arg12: memref<2048x16xf32, #tpu.memory_space<vmem>>, %arg13: memref<256x128xf32, #tpu.memory_space<vmem>>) attributes {dimension_semantics = [#tpu.dimension_semantics<arbitrary>], iteration_bounds = array<i64: 157>, scalar_prefetch = 0 : i64, scratch_operands = 0 : i64, tpu.core_type = #tpu.core_type<tc>, window_params = [{transform_indices = @transform_0, window_bounds = array<i64: 2048, 128>}, {transform_indices = @transform_1, window_bounds = array<i64: 2048, 128>}, {transform_indices = @transform_2, window_bounds = array<i64: 256, 128>}, {transform_indices = @transform_3, window_bounds = array<i64: 2048, 16>}, {pipeline_mode = #tpu.pipeline_mode<synchronous>, transform_indices = @transform_4, window_bounds = array<i64: 16, 128>}, {pipeline_mode = #tpu.pipeline_mode<synchronous>, transform_indices = @transform_5, window_bounds = array<i64: 1, 128>}, {pipeline_mode = #tpu.pipeline_mode<synchronous>, transform_indices = @transform_6, window_bounds = array<i64: 128, 16>}, {pipeline_mode = #tpu.pipeline_mode<synchronous>, transform_indices = @transform_7, window_bounds = array<i64: 16, 16>}, {pipeline_mode = #tpu.pipeline_mode<synchronous>, transform_indices = @transform_8, window_bounds = array<i64: 1, 16>}, {pipeline_mode = #tpu.pipeline_mode<synchronous>, transform_indices = @transform_9, window_bounds = array<i64: 1, 16>}, {pipeline_mode = #tpu.pipeline_mode<synchronous>, transform_indices = @transform_10, window_bounds = array<i64: 1, 16>}, {transform_indices = @transform_11, window_bounds = array<i64: 2048, 16>}, {transform_indices = @transform_12, window_bounds = array<i64: 256, 128>}]} {
    %get3A = arith.constant 0 : index
    %get3A_0 = arith.constant 0 : index
    %get3A_1 = vector.load %arg4[%get3A, %get3A_0] : memref<2048x16xf32, #tpu.memory_space<vmem>>, vector<2048x16xf32>
    %convert_element_type3A = arith.truncf %get3A_1 : vector<2048x16xf32> to vector<2048x16xbf16>
    %get3A_2 = arith.constant 0 : index
    %get3A_3 = arith.constant 0 : index
    %get3A_4 = vector.load %arg1[%get3A_2, %get3A_3] : memref<2048x128xf32, #tpu.memory_space<vmem>>, vector<2048x128xf32>
    %get3A_5 = arith.constant 0 : index
    %get3A_6 = arith.constant 0 : index
    %get3A_7 = vector.load %arg2[%get3A_5, %get3A_6] : memref<2048x128xf32, #tpu.memory_space<vmem>>, vector<2048x128xf32>
    %add3A = arith.addf %get3A_4, %get3A_7 : vector<2048x128xf32>
    %get3A_8 = arith.constant 0 : index
    %get3A_9 = arith.constant 0 : index
    %get3A_10 = vector.load %arg5[%get3A_8, %get3A_9] : memref<16x128xbf16, #tpu.memory_space<vmem>>, vector<16x128xbf16>
    %dot_general3A = arith.constant dense<0.000000e+00> : vector<2048x128xf32>
    %dot_general3A_11 = tpu.matmul %convert_element_type3A, %get3A_10, %dot_general3A {dimension_numbers = #tpu.dot_dimension_numbers<[1], [0], [0], [1], [0, 0, 1, 1], [], []>, transpose_lhs_hint = false} : vector<2048x16xbf16>, vector<16x128xbf16>, vector<2048x128xf32> -> vector<2048x128xf32>
    %add3A_12 = arith.addf %add3A, %dot_general3A_11 : vector<2048x128xf32>
    %get3A_13 = arith.constant 0 : index
    %get3A_14 = arith.constant 0 : index
    %get3A_15 = vector.load %arg6[%get3A_13, %get3A_14] : memref<1x128xf32, #tpu.memory_space<vmem>>, vector<1x128xf32>
    %add3A_16 = vector.broadcast %get3A_15 : vector<1x128xf32> to vector<2048x128xf32>
    %add3A_17 = arith.addf %add3A_12, %add3A_16 : vector<2048x128xf32>
    %neg3A = arith.constant 0.000000e+00 : f32
    %neg3A_18 = vector.broadcast %neg3A : f32 to vector<2048x128xf32>
    %neg3A_19 = arith.subf %neg3A_18, %add3A_17 : vector<2048x128xf32>
    %exp3A = math.exp %neg3A_19 : vector<2048x128xf32>
    %add3A_20 = arith.constant 1.000000e+00 : f32
    %add3A_21 = vector.broadcast %add3A_20 : f32 to vector<2048x128xf32>
    %add3A_22 = arith.addf %add3A_21, %exp3A : vector<2048x128xf32>
    %div3A = arith.constant 1.000000e+00 : f32
    %div3A_23 = vector.broadcast %div3A : f32 to vector<2048x128xf32>
    %div3A_24 = arith.divf %div3A_23, %add3A_22 : vector<2048x128xf32>
    %mul3A = arith.mulf %add3A_17, %div3A_24 : vector<2048x128xf32>
    %convert_element_type3A_25 = arith.truncf %mul3A : vector<2048x128xf32> to vector<2048x128xbf16>
    %get3A_26 = arith.constant 0 : index
    %get3A_27 = arith.constant 0 : index
    %get3A_28 = vector.load %arg7[%get3A_26, %get3A_27] : memref<128x16xbf16, #tpu.memory_space<vmem>>, vector<128x16xbf16>
    %dot_general3A_29 = arith.constant dense<0.000000e+00> : vector<2048x16xf32>
    %dot_general3A_30 = tpu.matmul %convert_element_type3A_25, %get3A_28, %dot_general3A_29 {dimension_numbers = #tpu.dot_dimension_numbers<[1], [0], [0], [1], [0, 0, 1, 1], [], []>, transpose_lhs_hint = false} : vector<2048x128xbf16>, vector<128x16xbf16>, vector<2048x16xf32> -> vector<2048x16xf32>
    %get3A_31 = arith.constant 0 : index
    %get3A_32 = arith.constant 0 : index
    %get3A_33 = vector.load %arg8[%get3A_31, %get3A_32] : memref<16x16xbf16, #tpu.memory_space<vmem>>, vector<16x16xbf16>
    %dot_general3A_34 = arith.constant dense<0.000000e+00> : vector<2048x16xf32>
    %dot_general3A_35 = tpu.matmul %convert_element_type3A, %get3A_33, %dot_general3A_34 {dimension_numbers = #tpu.dot_dimension_numbers<[1], [0], [0], [1], [0, 0, 1, 1], [], []>, transpose_lhs_hint = false} : vector<2048x16xbf16>, vector<16x16xbf16>, vector<2048x16xf32> -> vector<2048x16xf32>
    %add3A_36 = arith.addf %dot_general3A_30, %dot_general3A_35 : vector<2048x16xf32>
    %get3A_37 = arith.constant 0 : index
    %get3A_38 = arith.constant 0 : index
    %get3A_39 = vector.load %arg3[%get3A_37, %get3A_38] : memref<256x128xf32, #tpu.memory_space<vmem>>, vector<256x128xf32>
    %slice3A = vector.extract_strided_slice %get3A_39 {offsets = [0, 0], sizes = [256, 16], strides = [1, 1]} : vector<256x128xf32> to vector<256x16xf32>
    %slice3A_40 = vector.extract_strided_slice %get3A_39 {offsets = [0, 16], sizes = [256, 16], strides = [1, 1]} : vector<256x128xf32> to vector<256x16xf32>
    %slice3A_41 = vector.extract_strided_slice %get3A_39 {offsets = [0, 32], sizes = [256, 16], strides = [1, 1]} : vector<256x128xf32> to vector<256x16xf32>
    %slice3A_42 = vector.extract_strided_slice %get3A_39 {offsets = [0, 48], sizes = [256, 16], strides = [1, 1]} : vector<256x128xf32> to vector<256x16xf32>
    %slice3A_43 = vector.extract_strided_slice %get3A_39 {offsets = [0, 64], sizes = [256, 16], strides = [1, 1]} : vector<256x128xf32> to vector<256x16xf32>
    %slice3A_44 = vector.extract_strided_slice %get3A_39 {offsets = [0, 80], sizes = [256, 16], strides = [1, 1]} : vector<256x128xf32> to vector<256x16xf32>
    %slice3A_45 = vector.extract_strided_slice %get3A_39 {offsets = [0, 96], sizes = [256, 16], strides = [1, 1]} : vector<256x128xf32> to vector<256x16xf32>
    %slice3A_46 = vector.extract_strided_slice %get3A_39 {offsets = [0, 112], sizes = [256, 16], strides = [1, 1]} : vector<256x128xf32> to vector<256x16xf32>
    %stack3A = vector.shape_cast %slice3A : vector<256x16xf32> to vector<256x1x16xf32>
    %stack3A_47 = vector.shape_cast %slice3A_40 : vector<256x16xf32> to vector<256x1x16xf32>
    %stack3A_48 = vector.shape_cast %slice3A_41 : vector<256x16xf32> to vector<256x1x16xf32>
    %stack3A_49 = vector.shape_cast %slice3A_42 : vector<256x16xf32> to vector<256x1x16xf32>
    %stack3A_50 = vector.shape_cast %slice3A_43 : vector<256x16xf32> to vector<256x1x16xf32>
    %stack3A_51 = vector.shape_cast %slice3A_44 : vector<256x16xf32> to vector<256x1x16xf32>
    %stack3A_52 = vector.shape_cast %slice3A_45 : vector<256x16xf32> to vector<256x1x16xf32>
    %stack3A_53 = vector.shape_cast %slice3A_46 : vector<256x16xf32> to vector<256x1x16xf32>
    %stack3A_54 = tpu.concatenate %stack3A, %stack3A_47, %stack3A_48, %stack3A_49, %stack3A_50, %stack3A_51, %stack3A_52, %stack3A_53 in 1 : vector<256x1x16xf32>, vector<256x1x16xf32>, vector<256x1x16xf32>, vector<256x1x16xf32>, vector<256x1x16xf32>, vector<256x1x16xf32>, vector<256x1x16xf32>, vector<256x1x16xf32> -> vector<256x8x16xf32>
    %reshape3A = vector.shape_cast %stack3A_54 : vector<256x8x16xf32> to vector<2048x16xf32>
    %add3A_55 = arith.addf %add3A_36, %reshape3A : vector<2048x16xf32>
    %get3A_56 = arith.constant 0 : index
    %get3A_57 = arith.constant 0 : index
    %get3A_58 = vector.load %arg9[%get3A_56, %get3A_57] : memref<1x16xf32, #tpu.memory_space<vmem>>, vector<1x16xf32>
    %add3A_59 = vector.broadcast %get3A_58 : vector<1x16xf32> to vector<2048x16xf32>
    %add3A_60 = arith.addf %add3A_55, %add3A_59 : vector<2048x16xf32>
    %reduce_sum3A = arith.constant dense<0.000000e+00> : vector<2048xf32>
    %reduce_sum3A_61 = vector.multi_reduction <add>, %add3A_60, %reduce_sum3A [1] : vector<2048x16xf32> to vector<2048xf32>
    %broadcast_in_dim3A = vector.shape_cast %reduce_sum3A_61 : vector<2048xf32> to vector<2048x1xf32>
    %div3A_62 = arith.constant 1.600000e+01 : f32
    %div3A_63 = vector.broadcast %div3A_62 : f32 to vector<2048x1xf32>
    %div3A_64 = arith.divf %broadcast_in_dim3A, %div3A_63 : vector<2048x1xf32>
    %sub3A = vector.broadcast %div3A_64 : vector<2048x1xf32> to vector<2048x16xf32>
    %sub3A_65 = arith.subf %add3A_60, %sub3A : vector<2048x16xf32>
    %mul3A_66 = arith.mulf %sub3A_65, %sub3A_65 : vector<2048x16xf32>
    %reduce_sum3A_67 = arith.constant dense<0.000000e+00> : vector<2048xf32>
    %reduce_sum3A_68 = vector.multi_reduction <add>, %mul3A_66, %reduce_sum3A_67 [1] : vector<2048x16xf32> to vector<2048xf32>
    %broadcast_in_dim3A_69 = vector.shape_cast %reduce_sum3A_68 : vector<2048xf32> to vector<2048x1xf32>
    %div3A_70 = arith.constant 1.600000e+01 : f32
    %div3A_71 = vector.broadcast %div3A_70 : f32 to vector<2048x1xf32>
    %div3A_72 = arith.divf %broadcast_in_dim3A_69, %div3A_71 : vector<2048x1xf32>
    %add3A_73 = arith.constant 9.99999974E-6 : f32
    %add3A_74 = vector.broadcast %add3A_73 : f32 to vector<2048x1xf32>
    %add3A_75 = arith.addf %div3A_72, %add3A_74 : vector<2048x1xf32>
    %rsqrt3A = math.rsqrt %add3A_75 : vector<2048x1xf32>
    %mul3A_76 = vector.broadcast %rsqrt3A : vector<2048x1xf32> to vector<2048x16xf32>
    %mul3A_77 = arith.mulf %sub3A_65, %mul3A_76 : vector<2048x16xf32>
    %get3A_78 = arith.constant 0 : index
    %get3A_79 = arith.constant 0 : index
    %get3A_80 = vector.load %arg10[%get3A_78, %get3A_79] : memref<1x16xf32, #tpu.memory_space<vmem>>, vector<1x16xf32>
    %mul3A_81 = vector.broadcast %get3A_80 : vector<1x16xf32> to vector<2048x16xf32>
    %mul3A_82 = arith.mulf %mul3A_77, %mul3A_81 : vector<2048x16xf32>
    %get3A_83 = arith.constant 0 : index
    %get3A_84 = arith.constant 0 : index
    %get3A_85 = vector.load %arg11[%get3A_83, %get3A_84] : memref<1x16xf32, #tpu.memory_space<vmem>>, vector<1x16xf32>
    %add3A_86 = vector.broadcast %get3A_85 : vector<1x16xf32> to vector<2048x16xf32>
    %add3A_87 = arith.addf %mul3A_82, %add3A_86 : vector<2048x16xf32>
    %swap3A = arith.constant 0 : index
    %swap3A_88 = arith.constant 0 : index
    %swap3A_89 = vector.load %arg12[%swap3A, %swap3A_88] : memref<2048x16xf32, #tpu.memory_space<vmem>>, vector<2048x16xf32>
    tpu.vector_store %arg12[%swap3A, %swap3A_88], %add3A_87 {strides = array<i32>} : memref<2048x16xf32, #tpu.memory_space<vmem>>, vector<2048x16xf32>,
    %reshape3A_90 = vector.shape_cast %add3A_87 : vector<2048x16xf32> to vector<256x8x16xf32>
    %slice3A_91 = vector.extract_strided_slice %reshape3A_90 {offsets = [0, 0, 0], sizes = [256, 1, 16], strides = [1, 1, 1]} : vector<256x8x16xf32> to vector<256x1x16xf32>
    %squeeze3A = vector.shape_cast %slice3A_91 : vector<256x1x16xf32> to vector<256x16xf32>
    %slice3A_92 = vector.extract_strided_slice %reshape3A_90 {offsets = [0, 1, 0], sizes = [256, 1, 16], strides = [1, 1, 1]} : vector<256x8x16xf32> to vector<256x1x16xf32>
    %squeeze3A_93 = vector.shape_cast %slice3A_92 : vector<256x1x16xf32> to vector<256x16xf32>
    %slice3A_94 = vector.extract_strided_slice %reshape3A_90 {offsets = [0, 2, 0], sizes = [256, 1, 16], strides = [1, 1, 1]} : vector<256x8x16xf32> to vector<256x1x16xf32>
    %squeeze3A_95 = vector.shape_cast %slice3A_94 : vector<256x1x16xf32> to vector<256x16xf32>
    %slice3A_96 = vector.extract_strided_slice %reshape3A_90 {offsets = [0, 3, 0], sizes = [256, 1, 16], strides = [1, 1, 1]} : vector<256x8x16xf32> to vector<256x1x16xf32>
    %squeeze3A_97 = vector.shape_cast %slice3A_96 : vector<256x1x16xf32> to vector<256x16xf32>
    %slice3A_98 = vector.extract_strided_slice %reshape3A_90 {offsets = [0, 4, 0], sizes = [256, 1, 16], strides = [1, 1, 1]} : vector<256x8x16xf32> to vector<256x1x16xf32>
    %squeeze3A_99 = vector.shape_cast %slice3A_98 : vector<256x1x16xf32> to vector<256x16xf32>
    %slice3A_100 = vector.extract_strided_slice %reshape3A_90 {offsets = [0, 5, 0], sizes = [256, 1, 16], strides = [1, 1, 1]} : vector<256x8x16xf32> to vector<256x1x16xf32>
    %squeeze3A_101 = vector.shape_cast %slice3A_100 : vector<256x1x16xf32> to vector<256x16xf32>
    %slice3A_102 = vector.extract_strided_slice %reshape3A_90 {offsets = [0, 6, 0], sizes = [256, 1, 16], strides = [1, 1, 1]} : vector<256x8x16xf32> to vector<256x1x16xf32>
    %squeeze3A_103 = vector.shape_cast %slice3A_102 : vector<256x1x16xf32> to vector<256x16xf32>
    %slice3A_104 = vector.extract_strided_slice %reshape3A_90 {offsets = [0, 7, 0], sizes = [256, 1, 16], strides = [1, 1, 1]} : vector<256x8x16xf32> to vector<256x1x16xf32>
    %squeeze3A_105 = vector.shape_cast %slice3A_104 : vector<256x1x16xf32> to vector<256x16xf32>
    %concatenate3A = tpu.concatenate %squeeze3A, %squeeze3A_93, %squeeze3A_95, %squeeze3A_97, %squeeze3A_99, %squeeze3A_101, %squeeze3A_103, %squeeze3A_105 in 1 : vector<256x16xf32>, vector<256x16xf32>, vector<256x16xf32>, vector<256x16xf32>, vector<256x16xf32>, vector<256x16xf32>, vector<256x16xf32>, vector<256x16xf32> -> vector<256x128xf32>
    %swap3A_106 = arith.constant 0 : index
    %swap3A_107 = arith.constant 0 : index
    %swap3A_108 = vector.load %arg13[%swap3A_106, %swap3A_107] : memref<256x128xf32, #tpu.memory_space<vmem>>, vector<256x128xf32>
    tpu.vector_store %arg13[%swap3A_106, %swap3A_107], %concatenate3A {strides = array<i32>} : memref<256x128xf32, #tpu.memory_space<vmem>>, vector<256x128xf32>,
    return
  }
  func.func @transform_0(%arg0: i32) -> (i32, i32) {
    %c0_i32 = arith.constant 0 : i32
    %c0_i32_0 = arith.constant 0 : i32
    return %arg0, %c0_i32 : i32, i32
  }
  func.func @transform_1(%arg0: i32) -> (i32, i32) {
    %c0_i32 = arith.constant 0 : i32
    %c0_i32_0 = arith.constant 0 : i32
    return %arg0, %c0_i32 : i32, i32
  }
  func.func @transform_2(%arg0: i32) -> (i32, i32) {
    %c0_i32 = arith.constant 0 : i32
    %c0_i32_0 = arith.constant 0 : i32
    return %arg0, %c0_i32 : i32, i32
  }
  func.func @transform_3(%arg0: i32) -> (i32, i32) {
    %c0_i32 = arith.constant 0 : i32
    %c0_i32_0 = arith.constant 0 : i32
    return %arg0, %c0_i32 : i32, i32
  }
  func.func @transform_4(%arg0: i32) -> (i32, i32) {
    %c0_i32 = arith.constant 0 : i32
    %c0_i32_0 = arith.constant 0 : i32
    %c0_i32_1 = arith.constant 0 : i32
    return %c0_i32, %c0_i32_0 : i32, i32
  }
  func.func @transform_5(%arg0: i32) -> (i32, i32) {
    %c0_i32 = arith.constant 0 : i32
    %c0_i32_0 = arith.constant 0 : i32
    %c0_i32_1 = arith.constant 0 : i32
    return %c0_i32, %c0_i32_0 : i32, i32
  }
  func.func @transform_6(%arg0: i32) -> (i32, i32) {
    %c0_i32 = arith.constant 0 : i32
    %c0_i32_0 = arith.constant 0 : i32
    %c0_i32_1 = arith.constant 0 : i32
    return %c0_i32, %c0_i32_0 : i32, i32
  }
  func.func @transform_7(%arg0: i32) -> (i32, i32) {
    %c0_i32 = arith.constant 0 : i32
    %c0_i32_0 = arith.constant 0 : i32
    %c0_i32_1 = arith.constant 0 : i32
    return %c0_i32, %c0_i32_0 : i32, i32
  }
  func.func @transform_8(%arg0: i32) -> (i32, i32) {
    %c0_i32 = arith.constant 0 : i32
    %c0_i32_0 = arith.constant 0 : i32
    %c0_i32_1 = arith.constant 0 : i32
    return %c0_i32, %c0_i32_0 : i32, i32
  }
  func.func @transform_9(%arg0: i32) -> (i32, i32) {
    %c0_i32 = arith.constant 0 : i32
    %c0_i32_0 = arith.constant 0 : i32
    %c0_i32_1 = arith.constant 0 : i32
    return %c0_i32, %c0_i32_0 : i32, i32
  }
  func.func @transform_10(%arg0: i32) -> (i32, i32) {
    %c0_i32 = arith.constant 0 : i32
    %c0_i32_0 = arith.constant 0 : i32
    %c0_i32_1 = arith.constant 0 : i32
    return %c0_i32, %c0_i32_0 : i32, i32
  }
  func.func @transform_11(%arg0: i32) -> (i32, i32) {
    %c0_i32 = arith.constant 0 : i32
    %c0_i32_0 = arith.constant 0 : i32
    return %arg0, %c0_i32 : i32, i32
  }
  func.func @transform_12(%arg0: i32) -> (i32, i32) {
    %c0_i32 = arith.constant 0 : i32
    %c0_i32_0 = arith.constant 0 : i32
    return %arg0, %c0_i32 : i32, i32
  }
}

module attributes {stable_mosaic.version = 14 : i64} {
  func.func @body(%arg0: i32, %arg1: memref<1000x128xf32, #tpu.memory_space<vmem>>, %arg2: memref<2x1000x16xf32, #tpu.memory_space<vmem>>, %arg3: memref<128x128xf32, #tpu.memory_space<vmem>>, %arg4: memref<16x128xf32, #tpu.memory_space<vmem>>, %arg5: memref<1x128xf32, #tpu.memory_space<vmem>>, %arg6: memref<128x128xf32, #tpu.memory_space<vmem>>, %arg7: memref<128x128xf32, #tpu.memory_space<vmem>>, %arg8: memref<16x128xf32, #tpu.memory_space<vmem>>, %arg9: memref<1x128xf32, #tpu.memory_space<vmem>>, %arg10: memref<1x128xf32, #tpu.memory_space<vmem>>, %arg11: memref<1x128xf32, #tpu.memory_space<vmem>>, %arg12: memref<1000x128xf32, #tpu.memory_space<vmem>>) attributes {dimension_semantics = [#tpu.dimension_semantics<arbitrary>], iteration_bounds = array<i64: 10>, scalar_prefetch = 0 : i64, scratch_operands = 0 : i64, tpu.core_type = #tpu.core_type<tc>, window_params = [{transform_indices = @transform_0, window_bounds = array<i64: 1000, 128>}, {transform_indices = @transform_1, window_bounds = array<i64: 2, 1000, 16>}, {pipeline_mode = #tpu.pipeline_mode<synchronous>, transform_indices = @transform_2, window_bounds = array<i64: 128, 128>}, {pipeline_mode = #tpu.pipeline_mode<synchronous>, transform_indices = @transform_3, window_bounds = array<i64: 16, 128>}, {pipeline_mode = #tpu.pipeline_mode<synchronous>, transform_indices = @transform_4, window_bounds = array<i64: 1, 128>}, {pipeline_mode = #tpu.pipeline_mode<synchronous>, transform_indices = @transform_5, window_bounds = array<i64: 128, 128>}, {pipeline_mode = #tpu.pipeline_mode<synchronous>, transform_indices = @transform_6, window_bounds = array<i64: 128, 128>}, {pipeline_mode = #tpu.pipeline_mode<synchronous>, transform_indices = @transform_7, window_bounds = array<i64: 16, 128>}, {pipeline_mode = #tpu.pipeline_mode<synchronous>, transform_indices = @transform_8, window_bounds = array<i64: 1, 128>}, {pipeline_mode = #tpu.pipeline_mode<synchronous>, transform_indices = @transform_9, window_bounds = array<i64: 1, 128>}, {pipeline_mode = #tpu.pipeline_mode<synchronous>, transform_indices = @transform_10, window_bounds = array<i64: 1, 128>}, {transform_indices = @transform_11, window_bounds = array<i64: 1000, 128>}]} {
    %get3A = arith.constant 0 : index
    %get3A_0 = arith.constant 0 : index
    %get3A_1 = vector.load %arg1[%get3A, %get3A_0] : memref<1000x128xf32, #tpu.memory_space<vmem>>, vector<1000x128xf32>
    %get3A_2 = arith.constant 0 : index
    %get3A_3 = arith.constant 0 : index
    %get3A_4 = arith.constant 0 : index
    %get3A_5 = vector.load %arg2[%get3A_2, %get3A_3, %get3A_4] : memref<2x1000x16xf32, #tpu.memory_space<vmem>>, vector<2x1000x16xf32>
    %reduce_sum3A = arith.constant dense<0.000000e+00> : vector<1000x16xf32>
    %reduce_sum3A_6 = vector.multi_reduction <add>, %get3A_5, %reduce_sum3A [0] : vector<2x1000x16xf32> to vector<1000x16xf32>
    %get3A_7 = arith.constant 0 : index
    %get3A_8 = arith.constant 0 : index
    %get3A_9 = vector.load %arg3[%get3A_7, %get3A_8] : memref<128x128xf32, #tpu.memory_space<vmem>>, vector<128x128xf32>
    %dot_general3A = arith.constant dense<0.000000e+00> : vector<1000x128xf32>
    %dot_general3A_10 = tpu.matmul %get3A_1, %get3A_9, %dot_general3A {dimension_numbers = #tpu.dot_dimension_numbers<[1], [0], [0], [1], [0, 0, 1, 1], [], []>, transpose_lhs_hint = false} : vector<1000x128xf32>, vector<128x128xf32>, vector<1000x128xf32> -> vector<1000x128xf32>
    %get3A_11 = arith.constant 0 : index
    %get3A_12 = arith.constant 0 : index
    %get3A_13 = vector.load %arg4[%get3A_11, %get3A_12] : memref<16x128xf32, #tpu.memory_space<vmem>>, vector<16x128xf32>
    %dot_general3A_14 = arith.constant dense<0.000000e+00> : vector<1000x128xf32>
    %dot_general3A_15 = tpu.matmul %reduce_sum3A_6, %get3A_13, %dot_general3A_14 {dimension_numbers = #tpu.dot_dimension_numbers<[1], [0], [0], [1], [0, 0, 1, 1], [], []>, transpose_lhs_hint = false} : vector<1000x16xf32>, vector<16x128xf32>, vector<1000x128xf32> -> vector<1000x128xf32>
    %add3A = arith.addf %dot_general3A_10, %dot_general3A_15 : vector<1000x128xf32>
    %get3A_16 = arith.constant 0 : index
    %get3A_17 = arith.constant 0 : index
    %get3A_18 = vector.load %arg5[%get3A_16, %get3A_17] : memref<1x128xf32, #tpu.memory_space<vmem>>, vector<1x128xf32>
    %add3A_19 = vector.broadcast %get3A_18 : vector<1x128xf32> to vector<1000x128xf32>
    %add3A_20 = arith.addf %add3A, %add3A_19 : vector<1000x128xf32>
    %neg3A = arith.constant 0.000000e+00 : f32
    %neg3A_21 = vector.broadcast %neg3A : f32 to vector<1000x128xf32>
    %neg3A_22 = arith.subf %neg3A_21, %add3A_20 : vector<1000x128xf32>
    %exp3A = math.exp %neg3A_22 : vector<1000x128xf32>
    %add3A_23 = arith.constant 1.000000e+00 : f32
    %add3A_24 = vector.broadcast %add3A_23 : f32 to vector<1000x128xf32>
    %add3A_25 = arith.addf %add3A_24, %exp3A : vector<1000x128xf32>
    %div3A = arith.constant 1.000000e+00 : f32
    %div3A_26 = vector.broadcast %div3A : f32 to vector<1000x128xf32>
    %div3A_27 = arith.divf %div3A_26, %add3A_25 : vector<1000x128xf32>
    %mul3A = arith.mulf %add3A_20, %div3A_27 : vector<1000x128xf32>
    %get3A_28 = arith.constant 0 : index
    %get3A_29 = arith.constant 0 : index
    %get3A_30 = vector.load %arg6[%get3A_28, %get3A_29] : memref<128x128xf32, #tpu.memory_space<vmem>>, vector<128x128xf32>
    %dot_general3A_31 = arith.constant dense<0.000000e+00> : vector<1000x128xf32>
    %dot_general3A_32 = tpu.matmul %mul3A, %get3A_30, %dot_general3A_31 {dimension_numbers = #tpu.dot_dimension_numbers<[1], [0], [0], [1], [0, 0, 1, 1], [], []>, transpose_lhs_hint = false} : vector<1000x128xf32>, vector<128x128xf32>, vector<1000x128xf32> -> vector<1000x128xf32>
    %get3A_33 = arith.constant 0 : index
    %get3A_34 = arith.constant 0 : index
    %get3A_35 = vector.load %arg7[%get3A_33, %get3A_34] : memref<128x128xf32, #tpu.memory_space<vmem>>, vector<128x128xf32>
    %dot_general3A_36 = arith.constant dense<0.000000e+00> : vector<1000x128xf32>
    %dot_general3A_37 = tpu.matmul %get3A_1, %get3A_35, %dot_general3A_36 {dimension_numbers = #tpu.dot_dimension_numbers<[1], [0], [0], [1], [0, 0, 1, 1], [], []>, transpose_lhs_hint = false} : vector<1000x128xf32>, vector<128x128xf32>, vector<1000x128xf32> -> vector<1000x128xf32>
    %add3A_38 = arith.addf %dot_general3A_32, %dot_general3A_37 : vector<1000x128xf32>
    %get3A_39 = arith.constant 0 : index
    %get3A_40 = arith.constant 0 : index
    %get3A_41 = vector.load %arg8[%get3A_39, %get3A_40] : memref<16x128xf32, #tpu.memory_space<vmem>>, vector<16x128xf32>
    %dot_general3A_42 = arith.constant dense<0.000000e+00> : vector<1000x128xf32>
    %dot_general3A_43 = tpu.matmul %reduce_sum3A_6, %get3A_41, %dot_general3A_42 {dimension_numbers = #tpu.dot_dimension_numbers<[1], [0], [0], [1], [0, 0, 1, 1], [], []>, transpose_lhs_hint = false} : vector<1000x16xf32>, vector<16x128xf32>, vector<1000x128xf32> -> vector<1000x128xf32>
    %add3A_44 = arith.addf %add3A_38, %dot_general3A_43 : vector<1000x128xf32>
    %get3A_45 = arith.constant 0 : index
    %get3A_46 = arith.constant 0 : index
    %get3A_47 = vector.load %arg9[%get3A_45, %get3A_46] : memref<1x128xf32, #tpu.memory_space<vmem>>, vector<1x128xf32>
    %add3A_48 = vector.broadcast %get3A_47 : vector<1x128xf32> to vector<1000x128xf32>
    %add3A_49 = arith.addf %add3A_44, %add3A_48 : vector<1000x128xf32>
    %reduce_sum3A_50 = arith.constant dense<0.000000e+00> : vector<1000xf32>
    %reduce_sum3A_51 = vector.multi_reduction <add>, %add3A_49, %reduce_sum3A_50 [1] : vector<1000x128xf32> to vector<1000xf32>
    %broadcast_in_dim3A = vector.shape_cast %reduce_sum3A_51 : vector<1000xf32> to vector<1000x1xf32>
    %div3A_52 = arith.constant 1.280000e+02 : f32
    %div3A_53 = vector.broadcast %div3A_52 : f32 to vector<1000x1xf32>
    %div3A_54 = arith.divf %broadcast_in_dim3A, %div3A_53 : vector<1000x1xf32>
    %sub3A = vector.broadcast %div3A_54 : vector<1000x1xf32> to vector<1000x128xf32>
    %sub3A_55 = arith.subf %add3A_49, %sub3A : vector<1000x128xf32>
    %mul3A_56 = arith.mulf %sub3A_55, %sub3A_55 : vector<1000x128xf32>
    %reduce_sum3A_57 = arith.constant dense<0.000000e+00> : vector<1000xf32>
    %reduce_sum3A_58 = vector.multi_reduction <add>, %mul3A_56, %reduce_sum3A_57 [1] : vector<1000x128xf32> to vector<1000xf32>
    %broadcast_in_dim3A_59 = vector.shape_cast %reduce_sum3A_58 : vector<1000xf32> to vector<1000x1xf32>
    %div3A_60 = arith.constant 1.280000e+02 : f32
    %div3A_61 = vector.broadcast %div3A_60 : f32 to vector<1000x1xf32>
    %div3A_62 = arith.divf %broadcast_in_dim3A_59, %div3A_61 : vector<1000x1xf32>
    %add3A_63 = arith.constant 9.99999974E-6 : f32
    %add3A_64 = vector.broadcast %add3A_63 : f32 to vector<1000x1xf32>
    %add3A_65 = arith.addf %div3A_62, %add3A_64 : vector<1000x1xf32>
    %rsqrt3A = math.rsqrt %add3A_65 : vector<1000x1xf32>
    %mul3A_66 = vector.broadcast %rsqrt3A : vector<1000x1xf32> to vector<1000x128xf32>
    %mul3A_67 = arith.mulf %sub3A_55, %mul3A_66 : vector<1000x128xf32>
    %get3A_68 = arith.constant 0 : index
    %get3A_69 = arith.constant 0 : index
    %get3A_70 = vector.load %arg10[%get3A_68, %get3A_69] : memref<1x128xf32, #tpu.memory_space<vmem>>, vector<1x128xf32>
    %mul3A_71 = vector.broadcast %get3A_70 : vector<1x128xf32> to vector<1000x128xf32>
    %mul3A_72 = arith.mulf %mul3A_67, %mul3A_71 : vector<1000x128xf32>
    %get3A_73 = arith.constant 0 : index
    %get3A_74 = arith.constant 0 : index
    %get3A_75 = vector.load %arg11[%get3A_73, %get3A_74] : memref<1x128xf32, #tpu.memory_space<vmem>>, vector<1x128xf32>
    %add3A_76 = vector.broadcast %get3A_75 : vector<1x128xf32> to vector<1000x128xf32>
    %add3A_77 = arith.addf %mul3A_72, %add3A_76 : vector<1000x128xf32>
    %swap3A = arith.constant 0 : index
    %swap3A_78 = arith.constant 0 : index
    %swap3A_79 = vector.load %arg12[%swap3A, %swap3A_78] : memref<1000x128xf32, #tpu.memory_space<vmem>>, vector<1000x128xf32>
    tpu.vector_store %arg12[%swap3A, %swap3A_78], %add3A_77 {strides = array<i32>} : memref<1000x128xf32, #tpu.memory_space<vmem>>, vector<1000x128xf32>,
    return
  }
  func.func @transform_0(%arg0: i32) -> (i32, i32) {
    %c0_i32 = arith.constant 0 : i32
    %c0_i32_0 = arith.constant 0 : i32
    return %arg0, %c0_i32 : i32, i32
  }
  func.func @transform_1(%arg0: i32) -> (i32, i32, i32) {
    %c0_i32 = arith.constant 0 : i32
    %c0_i32_0 = arith.constant 0 : i32
    %c0_i32_1 = arith.constant 0 : i32
    return %c0_i32, %arg0, %c0_i32_0 : i32, i32, i32
  }
  func.func @transform_2(%arg0: i32) -> (i32, i32) {
    %c0_i32 = arith.constant 0 : i32
    %c0_i32_0 = arith.constant 0 : i32
    %c0_i32_1 = arith.constant 0 : i32
    return %c0_i32, %c0_i32_0 : i32, i32
  }
  func.func @transform_3(%arg0: i32) -> (i32, i32) {
    %c0_i32 = arith.constant 0 : i32
    %c0_i32_0 = arith.constant 0 : i32
    %c0_i32_1 = arith.constant 0 : i32
    return %c0_i32, %c0_i32_0 : i32, i32
  }
  func.func @transform_4(%arg0: i32) -> (i32, i32) {
    %c0_i32 = arith.constant 0 : i32
    %c0_i32_0 = arith.constant 0 : i32
    %c0_i32_1 = arith.constant 0 : i32
    return %c0_i32, %c0_i32_0 : i32, i32
  }
  func.func @transform_5(%arg0: i32) -> (i32, i32) {
    %c0_i32 = arith.constant 0 : i32
    %c0_i32_0 = arith.constant 0 : i32
    %c0_i32_1 = arith.constant 0 : i32
    return %c0_i32, %c0_i32_0 : i32, i32
  }
  func.func @transform_6(%arg0: i32) -> (i32, i32) {
    %c0_i32 = arith.constant 0 : i32
    %c0_i32_0 = arith.constant 0 : i32
    %c0_i32_1 = arith.constant 0 : i32
    return %c0_i32, %c0_i32_0 : i32, i32
  }
  func.func @transform_7(%arg0: i32) -> (i32, i32) {
    %c0_i32 = arith.constant 0 : i32
    %c0_i32_0 = arith.constant 0 : i32
    %c0_i32_1 = arith.constant 0 : i32
    return %c0_i32, %c0_i32_0 : i32, i32
  }
  func.func @transform_8(%arg0: i32) -> (i32, i32) {
    %c0_i32 = arith.constant 0 : i32
    %c0_i32_0 = arith.constant 0 : i32
    %c0_i32_1 = arith.constant 0 : i32
    return %c0_i32, %c0_i32_0 : i32, i32
  }
  func.func @transform_9(%arg0: i32) -> (i32, i32) {
    %c0_i32 = arith.constant 0 : i32
    %c0_i32_0 = arith.constant 0 : i32
    %c0_i32_1 = arith.constant 0 : i32
    return %c0_i32, %c0_i32_0 : i32, i32
  }
  func.func @transform_10(%arg0: i32) -> (i32, i32) {
    %c0_i32 = arith.constant 0 : i32
    %c0_i32_0 = arith.constant 0 : i32
    %c0_i32_1 = arith.constant 0 : i32
    return %c0_i32, %c0_i32_0 : i32, i32
  }
  func.func @transform_11(%arg0: i32) -> (i32, i32) {
    %c0_i32 = arith.constant 0 : i32
    %c0_i32_0 = arith.constant 0 : i32
    return %arg0, %c0_i32 : i32, i32
  }
}

</mosaic_0001>

<sc_bundles>
// kernel: kernel.10.cloned.1.call-start
scs
__scs_entry_jumppad:
0x0: {  	(pc) =	sbr.rel $0x88, $3  }
0x1: {  	(tag) =	ssettag $0x0;
	lr =	simm.s32 $0x1  }
0x2: {  	[smem:$0x3F8E] =	sst lr;
	_ =	strace $0xD0000000  }
0x3: {  	_ = 	snop  }
0x4: {  	_ = 	snop  }
0x5: {  	_ = 	snop  }
0x6: {  	_ = 	snop  }
0x7: {  	_ = 	snop  }
__scs_overlays_trampoline_lowered:
0x8: {  	[smem:$0x3F9D] =	sst s0  }
0x9: {  	[smem:$0x3F9E] =	sst s1  }
0xa: {  	[smem:$0x3F9F] =	sst s2  }
0xb: {  	[smem:$0x3FA0] =	sst s3  }
0xc: {  	[smem:$0x3FA1] =	sst s4  }
0xd: {  	[smem:$0x3FA2] =	sst s5  }
0xe: {  	[smem:$0x3FA3] =	sst s6  }
0xf: {  	[smem:$0x3FA4] =	sst s7  }
0x10: {  	[smem:$0x3FA5] =	sst s8  }
0x11: {  	[smem:$0x3FA6] =	sst s9;
	s0 =	simm.s32 @!p0 $0x0  }
0x12: {  	s1 =	sld [smem:$0x3F8C];
	s0 =	simm.s32 @p0 $0x1  }
0x13: {  	[smem:$0x3FA7] =	sst s0;
	s0 =	simm.s32 @!p1 $0x0  }
0x14: {  	s2 =	sld [smem:$0x3F8B];
	s0 =	simm.s32 @p1 $0x1  }
0x15: {  	[smem:$0x3FA8] =	sst s0;
	s0 =	simm.s32 @!p2 $0x0  }
0x16: {  	s3 =	sld [smem:$0x3FDB];
	s0 =	simm.s32 @p2 $0x1  }
0x17: {  	s4 =	simm.s32 $0x1BF5;
	[smem:$0x3FAA] =	sst s0  }
0x18: {  	s0 =	sld [smem:$0x3F8D];
	_ =	swait.ge [sflag:s4], $0x0  }
0x19: {  	s7 =	sld [smem:$0x3F8E]  }
0x1a: {  	s8 =	sadd.s32 $0xFFFFE003, lr  }
0x1b: {  	s9 =	sadd.s32 $0xFFFFFEF7, lr;
	s5 =	simm.s32 $0xFFFFFFFF;
	p2 =	slt.u32 s8, $0xFFFFF086  }
0x1c: {  	p1 =	slt.u32 s9, $0xF7A;
	s5 =	simm.s32 @!p2 $0x0  }
0x1d: {  	s5 =	simm.s32 @p1 $0x1;
	p0 =	seq.s32 s7, s2  }
0x1e: {  	s7 =	smul.u32 @!p0 $0xF7A, s2;
	p2 =	seq.s32 @!p0 s5, $0x0  }
0x1f: {  	s9 =	smul.u32 $0xF7A, s1;
	s8 =	simm.s32 @!p0 $0x1BF5;
	p2 =	por !p2, p0  }
0x20: {  	[sflag:s8] =	ssyncset.s32 @!p0 $0xFFFFF086;
	s6 =	sadd.s32 @!p0 s3, s7;
	s7 =	simm.s32 @!p0 $0x108  }
0x21: {  	s3 =	sadd.s32 s3, s9;
	s6 =	sadd.s32 @!p0 $0x88, s6;
	s7 =	simm.s32 @p2 $0x1082  }
0x22: {  	[simem:s7], [sflag:s8] =	dma.local @!p0 [hbm:s6], $0xF7A  }
0x23: {  	s9 =	sor.u32 $0xD0000000, s2;
	s6 =	simm.s32 $0x108;
	_ =	swait.ge @!p0 [sflag:s8], $0x0  }
0x24: {  	s3 =	sadd.s32 $0x88, s3;
	s6 =	simm.s32 @!p1 $0x1082;
	[sflag:s4] =	ssyncset.s32 $0xFFFFF086  }
0x25: {  	[simem:s6], [sflag:s4] =	dma.local [hbm:s3], $0xF7A  }
0x26: {  	[smem:$0x3F8E] =	sst s1;
	(tag) =	ssettag s2;
	_ =	strace s9  }
0x27: {  	s1 =	sld [smem:$0x3F9E]  }
0x28: {  	s2 =	sld [smem:$0x3F9F]  }
0x29: {  	s4 =	sld [smem:$0x3FA1]  }
0x2a: {  	p0 =	seq.s32 s5, $0x0;
	s5 =	sld [smem:$0x3FA2]  }
0x2b: {  	s6 =	sld [smem:$0x3FA3]  }
0x2c: {  	s7 =	sld [smem:$0x3FA4]  }
0x2d: {  	s3 =	simm.s32 $0x108;
	s8 =	sld [smem:$0x3FA5]  }
0x2e: {  	s3 =	simm.s32 @!p0 $0x1082;
	s9 =	sld [smem:$0x3FA6]  }
0x2f: {  	lr =	sadd.s32 s0, s3;
	s0 =	sld [smem:$0x3F9D]  }
0x30: {  	s3 =	sld [smem:$0x3FA0]  }
0x31: {  	[smem:$0x3FA9] =	sst s10  }
0x32: {  	s10 =	sld [smem:$0x3FA7];
	_ =	sdelay $0x3  }
0x33: {  	p0 =	seq.s32 s10, $0x1;
	s10 =	sld [smem:$0x3FA9];
	_ =	sdelay $0x3  }
0x34: {  	[smem:$0x3FA9] =	sst s10  }
0x35: {  	s10 =	sld [smem:$0x3FA8];
	_ =	sdelay $0x3  }
0x36: {  	p1 =	seq.s32 s10, $0x1;
	s10 =	sld [smem:$0x3FA9];
	_ =	sdelay $0x3  }
0x37: {  	[smem:$0x3FA9] =	sst s10  }
0x38: {  	s10 =	sld [smem:$0x3FAA]  }
0x39: {  	_ = 	snop;
	(pc) =	sbr.ind lr, $3  }
0x3a: {  	_ = 	snop  }
0x3b: {  	_ = 	snop  }
0x3c: {  	p2 =	seq.s32 s10, $0x1;
	s10 =	sld [smem:$0x3FA9]  }
0x3d: {  	_ =	shalt  }
0x3e: {  	_ =	shalt  }
0x3f: {  	_ =	shalt  }
0x40: {  	_ =	shalt  }
0x41: {  	_ =	shalt  }
0x42: {  	_ =	shalt  }
0x43: {  	_ =	shalt  }
0x44: {  	_ =	shalt  }
0x45: {  	_ =	shalt  }
0x46: {  	_ =	shalt  }
0x47: {  	_ =	shalt  }
0x48: {  	_ =	shalt  }
0x49: {  	_ =	shalt  }
0x4a: {  	_ =	shalt  }
0x4b: {  	_ =	shalt  }
0x4c: {  	_ =	shalt  }
0x4d: {  	_ =	shalt  }
0x4e: {  	_ =	shalt  }
0x4f: {  	_ =	shalt  }
0x50: {  	_ =	shalt  }
0x51: {  	_ =	shalt  }
0x52: {  	_ =	shalt  }
0x53: {  	_ =	shalt  }
0x54: {  	_ =	shalt  }
0x55: {  	_ =	shalt  }
0x56: {  	_ =	shalt  }
0x57: {  	_ =	shalt  }
0x58: {  	_ =	shalt  }
0x59: {  	_ =	shalt  }
0x5a: {  	_ =	shalt  }
0x5b: {  	_ =	shalt  }
0x5c: {  	_ =	shalt  }
0x5d: {  	_ =	shalt  }
0x5e: {  	_ =	shalt  }
0x5f: {  	_ =	shalt  }
0x60: {  	_ =	shalt  }
0x61: {  	_ =	shalt  }
0x62: {  	_ =	shalt  }
0x63: {  	_ =	shalt  }
0x64: {  	_ =	shalt  }
0x65: {  	_ =	shalt  }
0x66: {  	_ =	shalt  }
0x67: {  	_ =	shalt  }
0x68: {  	_ =	shalt  }
0x69: {  	_ =	shalt  }
0x6a: {  	_ =	shalt  }
0x6b: {  	_ =	shalt  }
0x6c: {  	_ =	shalt  }
0x6d: {  	_ =	shalt  }
0x6e: {  	_ =	shalt  }
0x6f: {  	_ =	shalt  }
0x70: {  	_ =	shalt  }
0x71: {  	_ =	shalt  }
0x72: {  	_ =	shalt  }
0x73: {  	_ =	shalt  }
0x74: {  	_ =	shalt  }
0x75: {  	_ =	shalt  }
0x76: {  	_ =	shalt  }
0x77: {  	_ =	shalt  }
0x78: {  	_ =	shalt  }
0x79: {  	_ =	shalt  }
0x7a: {  	_ =	shalt  }
0x7b: {  	_ =	shalt  }
0x7c: {  	_ =	shalt  }
0x7d: {  	_ =	shalt  }
0x7e: {  	_ =	shalt  }
0x7f: {  	_ =	shalt  }
0x80: {  	_ =	shalt  }
0x81: {  	_ =	shalt  }
0x82: {  	_ =	shalt  }
0x83: {  	_ =	shalt  }
0x84: {  	_ =	shalt  }
0x85: {  	_ =	shalt  }
0x86: {  	_ =	shalt  }
0x87: {  	_ =	shalt  }
.Lfunc_end0:
.L_simem_size_0:
called_computation.1_lowered:
.L_overlay_start_0:
0x88: {  	s2 =	sld [smem:$0x3FD9]  }
0x89: {  	s3 =	sld [smem:$0x3FFE];
	_ =	sdelay $0x1  }
0x8a: {  	s1 =	srdreg.scid  }
0x8b: {  	s0 =	sand.u32 $0x1, s1  }
0x8c: {  	s14 =	sshll.u32 s0, $0xA;
	s2 =	sadd.s32 s3, s2  }
0x8d: {  	s2 =	sadd.s32 s2, s14  }
0x8e: {  	[smem:$0x3FB5] =	sst s2  }
0x8f: {  	_ = 	snop  }
0x90: {  	s2 =	sld [smem:$0x3FD0];
	_ =	sdelay $0x2  }
0x91: {  	s15 =	simm.s32 $0xA;
	s4 =	simm.s32 $0x10  }
0x92: {  	[smem:s4], [sflag:s15] =	dma.local [hbm:s2], $0x1  }
0x93: {  	_ =	swait.eq [sflag:s15], $0x1  }
0x94: {  	[sflag:s15] =	ssyncset.done $0x0  }
0x95: {  	[sflag:s15] =	ssyncadd.s32 $0xFFFFFFFF  }
0x96: {  	s16 =	sld [smem:$0x10];
	(tm) =	ssettm $0x1  }
0x97: {  	s17 =	sld [smem:$0x3FFB];
	_ =	sdelay $0x3  }
0x98: {  	_ =	strace s17  }
0x99: {  	s3 =	sld [smem:$0x3FFC];
	_ =	sdelay $0x3  }
0x9a: {  	_ =	strace s3  }
0x9b: {  	s3 =	sld [smem:$0x3FFD];
	_ =	sdelay $0x3  }
0x9c: {  	_ =	strace s3  }
0x9d: {  	_ =	strace $0x8FFFFFFF  }
0x9e: {  	s18 =	sld [smem:$0x3FDB];
	_ =	sdelay $0x1  }
0x9f: {  	s19 =	simm.s32 $_scs_section_size  }
0xa0: {  	s5 =	simm.s32 $_size__tile_overlayer_lowered;
	s6 =	simm.s32 $_tile_overlayer_lowered  }
0xa1: {  	s22 =	simm.s32 $0x1BFF;
	s21 =	sshll.u32 s6, $0x1;
	s3 =	sadd.s32 s19, s18  }
0xa2: {  	s7 =	simm.s32 $0x0;
	s20 =	sshll.u32 s5, $0x1;
	s5 =	sadd.s32 s21, s3  }
0xa3: {  	[timem:s7], [sflag:s22] =	dma.local [hbm:s5], s20  }
0xa4: {  	_ =	swait.ge [sflag:s22], s20  }
0xa5: {  	s4 =	ssub.s32 $0x0, s20;
	[sflag:s22] =	ssyncset.done $0x0  }
0xa6: {  	[sflag:s22] =	ssyncadd.s32 s4;
	_ =	sdelay $0x1  }
0xa7: {  	s23 =	simm.s32 $0x1B8B  }
0xa8: {  	_ =	swait.ge [sflag:s23], $0x1  }
0xa9: {  	[sflag:s23] =	ssyncset.done $0x0  }
0xaa: {  	s25 =	simm.s32 $0x1B8E;
	s24 =	sld [smem:$0x3FFE];
	[sflag:s23] =	ssyncadd.s32 $0xFFFFFFFF  }
0xab: {  	s26 =	simm.s32 $execute0_lowered;
	[smem:$0x3FD2] =	sst s25  }
0xac: {  	s5 =	sshll.u32 s26, $0x1;
	_ =	strace $0x80000049;
	[dreg:$0x1] =	wrdreg $0xFFFFFFFF  }
0xad: {  	s28 =	simm.s32 $_size_execute0_lowered;
	s3 =	sadd.s32 s3, s5;
	[dreg:$0x0] =	wrdreg $0x0  }
0xae: {  	s5 =	sshll.u32 s28, $0x1;
	[dreg:$0x2] =	wrdreg s3  }
0xaf: {  	[dreg:$0x3] =	wrdreg s5  }
0xb0: {  	[dreg:$0x4] =	wrdreg $0xC0  }
0xb1: {  	_ =	task [dreg:s7], $0x5FFFF  }
0xb2: {  	[dreg:$0x1] =	wrdreg $0xFFFFFFFF  }
0xb3: {  	[dreg:$0x0] =	wrdreg $0x60  }
0xb4: {  	[dreg:$0x2] =	wrdreg s24  }
0xb5: {  	[dreg:$0x3] =	wrdreg s16  }
0xb6: {  	[dreg:$0x4] =	wrdreg $0x172000  }
0xb7: {  	[dreg:$0x5] =	wrdreg $0x9  }
0xb8: {  	_ =	task.clear_ibuf [dreg:s7], $0x6FFFF;
	_ =	strace $0x90000049  }
0xb9: {  	s29 =	simm.s32 $0x9;
	_ =	strace $0x8000004B  }
0xba: {  	_ =	swait.ge [sflag:s29], $0x1  }
0xbb: {  	[sflag:s29] =	ssyncadd.s32 $0xFFFFFFFF  }
0xbc: {  	_ =	strace $0x9000004B  }
0xbd: {  	_ =	sfence  }
0xbe: {  	s30 =	sld [smem:$0x0];
	_ =	sdelay $0x2  }
0xbf: {  	s31 =	sshll.u32 s1, $0xD;
	s1 =	sshrl.u32 s1, $0x2  }
0xc0: {  	s3 =	sand.u32 $0x4000, s31;
	s1 =	sadd.s32 s1, s30  }
0xc1: {  	s0 =	sor.u32 s3, s0;
	s1 =	sshll.u32 s1, $0x11  }
0xc2: {  	s0 =	sor.u32 s1, s0  }
0xc3: {  	s0 =	sadd.s32 $0x8F2B, s0  }
0xc4: {  	[sflag:s0] =	ssyncadd.remote.s32 $0x1  }
0xc5: {  	_ =	sfence.sel $0xFFFF  }
0xc6: {  	[dreg:$0x0] =	wrdreg $0xFFFFFFFF;
	(pc) =	sbr.abs _section_cstart, $3  }
0xc7: {  	[dreg:$0x1] =	wrdreg $0xFFFFFFFF  }
0xc8: {  	_ =	task.clear_ibuf [dreg:s7], $0x2FFFF;
	_ =	strace $0x9FFFFFFF  }
0xc9: {  	(tm) =	ssettm $0x7FFFFFFF  }
tec
execute0_lowered:
.L_overlay_start_1:
0x0: {  	(tag) =	ssettag $0x1  }
0x1: {  	s0 =	rddreg [dreg:$0x0]  }
0x2: {  	s1 =	rddreg [dreg:$0x1]  }
0x3: {  	s2 =	rddreg [dreg:$0x2]  }
0x4: {  	s4 =	simm.s32 $0x0;
	s3 =	srdreg.scid;
	s8 =	stileid.u32  }
0x5: {  	s12 =	simm.s32 $0x1;
	s14 =	simm.s32 $0x40;
	s28 =	simm.s32 $0x7C0  }
0x6: {  	s29 =	simm.s32 $0x12600;
	s30 =	simm.s32 $0x800;
	s31 =	simm.s32 $0x12A00  }
0x7: {  	s10 =	simm.s32 $0x13200;
	s11 =	simm.s32 $0x8C0;
	s13 =	simm.s32 $0x13A00  }
0x8: {  	s15 =	simm.s32 $0x940;
	s16 =	simm.s32 $0x13E00;
	s17 =	simm.s32 $0x980  }
0x9: {  	s18 =	simm.s32 $0x14200;
	s19 =	simm.s32 $0x9C0;
	s20 =	simm.s32 $0x14600  }
0xa: {  	s22 =	simm.s32 $0x0;
	[smem:$0x7FF] =	sst s4;
	s3 =	sand.u32 $0x1, s3  }
0xb: {  	s7 =	smul.u32 $0x2800, s8;
	s4 =	sadd.s32 $0x68400, s0;
	_ =	strace $0x8000004A  }
0xc: {  	s5 =	sshll.u32 s3, $0x4;
	s6 =	smul.u32 $0x28000, s3;
	s3 =	ssub.s32 $0x2, s3  }
0xd: {  	s5 =	sor.u32 s8, s5;
	s24 =	sshrl.u32 s3, $0x1;
	s23 =	sadd.s32 s7, s2  }
0xe: {  	s5 =	smul.u32 $0x2800, s5;
	s9 =	sadd.s32 s7, s6;
	s6 =	sadd.s32 $0x5E400, s0  }
0xf: {  	s25 =	ssub.s32 s3, s24;
	s24 =	simm.s32 $0x14A00;
	s7 =	simm.s32 $0x13600  }
0x10: {  	s3 =	simm.s32 $0x900;
	[dreg:$0x4] =	wrdreg s23;
	s26 =	sshrl.u32 s9, $0x3  }
0x11: {  	s0 =	smax.u32 s25, $0x1;
	s9 =	simm.s32 $0x880;
	s8 =	sshrl.u32 s5, $0x3  }
0x12: {  	s1 =	sadd.s32 s1, s26;
	[dreg:$0x6] =	wrdreg s0;
	s26 =	simm.s32 $0x12200  }
0x13: {  	v0 =	vimm.f32 $0.0e+00;
	s0 =	simm.s32 $0x840;
	[dreg:$0x5] =	wrdreg s1;
	s1 =	simm.s32 $0x12E00  }
.LBB2_1:
0x14: {  	[dreg:$0x7] =	wrdreg s22;
	s21 =	simm.s32 $0x40;
	s22 =	simm.s32 $0x0  }
.LBB2_2:
0x15: {  	p0 =	sne.s32 s21, $0x9FC0;
	[tilespmem:s22+$0x14A00] =	vst v0;
	s22 =	smov.u32 s21;
	s21 =	sadd.s32 $0x40, s21  }
.Ltmp0:
0x16: {  	(pc) =	sbr.rel @p0 .LBB2_2-.Ltmp0, $2  }
0x17: {  	_ =	sdelay $0x2  }
0x18: {  	s22 =	sshra.s32 s22, $0x2  }
0x19: {  	[tilespmem:s22+$0x14A00] =	vst v0  }
0x1a: {  	[spmem:s23] =	stream.linear.scatter [tilespmem:s24], [sflag:$0x1], $0x2800, $0x38;
	[tilespmem:$0x19A00] =	vst v63  }
0x1b: {  	_ =	swait.ge [sflag:s12], $0x2800  }
0x1c: {  	[sflag:s12] =	ssyncset.done $0x0  }
0x1d: {  	[sflag:s12] =	ssyncadd.s32 $0xFFFFD800  }
0x1e: {  	s21 =	simm.s32 $0x0;
	s22 =	simm.s32 $0x0;
	[bflag:$0x0] =	sbarrier.arrive $0xFFFF  }
.LBB2_4:
0x1f: {  	s23 =	smul.u32 $0xA00, s22;
	_ =	sdelay $0x1  }
0x20: {  	s23 =	sadd.s32 s5, s23  }
0x21: {  	s23 =	sshrl.u32 s23, $0x3  }
0x22: {  	s24 =	smul.u32 $0x140, s22;
	s23 =	sadd.s32 s6, s23  }
0x23: {  	[tilespmem:s21], [sflag:$0x1] =	stream.linear.gather [hbm4b:s23+s21], $0xA00, $0x38;
	[tilespmem:$0x19A00] =	vst v63  }
0x24: {  	s24 =	sadd.s32 s8, s24;
	_ =	swait.ge [sflag:s12], $0xA00  }
0x25: {  	s23 =	sshll.u32 s24, $0x4;
	[sflag:s12] =	ssyncset.done $0x0  }
0x26: {  	s25 =	simm.s32 $0xA00;
	s23 =	sadd.s32 s4, s23;
	[sflag:s12] =	ssyncadd.s32 $0xFFFFF600  }
0x27: {  	[tilespmem:s25], [sflag:$0x1] =	stream.linear.gather [hbm4b:s23+s21], $0xA000, $0x38;
	[tilespmem:$0x19A00] =	vst v63  }
0x28: {  	_ =	swait.ge [sflag:s12], $0xA000  }
0x29: {  	[sflag:s12] =	ssyncset.done $0x0  }
0x2a: {  	s23 =	simm.s32 $0x0;
	[sflag:s12] =	ssyncadd.s32 $0xFFFF6000  }
0x2b: {  	v4 =	vld [tilespmem:s23+$0xA70]  }
0x2c: {  	v5 =	vld [tilespmem:s23+$0xA00]  }
0x2d: {  	v6 =	vld [tilespmem:s23+$0xA10]  }
0x2e: {  	v3 =	vld [tilespmem:s23+$0xA20]  }
0x2f: {  	v1 =	vld [tilespmem:s23+$0xA30]  }
0x30: {  	v2 =	vld [tilespmem:s23+$0xA40];
	[tilespmem:s23+$0xAA70] =	vst v4  }
0x31: {  	[tilespmem:s23+$0xAA00] =	vst v5;
	v4 =	vld [tilespmem:s23+$0xA50]  }
0x32: {  	s24 =	simm.s32 $0x80;
	s25 =	simm.s32 $0x400;
	[tilespmem:s23+$0xAA10] =	vst v6;
	v5 =	vld [tilespmem:s23+$0xA60]  }
.LBB2_5:
0x33: {  	p0 =	sne.s32 s25, $0x27E00;
	v6 =	vld [tilespmem:s24+$0xA70];
	[tilespmem:s23+$0xAA20] =	vst v3  }
0x34: {  	v7 =	vld [tilespmem:s24+$0xA00];
	[tilespmem:s23+$0xAA30] =	vst v1  }
0x35: {  	v8 =	vld [tilespmem:s24+$0xA10];
	[tilespmem:s23+$0xAA40] =	vst v2  }
.Ltmp1:
0x36: {  	v3 =	vld [tilespmem:s24+$0xA20];
	[tilespmem:s23+$0xAA50] =	vst v4;
	(pc) =	sbr.rel @p0 .LBB2_5-.Ltmp1, $4  }
0x37: {  	v1 =	vld [tilespmem:s24+$0xA30];
	[tilespmem:s23+$0xAA60] =	vst v5;
	s23 =	smov.u32 s24  }
0x38: {  	v2 =	vld [tilespmem:s23+$0xA40];
	[tilespmem:s23+$0xAA70] =	vst v6  }
0x39: {  	[tilespmem:s23+$0xAA00] =	vst v7;
	v4 =	vld [tilespmem:s23+$0xA50]  }
0x3a: {  	s24 =	sshra.s32 s25, $0x2;
	s25 =	sadd.s32 $0x200, s25;
	[tilespmem:s23+$0xAA10] =	vst v8;
	v5 =	vld [tilespmem:s23+$0xA60]  }
0x3b: {  	v6 =	vld [tilespmem:s24+$0xA70];
	[tilespmem:s23+$0xAA20] =	vst v3  }
0x3c: {  	v3 =	vld [tilespmem:s24+$0xA00];
	[tilespmem:s23+$0xAA30] =	vst v1  }
0x3d: {  	v1 =	vld [tilespmem:s24+$0xA10];
	[tilespmem:s23+$0xAA40] =	vst v2  }
0x3e: {  	v2 =	vld [tilespmem:s24+$0xA20];
	[tilespmem:s23+$0xAA50] =	vst v4  }
0x3f: {  	v4 =	vld [tilespmem:s24+$0xA30];
	[tilespmem:s23+$0xAA60] =	vst v5  }
0x40: {  	v5 =	vld [tilespmem:s24+$0xA40];
	[tilespmem:s24+$0xAA70] =	vst v6  }
0x41: {  	[tilespmem:s24+$0xAA00] =	vst v3;
	v3 =	vld [tilespmem:s24+$0xA50]  }
0x42: {  	[tilespmem:s24+$0xAA10] =	vst v1;
	v1 =	vld [tilespmem:s24+$0xA60]  }
0x43: {  	[tilespmem:s24+$0xAA20] =	vst v2  }
0x44: {  	[tilespmem:s24+$0xAA30] =	vst v4  }
0x45: {  	[tilespmem:s24+$0xAA40] =	vst v5  }
0x46: {  	[tilespmem:s24+$0xAA50] =	vst v3  }
0x47: {  	s25 =	simm.s32 $0xAA00;
	[tilespmem:s24+$0xAA60] =	vst v1;
	s24 =	simm.s32 $0x0  }
0x48: {  	[spmem:s2] =	stream.indirect.scatter.add.f32 [tilespmem:s25], [sflag:$0x1], $0x10, s24, s14, $0xb8;
	[tilespmem:$0x19A00] =	vst v63  }
0x49: {  	_ =	swait.ge [sflag:s12], $0x400  }
0x4a: {  	[sflag:s12] =	ssyncset.done $0x0  }
0x4b: {  	s25 =	simm.s32 $0xAE00;
	[sflag:s12] =	ssyncadd.s32 $0xFFFFFC00  }
0x4c: {  	[spmem:s2] =	stream.indirect.scatter.add.f32 [tilespmem:s25], [sflag:$0x1], $0x10, s14, s14, $0xb8;
	[tilespmem:$0x19A00] =	vst v63  }
0x4d: {  	_ =	swait.ge [sflag:s12], $0x400  }
0x4e: {  	[sflag:s12] =	ssyncset.done $0x0  }
0x4f: {  	s24 =	simm.s32 $0x80;
	s25 =	simm.s32 $0xB200;
	[sflag:s12] =	ssyncadd.s32 $0xFFFFFC00  }
0x50: {  	[spmem:s2] =	stream.indirect.scatter.add.f32 [tilespmem:s25], [sflag:$0x1], $0x10, s24, s14, $0xb8;
	[tilespmem:$0x19A00] =	vst v63  }
0x51: {  	_ =	swait.ge [sflag:s12], $0x400  }
0x52: {  	[sflag:s12] =	ssyncset.done $0x0  }
0x53: {  	s24 =	simm.s32 $0xC0;
	s25 =	simm.s32 $0xB600;
	[sflag:s12] =	ssyncadd.s32 $0xFFFFFC00  }
0x54: {  	[spmem:s2] =	stream.indirect.scatter.add.f32 [tilespmem:s25], [sflag:$0x1], $0x10, s24, s14, $0xb8;
	[tilespmem:$0x19A00] =	vst v63  }
0x55: {  	_ =	swait.ge [sflag:s12], $0x400  }
0x56: {  	[sflag:s12] =	ssyncset.done $0x0  }
0x57: {  	s24 =	simm.s32 $0x100;
	s25 =	simm.s32 $0xBA00;
	[sflag:s12] =	ssyncadd.s32 $0xFFFFFC00  }
0x58: {  	[spmem:s2] =	stream.indirect.scatter.add.f32 [tilespmem:s25], [sflag:$0x1], $0x10, s24, s14, $0xb8;
	[tilespmem:$0x19A00] =	vst v63  }
0x59: {  	_ =	swait.ge [sflag:s12], $0x400  }
0x5a: {  	[sflag:s12] =	ssyncset.done $0x0  }
0x5b: {  	s24 =	simm.s32 $0x140;
	s25 =	simm.s32 $0xBE00;
	[sflag:s12] =	ssyncadd.s32 $0xFFFFFC00  }
0x5c: {  	[spmem:s2] =	stream.indirect.scatter.add.f32 [tilespmem:s25], [sflag:$0x1], $0x10, s24, s14, $0xb8;
	[tilespmem:$0x19A00] =	vst v63  }
0x5d: {  	_ =	swait.ge [sflag:s12], $0x400  }
0x5e: {  	[sflag:s12] =	ssyncset.done $0x0  }
0x5f: {  	s24 =	simm.s32 $0x180;
	s25 =	simm.s32 $0xC200;
	[sflag:s12] =	ssyncadd.s32 $0xFFFFFC00  }
0x60: {  	[spmem:s2] =	stream.indirect.scatter.add.f32 [tilespmem:s25], [sflag:$0x1], $0x10, s24, s14, $0xb8;
	[tilespmem:$0x19A00] =	vst v63  }
0x61: {  	_ =	swait.ge [sflag:s12], $0x400  }
0x62: {  	[sflag:s12] =	ssyncset.done $0x0  }
0x63: {  	s24 =	simm.s32 $0x1C0;
	s25 =	simm.s32 $0xC600;
	[sflag:s12] =	ssyncadd.s32 $0xFFFFFC00  }
0x64: {  	[spmem:s2] =	stream.indirect.scatter.add.f32 [tilespmem:s25], [sflag:$0x1], $0x10, s24, s14, $0xb8;
	[tilespmem:$0x19A00] =	vst v63  }
0x65: {  	_ =	swait.ge [sflag:s12], $0x400  }
0x66: {  	[sflag:s12] =	ssyncset.done $0x0  }
0x67: {  	s24 =	simm.s32 $0x200;
	s25 =	simm.s32 $0xCA00;
	[sflag:s12] =	ssyncadd.s32 $0xFFFFFC00  }
0x68: {  	[spmem:s2] =	stream.indirect.scatter.add.f32 [tilespmem:s25], [sflag:$0x1], $0x10, s24, s14, $0xb8;
	[tilespmem:$0x19A00] =	vst v63  }
0x69: {  	_ =	swait.ge [sflag:s12], $0x400  }
0x6a: {  	[sflag:s12] =	ssyncset.done $0x0  }
0x6b: {  	s24 =	simm.s32 $0x240;
	s25 =	simm.s32 $0xCE00;
	[sflag:s12] =	ssyncadd.s32 $0xFFFFFC00  }
0x6c: {  	[spmem:s2] =	stream.indirect.scatter.add.f32 [tilespmem:s25], [sflag:$0x1], $0x10, s24, s14, $0xb8;
	[tilespmem:$0x19A00] =	vst v63  }
0x6d: {  	_ =	swait.ge [sflag:s12], $0x400  }
0x6e: {  	[sflag:s12] =	ssyncset.done $0x0  }
0x6f: {  	s24 =	simm.s32 $0x280;
	s25 =	simm.s32 $0xD200;
	[sflag:s12] =	ssyncadd.s32 $0xFFFFFC00  }
0x70: {  	[spmem:s2] =	stream.indirect.scatter.add.f32 [tilespmem:s25], [sflag:$0x1], $0x10, s24, s14, $0xb8;
	[tilespmem:$0x19A00] =	vst v63  }
0x71: {  	_ =	swait.ge [sflag:s12], $0x400  }
0x72: {  	[sflag:s12] =	ssyncset.done $0x0  }
0x73: {  	s24 =	simm.s32 $0x2C0;
	s25 =	simm.s32 $0xD600;
	[sflag:s12] =	ssyncadd.s32 $0xFFFFFC00  }
0x74: {  	[spmem:s2] =	stream.indirect.scatter.add.f32 [tilespmem:s25], [sflag:$0x1], $0x10, s24, s14, $0xb8;
	[tilespmem:$0x19A00] =	vst v63  }
0x75: {  	_ =	swait.ge [sflag:s12], $0x400  }
0x76: {  	[sflag:s12] =	ssyncset.done $0x0  }
0x77: {  	s24 =	simm.s32 $0x300;
	s25 =	simm.s32 $0xDA00;
	[sflag:s12] =	ssyncadd.s32 $0xFFFFFC00  }
0x78: {  	[spmem:s2] =	stream.indirect.scatter.add.f32 [tilespmem:s25], [sflag:$0x1], $0x10, s24, s14, $0xb8;
	[tilespmem:$0x19A00] =	vst v63  }
0x79: {  	_ =	swait.ge [sflag:s12], $0x400  }
0x7a: {  	[sflag:s12] =	ssyncset.done $0x0  }
0x7b: {  	s24 =	simm.s32 $0x340;
	s25 =	simm.s32 $0xDE00;
	[sflag:s12] =	ssyncadd.s32 $0xFFFFFC00  }
0x7c: {  	[spmem:s2] =	stream.indirect.scatter.add.f32 [tilespmem:s25], [sflag:$0x1], $0x10, s24, s14, $0xb8;
	[tilespmem:$0x19A00] =	vst v63  }
0x7d: {  	_ =	swait.ge [sflag:s12], $0x400  }
0x7e: {  	[sflag:s12] =	ssyncset.done $0x0  }
0x7f: {  	s24 =	simm.s32 $0x380;
	s25 =	simm.s32 $0xE200;
	[sflag:s12] =	ssyncadd.s32 $0xFFFFFC00  }
0x80: {  	[spmem:s2] =	stream.indirect.scatter.add.f32 [tilespmem:s25], [sflag:$0x1], $0x10, s24, s14, $0xb8;
	[tilespmem:$0x19A00] =	vst v63  }
0x81: {  	_ =	swait.ge [sflag:s12], $0x400  }
0x82: {  	[sflag:s12] =	ssyncset.done $0x0  }
0x83: {  	s24 =	simm.s32 $0x3C0;
	s25 =	simm.s32 $0xE600;
	[sflag:s12] =	ssyncadd.s32 $0xFFFFFC00  }
0x84: {  	[spmem:s2] =	stream.indirect.scatter.add.f32 [tilespmem:s25], [sflag:$0x1], $0x10, s24, s14, $0xb8;
	[tilespmem:$0x19A00] =	vst v63  }
0x85: {  	_ =	swait.ge [sflag:s12], $0x400  }
0x86: {  	[sflag:s12] =	ssyncset.done $0x0  }
0x87: {  	s24 =	simm.s32 $0x400;
	s25 =	simm.s32 $0xEA00;
	[sflag:s12] =	ssyncadd.s32 $0xFFFFFC00  }
0x88: {  	[spmem:s2] =	stream.indirect.scatter.add.f32 [tilespmem:s25], [sflag:$0x1], $0x10, s24, s14, $0xb8;
	[tilespmem:$0x19A00] =	vst v63  }
0x89: {  	_ =	swait.ge [sflag:s12], $0x400  }
0x8a: {  	[sflag:s12] =	ssyncset.done $0x0  }
0x8b: {  	s24 =	simm.s32 $0x440;
	s25 =	simm.s32 $0xEE00;
	[sflag:s12] =	ssyncadd.s32 $0xFFFFFC00  }
0x8c: {  	[spmem:s2] =	stream.indirect.scatter.add.f32 [tilespmem:s25], [sflag:$0x1], $0x10, s24, s14, $0xb8;
	[tilespmem:$0x19A00] =	vst v63  }
0x8d: {  	_ =	swait.ge [sflag:s12], $0x400  }
0x8e: {  	[sflag:s12] =	ssyncset.done $0x0  }
0x8f: {  	s24 =	simm.s32 $0x480;
	s25 =	simm.s32 $0xF200;
	[sflag:s12] =	ssyncadd.s32 $0xFFFFFC00  }
0x90: {  	[spmem:s2] =	stream.indirect.scatter.add.f32 [tilespmem:s25], [sflag:$0x1], $0x10, s24, s14, $0xb8;
	[tilespmem:$0x19A00] =	vst v63  }
0x91: {  	_ =	swait.ge [sflag:s12], $0x400  }
0x92: {  	[sflag:s12] =	ssyncset.done $0x0  }
0x93: {  	s24 =	simm.s32 $0x4C0;
	s25 =	simm.s32 $0xF600;
	[sflag:s12] =	ssyncadd.s32 $0xFFFFFC00  }
0x94: {  	[spmem:s2] =	stream.indirect.scatter.add.f32 [tilespmem:s25], [sflag:$0x1], $0x10, s24, s14, $0xb8;
	[tilespmem:$0x19A00] =	vst v63  }
0x95: {  	_ =	swait.ge [sflag:s12], $0x400  }
0x96: {  	[sflag:s12] =	ssyncset.done $0x0  }
0x97: {  	s24 =	simm.s32 $0x500;
	s25 =	simm.s32 $0xFA00;
	[sflag:s12] =	ssyncadd.s32 $0xFFFFFC00  }
0x98: {  	[spmem:s2] =	stream.indirect.scatter.add.f32 [tilespmem:s25], [sflag:$0x1], $0x10, s24, s14, $0xb8;
	[tilespmem:$0x19A00] =	vst v63  }
0x99: {  	_ =	swait.ge [sflag:s12], $0x400  }
0x9a: {  	[sflag:s12] =	ssyncset.done $0x0  }
0x9b: {  	s24 =	simm.s32 $0x540;
	s25 =	simm.s32 $0xFE00;
	[sflag:s12] =	ssyncadd.s32 $0xFFFFFC00  }
0x9c: {  	[spmem:s2] =	stream.indirect.scatter.add.f32 [tilespmem:s25], [sflag:$0x1], $0x10, s24, s14, $0xb8;
	[tilespmem:$0x19A00] =	vst v63  }
0x9d: {  	_ =	swait.ge [sflag:s12], $0x400  }
0x9e: {  	[sflag:s12] =	ssyncset.done $0x0  }
0x9f: {  	s24 =	simm.s32 $0x580;
	s25 =	simm.s32 $0x10200;
	[sflag:s12] =	ssyncadd.s32 $0xFFFFFC00  }
0xa0: {  	[spmem:s2] =	stream.indirect.scatter.add.f32 [tilespmem:s25], [sflag:$0x1], $0x10, s24, s14, $0xb8;
	[tilespmem:$0x19A00] =	vst v63  }
0xa1: {  	_ =	swait.ge [sflag:s12], $0x400  }
0xa2: {  	[sflag:s12] =	ssyncset.done $0x0  }
0xa3: {  	s24 =	simm.s32 $0x5C0;
	s25 =	simm.s32 $0x10600;
	[sflag:s12] =	ssyncadd.s32 $0xFFFFFC00  }
0xa4: {  	[spmem:s2] =	stream.indirect.scatter.add.f32 [tilespmem:s25], [sflag:$0x1], $0x10, s24, s14, $0xb8;
	[tilespmem:$0x19A00] =	vst v63  }
0xa5: {  	_ =	swait.ge [sflag:s12], $0x400  }
0xa6: {  	[sflag:s12] =	ssyncset.done $0x0  }
0xa7: {  	s24 =	simm.s32 $0x600;
	s25 =	simm.s32 $0x10A00;
	[sflag:s12] =	ssyncadd.s32 $0xFFFFFC00  }
0xa8: {  	[spmem:s2] =	stream.indirect.scatter.add.f32 [tilespmem:s25], [sflag:$0x1], $0x10, s24, s14, $0xb8;
	[tilespmem:$0x19A00] =	vst v63  }
0xa9: {  	_ =	swait.ge [sflag:s12], $0x400  }
0xaa: {  	[sflag:s12] =	ssyncset.done $0x0  }
0xab: {  	s24 =	simm.s32 $0x640;
	s25 =	simm.s32 $0x10E00;
	[sflag:s12] =	ssyncadd.s32 $0xFFFFFC00  }
0xac: {  	[spmem:s2] =	stream.indirect.scatter.add.f32 [tilespmem:s25], [sflag:$0x1], $0x10, s24, s14, $0xb8;
	[tilespmem:$0x19A00] =	vst v63  }
0xad: {  	_ =	swait.ge [sflag:s12], $0x400  }
0xae: {  	[sflag:s12] =	ssyncset.done $0x0  }
0xaf: {  	s24 =	simm.s32 $0x680;
	s25 =	simm.s32 $0x11200;
	[sflag:s12] =	ssyncadd.s32 $0xFFFFFC00  }
0xb0: {  	[spmem:s2] =	stream.indirect.scatter.add.f32 [tilespmem:s25], [sflag:$0x1], $0x10, s24, s14, $0xb8;
	[tilespmem:$0x19A00] =	vst v63  }
0xb1: {  	_ =	swait.ge [sflag:s12], $0x400  }
0xb2: {  	[sflag:s12] =	ssyncset.done $0x0  }
0xb3: {  	s24 =	simm.s32 $0x6C0;
	s25 =	simm.s32 $0x11600;
	[sflag:s12] =	ssyncadd.s32 $0xFFFFFC00  }
0xb4: {  	[spmem:s2] =	stream.indirect.scatter.add.f32 [tilespmem:s25], [sflag:$0x1], $0x10, s24, s14, $0xb8;
	[tilespmem:$0x19A00] =	vst v63  }
0xb5: {  	_ =	swait.ge [sflag:s12], $0x400  }
0xb6: {  	[sflag:s12] =	ssyncset.done $0x0  }
0xb7: {  	s24 =	simm.s32 $0x700;
	s25 =	simm.s32 $0x11A00;
	[sflag:s12] =	ssyncadd.s32 $0xFFFFFC00  }
0xb8: {  	[spmem:s2] =	stream.indirect.scatter.add.f32 [tilespmem:s25], [sflag:$0x1], $0x10, s24, s14, $0xb8;
	[tilespmem:$0x19A00] =	vst v63  }
0xb9: {  	_ =	swait.ge [sflag:s12], $0x400  }
0xba: {  	[sflag:s12] =	ssyncset.done $0x0  }
0xbb: {  	s24 =	simm.s32 $0x740;
	s25 =	simm.s32 $0x11E00;
	[sflag:s12] =	ssyncadd.s32 $0xFFFFFC00  }
0xbc: {  	[spmem:s2] =	stream.indirect.scatter.add.f32 [tilespmem:s25], [sflag:$0x1], $0x10, s24, s14, $0xb8;
	[tilespmem:$0x19A00] =	vst v63  }
0xbd: {  	_ =	swait.ge [sflag:s12], $0x400  }
0xbe: {  	[sflag:s12] =	ssyncset.done $0x0  }
0xbf: {  	s25 =	simm.s32 $0x780;
	[sflag:s12] =	ssyncadd.s32 $0xFFFFFC00  }
0xc0: {  	[spmem:s2] =	stream.indirect.scatter.add.f32 [tilespmem:s26], [sflag:$0x1], $0x10, s25, s14, $0xb8;
	[tilespmem:$0x19A00] =	vst v63  }
0xc1: {  	_ =	swait.ge [sflag:s12], $0x400  }
0xc2: {  	[sflag:s12] =	ssyncset.done $0x0  }
0xc3: {  	[sflag:s12] =	ssyncadd.s32 $0xFFFFFC00  }
0xc4: {  	[spmem:s2] =	stream.indirect.scatter.add.f32 [tilespmem:s29], [sflag:$0x1], $0x10, s28, s14, $0xb8;
	[tilespmem:$0x19A00] =	vst v63  }
0xc5: {  	_ =	swait.ge [sflag:s12], $0x400  }
0xc6: {  	[sflag:s12] =	ssyncset.done $0x0  }
0xc7: {  	[sflag:s12] =	ssyncadd.s32 $0xFFFFFC00  }
0xc8: {  	[spmem:s2] =	stream.indirect.scatter.add.f32 [tilespmem:s31], [sflag:$0x1], $0x10, s30, s14, $0xb8;
	[tilespmem:$0x19A00] =	vst v63  }
0xc9: {  	_ =	swait.ge [sflag:s12], $0x400  }
0xca: {  	[sflag:s12] =	ssyncset.done $0x0  }
0xcb: {  	[sflag:s12] =	ssyncadd.s32 $0xFFFFFC00  }
0xcc: {  	[spmem:s2] =	stream.indirect.scatter.add.f32 [tilespmem:s1], [sflag:$0x1], $0x10, s0, s14, $0xb8;
	[tilespmem:$0x19A00] =	vst v63  }
0xcd: {  	_ =	swait.ge [sflag:s12], $0x400  }
0xce: {  	[sflag:s12] =	ssyncset.done $0x0  }
0xcf: {  	[sflag:s12] =	ssyncadd.s32 $0xFFFFFC00  }
0xd0: {  	[spmem:s2] =	stream.indirect.scatter.add.f32 [tilespmem:s10], [sflag:$0x1], $0x10, s9, s14, $0xb8;
	[tilespmem:$0x19A00] =	vst v63  }
0xd1: {  	_ =	swait.ge [sflag:s12], $0x400  }
0xd2: {  	[sflag:s12] =	ssyncset.done $0x0  }
0xd3: {  	[sflag:s12] =	ssyncadd.s32 $0xFFFFFC00  }
0xd4: {  	[spmem:s2] =	stream.indirect.scatter.add.f32 [tilespmem:s7], [sflag:$0x1], $0x10, s11, s14, $0xb8;
	[tilespmem:$0x19A00] =	vst v63  }
0xd5: {  	_ =	swait.ge [sflag:s12], $0x400  }
0xd6: {  	[sflag:s12] =	ssyncset.done $0x0  }
0xd7: {  	[sflag:s12] =	ssyncadd.s32 $0xFFFFFC00  }
0xd8: {  	[spmem:s2] =	stream.indirect.scatter.add.f32 [tilespmem:s13], [sflag:$0x1], $0x10, s3, s14, $0xb8;
	[tilespmem:$0x19A00] =	vst v63  }
0xd9: {  	_ =	swait.ge [sflag:s12], $0x400  }
0xda: {  	[sflag:s12] =	ssyncset.done $0x0  }
0xdb: {  	[sflag:s12] =	ssyncadd.s32 $0xFFFFFC00  }
0xdc: {  	[spmem:s2] =	stream.indirect.scatter.add.f32 [tilespmem:s16], [sflag:$0x1], $0x10, s15, s14, $0xb8;
	[tilespmem:$0x19A00] =	vst v63  }
0xdd: {  	_ =	swait.ge [sflag:s12], $0x400  }
0xde: {  	[sflag:s12] =	ssyncset.done $0x0  }
0xdf: {  	[sflag:s12] =	ssyncadd.s32 $0xFFFFFC00  }
0xe0: {  	[spmem:s2] =	stream.indirect.scatter.add.f32 [tilespmem:s18], [sflag:$0x1], $0x10, s17, s14, $0xb8;
	[tilespmem:$0x19A00] =	vst v63  }
0xe1: {  	s22 =	sadd.s32 $0x1, s22;
	_ =	swait.ge [sflag:s12], $0x400  }
0xe2: {  	p0 =	sne.s32 s22, $0x4;
	[sflag:s12] =	ssyncset.done $0x0  }
.Ltmp2:
0xe3: {  	[sflag:s12] =	ssyncadd.s32 $0xFFFFFC00;
	(pc) =	sbr.rel @p0 .LBB2_4-.Ltmp2, $4  }
0xe4: {  	[spmem:s2] =	stream.indirect.scatter.add.f32 [tilespmem:s20], [sflag:$0x1], $0x10, s19, s14, $0xb8;
	[tilespmem:$0x19A00] =	vst v63  }
0xe5: {  	_ =	swait.ge [sflag:s12], $0x400  }
0xe6: {  	[sflag:s12] =	ssyncset.done $0x0  }
0xe7: {  	[sflag:s12] =	ssyncadd.s32 $0xFFFFFC00  }
0xe8: {  	[bflag:$0x0] =	sbarrier.arrive $0xFFFF  }
0xe9: {  	s24 =	simm.s32 $0x14A00;
	s23 =	rddreg [dreg:$0x4]  }
0xea: {  	[tilespmem:s24], [sflag:$0x1] =	stream.linear.gather [spmem:s23], $0x2800, $0x38;
	[tilespmem:$0x19A00] =	vst v63  }
0xeb: {  	_ =	swait.ge [sflag:s12], $0x2800  }
0xec: {  	[sflag:s12] =	ssyncset.done $0x0  }
0xed: {  	s21 =	simm.s32 $0x0;
	s22 =	rddreg [dreg:$0x5];
	[sflag:s12] =	ssyncadd.s32 $0xFFFFD800  }
0xee: {  	[hbm4b:s22+s21] =	stream.linear.scatter [tilespmem:s24], [sflag:$0x1], $0x2800, $0x38;
	[tilespmem:$0x19A00] =	vst v63  }
0xef: {  	_ =	swait.ge [sflag:s12], $0x2800  }
0xf0: {  	s21 =	rddreg [dreg:$0x7]  }
0xf1: {  	s25 =	rddreg [dreg:$0x6];
	s22 =	sadd.s32 $0x1, s21  }
0xf2: {  	p0 =	sne.s32 s22, s25  }
.Ltmp3:
0xf3: {  	_ = 	snop;
	(pc) =	sbr.rel @p0 .LBB2_1-.Ltmp3, $3  }
0xf4: {  	_ =	sdelay $0x1  }
0xf5: {  	[sflag:s12] =	ssyncset.done $0x0  }
0xf6: {  	[sflag:s12] =	ssyncadd.s32 $0xFFFFD800  }
0xf7: {  	_ =	sfence.sel $0x180000  }
0xf8: {  	[bflag:$0x0] =	sbarrier.arrive $0xFFFF  }
0xf9: {  	_ =	strace $0x9000004A  }
0xfa: {  	s0 =	stileid.u32;
	[bflag:$0x2] =	sbarrier.arrive $0xFFFF  }
0xfb: {  	p0 =	sne.s32 s0, $0x0;
	s0 =	rddreg [dreg:$0x3]  }
0xfc: {  	s0 =	sadd.s32 @!p0 $0x100000, s0  }
0xfd: {  	[sflag:s0] =	ssyncadd.tile.s32 @!p0 $0x1;
	_ =	shalt  }
.Lfunc_end2:
_tile_overlayer_lowered:
.L_overlay_start_2:
0xfe: {  	(tag) =	ssettag $0x2  }
0xff: {  	s0 =	rddreg [dreg:$0x0];
	s2 =	stileid.u32  }
0x100: {  	s1 =	rddreg [dreg:$0x1];
	p0 =	sne.s32 s2, $0x0  }
0x101: {  	s3 =	rddreg [dreg:$0x2];
	[bflag:$0x3] =	sbarrier.arrive $0xFFFF;
	s2 =	simm.s32 @!p0 $0x1C01  }
0x102: {  	[timem:s3], [sflag:s2] =	dma.local @!p0 [hbm:s0], s1  }
0x103: {  	s0 =	simm.s32 @!p0 $0x1  }
0x104: {  	_ =	swait.ge @!p0 [sflag:s0], s1  }
0x105: {  	s1 =	ssub.s32 @!p0 $0x0, s1;
	[sflag:s0] =	ssyncset.done @!p0 $0x0  }
0x106: {  	[sflag:s0] =	ssyncadd.s32 @!p0 s1  }
0x107: {  	[bflag:$0x3] =	sbarrier.arrive $0xFFFF  }
0x108: {  	_ =	shalt  }

// kernel: kernel.7.cloned.1.call-start
scs
__scs_entry_jumppad:
0x0: {  	(pc) =	sbr.rel $0x88, $3  }
0x1: {  	(tag) =	ssettag $0x0;
	lr =	simm.s32 $0x1  }
0x2: {  	[smem:$0x3F8E] =	sst lr;
	_ =	strace $0xD0000000  }
0x3: {  	_ = 	snop  }
0x4: {  	_ = 	snop  }
0x5: {  	_ = 	snop  }
0x6: {  	_ = 	snop  }
0x7: {  	_ = 	snop  }
__scs_overlays_trampoline_lowered:
0x8: {  	[smem:$0x3F9D] =	sst s0  }
0x9: {  	[smem:$0x3F9E] =	sst s1  }
0xa: {  	[smem:$0x3F9F] =	sst s2  }
0xb: {  	[smem:$0x3FA0] =	sst s3  }
0xc: {  	[smem:$0x3FA1] =	sst s4  }
0xd: {  	[smem:$0x3FA2] =	sst s5  }
0xe: {  	[smem:$0x3FA3] =	sst s6  }
0xf: {  	[smem:$0x3FA4] =	sst s7  }
0x10: {  	[smem:$0x3FA5] =	sst s8  }
0x11: {  	[smem:$0x3FA6] =	sst s9;
	s0 =	simm.s32 @!p0 $0x0  }
0x12: {  	s1 =	sld [smem:$0x3F8C];
	s0 =	simm.s32 @p0 $0x1  }
0x13: {  	[smem:$0x3FA7] =	sst s0;
	s0 =	simm.s32 @!p1 $0x0  }
0x14: {  	s2 =	sld [smem:$0x3F8B];
	s0 =	simm.s32 @p1 $0x1  }
0x15: {  	[smem:$0x3FA8] =	sst s0;
	s0 =	simm.s32 @!p2 $0x0  }
0x16: {  	s3 =	sld [smem:$0x3FDB];
	s0 =	simm.s32 @p2 $0x1  }
0x17: {  	s4 =	simm.s32 $0x1BF5;
	[smem:$0x3FAA] =	sst s0  }
0x18: {  	s0 =	sld [smem:$0x3F8D];
	_ =	swait.ge [sflag:s4], $0x0  }
0x19: {  	s7 =	sld [smem:$0x3F8E]  }
0x1a: {  	s8 =	sadd.s32 $0xFFFFE003, lr  }
0x1b: {  	s9 =	sadd.s32 $0xFFFFFEF7, lr;
	s5 =	simm.s32 $0xFFFFFFFF;
	p2 =	slt.u32 s8, $0xFFFFF086  }
0x1c: {  	p1 =	slt.u32 s9, $0xF7A;
	s5 =	simm.s32 @!p2 $0x0  }
0x1d: {  	s5 =	simm.s32 @p1 $0x1;
	p0 =	seq.s32 s7, s2  }
0x1e: {  	s7 =	smul.u32 @!p0 $0xF7A, s2;
	p2 =	seq.s32 @!p0 s5, $0x0  }
0x1f: {  	s9 =	smul.u32 $0xF7A, s1;
	s8 =	simm.s32 @!p0 $0x1BF5;
	p2 =	por !p2, p0  }
0x20: {  	[sflag:s8] =	ssyncset.s32 @!p0 $0xFFFFF086;
	s6 =	sadd.s32 @!p0 s3, s7;
	s7 =	simm.s32 @!p0 $0x108  }
0x21: {  	s3 =	sadd.s32 s3, s9;
	s6 =	sadd.s32 @!p0 $0x88, s6;
	s7 =	simm.s32 @p2 $0x1082  }
0x22: {  	[simem:s7], [sflag:s8] =	dma.local @!p0 [hbm:s6], $0xF7A  }
0x23: {  	s9 =	sor.u32 $0xD0000000, s2;
	s6 =	simm.s32 $0x108;
	_ =	swait.ge @!p0 [sflag:s8], $0x0  }
0x24: {  	s3 =	sadd.s32 $0x88, s3;
	s6 =	simm.s32 @!p1 $0x1082;
	[sflag:s4] =	ssyncset.s32 $0xFFFFF086  }
0x25: {  	[simem:s6], [sflag:s4] =	dma.local [hbm:s3], $0xF7A  }
0x26: {  	[smem:$0x3F8E] =	sst s1;
	(tag) =	ssettag s2;
	_ =	strace s9  }
0x27: {  	s1 =	sld [smem:$0x3F9E]  }
0x28: {  	s2 =	sld [smem:$0x3F9F]  }
0x29: {  	s4 =	sld [smem:$0x3FA1]  }
0x2a: {  	p0 =	seq.s32 s5, $0x0;
	s5 =	sld [smem:$0x3FA2]  }
0x2b: {  	s6 =	sld [smem:$0x3FA3]  }
0x2c: {  	s7 =	sld [smem:$0x3FA4]  }
0x2d: {  	s3 =	simm.s32 $0x108;
	s8 =	sld [smem:$0x3FA5]  }
0x2e: {  	s3 =	simm.s32 @!p0 $0x1082;
	s9 =	sld [smem:$0x3FA6]  }
0x2f: {  	lr =	sadd.s32 s0, s3;
	s0 =	sld [smem:$0x3F9D]  }
0x30: {  	s3 =	sld [smem:$0x3FA0]  }
0x31: {  	[smem:$0x3FA9] =	sst s10  }
0x32: {  	s10 =	sld [smem:$0x3FA7];
	_ =	sdelay $0x3  }
0x33: {  	p0 =	seq.s32 s10, $0x1;
	s10 =	sld [smem:$0x3FA9];
	_ =	sdelay $0x3  }
0x34: {  	[smem:$0x3FA9] =	sst s10  }
0x35: {  	s10 =	sld [smem:$0x3FA8];
	_ =	sdelay $0x3  }
0x36: {  	p1 =	seq.s32 s10, $0x1;
	s10 =	sld [smem:$0x3FA9];
	_ =	sdelay $0x3  }
0x37: {  	[smem:$0x3FA9] =	sst s10  }
0x38: {  	s10 =	sld [smem:$0x3FAA]  }
0x39: {  	_ = 	snop;
	(pc) =	sbr.ind lr, $3  }
0x3a: {  	_ = 	snop  }
0x3b: {  	_ = 	snop  }
0x3c: {  	p2 =	seq.s32 s10, $0x1;
	s10 =	sld [smem:$0x3FA9]  }
0x3d: {  	_ =	shalt  }
0x3e: {  	_ =	shalt  }
0x3f: {  	_ =	shalt  }
0x40: {  	_ =	shalt  }
0x41: {  	_ =	shalt  }
0x42: {  	_ =	shalt  }
0x43: {  	_ =	shalt  }
0x44: {  	_ =	shalt  }
0x45: {  	_ =	shalt  }
0x46: {  	_ =	shalt  }
0x47: {  	_ =	shalt  }
0x48: {  	_ =	shalt  }
0x49: {  	_ =	shalt  }
0x4a: {  	_ =	shalt  }
0x4b: {  	_ =	shalt  }
0x4c: {  	_ =	shalt  }
0x4d: {  	_ =	shalt  }
0x4e: {  	_ =	shalt  }
0x4f: {  	_ =	shalt  }
0x50: {  	_ =	shalt  }
0x51: {  	_ =	shalt  }
0x52: {  	_ =	shalt  }
0x53: {  	_ =	shalt  }
0x54: {  	_ =	shalt  }
0x55: {  	_ =	shalt  }
0x56: {  	_ =	shalt  }
0x57: {  	_ =	shalt  }
0x58: {  	_ =	shalt  }
0x59: {  	_ =	shalt  }
0x5a: {  	_ =	shalt  }
0x5b: {  	_ =	shalt  }
0x5c: {  	_ =	shalt  }
0x5d: {  	_ =	shalt  }
0x5e: {  	_ =	shalt  }
0x5f: {  	_ =	shalt  }
0x60: {  	_ =	shalt  }
0x61: {  	_ =	shalt  }
0x62: {  	_ =	shalt  }
0x63: {  	_ =	shalt  }
0x64: {  	_ =	shalt  }
0x65: {  	_ =	shalt  }
0x66: {  	_ =	shalt  }
0x67: {  	_ =	shalt  }
0x68: {  	_ =	shalt  }
0x69: {  	_ =	shalt  }
0x6a: {  	_ =	shalt  }
0x6b: {  	_ =	shalt  }
0x6c: {  	_ =	shalt  }
0x6d: {  	_ =	shalt  }
0x6e: {  	_ =	shalt  }
0x6f: {  	_ =	shalt  }
0x70: {  	_ =	shalt  }
0x71: {  	_ =	shalt  }
0x72: {  	_ =	shalt  }
0x73: {  	_ =	shalt  }
0x74: {  	_ =	shalt  }
0x75: {  	_ =	shalt  }
0x76: {  	_ =	shalt  }
0x77: {  	_ =	shalt  }
0x78: {  	_ =	shalt  }
0x79: {  	_ =	shalt  }
0x7a: {  	_ =	shalt  }
0x7b: {  	_ =	shalt  }
0x7c: {  	_ =	shalt  }
0x7d: {  	_ =	shalt  }
0x7e: {  	_ =	shalt  }
0x7f: {  	_ =	shalt  }
0x80: {  	_ =	shalt  }
0x81: {  	_ =	shalt  }
0x82: {  	_ =	shalt  }
0x83: {  	_ =	shalt  }
0x84: {  	_ =	shalt  }
0x85: {  	_ =	shalt  }
0x86: {  	_ =	shalt  }
0x87: {  	_ =	shalt  }
.Lfunc_end0:
.L_simem_size_0:
called_computation_lowered:
.L_overlay_start_0:
0x88: {  	s2 =	sld [smem:$0x3FD9]  }
0x89: {  	s3 =	sld [smem:$0x3FFE];
	_ =	sdelay $0x1  }
0x8a: {  	s1 =	srdreg.scid  }
0x8b: {  	s0 =	sand.u32 $0x1, s1  }
0x8c: {  	s14 =	sshll.u32 s0, $0xA;
	s2 =	sadd.s32 s3, s2  }
0x8d: {  	s2 =	sadd.s32 s2, s14  }
0x8e: {  	[smem:$0x3FB5] =	sst s2  }
0x8f: {  	_ = 	snop  }
0x90: {  	s2 =	sld [smem:$0x3FD0];
	_ =	sdelay $0x2  }
0x91: {  	s15 =	simm.s32 $0xA;
	s4 =	simm.s32 $0x10  }
0x92: {  	[smem:s4], [sflag:s15] =	dma.local [hbm:s2], $0x1  }
0x93: {  	_ =	swait.eq [sflag:s15], $0x1  }
0x94: {  	[sflag:s15] =	ssyncset.done $0x0  }
0x95: {  	s16 =	sld [smem:$0x10];
	[sflag:s15] =	ssyncadd.s32 $0xFFFFFFFF  }
0x96: {  	s17 =	sld [smem:$0x11];
	(tm) =	ssettm $0x1  }
0x97: {  	s18 =	sld [smem:$0x3FFB];
	_ =	sdelay $0x3  }
0x98: {  	_ =	strace s18  }
0x99: {  	s4 =	sld [smem:$0x3FFC];
	_ =	sdelay $0x3  }
0x9a: {  	_ =	strace s4  }
0x9b: {  	s4 =	sld [smem:$0x3FFD];
	_ =	sdelay $0x3  }
0x9c: {  	_ =	strace s4  }
0x9d: {  	_ =	strace $0x8FFFFFFF  }
0x9e: {  	s19 =	sld [smem:$0x3FDB];
	_ =	sdelay $0x1  }
0x9f: {  	s5 =	simm.s32 $_scs_section_size  }
0xa0: {  	s6 =	simm.s32 $_size__tile_overlayer_lowered;
	s7 =	simm.s32 $_tile_overlayer_lowered  }
0xa1: {  	s22 =	simm.s32 $0x1BFF;
	s21 =	sshll.u32 s7, $0x1;
	s4 =	sadd.s32 s5, s19  }
0xa2: {  	s8 =	simm.s32 $0x0;
	s20 =	sshll.u32 s6, $0x1;
	s6 =	sadd.s32 s21, s4  }
0xa3: {  	[timem:s8], [sflag:s22] =	dma.local [hbm:s6], s20  }
0xa4: {  	_ =	swait.ge [sflag:s22], s20  }
0xa5: {  	s5 =	ssub.s32 $0x0, s20;
	[sflag:s22] =	ssyncset.done $0x0  }
0xa6: {  	[sflag:s22] =	ssyncadd.s32 s5;
	_ =	sdelay $0x1  }
0xa7: {  	s23 =	simm.s32 $0x1B8B  }
0xa8: {  	_ =	swait.ge [sflag:s23], $0x1  }
0xa9: {  	[sflag:s23] =	ssyncset.done $0x0  }
0xaa: {  	s25 =	simm.s32 $0x1B8E;
	s24 =	sld [smem:$0x3FFE];
	[sflag:s23] =	ssyncadd.s32 $0xFFFFFFFF  }
0xab: {  	s26 =	simm.s32 $execute0_lowered;
	[smem:$0x3FD2] =	sst s25  }
0xac: {  	s6 =	sshll.u32 s26, $0x1;
	_ =	strace $0x80000046;
	[dreg:$0x1] =	wrdreg $0xFFFFFFFF  }
0xad: {  	s28 =	simm.s32 $_size_execute0_lowered;
	s4 =	sadd.s32 s4, s6;
	[dreg:$0x0] =	wrdreg $0x0  }
0xae: {  	s6 =	sshll.u32 s28, $0x1;
	[dreg:$0x2] =	wrdreg s4  }
0xaf: {  	[dreg:$0x3] =	wrdreg s6  }
0xb0: {  	[dreg:$0x4] =	wrdreg $0xC0  }
0xb1: {  	_ =	task [dreg:s8], $0x5FFFF  }
0xb2: {  	[dreg:$0x1] =	wrdreg $0xFFFFFFFF  }
0xb3: {  	[dreg:$0x0] =	wrdreg $0x60  }
0xb4: {  	[dreg:$0x2] =	wrdreg s17  }
0xb5: {  	[dreg:$0x3] =	wrdreg s24  }
0xb6: {  	[dreg:$0x4] =	wrdreg s16  }
0xb7: {  	[dreg:$0x5] =	wrdreg $0x9  }
0xb8: {  	_ =	task.clear_ibuf [dreg:s8], $0x6FFFF;
	_ =	strace $0x90000046  }
0xb9: {  	s29 =	simm.s32 $0x9;
	_ =	strace $0x80000048  }
0xba: {  	_ =	swait.ge [sflag:s29], $0x1  }
0xbb: {  	[sflag:s29] =	ssyncadd.s32 $0xFFFFFFFF  }
0xbc: {  	_ =	strace $0x90000048  }
0xbd: {  	_ =	sfence  }
0xbe: {  	s30 =	sld [smem:$0x0];
	_ =	sdelay $0x2  }
0xbf: {  	s31 =	sshll.u32 s1, $0xD;
	s1 =	sshrl.u32 s1, $0x2  }
0xc0: {  	s3 =	sand.u32 $0x4000, s31;
	s1 =	sadd.s32 s1, s30  }
0xc1: {  	s0 =	sor.u32 s3, s0;
	s1 =	sshll.u32 s1, $0x11  }
0xc2: {  	s0 =	sor.u32 s1, s0  }
0xc3: {  	s0 =	sadd.s32 $0x8F2B, s0  }
0xc4: {  	[sflag:s0] =	ssyncadd.remote.s32 $0x1  }
0xc5: {  	_ =	sfence.sel $0xFFFF  }
0xc6: {  	[dreg:$0x0] =	wrdreg $0xFFFFFFFF;
	(pc) =	sbr.abs _section_cstart, $3  }
0xc7: {  	[dreg:$0x1] =	wrdreg $0xFFFFFFFF  }
0xc8: {  	_ =	task.clear_ibuf [dreg:s8], $0x2FFFF;
	_ =	strace $0x9FFFFFFF  }
0xc9: {  	(tm) =	ssettm $0x7FFFFFFF  }
tec
execute0_lowered:
.L_overlay_start_1:
0x0: {  	(tag) =	ssettag $0x1  }
0x1: {  	s0 =	rddreg [dreg:$0x0]  }
0x2: {  	s1 =	rddreg [dreg:$0x1]  }
0x3: {  	s6 =	stileid.u32;
	s9 =	rddreg [dreg:$0x2];
	s3 =	simm.s32 $0x0  }
0x4: {  	s4 =	srdreg.scid;
	s28 =	simm.s32 $0x18B00;
	s29 =	simm.s32 $0x1  }
0x5: {  	s30 =	simm.s32 $0x1B800;
	s31 =	simm.s32 $0x5;
	s15 =	simm.s32 $0x6  }
0x6: {  	s16 =	simm.s32 $0x3;
	s17 =	simm.s32 $0x1C200;
	s18 =	simm.s32 $0x7  }
0x7: {  	s19 =	simm.s32 $0x4;
	s20 =	simm.s32 $0x1C700;
	s21 =	simm.s32 $0x8  }
0x8: {  	s10 =	sshll.u32 s6, $0x7;
	[smem:$0x7FF] =	sst s3;
	s5 =	sand.u32 $0x1, s4  }
0x9: {  	s6 =	smul.u32 $0x500, s6;
	s12 =	sadd.s32 $0xA2800, s1;
	s7 =	sadd.s32 $0x5CE800, s1  }
0xa: {  	s4 =	sadd.s32 $0x32400, s1;
	s2 =	sor.u32 $0x800, s10;
	_ =	strace $0x80000047  }
0xb: {  	p0 =	seq.s32 s5, $0x0;
	s8 =	ssub.s32 $0x2, s5;
	s5 =	sadd.s32 $0x6400, s1  }
0xc: {  	s11 =	smul.u32 $0xA, s2;
	s14 =	sshrl.u32 s8, $0x1;
	s2 =	smov.u32 @p0 s10  }
0xd: {  	s4 =	smov.u32 @p0 s0;
	s5 =	smov.u32 @p0 s12;
	s0 =	simm.s32 $0x1BD00  }
.Ltmp0:
0xe: {  	s10 =	simm.s32 $0x0;
	s14 =	ssub.s32 s8, s14;
	(pc) =	sbr.rel .LBB2_1-.Ltmp0, $4  }
0xf: {  	s8 =	sadd.s32 $0xACE800, s1;
	s11 =	smov.u32 @p0 s6;
	s24 =	smax.u32 s14, $0x1  }
0x10: {  	s13 =	sadd.s32 s11, s1;
	[dreg:$0x4] =	wrdreg s24;
	s25 =	sadd.s32 s9, s11  }
0x11: {  	s6 =	sadd.s32 $0xCE800, s1;
	[dreg:$0x5] =	wrdreg s25;
	s26 =	sadd.s32 $0x5E400, s13  }
0x12: {  	s14 =	simm.s32 $0x50;
	s1 =	simm.s32 $0x2;
	[dreg:$0x6] =	wrdreg s26  }
.LBB2_28:
0x13: {  	s10 =	rddreg [dreg:$0x7]  }
0x14: {  	s9 =	rddreg [dreg:$0x4];
	s10 =	sadd.s32 $0x1, s10  }
0x15: {  	p0 =	sne.s32 s10, s9  }
.Ltmp1:
0x16: {  	_ = 	snop;
	(pc) =	sbr.rel @!p0 .LBB2_29-.Ltmp1, $1  }
0x17: {  	_ =	sdelay $0x3  }
.LBB2_1:
0x18: {  	[dreg:$0x7] =	wrdreg s10  }
0x19: {  	s9 =	rddreg [dreg:$0x5];
	s22 =	simm.s32 $0x9  }
0x1a: {  	[tilespmem:s3], [sflag:$0x9] =	stream.linear.gather [hbm4b:s9+s3], $0x2800, $0x38;
	[tilespmem:$0x1CC00] =	vst v63  }
0x1b: {  	_ =	swait.ge [sflag:s22], $0x2800  }
0x1c: {  	[sflag:s22] =	ssyncset.done $0x0  }
0x1d: {  	s11 =	simm.s32 $0x2800;
	s23 =	rddreg [dreg:$0x6];
	[sflag:s22] =	ssyncadd.s32 $0xFFFFD800  }
0x1e: {  	[tilespmem:s11], [sflag:$0x9] =	stream.linear.gather [hbm4b:s23+s3], $0x2800, $0x38;
	[tilespmem:$0x1CC00] =	vst v63  }
0x1f: {  	_ =	swait.ge [sflag:s22], $0x2800  }
0x20: {  	[sflag:s22] =	ssyncset.done $0x0  }
0x21: {  	s24 =	simm.s32 $0x5000;
	[sflag:s22] =	ssyncadd.s32 $0xFFFFD800  }
0x22: {  	[tilespmem:s24], [sflag:$0x1] =	stream.indirect.gather [hbm4b:s4+s14], $0x90, s3, s14, $0xb8;
	[tilespmem:$0x1CC00] =	vst v63  }
0x23: {  	s25 =	simm.s32 $0x10400  }
0x24: {  	[tilespmem:s25], [sflag:$0x1] =	stream.indirect.gather [hbm4b:s5+s14], $0x90, s11, s14, $0xb8;
	[tilespmem:$0x1CC00] =	vst v63  }
0x25: {  	s26 =	simm.s32 $0x7D00  }
0x26: {  	[tilespmem:s26], [sflag:$0x2] =	stream.indirect.gather [hbm4b:s4+s14], $0x90, s14, s14, $0xb8;
	[tilespmem:$0x1CC00] =	vst v63  }
0x27: {  	s10 =	simm.s32 $0x2850;
	s11 =	simm.s32 $0x13100  }
0x28: {  	[tilespmem:s11], [sflag:$0x2] =	stream.indirect.gather [hbm4b:s5+s14], $0x90, s10, s14, $0xb8;
	[tilespmem:$0x1CC00] =	vst v63  }
0x29: {  	s12 =	simm.s32 $0xA0;
	s13 =	simm.s32 $0xAA00  }
0x2a: {  	[tilespmem:s13], [sflag:$0x3] =	stream.indirect.gather [hbm4b:s4+s14], $0x90, s12, s14, $0xb8;
	[tilespmem:$0x1CC00] =	vst v63  }
0x2b: {  	s23 =	simm.s32 $0x15E00;
	s22 =	simm.s32 $0x28A0  }
0x2c: {  	[tilespmem:s23], [sflag:$0x3] =	stream.indirect.gather [hbm4b:s5+s14], $0x90, s22, s14, $0xb8;
	[tilespmem:$0x1CC00] =	vst v63  }
0x2d: {  	s24 =	simm.s32 $0xF0;
	s25 =	simm.s32 $0xD700  }
0x2e: {  	[tilespmem:s25], [sflag:$0x4] =	stream.indirect.gather [hbm4b:s4+s14], $0x90, s24, s14, $0xb8;
	[tilespmem:$0x1CC00] =	vst v63  }
0x2f: {  	s26 =	simm.s32 $0x28F0;
	s23 =	simm.s32 $0x0  }
0x30: {  	[tilespmem:s28], [sflag:$0x4] =	stream.indirect.gather [hbm4b:s5+s14], $0x90, s26, s14, $0xb8;
	[tilespmem:$0x1CC00] =	vst v63  }
.LBB2_2:
0x31: {  	_ =	swait.ge [sflag:s29], $0x2D00  }
0x32: {  	[sflag:s29] =	ssyncset.done $0x0  }
0x33: {  	[sflag:s29] =	ssyncadd.s32 $0xFFFFD300  }
0x34: {  	_ =	swait.ge [sflag:s29], $0x2D00  }
0x35: {  	[sflag:s29] =	ssyncset.done $0x0  }
0x36: {  	s13 =	simm.s32 $0x0;
	[sflag:s29] =	ssyncadd.s32 $0xFFFFD300  }
0x37: {  	v0 =	vld [tilespmem:s13+$0x5080]  }
0x38: {  	v1 =	vld [tilespmem:s13+$0x10480];
	_ =	sdelay $0x4  }
0x39: {  	v0 =	vadd.f32 v1, v0  }
0x3a: {  	s24 =	simm.s32 $0x1B840  }
0x3b: {  	[tilespmem:s24+$0xFFFFFFC0] =	vst v0  }
0x3c: {  	v0 =	vld [tilespmem:s13+$0x5110]  }
0x3d: {  	v58 =	vld [tilespmem:s13+$0x10510];
	_ =	sdelay $0x4  }
0x3e: {  	v0 =	vadd.f32 v58, v0;
	_ =	sdelay $0x1  }
0x3f: {  	[tilespmem:s24+$0xFFFFFFD0] =	vst v0  }
0x40: {  	v0 =	vld [tilespmem:s13+$0x51A0]  }
0x41: {  	v59 =	vld [tilespmem:s13+$0x105A0];
	_ =	sdelay $0x4  }
0x42: {  	v0 =	vadd.f32 v59, v0;
	_ =	sdelay $0x1  }
0x43: {  	[tilespmem:s24+$0xFFFFFFE0] =	vst v0  }
0x44: {  	v0 =	vld [tilespmem:s13+$0x5230]  }
0x45: {  	v60 =	vld [tilespmem:s13+$0x10630];
	_ =	sdelay $0x4  }
0x46: {  	v0 =	vadd.f32 v60, v0;
	_ =	sdelay $0x1  }
0x47: {  	[tilespmem:s24+$0xFFFFFFF0] =	vst v0  }
0x48: {  	v0 =	vld [tilespmem:s13+$0x52C0]  }
0x49: {  	v61 =	vld [tilespmem:s13+$0x106C0];
	_ =	sdelay $0x4  }
0x4a: {  	v0 =	vadd.f32 v61, v0;
	_ =	sdelay $0x1  }
0x4b: {  	[tilespmem:s24+$0x0] =	vst v0  }
0x4c: {  	v0 =	vld [tilespmem:s13+$0x5350]  }
0x4d: {  	v62 =	vld [tilespmem:s13+$0x10750];
	_ =	sdelay $0x4  }
0x4e: {  	v0 =	vadd.f32 v62, v0;
	_ =	sdelay $0x1  }
0x4f: {  	[tilespmem:s24+$0x10] =	vst v0  }
0x50: {  	v0 =	vld [tilespmem:s13+$0x53E0]  }
0x51: {  	v63 =	vld [tilespmem:s13+$0x107E0];
	_ =	sdelay $0x4  }
0x52: {  	v0 =	vadd.f32 v63, v0;
	_ =	sdelay $0x1  }
0x53: {  	s10 =	simm.s32 $0x1200;
	s9 =	simm.s32 $0x1B840;
	[tilespmem:s24+$0x20] =	vst v0  }
.LBB2_3:
0x54: {  	p0 =	sne.s32 s10, $0xA200  }
0x55: {  	v0 =	vld [tilespmem:s13+$0x5470];
	s24 =	sadd.s32 $0x80, s24;
	s11 =	smov.u32 s10;
	s10 =	sadd.s32 $0x1200, s10  }
0x56: {  	v1 =	vld [tilespmem:s13+$0x10870];
	_ =	sdelay $0x4  }
0x57: {  	v0 =	vadd.f32 v1, v0;
	_ =	sdelay $0x1  }
0x58: {  	s13 =	sshra.s32 s11, $0x2;
	[tilespmem:s9+$0x30] =	vst v0;
	s9 =	smov.u32 s24  }
0x59: {  	v0 =	vld [tilespmem:s13+$0x5080]  }
0x5a: {  	v1 =	vld [tilespmem:s13+$0x10480];
	_ =	sdelay $0x4  }
0x5b: {  	v0 =	vadd.f32 v1, v0;
	_ =	sdelay $0x1  }
0x5c: {  	[tilespmem:s24+$0xFFFFFFC0] =	vst v0  }
0x5d: {  	v0 =	vld [tilespmem:s13+$0x5110]  }
0x5e: {  	v1 =	vld [tilespmem:s13+$0x10510];
	_ =	sdelay $0x4  }
0x5f: {  	v0 =	vadd.f32 v1, v0;
	_ =	sdelay $0x1  }
0x60: {  	[tilespmem:s24+$0xFFFFFFD0] =	vst v0  }
0x61: {  	v0 =	vld [tilespmem:s13+$0x51A0]  }
0x62: {  	v1 =	vld [tilespmem:s13+$0x105A0];
	_ =	sdelay $0x4  }
0x63: {  	v0 =	vadd.f32 v1, v0;
	_ =	sdelay $0x1  }
0x64: {  	[tilespmem:s24+$0xFFFFFFE0] =	vst v0  }
0x65: {  	v0 =	vld [tilespmem:s13+$0x5230]  }
0x66: {  	v1 =	vld [tilespmem:s13+$0x10630];
	_ =	sdelay $0x4  }
0x67: {  	v0 =	vadd.f32 v1, v0;
	_ =	sdelay $0x1  }
0x68: {  	[tilespmem:s24+$0xFFFFFFF0] =	vst v0  }
0x69: {  	v0 =	vld [tilespmem:s13+$0x52C0]  }
0x6a: {  	v1 =	vld [tilespmem:s13+$0x106C0];
	_ =	sdelay $0x4  }
0x6b: {  	v0 =	vadd.f32 v1, v0;
	_ =	sdelay $0x1  }
0x6c: {  	[tilespmem:s24+$0x0] =	vst v0  }
0x6d: {  	v0 =	vld [tilespmem:s13+$0x5350]  }
0x6e: {  	v1 =	vld [tilespmem:s13+$0x10750];
	_ =	sdelay $0x4  }
0x6f: {  	v0 =	vadd.f32 v1, v0;
	_ =	sdelay $0x1  }
0x70: {  	[tilespmem:s24+$0x10] =	vst v0  }
0x71: {  	v0 =	vld [tilespmem:s13+$0x53E0]  }
0x72: {  	v1 =	vld [tilespmem:s13+$0x107E0];
	_ =	sdelay $0x2  }
.Ltmp2:
0x73: {  	(pc) =	sbr.rel @p0 .LBB2_3-.Ltmp2, $3  }
0x74: {  	_ = 	snop  }
0x75: {  	v0 =	vadd.f32 v1, v0;
	_ =	sdelay $0x1  }
0x76: {  	[tilespmem:s24+$0x20] =	vst v0  }
0x77: {  	v0 =	vld [tilespmem:s13+$0x5470]  }
0x78: {  	v1 =	vld [tilespmem:s13+$0x10870];
	_ =	sdelay $0x1  }
0x79: {  	s10 =	sshll.u32 s23, $0x2  }
0x7a: {  	s24 =	sor.u32 s2, s10  }
0x7b: {  	s10 =	smul.u32 $0x500, s24  }
0x7c: {  	v0 =	vadd.f32 v1, v0  }
0x7d: {  	s13 =	simm.s32 $0x5000;
	s11 =	sadd.s32 s6, s10  }
0x7e: {  	s12 =	simm.s32 $0x5090;
	s22 =	sadd.s32 $0x0, s11;
	[tilespmem:s9+$0x30] =	vst v0;
	s9 =	simm.s32 $0x10  }
.LBB2_5:
0x7f: {  	[hbm4b:s22+s3] =	stream.linear.scatter [tilespmem:s13], [sflag:$0x5], $0x80, $0x38;
	[tilespmem:$0x1CC00] =	vst v63  }
0x80: {  	s22 =	smov.u32 s9;
	s13 =	smov.u32 s12;
	p0 =	sne.s32 s9, $0x4F0  }
.Ltmp3:
0x81: {  	s9 =	sadd.s32 $0x10, s9;
	(pc) =	sbr.rel @p0 .LBB2_5-.Ltmp3, $2  }
0x82: {  	_ =	sdelay $0x2  }
0x83: {  	s12 =	sadd.s32 $0x90, s12;
	s22 =	sadd.s32 s22, s11  }
0x84: {  	[hbm4b:s22+s3] =	stream.linear.scatter [tilespmem:s13], [sflag:$0x5], $0x80, $0x38;
	[tilespmem:$0x1CC00] =	vst v63  }
0x85: {  	s9 =	sadd.s32 s7, s10;
	s10 =	simm.s32 $0x10400  }
0x86: {  	s11 =	simm.s32 $0x10;
	s12 =	simm.s32 $0x10490;
	s13 =	sadd.s32 $0x0, s9  }
.LBB2_7:
0x87: {  	[hbm4b:s13+s3] =	stream.linear.scatter [tilespmem:s10], [sflag:$0x5], $0x80, $0x38;
	[tilespmem:$0x1CC00] =	vst v63  }
0x88: {  	s13 =	smov.u32 s11;
	s10 =	smov.u32 s12;
	p0 =	sne.s32 s11, $0x4F0  }
.Ltmp4:
0x89: {  	s11 =	sadd.s32 $0x10, s11;
	(pc) =	sbr.rel @p0 .LBB2_7-.Ltmp4, $2  }
0x8a: {  	_ =	sdelay $0x2  }
0x8b: {  	s12 =	sadd.s32 $0x90, s12;
	s13 =	sadd.s32 s13, s9  }
0x8c: {  	s9 =	smul.u32 $0xA0, s24  }
0x8d: {  	[hbm4b:s13+s3] =	stream.linear.scatter [tilespmem:s10], [sflag:$0x5], $0x80, $0x38;
	[tilespmem:$0x1CC00] =	vst v63  }
0x8e: {  	s9 =	sadd.s32 s8, s9  }
0x8f: {  	[hbm4b:s9+s3] =	stream.linear.scatter [tilespmem:s30], [sflag:$0x5], $0x500, $0x38;
	[tilespmem:$0x1CC00] =	vst v63  }
0x90: {  	_ =	swait.ge [sflag:s31], $0x2800  }
0x91: {  	[sflag:s31] =	ssyncset.done $0x0  }
0x92: {  	[sflag:s31] =	ssyncadd.s32 $0xFFFFD800  }
0x93: {  	_ =	swait.ge [sflag:s31], $0x2800  }
0x94: {  	[sflag:s31] =	ssyncset.done $0x0  }
0x95: {  	p0 =	seq.s32 s23, $0x1F;
	[sflag:s31] =	ssyncadd.s32 $0xFFFFD800  }
0x96: {  	s26 =	smul.u32 @!p0 $0x140, s23;
	_ =	swait.ge [sflag:s31], $0x500  }
0x97: {  	s10 =	simm.s32 @!p0 $0x50;
	[sflag:s31] =	ssyncset.done $0x0  }
0x98: {  	s11 =	simm.s32 @!p0 $0x5000;
	s9 =	sadd.s32 @!p0 $0x140, s26;
	[sflag:s31] =	ssyncadd.s32 $0xFFFFFB00  }
0x99: {  	[tilespmem:s11], [sflag:$0x1] =	stream.indirect.gather @!p0 [hbm4b:s4+s10], $0x90, s9, s10, $0xb8;
	[tilespmem:$0x1CC00] =	vst v63  }
0x9a: {  	s9 =	sadd.s32 @!p0 $0x2940, s26;
	s11 =	simm.s32 @!p0 $0x10400  }
0x9b: {  	[tilespmem:s11], [sflag:$0x1] =	stream.indirect.gather @!p0 [hbm4b:s5+s10], $0x90, s9, s10, $0xb8;
	[tilespmem:$0x1CC00] =	vst v63  }
0x9c: {  	_ =	swait.ge [sflag:s1], $0x2D00  }
0x9d: {  	[sflag:s1] =	ssyncset.done $0x0  }
0x9e: {  	[sflag:s1] =	ssyncadd.s32 $0xFFFFD300  }
0x9f: {  	_ =	swait.ge [sflag:s1], $0x2D00  }
0xa0: {  	[sflag:s1] =	ssyncset.done $0x0  }
0xa1: {  	s9 =	simm.s32 $0x0;
	[sflag:s1] =	ssyncadd.s32 $0xFFFFD300  }
0xa2: {  	v0 =	vld [tilespmem:s9+$0x7D80]  }
0xa3: {  	v1 =	vld [tilespmem:s9+$0x13180];
	_ =	sdelay $0x4  }
0xa4: {  	v0 =	vadd.f32 v1, v0  }
0xa5: {  	s13 =	simm.s32 $0x1BD70  }
0xa6: {  	[tilespmem:s13+$0xFFFFFF90] =	vst v0  }
0xa7: {  	v0 =	vld [tilespmem:s9+$0x7E10]  }
0xa8: {  	v58 =	vld [tilespmem:s9+$0x13210];
	_ =	sdelay $0x4  }
0xa9: {  	v0 =	vadd.f32 v58, v0;
	_ =	sdelay $0x1  }
0xaa: {  	[tilespmem:s13+$0xFFFFFFA0] =	vst v0  }
0xab: {  	v0 =	vld [tilespmem:s9+$0x7EA0]  }
0xac: {  	v59 =	vld [tilespmem:s9+$0x132A0];
	_ =	sdelay $0x4  }
0xad: {  	v0 =	vadd.f32 v59, v0;
	_ =	sdelay $0x1  }
0xae: {  	[tilespmem:s13+$0xFFFFFFB0] =	vst v0  }
0xaf: {  	v0 =	vld [tilespmem:s9+$0x7F30]  }
0xb0: {  	v60 =	vld [tilespmem:s9+$0x13330];
	_ =	sdelay $0x4  }
0xb1: {  	v0 =	vadd.f32 v60, v0;
	_ =	sdelay $0x1  }
0xb2: {  	[tilespmem:s13+$0xFFFFFFC0] =	vst v0  }
0xb3: {  	v0 =	vld [tilespmem:s9+$0x7FC0]  }
0xb4: {  	v61 =	vld [tilespmem:s9+$0x133C0];
	_ =	sdelay $0x4  }
0xb5: {  	v0 =	vadd.f32 v61, v0;
	_ =	sdelay $0x1  }
0xb6: {  	[tilespmem:s13+$0xFFFFFFD0] =	vst v0  }
0xb7: {  	v0 =	vld [tilespmem:s9+$0x8050]  }
0xb8: {  	v62 =	vld [tilespmem:s9+$0x13450];
	_ =	sdelay $0x4  }
0xb9: {  	v0 =	vadd.f32 v62, v0;
	_ =	sdelay $0x1  }
0xba: {  	[tilespmem:s13+$0xFFFFFFE0] =	vst v0  }
0xbb: {  	v0 =	vld [tilespmem:s9+$0x80E0]  }
0xbc: {  	v63 =	vld [tilespmem:s9+$0x134E0];
	_ =	sdelay $0x4  }
0xbd: {  	v0 =	vadd.f32 v63, v0;
	_ =	sdelay $0x1  }
0xbe: {  	s11 =	simm.s32 $0x1200;
	s10 =	simm.s32 $0x1BD70;
	[tilespmem:s13+$0xFFFFFFF0] =	vst v0  }
.LBB2_9:
0xbf: {  	p1 =	sne.s32 s11, $0xA200  }
0xc0: {  	v0 =	vld [tilespmem:s9+$0x8170];
	s13 =	sadd.s32 $0x80, s13;
	s12 =	smov.u32 s11;
	s11 =	sadd.s32 $0x1200, s11  }
0xc1: {  	v1 =	vld [tilespmem:s9+$0x13570];
	_ =	sdelay $0x4  }
0xc2: {  	v0 =	vadd.f32 v1, v0;
	_ =	sdelay $0x1  }
0xc3: {  	s9 =	sshra.s32 s12, $0x2;
	[tilespmem:s10+$0x0] =	vst v0;
	s10 =	smov.u32 s13  }
0xc4: {  	v0 =	vld [tilespmem:s9+$0x7D80]  }
0xc5: {  	v1 =	vld [tilespmem:s9+$0x13180];
	_ =	sdelay $0x4  }
0xc6: {  	v0 =	vadd.f32 v1, v0;
	_ =	sdelay $0x1  }
0xc7: {  	[tilespmem:s13+$0xFFFFFF90] =	vst v0  }
0xc8: {  	v0 =	vld [tilespmem:s9+$0x7E10]  }
0xc9: {  	v1 =	vld [tilespmem:s9+$0x13210];
	_ =	sdelay $0x4  }
0xca: {  	v0 =	vadd.f32 v1, v0;
	_ =	sdelay $0x1  }
0xcb: {  	[tilespmem:s13+$0xFFFFFFA0] =	vst v0  }
0xcc: {  	v0 =	vld [tilespmem:s9+$0x7EA0]  }
0xcd: {  	v1 =	vld [tilespmem:s9+$0x132A0];
	_ =	sdelay $0x4  }
0xce: {  	v0 =	vadd.f32 v1, v0;
	_ =	sdelay $0x1  }
0xcf: {  	[tilespmem:s13+$0xFFFFFFB0] =	vst v0  }
0xd0: {  	v0 =	vld [tilespmem:s9+$0x7F30]  }
0xd1: {  	v1 =	vld [tilespmem:s9+$0x13330];
	_ =	sdelay $0x4  }
0xd2: {  	v0 =	vadd.f32 v1, v0;
	_ =	sdelay $0x1  }
0xd3: {  	[tilespmem:s13+$0xFFFFFFC0] =	vst v0  }
0xd4: {  	v0 =	vld [tilespmem:s9+$0x7FC0]  }
0xd5: {  	v1 =	vld [tilespmem:s9+$0x133C0];
	_ =	sdelay $0x4  }
0xd6: {  	v0 =	vadd.f32 v1, v0;
	_ =	sdelay $0x1  }
0xd7: {  	[tilespmem:s13+$0xFFFFFFD0] =	vst v0  }
0xd8: {  	v0 =	vld [tilespmem:s9+$0x8050]  }
0xd9: {  	v1 =	vld [tilespmem:s9+$0x13450];
	_ =	sdelay $0x4  }
0xda: {  	v0 =	vadd.f32 v1, v0;
	_ =	sdelay $0x1  }
0xdb: {  	[tilespmem:s13+$0xFFFFFFE0] =	vst v0  }
0xdc: {  	v0 =	vld [tilespmem:s9+$0x80E0]  }
0xdd: {  	v1 =	vld [tilespmem:s9+$0x134E0];
	_ =	sdelay $0x2  }
.Ltmp5:
0xde: {  	(pc) =	sbr.rel @p1 .LBB2_9-.Ltmp5, $3  }
0xdf: {  	_ = 	snop  }
0xe0: {  	v0 =	vadd.f32 v1, v0;
	_ =	sdelay $0x1  }
0xe1: {  	[tilespmem:s13+$0xFFFFFFF0] =	vst v0  }
0xe2: {  	v0 =	vld [tilespmem:s9+$0x8170]  }
0xe3: {  	v1 =	vld [tilespmem:s9+$0x13570];
	_ =	sdelay $0x2  }
0xe4: {  	s9 =	sor.u32 $0x1, s24  }
0xe5: {  	s11 =	smul.u32 $0x500, s9  }
0xe6: {  	v0 =	vadd.f32 v1, v0  }
0xe7: {  	s12 =	simm.s32 $0x7D00;
	s13 =	sadd.s32 s6, s11  }
0xe8: {  	s22 =	simm.s32 $0x7D90;
	s25 =	sadd.s32 $0x0, s13;
	[tilespmem:s10+$0x0] =	vst v0;
	s10 =	simm.s32 $0x10  }
.LBB2_11:
0xe9: {  	[hbm4b:s25+s3] =	stream.linear.scatter [tilespmem:s12], [sflag:$0x6], $0x80, $0x38;
	[tilespmem:$0x1CC00] =	vst v63  }
0xea: {  	s25 =	smov.u32 s10;
	s12 =	smov.u32 s22;
	p1 =	sne.s32 s10, $0x4F0  }
.Ltmp6:
0xeb: {  	s10 =	sadd.s32 $0x10, s10;
	(pc) =	sbr.rel @p1 .LBB2_11-.Ltmp6, $2  }
0xec: {  	_ =	sdelay $0x2  }
0xed: {  	s22 =	sadd.s32 $0x90, s22;
	s25 =	sadd.s32 s25, s13  }
0xee: {  	[hbm4b:s25+s3] =	stream.linear.scatter [tilespmem:s12], [sflag:$0x6], $0x80, $0x38;
	[tilespmem:$0x1CC00] =	vst v63  }
0xef: {  	s10 =	sadd.s32 s7, s11;
	s11 =	simm.s32 $0x13100  }
0xf0: {  	s12 =	simm.s32 $0x10;
	s13 =	simm.s32 $0x13190;
	s22 =	sadd.s32 $0x0, s10  }
.LBB2_13:
0xf1: {  	[hbm4b:s22+s3] =	stream.linear.scatter [tilespmem:s11], [sflag:$0x6], $0x80, $0x38;
	[tilespmem:$0x1CC00] =	vst v63  }
0xf2: {  	s22 =	smov.u32 s12;
	s11 =	smov.u32 s13;
	p1 =	sne.s32 s12, $0x4F0  }
.Ltmp7:
0xf3: {  	s12 =	sadd.s32 $0x10, s12;
	(pc) =	sbr.rel @p1 .LBB2_13-.Ltmp7, $2  }
0xf4: {  	_ =	sdelay $0x2  }
0xf5: {  	s13 =	sadd.s32 $0x90, s13;
	s22 =	sadd.s32 s22, s10  }
0xf6: {  	s9 =	smul.u32 $0xA0, s9  }
0xf7: {  	[hbm4b:s22+s3] =	stream.linear.scatter [tilespmem:s11], [sflag:$0x6], $0x80, $0x38;
	[tilespmem:$0x1CC00] =	vst v63  }
0xf8: {  	s9 =	sadd.s32 s8, s9  }
0xf9: {  	[hbm4b:s9+s3] =	stream.linear.scatter [tilespmem:s0], [sflag:$0x6], $0x500, $0x38;
	[tilespmem:$0x1CC00] =	vst v63  }
0xfa: {  	_ =	swait.ge [sflag:s15], $0x2800  }
0xfb: {  	[sflag:s15] =	ssyncset.done $0x0  }
0xfc: {  	[sflag:s15] =	ssyncadd.s32 $0xFFFFD800  }
0xfd: {  	_ =	swait.ge [sflag:s15], $0x2800  }
0xfe: {  	[sflag:s15] =	ssyncset.done $0x0  }
0xff: {  	[sflag:s15] =	ssyncadd.s32 $0xFFFFD800  }
0x100: {  	_ =	swait.ge [sflag:s15], $0x500  }
0x101: {  	s10 =	simm.s32 @!p0 $0x50;
	[sflag:s15] =	ssyncset.done $0x0  }
0x102: {  	s11 =	simm.s32 @!p0 $0x7D00;
	s9 =	sadd.s32 @!p0 $0x190, s26;
	[sflag:s15] =	ssyncadd.s32 $0xFFFFFB00  }
0x103: {  	[tilespmem:s11], [sflag:$0x2] =	stream.indirect.gather @!p0 [hbm4b:s4+s10], $0x90, s9, s10, $0xb8;
	[tilespmem:$0x1CC00] =	vst v63  }
0x104: {  	s9 =	sadd.s32 @!p0 $0x2990, s26;
	s11 =	simm.s32 @!p0 $0x13100  }
0x105: {  	[tilespmem:s11], [sflag:$0x2] =	stream.indirect.gather @!p0 [hbm4b:s5+s10], $0x90, s9, s10, $0xb8;
	[tilespmem:$0x1CC00] =	vst v63  }
0x106: {  	_ =	swait.ge [sflag:s16], $0x2D00  }
0x107: {  	[sflag:s16] =	ssyncset.done $0x0  }
0x108: {  	[sflag:s16] =	ssyncadd.s32 $0xFFFFD300  }
0x109: {  	_ =	swait.ge [sflag:s16], $0x2D00  }
0x10a: {  	[sflag:s16] =	ssyncset.done $0x0  }
0x10b: {  	s9 =	simm.s32 $0x0;
	[sflag:s16] =	ssyncadd.s32 $0xFFFFD300  }
0x10c: {  	v0 =	vld [tilespmem:s9+$0xAA80]  }
0x10d: {  	v1 =	vld [tilespmem:s9+$0x15E80];
	_ =	sdelay $0x4  }
0x10e: {  	v0 =	vadd.f32 v1, v0  }
0x10f: {  	s13 =	simm.s32 $0x1C270  }
0x110: {  	[tilespmem:s13+$0xFFFFFF90] =	vst v0  }
0x111: {  	v0 =	vld [tilespmem:s9+$0xAB10]  }
0x112: {  	v58 =	vld [tilespmem:s9+$0x15F10];
	_ =	sdelay $0x4  }
0x113: {  	v0 =	vadd.f32 v58, v0;
	_ =	sdelay $0x1  }
0x114: {  	[tilespmem:s13+$0xFFFFFFA0] =	vst v0  }
0x115: {  	v0 =	vld [tilespmem:s9+$0xABA0]  }
0x116: {  	v59 =	vld [tilespmem:s9+$0x15FA0];
	_ =	sdelay $0x4  }
0x117: {  	v0 =	vadd.f32 v59, v0;
	_ =	sdelay $0x1  }
0x118: {  	[tilespmem:s13+$0xFFFFFFB0] =	vst v0  }
0x119: {  	v0 =	vld [tilespmem:s9+$0xAC30]  }
0x11a: {  	v60 =	vld [tilespmem:s9+$0x16030];
	_ =	sdelay $0x4  }
0x11b: {  	v0 =	vadd.f32 v60, v0;
	_ =	sdelay $0x1  }
0x11c: {  	[tilespmem:s13+$0xFFFFFFC0] =	vst v0  }
0x11d: {  	v0 =	vld [tilespmem:s9+$0xACC0]  }
0x11e: {  	v61 =	vld [tilespmem:s9+$0x160C0];
	_ =	sdelay $0x4  }
0x11f: {  	v0 =	vadd.f32 v61, v0;
	_ =	sdelay $0x1  }
0x120: {  	[tilespmem:s13+$0xFFFFFFD0] =	vst v0  }
0x121: {  	v0 =	vld [tilespmem:s9+$0xAD50]  }
0x122: {  	v62 =	vld [tilespmem:s9+$0x16150];
	_ =	sdelay $0x4  }
0x123: {  	v0 =	vadd.f32 v62, v0;
	_ =	sdelay $0x1  }
0x124: {  	[tilespmem:s13+$0xFFFFFFE0] =	vst v0  }
0x125: {  	v0 =	vld [tilespmem:s9+$0xADE0]  }
0x126: {  	v63 =	vld [tilespmem:s9+$0x161E0];
	_ =	sdelay $0x4  }
0x127: {  	v0 =	vadd.f32 v63, v0;
	_ =	sdelay $0x1  }
0x128: {  	s11 =	simm.s32 $0x1200;
	s10 =	simm.s32 $0x1C270;
	[tilespmem:s13+$0xFFFFFFF0] =	vst v0  }
.LBB2_15:
0x129: {  	p1 =	sne.s32 s11, $0xA200  }
0x12a: {  	v0 =	vld [tilespmem:s9+$0xAE70];
	s13 =	sadd.s32 $0x80, s13;
	s12 =	smov.u32 s11;
	s11 =	sadd.s32 $0x1200, s11  }
0x12b: {  	v1 =	vld [tilespmem:s9+$0x16270];
	_ =	sdelay $0x4  }
0x12c: {  	v0 =	vadd.f32 v1, v0;
	_ =	sdelay $0x1  }
0x12d: {  	s9 =	sshra.s32 s12, $0x2;
	[tilespmem:s10+$0x0] =	vst v0;
	s10 =	smov.u32 s13  }
0x12e: {  	v0 =	vld [tilespmem:s9+$0xAA80]  }
0x12f: {  	v1 =	vld [tilespmem:s9+$0x15E80];
	_ =	sdelay $0x4  }
0x130: {  	v0 =	vadd.f32 v1, v0;
	_ =	sdelay $0x1  }
0x131: {  	[tilespmem:s13+$0xFFFFFF90] =	vst v0  }
0x132: {  	v0 =	vld [tilespmem:s9+$0xAB10]  }
0x133: {  	v1 =	vld [tilespmem:s9+$0x15F10];
	_ =	sdelay $0x4  }
0x134: {  	v0 =	vadd.f32 v1, v0;
	_ =	sdelay $0x1  }
0x135: {  	[tilespmem:s13+$0xFFFFFFA0] =	vst v0  }
0x136: {  	v0 =	vld [tilespmem:s9+$0xABA0]  }
0x137: {  	v1 =	vld [tilespmem:s9+$0x15FA0];
	_ =	sdelay $0x4  }
0x138: {  	v0 =	vadd.f32 v1, v0;
	_ =	sdelay $0x1  }
0x139: {  	[tilespmem:s13+$0xFFFFFFB0] =	vst v0  }
0x13a: {  	v0 =	vld [tilespmem:s9+$0xAC30]  }
0x13b: {  	v1 =	vld [tilespmem:s9+$0x16030];
	_ =	sdelay $0x4  }
0x13c: {  	v0 =	vadd.f32 v1, v0;
	_ =	sdelay $0x1  }
0x13d: {  	[tilespmem:s13+$0xFFFFFFC0] =	vst v0  }
0x13e: {  	v0 =	vld [tilespmem:s9+$0xACC0]  }
0x13f: {  	v1 =	vld [tilespmem:s9+$0x160C0];
	_ =	sdelay $0x4  }
0x140: {  	v0 =	vadd.f32 v1, v0;
	_ =	sdelay $0x1  }
0x141: {  	[tilespmem:s13+$0xFFFFFFD0] =	vst v0  }
0x142: {  	v0 =	vld [tilespmem:s9+$0xAD50]  }
0x143: {  	v1 =	vld [tilespmem:s9+$0x16150];
	_ =	sdelay $0x4  }
0x144: {  	v0 =	vadd.f32 v1, v0;
	_ =	sdelay $0x1  }
0x145: {  	[tilespmem:s13+$0xFFFFFFE0] =	vst v0  }
0x146: {  	v0 =	vld [tilespmem:s9+$0xADE0]  }
0x147: {  	v1 =	vld [tilespmem:s9+$0x161E0];
	_ =	sdelay $0x2  }
.Ltmp8:
0x148: {  	(pc) =	sbr.rel @p1 .LBB2_15-.Ltmp8, $3  }
0x149: {  	_ = 	snop  }
0x14a: {  	v0 =	vadd.f32 v1, v0;
	_ =	sdelay $0x1  }
0x14b: {  	[tilespmem:s13+$0xFFFFFFF0] =	vst v0  }
0x14c: {  	v0 =	vld [tilespmem:s9+$0xAE70]  }
0x14d: {  	v1 =	vld [tilespmem:s9+$0x16270];
	_ =	sdelay $0x2  }
0x14e: {  	s9 =	sor.u32 $0x2, s24  }
0x14f: {  	s11 =	smul.u32 $0x500, s9  }
0x150: {  	v0 =	vadd.f32 v1, v0  }
0x151: {  	s12 =	simm.s32 $0xAA00;
	s13 =	sadd.s32 s6, s11  }
0x152: {  	s22 =	simm.s32 $0xAA90;
	s25 =	sadd.s32 $0x0, s13;
	[tilespmem:s10+$0x0] =	vst v0;
	s10 =	simm.s32 $0x10  }
.LBB2_17:
0x153: {  	[hbm4b:s25+s3] =	stream.linear.scatter [tilespmem:s12], [sflag:$0x7], $0x80, $0x38;
	[tilespmem:$0x1CC00] =	vst v63  }
0x154: {  	s25 =	smov.u32 s10;
	s12 =	smov.u32 s22;
	p1 =	sne.s32 s10, $0x4F0  }
.Ltmp9:
0x155: {  	s10 =	sadd.s32 $0x10, s10;
	(pc) =	sbr.rel @p1 .LBB2_17-.Ltmp9, $2  }
0x156: {  	_ =	sdelay $0x2  }
0x157: {  	s22 =	sadd.s32 $0x90, s22;
	s25 =	sadd.s32 s25, s13  }
0x158: {  	[hbm4b:s25+s3] =	stream.linear.scatter [tilespmem:s12], [sflag:$0x7], $0x80, $0x38;
	[tilespmem:$0x1CC00] =	vst v63  }
0x159: {  	s10 =	sadd.s32 s7, s11;
	s11 =	simm.s32 $0x15E00  }
0x15a: {  	s12 =	simm.s32 $0x10;
	s13 =	simm.s32 $0x15E90;
	s22 =	sadd.s32 $0x0, s10  }
.LBB2_19:
0x15b: {  	[hbm4b:s22+s3] =	stream.linear.scatter [tilespmem:s11], [sflag:$0x7], $0x80, $0x38;
	[tilespmem:$0x1CC00] =	vst v63  }
0x15c: {  	s22 =	smov.u32 s12;
	s11 =	smov.u32 s13;
	p1 =	sne.s32 s12, $0x4F0  }
.Ltmp10:
0x15d: {  	s12 =	sadd.s32 $0x10, s12;
	(pc) =	sbr.rel @p1 .LBB2_19-.Ltmp10, $2  }
0x15e: {  	_ =	sdelay $0x2  }
0x15f: {  	s13 =	sadd.s32 $0x90, s13;
	s22 =	sadd.s32 s22, s10  }
0x160: {  	s9 =	smul.u32 $0xA0, s9  }
0x161: {  	[hbm4b:s22+s3] =	stream.linear.scatter [tilespmem:s11], [sflag:$0x7], $0x80, $0x38;
	[tilespmem:$0x1CC00] =	vst v63  }
0x162: {  	s9 =	sadd.s32 s8, s9  }
0x163: {  	[hbm4b:s9+s3] =	stream.linear.scatter [tilespmem:s17], [sflag:$0x7], $0x500, $0x38;
	[tilespmem:$0x1CC00] =	vst v63  }
0x164: {  	_ =	swait.ge [sflag:s18], $0x2800  }
0x165: {  	[sflag:s18] =	ssyncset.done $0x0  }
0x166: {  	[sflag:s18] =	ssyncadd.s32 $0xFFFFD800  }
0x167: {  	_ =	swait.ge [sflag:s18], $0x2800  }
0x168: {  	[sflag:s18] =	ssyncset.done $0x0  }
0x169: {  	[sflag:s18] =	ssyncadd.s32 $0xFFFFD800  }
0x16a: {  	_ =	swait.ge [sflag:s18], $0x500  }
0x16b: {  	s10 =	simm.s32 @!p0 $0x50;
	[sflag:s18] =	ssyncset.done $0x0  }
0x16c: {  	s11 =	simm.s32 @!p0 $0xAA00;
	s9 =	sadd.s32 @!p0 $0x1E0, s26;
	[sflag:s18] =	ssyncadd.s32 $0xFFFFFB00  }
0x16d: {  	[tilespmem:s11], [sflag:$0x3] =	stream.indirect.gather @!p0 [hbm4b:s4+s10], $0x90, s9, s10, $0xb8;
	[tilespmem:$0x1CC00] =	vst v63  }
0x16e: {  	s9 =	sadd.s32 @!p0 $0x29E0, s26;
	s11 =	simm.s32 @!p0 $0x15E00  }
0x16f: {  	[tilespmem:s11], [sflag:$0x3] =	stream.indirect.gather @!p0 [hbm4b:s5+s10], $0x90, s9, s10, $0xb8;
	[tilespmem:$0x1CC00] =	vst v63  }
0x170: {  	_ =	swait.ge [sflag:s19], $0x2D00  }
0x171: {  	[sflag:s19] =	ssyncset.done $0x0  }
0x172: {  	[sflag:s19] =	ssyncadd.s32 $0xFFFFD300  }
0x173: {  	_ =	swait.ge [sflag:s19], $0x2D00  }
0x174: {  	[sflag:s19] =	ssyncset.done $0x0  }
0x175: {  	s9 =	simm.s32 $0x0;
	[sflag:s19] =	ssyncadd.s32 $0xFFFFD300  }
0x176: {  	v0 =	vld [tilespmem:s9+$0xD780]  }
0x177: {  	v1 =	vld [tilespmem:s9+$0x18B80];
	_ =	sdelay $0x4  }
0x178: {  	v0 =	vadd.f32 v1, v0  }
0x179: {  	s13 =	simm.s32 $0x1C770  }
0x17a: {  	[tilespmem:s13+$0xFFFFFF90] =	vst v0  }
0x17b: {  	v0 =	vld [tilespmem:s9+$0xD810]  }
0x17c: {  	v58 =	vld [tilespmem:s9+$0x18C10];
	_ =	sdelay $0x4  }
0x17d: {  	v0 =	vadd.f32 v58, v0;
	_ =	sdelay $0x1  }
0x17e: {  	[tilespmem:s13+$0xFFFFFFA0] =	vst v0  }
0x17f: {  	v0 =	vld [tilespmem:s9+$0xD8A0]  }
0x180: {  	v59 =	vld [tilespmem:s9+$0x18CA0];
	_ =	sdelay $0x4  }
0x181: {  	v0 =	vadd.f32 v59, v0;
	_ =	sdelay $0x1  }
0x182: {  	[tilespmem:s13+$0xFFFFFFB0] =	vst v0  }
0x183: {  	v0 =	vld [tilespmem:s9+$0xD930]  }
0x184: {  	v60 =	vld [tilespmem:s9+$0x18D30];
	_ =	sdelay $0x4  }
0x185: {  	v0 =	vadd.f32 v60, v0;
	_ =	sdelay $0x1  }
0x186: {  	[tilespmem:s13+$0xFFFFFFC0] =	vst v0  }
0x187: {  	v0 =	vld [tilespmem:s9+$0xD9C0]  }
0x188: {  	v61 =	vld [tilespmem:s9+$0x18DC0];
	_ =	sdelay $0x4  }
0x189: {  	v0 =	vadd.f32 v61, v0;
	_ =	sdelay $0x1  }
0x18a: {  	[tilespmem:s13+$0xFFFFFFD0] =	vst v0  }
0x18b: {  	v0 =	vld [tilespmem:s9+$0xDA50]  }
0x18c: {  	v62 =	vld [tilespmem:s9+$0x18E50];
	_ =	sdelay $0x4  }
0x18d: {  	v0 =	vadd.f32 v62, v0;
	_ =	sdelay $0x1  }
0x18e: {  	[tilespmem:s13+$0xFFFFFFE0] =	vst v0  }
0x18f: {  	v0 =	vld [tilespmem:s9+$0xDAE0]  }
0x190: {  	v63 =	vld [tilespmem:s9+$0x18EE0];
	_ =	sdelay $0x4  }
0x191: {  	v0 =	vadd.f32 v63, v0;
	_ =	sdelay $0x1  }
0x192: {  	s11 =	simm.s32 $0x1200;
	s10 =	simm.s32 $0x1C770;
	[tilespmem:s13+$0xFFFFFFF0] =	vst v0  }
.LBB2_21:
0x193: {  	p1 =	sne.s32 s11, $0xA200  }
0x194: {  	v0 =	vld [tilespmem:s9+$0xDB70];
	s13 =	sadd.s32 $0x80, s13;
	s12 =	smov.u32 s11;
	s11 =	sadd.s32 $0x1200, s11  }
0x195: {  	v1 =	vld [tilespmem:s9+$0x18F70];
	_ =	sdelay $0x4  }
0x196: {  	v0 =	vadd.f32 v1, v0;
	_ =	sdelay $0x1  }
0x197: {  	s9 =	sshra.s32 s12, $0x2;
	[tilespmem:s10+$0x0] =	vst v0;
	s10 =	smov.u32 s13  }
0x198: {  	v0 =	vld [tilespmem:s9+$0xD780]  }
0x199: {  	v1 =	vld [tilespmem:s9+$0x18B80];
	_ =	sdelay $0x4  }
0x19a: {  	v0 =	vadd.f32 v1, v0;
	_ =	sdelay $0x1  }
0x19b: {  	[tilespmem:s13+$0xFFFFFF90] =	vst v0  }
0x19c: {  	v0 =	vld [tilespmem:s9+$0xD810]  }
0x19d: {  	v1 =	vld [tilespmem:s9+$0x18C10];
	_ =	sdelay $0x4  }
0x19e: {  	v0 =	vadd.f32 v1, v0;
	_ =	sdelay $0x1  }
0x19f: {  	[tilespmem:s13+$0xFFFFFFA0] =	vst v0  }
0x1a0: {  	v0 =	vld [tilespmem:s9+$0xD8A0]  }
0x1a1: {  	v1 =	vld [tilespmem:s9+$0x18CA0];
	_ =	sdelay $0x4  }
0x1a2: {  	v0 =	vadd.f32 v1, v0;
	_ =	sdelay $0x1  }
0x1a3: {  	[tilespmem:s13+$0xFFFFFFB0] =	vst v0  }
0x1a4: {  	v0 =	vld [tilespmem:s9+$0xD930]  }
0x1a5: {  	v1 =	vld [tilespmem:s9+$0x18D30];
	_ =	sdelay $0x4  }
0x1a6: {  	v0 =	vadd.f32 v1, v0;
	_ =	sdelay $0x1  }
0x1a7: {  	[tilespmem:s13+$0xFFFFFFC0] =	vst v0  }
0x1a8: {  	v0 =	vld [tilespmem:s9+$0xD9C0]  }
0x1a9: {  	v1 =	vld [tilespmem:s9+$0x18DC0];
	_ =	sdelay $0x4  }
0x1aa: {  	v0 =	vadd.f32 v1, v0;
	_ =	sdelay $0x1  }
0x1ab: {  	[tilespmem:s13+$0xFFFFFFD0] =	vst v0  }
0x1ac: {  	v0 =	vld [tilespmem:s9+$0xDA50]  }
0x1ad: {  	v1 =	vld [tilespmem:s9+$0x18E50];
	_ =	sdelay $0x4  }
0x1ae: {  	v0 =	vadd.f32 v1, v0;
	_ =	sdelay $0x1  }
0x1af: {  	[tilespmem:s13+$0xFFFFFFE0] =	vst v0  }
0x1b0: {  	v0 =	vld [tilespmem:s9+$0xDAE0]  }
0x1b1: {  	v1 =	vld [tilespmem:s9+$0x18EE0];
	_ =	sdelay $0x2  }
.Ltmp11:
0x1b2: {  	(pc) =	sbr.rel @p1 .LBB2_21-.Ltmp11, $3  }
0x1b3: {  	_ = 	snop  }
0x1b4: {  	v0 =	vadd.f32 v1, v0;
	_ =	sdelay $0x1  }
0x1b5: {  	[tilespmem:s13+$0xFFFFFFF0] =	vst v0  }
0x1b6: {  	v0 =	vld [tilespmem:s9+$0xDB70]  }
0x1b7: {  	v1 =	vld [tilespmem:s9+$0x18F70];
	_ =	sdelay $0x2  }
0x1b8: {  	s9 =	sor.u32 $0x3, s24  }
0x1b9: {  	s11 =	smul.u32 $0x500, s9  }
0x1ba: {  	v0 =	vadd.f32 v1, v0  }
0x1bb: {  	s12 =	simm.s32 $0xD700;
	s13 =	sadd.s32 s6, s11  }
0x1bc: {  	s22 =	simm.s32 $0xD790;
	s24 =	sadd.s32 $0x0, s13;
	[tilespmem:s10+$0x0] =	vst v0;
	s10 =	simm.s32 $0x10  }
.LBB2_23:
0x1bd: {  	[hbm4b:s24+s3] =	stream.linear.scatter [tilespmem:s12], [sflag:$0x8], $0x80, $0x38;
	[tilespmem:$0x1CC00] =	vst v63  }
0x1be: {  	s24 =	smov.u32 s10;
	s12 =	smov.u32 s22;
	p1 =	sne.s32 s10, $0x4F0  }
.Ltmp12:
0x1bf: {  	s10 =	sadd.s32 $0x10, s10;
	(pc) =	sbr.rel @p1 .LBB2_23-.Ltmp12, $2  }
0x1c0: {  	_ =	sdelay $0x2  }
0x1c1: {  	s22 =	sadd.s32 $0x90, s22;
	s24 =	sadd.s32 s24, s13  }
0x1c2: {  	[hbm4b:s24+s3] =	stream.linear.scatter [tilespmem:s12], [sflag:$0x8], $0x80, $0x38;
	[tilespmem:$0x1CC00] =	vst v63  }
0x1c3: {  	s10 =	sadd.s32 s7, s11;
	s11 =	simm.s32 $0x18B00  }
0x1c4: {  	s12 =	simm.s32 $0x10;
	s13 =	simm.s32 $0x18B90;
	s22 =	sadd.s32 $0x0, s10  }
.LBB2_25:
0x1c5: {  	[hbm4b:s22+s3] =	stream.linear.scatter [tilespmem:s11], [sflag:$0x8], $0x80, $0x38;
	[tilespmem:$0x1CC00] =	vst v63  }
0x1c6: {  	s22 =	smov.u32 s12;
	s11 =	smov.u32 s13;
	p1 =	sne.s32 s12, $0x4F0  }
.Ltmp13:
0x1c7: {  	s12 =	sadd.s32 $0x10, s12;
	(pc) =	sbr.rel @p1 .LBB2_25-.Ltmp13, $2  }
0x1c8: {  	_ =	sdelay $0x2  }
0x1c9: {  	s13 =	sadd.s32 $0x90, s13;
	s22 =	sadd.s32 s22, s10  }
0x1ca: {  	s9 =	smul.u32 $0xA0, s9  }
0x1cb: {  	[hbm4b:s22+s3] =	stream.linear.scatter [tilespmem:s11], [sflag:$0x8], $0x80, $0x38;
	[tilespmem:$0x1CC00] =	vst v63  }
0x1cc: {  	s9 =	sadd.s32 s8, s9  }
0x1cd: {  	[hbm4b:s9+s3] =	stream.linear.scatter [tilespmem:s20], [sflag:$0x8], $0x500, $0x38;
	[tilespmem:$0x1CC00] =	vst v63  }
0x1ce: {  	_ =	swait.ge [sflag:s21], $0x2800  }
0x1cf: {  	[sflag:s21] =	ssyncset.done $0x0  }
0x1d0: {  	[sflag:s21] =	ssyncadd.s32 $0xFFFFD800  }
0x1d1: {  	_ =	swait.ge [sflag:s21], $0x2800  }
.Ltmp14:
0x1d2: {  	[sflag:s21] =	ssyncset.done $0x0;
	(pc) =	sbr.rel @p0 .LBB2_28-.Ltmp14, $4  }
0x1d3: {  	[sflag:s21] =	ssyncadd.s32 $0xFFFFD800  }
0x1d4: {  	_ =	swait.ge [sflag:s21], $0x500  }
0x1d5: {  	[sflag:s21] =	ssyncset.done $0x0  }
0x1d6: {  	[sflag:s21] =	ssyncadd.s32 $0xFFFFFB00  }
0x1d7: {  	s9 =	smul.u32 $0x140, s23  }
.Ltmp15:
0x1d8: {  	_ = 	snop;
	(pc) =	sbr.rel .LBB2_2-.Ltmp15, $4  }
0x1d9: {  	s11 =	simm.s32 $0xD700;
	s10 =	sadd.s32 $0x230, s9  }
0x1da: {  	[tilespmem:s11], [sflag:$0x4] =	stream.indirect.gather [hbm4b:s4+s14], $0x90, s10, s14, $0xb8;
	[tilespmem:$0x1CC00] =	vst v63  }
0x1db: {  	s23 =	sadd.s32 $0x1, s23;
	s9 =	sadd.s32 $0x2A30, s9  }
0x1dc: {  	[tilespmem:s28], [sflag:$0x4] =	stream.indirect.gather [hbm4b:s5+s14], $0x90, s9, s14, $0xb8;
	[tilespmem:$0x1CC00] =	vst v63  }
.LBB2_29:
0x1dd: {  	_ =	sfence.sel $0x180000  }
0x1de: {  	[bflag:$0x0] =	sbarrier.arrive $0xFFFF  }
0x1df: {  	_ =	strace $0x90000047  }
0x1e0: {  	s0 =	stileid.u32;
	[bflag:$0x2] =	sbarrier.arrive $0xFFFF  }
0x1e1: {  	p0 =	sne.s32 s0, $0x0;
	s0 =	rddreg [dreg:$0x3]  }
0x1e2: {  	s0 =	sadd.s32 @!p0 $0x100000, s0  }
0x1e3: {  	[sflag:s0] =	ssyncadd.tile.s32 @!p0 $0x1;
	_ =	shalt  }
.Lfunc_end2:
_tile_overlayer_lowered:
.L_overlay_start_2:
0x1e4: {  	(tag) =	ssettag $0x2  }
0x1e5: {  	s0 =	rddreg [dreg:$0x0];
	s2 =	stileid.u32  }
0x1e6: {  	s1 =	rddreg [dreg:$0x1];
	p0 =	sne.s32 s2, $0x0  }
0x1e7: {  	s3 =	rddreg [dreg:$0x2];
	[bflag:$0x3] =	sbarrier.arrive $0xFFFF;
	s2 =	simm.s32 @!p0 $0x1C09  }
0x1e8: {  	[timem:s3], [sflag:s2] =	dma.local @!p0 [hbm:s0], s1  }
0x1e9: {  	s0 =	simm.s32 @!p0 $0x9  }
0x1ea: {  	_ =	swait.ge @!p0 [sflag:s0], s1  }
0x1eb: {  	s1 =	ssub.s32 @!p0 $0x0, s1;
	[sflag:s0] =	ssyncset.done @!p0 $0x0  }
0x1ec: {  	[sflag:s0] =	ssyncadd.s32 @!p0 s1  }
0x1ed: {  	[bflag:$0x3] =	sbarrier.arrive $0xFFFF  }
0x1ee: {  	_ =	shalt  }

</sc_bundles>
